<compile_context>
chip_gen: v7x
topology: tpu7x:2x2x1
jax: 0.10.2.dev20260603
libtpu: 0.0.44.dev20260713+nightly
codegen_flags: <defaults>
</compile_context>

<pallas_src>
import functools

import jax
import jax.numpy as jnp
from jax import lax
from jax.experimental import pallas as pl
from jax.experimental.pallas import tpu as pltpu
from jax.experimental.pallas import tpu_sc as plsc

N = 10000
E = 320000
D = 128
G = 64
DH = D // 2

NC = 2
NS = 16
EPT = E // NS
CH = 80
NCHUNK = EPT // CH
NBUF = 9
NGRP = NCHUNK // NBUF
NTAILC = NCHUNK - NGRP * NBUF
RPT = (N // NS) // 8 * 8
NTAIL = N - NS * RPT

BM = 2000
BMP = BM // 2
NBLK = N // BM



def _agg_body(h_hbm, e_hbm, out_hbm, sidx, didx,
              r0, r1, r2, r3, r4, r5, r6, r7, r8, aggm,
              g0, g1, g2, g3, g4, g5, g6, g7, g8,
              t0, t1, t2, t3, t4, t5, t6, t7, t8):
    rows = (r0, r1, r2, r3, r4, r5, r6, r7, r8)
    gsem = (g0, g1, g2, g3, g4, g5, g6, g7, g8)
    ssem = (t0, t1, t2, t3, t4, t5, t6, t7, t8)
    c = lax.axis_index("c")
    s = lax.axis_index("s")

    hc = h_hbm.at[c]
    row0 = pl.multiple_of(s * RPT, 8)

    pltpu.async_copy(hc.at[pl.ds(row0, RPT)], aggm.at[pl.ds(row0, RPT)], g0)
    pltpu.async_copy(e_hbm.at[0, s], sidx, g1)
    pltpu.async_copy(e_hbm.at[1, s], didx, g2)

    @pl.when(s == NS - 1)
    def _():
        pltpu.sync_copy(hc.at[pl.ds(NS * RPT, NTAIL)],
                        aggm.at[pl.ds(NS * RPT, NTAIL)])

    pltpu.make_async_copy(hc.at[pl.ds(row0, RPT)],
                          aggm.at[pl.ds(row0, RPT)], g0).wait()
    pltpu.make_async_copy(e_hbm.at[0, s], sidx, g1).wait()
    pltpu.make_async_copy(e_hbm.at[1, s], didx, g2).wait()

    plsc.subcore_barrier()

    for b in range(NBUF - 1):
        pltpu.async_copy(hc.at[sidx.at[b]], rows[b], gsem[b])

    def body(jj, carry):
        j5 = jj * NBUF
        for b in range(NBUF):
            j = j5 + b
            pltpu.make_async_copy(hc.at[sidx.at[j]], rows[b], gsem[b]).wait()
            pltpu.async_copy(rows[b], aggm.at[didx.at[j]], ssem[b], add=True)
            jn = j + NBUF - 1
            bn = (b + NBUF - 1) % NBUF

            if b == 0:
                @pl.when((jn < NCHUNK) & (j >= 1))
                def _():
                    pltpu.make_async_copy(
                        rows[bn], aggm.at[didx.at[j - 1]], ssem[bn]).wait()
            else:
                @pl.when(jn < NCHUNK)
                def _():
                    pltpu.make_async_copy(
                        rows[bn], aggm.at[didx.at[j - 1]], ssem[bn]).wait()

            @pl.when(jn < NCHUNK)
            def _():
                pltpu.async_copy(hc.at[sidx.at[jn]], rows[bn], gsem[bn])

        return carry

    lax.fori_loop(0, NGRP, body, 0)

    for b in range(NTAILC):
        j = NGRP * NBUF + b
        pltpu.make_async_copy(hc.at[sidx.at[j]], rows[b], gsem[b]).wait()
        pltpu.async_copy(rows[b], aggm.at[didx.at[j]], ssem[b], add=True)

    for b in range(NBUF):
        pltpu.make_async_copy(rows[b], aggm.at[didx.at[0]], ssem[b]).wait()

    plsc.subcore_barrier()
    pltpu.sync_copy(aggm.at[pl.ds(row0, RPT)],
                    out_hbm.at[c, pl.ds(row0, RPT)])

    @pl.when(s == NS - 1)
    def _():
        pltpu.sync_copy(aggm.at[pl.ds(NS * RPT, NTAIL)],
                        out_hbm.at[c, pl.ds(NS * RPT, NTAIL)])


@functools.cache
def _agg_call():
    return pl.kernel(
        _agg_body,
        out_type=jax.ShapeDtypeStruct((NC, N, DH), jnp.float32),
        mesh=plsc.VectorSubcoreMesh(
            core_axis_name="c", subcore_axis_name="s",
            num_cores=NC, num_subcores=NS),
        scratch_types=(
            [pltpu.VMEM((NCHUNK, CH), jnp.int32)] * 2
            + [pltpu.VMEM((CH, DH), jnp.float32)] * NBUF
            + [pltpu.VMEM_SHARED((N, DH), jnp.float32)]
            + [pltpu.SemaphoreType.DMA] * (2 * NBUF)
        ),
        compiler_params=pltpu.CompilerParams(use_tc_tiling_on_sc=False),
    )



def _leaky(h):
    return jnp.where(h >= 0, h, 0.01 * h)


def _unpack_pairs(t_ref):
    blk0 = t_ref[0]
    blk1 = t_ref[1]
    t_even = jnp.concatenate([blk0[:, :DH], blk1[:, :DH]], axis=1)
    t_odd = jnp.concatenate([blk0[:, DH:], blk1[:, DH:]], axis=1)
    return jnp.concatenate([t_even, t_odd], axis=0)


def _pack_pairs(o_ref, h):
    r_even = h[:BMP]
    r_odd = h[BMP:]
    o_ref[0] = jnp.concatenate([r_even[:, :DH], r_odd[:, :DH]], axis=1)
    o_ref[1] = jnp.concatenate([r_even[:, DH:], r_odd[:, DH:]], axis=1)


def _mlp_core(t, w1_ref, b1_ref, w2_ref, b2_ref):
    h = jnp.dot(t, w1_ref[...], preferred_element_type=jnp.float32,
                precision=lax.Precision.DEFAULT) + b1_ref[...]
    h = _leaky(h)
    h = jnp.dot(h, w2_ref[...], preferred_element_type=jnp.float32,
                precision=lax.Precision.DEFAULT) + b2_ref[...]
    return h


def _mlp_body(t_ref, w1_ref, b1_ref, w2_ref, b2_ref, g_ref, be_ref, o_ref):
    h = _mlp_core(_unpack_pairs(t_ref), w1_ref, b1_ref, w2_ref, b2_ref)
    h2 = _leaky(h)
    m = jnp.mean(h2, axis=1, keepdims=True)
    v = jnp.mean((h2 - m) ** 2, axis=1, keepdims=True)
    h = (h2 - m) * lax.rsqrt(v + 1e-5) * g_ref[...] + be_ref[...]
    _pack_pairs(o_ref, h)


def _mlp(t, W1, b1, W2, b2, g, be):
    wspec = pl.BlockSpec((D, D), lambda i: (0, 0))
    bspec = pl.BlockSpec((1, D), lambda i: (0, 0))
    return pl.pallas_call(
        _mlp_body,
        grid=(NBLK,),
        in_specs=[
            pl.BlockSpec((NC, BMP, D), lambda i: (0, i, 0)),
            wspec, bspec, wspec, bspec, bspec, bspec,
        ],
        out_specs=pl.BlockSpec((NC, BMP, D), lambda i: (0, i, 0)),
        out_shape=jax.ShapeDtypeStruct((NC, N // 2, D), jnp.float32),
    )(t, W1, b1.reshape(1, D), W2, b2.reshape(1, D),
      g.reshape(1, D), be.reshape(1, D))



def _mlp_pool_body(t_ref, w1_ref, b1_ref, w2_ref, b2_ref, b_ref,
                   wp1_ref, bp1_ref, wp2_ref, bp2_ref,
                   emb_ref, logp_ref, sums, cnts):
    i = pl.program_id(0)

    @pl.when(i == 0)
    def _():
        sums[...] = jnp.zeros_like(sums)
        cnts[...] = jnp.zeros_like(cnts)

    h = _mlp_core(_unpack_pairs(t_ref), w1_ref, b1_ref, w2_ref, b2_ref)
    emb_ref[...] = jnp.stack([h[:BMP], h[BMP:]], axis=1).reshape(BM, D)

    h2 = _leaky(h)
    b = b_ref[0, 0, :]
    onehot_t = (lax.broadcasted_iota(jnp.int32, (G, BM), 0) == b[None, :]
                ).astype(jnp.float32)
    sums[...] += jnp.dot(onehot_t, h2, preferred_element_type=jnp.float32)
    cnts[...] += jnp.dot(onehot_t, jnp.ones_like(h2),
                         preferred_element_type=jnp.float32)

    @pl.when(i == NBLK - 1)
    def _():
        pooled = sums[...] / jnp.maximum(cnts[...], 1.0)
        o = jnp.dot(pooled, wp1_ref[...], preferred_element_type=jnp.float32) + bp1_ref[...]
        o = jnp.dot(o, wp2_ref[...], preferred_element_type=jnp.float32) + bp2_ref[...]
        m = jnp.max(o, axis=1, keepdims=True)
        logp_ref[...] = o - m - jnp.log(
            jnp.sum(jnp.exp(o - m), axis=1, keepdims=True))


def _mlp_pool(t, W1, b1, W2, b2, batch, Wp1, bp1, Wp2, bp2):
    wspec = pl.BlockSpec((D, D), lambda i: (0, 0))
    bspec = pl.BlockSpec((1, D), lambda i: (0, 0))
    return pl.pallas_call(
        _mlp_pool_body,
        grid=(NBLK,),
        in_specs=[
            pl.BlockSpec((NC, BMP, D), lambda i: (0, i, 0)),
            wspec, bspec, wspec, bspec,
            pl.BlockSpec((1, 1, BM), lambda i: (i, 0, 0)),
            wspec, bspec, wspec, bspec,
        ],
        out_specs=[
            pl.BlockSpec((BM, D), lambda i: (i, 0)),
            pl.BlockSpec((G, D), lambda i: (0, 0)),
        ],
        out_shape=[
            jax.ShapeDtypeStruct((N, D), jnp.float32),
            jax.ShapeDtypeStruct((G, D), jnp.float32),
        ],
        scratch_shapes=[
            pltpu.VMEM((G, D), jnp.float32),
            pltpu.VMEM((G, D), jnp.float32),
        ],
    )(t, W1, b1.reshape(1, D), W2, b2.reshape(1, D),
      batch, Wp1, bp1.reshape(1, D), Wp2, bp2.reshape(1, D))



def kernel(x, edge_index, batch,
           W1_0, b1_0, W2_0, b2_0,
           W1_1, b1_1, W2_1, b2_1,
           W1_2, b1_2, W2_2, b2_2,
           g0, be0, g1, be1,
           Wp1, bp1, Wp2, bp2):
    edges = edge_index.reshape(2, NS, NCHUNK, CH)
    bp = batch.reshape(NBLK, BMP, 2).transpose(0, 2, 1).reshape(NBLK, 1, BM)

    xp = jnp.stack([x[:, :DH].reshape(N // 2, D),
                    x[:, DH:].reshape(N // 2, D)], axis=0)

    agg = _agg_call()
    t = agg(xp.reshape(NC, N, DH), edges)
    h = _mlp(t.reshape(NC, N // 2, D), W1_0, b1_0, W2_0, b2_0, g0, be0)
    t = agg(h.reshape(NC, N, DH), edges)
    h = _mlp(t.reshape(NC, N // 2, D), W1_1, b1_1, W2_1, b2_1, g1, be1)
    t = agg(h.reshape(NC, N, DH), edges)
    emb, logp = _mlp_pool(t.reshape(NC, N // 2, D), W1_2, b1_2, W2_2, b2_2,
                          bp, Wp1, bp1, Wp2, bp2)
    return (emb, logp)

# --- scband reference (transcript-rebuilt; emitter-appended) ---
"""Pipeline reference for scband-gnnstack-6622839570655 (READ-ONLY COPY).

The authoritative reference and input builder live on the scoring server;
editing this copy changes nothing except your own understanding.
"""

import jax, jax.numpy as jnp
import numpy as np

N = 10000
E = 320000
D = 128
H = 128
OUT = 128
G = 64

def setup_inputs(seed: int = 0) -> dict:
    key = jax.random.key(seed)
    ks = jax.random.split(key, 32)
    inp = {}
    inp['x'] = jax.random.normal(ks[0], (N, D), dtype=jnp.float32)
    inp['edge_index'] = jax.random.randint(ks[1], (2, E), 0, N, dtype=jnp.int32)
    inp['batch'] = jnp.sort(jax.random.randint(ks[2], (N,), 0, G, dtype=jnp.int32))
    s = 0.05
    # GIN conv 0: MLP(Linear(D,H), LeakyReLU, Linear(H,H))
    inp['W1_0'] = jax.random.normal(ks[3], (D, H), dtype=jnp.float32) * s
    inp['b1_0'] = jnp.zeros((H,), dtype=jnp.float32)
    inp['W2_0'] = jax.random.normal(ks[4], (H, H), dtype=jnp.float32) * s
    inp['b2_0'] = jnp.zeros((H,), dtype=jnp.float32)
    # GIN conv 1
    inp['W1_1'] = jax.random.normal(ks[5], (H, H), dtype=jnp.float32) * s
    inp['b1_1'] = jnp.zeros((H,), dtype=jnp.float32)
    inp['W2_1'] = jax.random.normal(ks[6], (H, H), dtype=jnp.float32) * s
    inp['b2_1'] = jnp.zeros((H,), dtype=jnp.float32)
    # GIN conv 2
    inp['W1_2'] = jax.random.normal(ks[7], (H, H), dtype=jnp.float32) * s
    inp['b1_2'] = jnp.zeros((H,), dtype=jnp.float32)
    inp['W2_2'] = jax.random.normal(ks[8], (H, H), dtype=jnp.float32) * s
    inp['b2_2'] = jnp.zeros((H,), dtype=jnp.float32)
    # LayerNorms (applied after layers 0 and 1)
    inp['g0'] = jnp.ones((H,), dtype=jnp.float32)
    inp['be0'] = jnp.zeros((H,), dtype=jnp.float32)
    inp['g1'] = jnp.ones((H,), dtype=jnp.float32)
    inp['be1'] = jnp.zeros((H,), dtype=jnp.float32)
    # post_mp: Linear(H,H) -> Dropout -> Linear(H,OUT)
    inp['Wp1'] = jax.random.normal(ks[9], (H, H), dtype=jnp.float32) * s
    inp['bp1'] = jnp.zeros((H,), dtype=jnp.float32)
    inp['Wp2'] = jax.random.normal(ks[10], (H, OUT), dtype=jnp.float32) * s
    inp['bp2'] = jnp.zeros((OUT,), dtype=jnp.float32)
    return inp


def _gin_conv(x, edge_index, W1, b1, W2, b2):
    # GINConv with eps=0: MLP(x + sum_{j in N(i)} x_j)
    src = edge_index[0]
    dst = edge_index[1]
    msgs = jnp.take(x, src, axis=0)
    agg = jnp.zeros_like(x).at[dst].add(msgs)
    h = x + agg
    h = h @ W1 + b1
    h = jax.nn.leaky_relu(h, negative_slope=0.01)
    h = h @ W2 + b2
    return h


def _layer_norm(x, g, b):
    m = jnp.mean(x, axis=-1, keepdims=True)
    v = jnp.var(x, axis=-1, keepdims=True)
    return (x - m) / jnp.sqrt(v + 1e-5) * g + b


def reference(x, edge_index, batch,
              W1_0, b1_0, W2_0, b2_0,
              W1_1, b1_1, W2_1, b2_1,
              W1_2, b1_2, W2_2, b2_2,
              g0, be0, g1, be1,
              Wp1, bp1, Wp2, bp2):
    convs = [(W1_0, b1_0, W2_0, b2_0), (W1_1, b1_1, W2_1, b2_1), (W1_2, b1_2, W2_2, b2_2)]
    lns = [(g0, be0), (g1, be1)]
    h = x
    emb = h
    for i in range(3):
        h = _gin_conv(h, edge_index, *convs[i])
        emb = h
        h = jax.nn.leaky_relu(h, negative_slope=0.01)
        # dropout is identity in eval mode
        if i != 2:
            h = _layer_norm(h, *lns[i])
    # global_mean_pool over graph ids
    sums = jax.ops.segment_sum(h, batch, num_segments=G)
    counts = jax.ops.segment_sum(jnp.ones((h.shape[0], 1), h.dtype), batch, num_segments=G)
    pooled = sums / jnp.maximum(counts, 1.0)
    o = pooled @ Wp1 + bp1
    o = o @ Wp2 + bp2
    logp = jax.nn.log_softmax(o, axis=1)
    return (emb, logp)

if __name__ == "__main__":
    import jax
    _d = setup_inputs()
    print(jax.jit(kernel)(*tuple(_d.values())))

</pallas_src>

<mosaic_0001>
#map = affine_map<(d0, d1) -> (0, 0, 0)>
#map1 = affine_map<(d0, d1) -> (0, 0, 0, 0)>
module attributes {stable_mosaic.version = 14 : i64} {
  func.func @_agg_body(%arg0: i32, %arg1: i32, %arg2: memref<2x10000x64xf32, #tpu.memory_space<hbm>>, %arg3: memref<2x16x250x80xi32, #tpu.memory_space<hbm>>, %arg4: memref<2x10000x64xf32, #tpu.memory_space<hbm>>, %arg5: memref<250x80xi32, #tpu.memory_space<vmem>>, %arg6: memref<250x80xi32, #tpu.memory_space<vmem>>, %arg7: memref<80x64xf32, #tpu.memory_space<vmem>>, %arg8: memref<80x64xf32, #tpu.memory_space<vmem>>, %arg9: memref<80x64xf32, #tpu.memory_space<vmem>>, %arg10: memref<80x64xf32, #tpu.memory_space<vmem>>, %arg11: memref<80x64xf32, #tpu.memory_space<vmem>>, %arg12: memref<80x64xf32, #tpu.memory_space<vmem>>, %arg13: memref<80x64xf32, #tpu.memory_space<vmem>>, %arg14: memref<80x64xf32, #tpu.memory_space<vmem>>, %arg15: memref<80x64xf32, #tpu.memory_space<vmem>>, %arg16: memref<10000x64xf32, #tpu.memory_space<vmem_shared>>, %arg17: memref<!tpu.dma_semaphore, #tpu.memory_space<semaphore_mem>>, %arg18: memref<!tpu.dma_semaphore, #tpu.memory_space<semaphore_mem>>, %arg19: memref<!tpu.dma_semaphore, #tpu.memory_space<semaphore_mem>>, %arg20: memref<!tpu.dma_semaphore, #tpu.memory_space<semaphore_mem>>, %arg21: memref<!tpu.dma_semaphore, #tpu.memory_space<semaphore_mem>>, %arg22: memref<!tpu.dma_semaphore, #tpu.memory_space<semaphore_mem>>, %arg23: memref<!tpu.dma_semaphore, #tpu.memory_space<semaphore_mem>>, %arg24: memref<!tpu.dma_semaphore, #tpu.memory_space<semaphore_mem>>, %arg25: memref<!tpu.dma_semaphore, #tpu.memory_space<semaphore_mem>>, %arg26: memref<!tpu.dma_semaphore, #tpu.memory_space<semaphore_mem>>, %arg27: memref<!tpu.dma_semaphore, #tpu.memory_space<semaphore_mem>>, %arg28: memref<!tpu.dma_semaphore, #tpu.memory_space<semaphore_mem>>, %arg29: memref<!tpu.dma_semaphore, #tpu.memory_space<semaphore_mem>>, %arg30: memref<!tpu.dma_semaphore, #tpu.memory_space<semaphore_mem>>, %arg31: memref<!tpu.dma_semaphore, #tpu.memory_space<semaphore_mem>>, %arg32: memref<!tpu.dma_semaphore, #tpu.memory_space<semaphore_mem>>, %arg33: memref<!tpu.dma_semaphore, #tpu.memory_space<semaphore_mem>>, %arg34: memref<!tpu.dma_semaphore, #tpu.memory_space<semaphore_mem>>) attributes {dimension_semantics = [#tpu.dimension_semantics<core_parallel>, #tpu.dimension_semantics<subcore_parallel>], iteration_bounds = array<i64: 2, 16>, scalar_prefetch = 0 : i64, scratch_operands = 30 : i64, tpu.core_type = #tpu.core_type<sc_vector_subcore>, window_params = [{transform_indices = #map}, {transform_indices = #map1}, {transform_indices = #map}]} {
    %mul3A = arith.constant 624 : i32
    %mul3A_0 = arith.muli %arg1, %mul3A : i32
    %multiple_of3A = tpu.assume_multiple %mul3A_0, 8 : i32
    %dma_start3A = arith.constant 0 : i32
    %dma_start3A_1 = tpu.memref_slice %arg16[%multiple_of3A, %dma_start3A] : memref<10000x64xf32, #tpu.memory_space<vmem_shared>> -> memref<624x64xf32, #tpu.memory_space<vmem_shared>>
    %dma_start3A_2 = arith.constant 0 : i32
    %dma_start3A_3 = arith.constant 0 : i32
    %dma_start3A_4 = tpu.memref_slice %arg2[%arg0, %dma_start3A_2, %dma_start3A_3] : memref<2x10000x64xf32, #tpu.memory_space<hbm>> -> memref<1x10000x64xf32, #tpu.memory_space<hbm>>
    %dma_start3A_5 = tpu.memref_squeeze %dma_start3A_4 : memref<1x10000x64xf32, #tpu.memory_space<hbm>> -> memref<10000x64xf32, #tpu.memory_space<hbm>>
    %dma_start3A_6 = arith.constant 0 : i32
    %dma_start3A_7 = tpu.memref_slice %dma_start3A_5[%multiple_of3A, %dma_start3A_6] : memref<10000x64xf32, #tpu.memory_space<hbm>> -> memref<624x64xf32, #tpu.memory_space<hbm>>
    tpu.enqueue_dma source(%dma_start3A_7 : memref<624x64xf32, #tpu.memory_space<hbm>>) target(%dma_start3A_1 : memref<624x64xf32, #tpu.memory_space<vmem_shared>>) target_semaphore(%arg17 : memref<!tpu.dma_semaphore, #tpu.memory_space<semaphore_mem>>)
    %dma_start3A_8 = arith.constant 0 : i32
    %dma_start3A_9 = arith.constant 0 : i32
    %dma_start3A_10 = arith.constant 0 : i32
    %dma_start3A_11 = tpu.memref_slice %arg3[%dma_start3A_8, %arg1, %dma_start3A_9, %dma_start3A_10] : memref<2x16x250x80xi32, #tpu.memory_space<hbm>> -> memref<1x1x250x80xi32, #tpu.memory_space<hbm>>
    %dma_start3A_12 = tpu.memref_squeeze %dma_start3A_11 : memref<1x1x250x80xi32, #tpu.memory_space<hbm>> -> memref<250x80xi32, #tpu.memory_space<hbm>>
    %dma_start3A_13 = arith.constant 0 : i32
    %dma_start3A_14 = arith.constant 0 : i32
    %dma_start3A_15 = tpu.memref_slice %arg3[%dma_start3A_8, %arg1, %dma_start3A_13, %dma_start3A_14] : memref<2x16x250x80xi32, #tpu.memory_space<hbm>> -> memref<1x1x250x80xi32, #tpu.memory_space<hbm>>
    %dma_start3A_16 = tpu.memref_squeeze %dma_start3A_15 : memref<1x1x250x80xi32, #tpu.memory_space<hbm>> -> memref<250x80xi32, #tpu.memory_space<hbm>>
    tpu.enqueue_dma source(%dma_start3A_16 : memref<250x80xi32, #tpu.memory_space<hbm>>) target(%arg5 : memref<250x80xi32, #tpu.memory_space<vmem>>) target_semaphore(%arg18 : memref<!tpu.dma_semaphore, #tpu.memory_space<semaphore_mem>>)
    %dma_start3A_17 = arith.constant 1 : i32
    %dma_start3A_18 = arith.constant 0 : i32
    %dma_start3A_19 = arith.constant 0 : i32
    %dma_start3A_20 = tpu.memref_slice %arg3[%dma_start3A_17, %arg1, %dma_start3A_18, %dma_start3A_19] : memref<2x16x250x80xi32, #tpu.memory_space<hbm>> -> memref<1x1x250x80xi32, #tpu.memory_space<hbm>>
    %dma_start3A_21 = tpu.memref_squeeze %dma_start3A_20 : memref<1x1x250x80xi32, #tpu.memory_space<hbm>> -> memref<250x80xi32, #tpu.memory_space<hbm>>
    %dma_start3A_22 = arith.constant 0 : i32
    %dma_start3A_23 = arith.constant 0 : i32
    %dma_start3A_24 = tpu.memref_slice %arg3[%dma_start3A_17, %arg1, %dma_start3A_22, %dma_start3A_23] : memref<2x16x250x80xi32, #tpu.memory_space<hbm>> -> memref<1x1x250x80xi32, #tpu.memory_space<hbm>>
    %dma_start3A_25 = tpu.memref_squeeze %dma_start3A_24 : memref<1x1x250x80xi32, #tpu.memory_space<hbm>> -> memref<250x80xi32, #tpu.memory_space<hbm>>
    tpu.enqueue_dma source(%dma_start3A_25 : memref<250x80xi32, #tpu.memory_space<hbm>>) target(%arg6 : memref<250x80xi32, #tpu.memory_space<vmem>>) target_semaphore(%arg19 : memref<!tpu.dma_semaphore, #tpu.memory_space<semaphore_mem>>)
    %eq3A = arith.constant 15 : i32
    %eq3A_26 = arith.cmpi eq, %arg1, %eq3A : i32
    %convert_element_type3A = arith.extui %eq3A_26 : i1 to i32
    %cond3A = arith.constant 0 : i32
    %cond3A_27 = arith.cmpi ne, %convert_element_type3A, %cond3A : i32
    scf.if %cond3A_27 {
      "tpu.region"() ({
        %run_scoped3A = tpu.sem_alloc : memref<!tpu.dma_semaphore, #tpu.memory_space<semaphore_mem>>
        %dma_start3A_341 = arith.constant 9984 : i32
        %dma_start3A_342 = arith.constant 0 : i32
        %dma_start3A_343 = tpu.memref_slice %arg16[%dma_start3A_341, %dma_start3A_342] : memref<10000x64xf32, #tpu.memory_space<vmem_shared>> -> memref<16x64xf32, #tpu.memory_space<vmem_shared>>
        %dma_start3A_344 = arith.constant 0 : i32
        %dma_start3A_345 = arith.constant 0 : i32
        %dma_start3A_346 = tpu.memref_slice %arg2[%arg0, %dma_start3A_344, %dma_start3A_345] : memref<2x10000x64xf32, #tpu.memory_space<hbm>> -> memref<1x10000x64xf32, #tpu.memory_space<hbm>>
        %dma_start3A_347 = tpu.memref_squeeze %dma_start3A_346 : memref<1x10000x64xf32, #tpu.memory_space<hbm>> -> memref<10000x64xf32, #tpu.memory_space<hbm>>
        %dma_start3A_348 = arith.constant 9984 : i32
        %dma_start3A_349 = arith.constant 0 : i32
        %dma_start3A_350 = tpu.memref_slice %dma_start3A_347[%dma_start3A_348, %dma_start3A_349] : memref<10000x64xf32, #tpu.memory_space<hbm>> -> memref<16x64xf32, #tpu.memory_space<hbm>>
        tpu.enqueue_dma source(%dma_start3A_350 : memref<16x64xf32, #tpu.memory_space<hbm>>) target(%dma_start3A_343 : memref<16x64xf32, #tpu.memory_space<vmem_shared>>) target_semaphore(%run_scoped3A : memref<!tpu.dma_semaphore, #tpu.memory_space<semaphore_mem>>)
        %dma_wait3A_351 = arith.constant 9984 : i32
        %dma_wait3A_352 = arith.constant 0 : i32
        %dma_wait3A_353 = tpu.memref_slice %arg16[%dma_wait3A_351, %dma_wait3A_352] : memref<10000x64xf32, #tpu.memory_space<vmem_shared>> -> memref<16x64xf32, #tpu.memory_space<vmem_shared>>
        %dma_wait3A_354 = arith.constant 0 : i32
        %dma_wait3A_355 = arith.constant 0 : i32
        %dma_wait3A_356 = tpu.memref_slice %arg2[%arg0, %dma_wait3A_354, %dma_wait3A_355] : memref<2x10000x64xf32, #tpu.memory_space<hbm>> -> memref<1x10000x64xf32, #tpu.memory_space<hbm>>
        %dma_wait3A_357 = tpu.memref_squeeze %dma_wait3A_356 : memref<1x10000x64xf32, #tpu.memory_space<hbm>> -> memref<10000x64xf32, #tpu.memory_space<hbm>>
        %dma_wait3A_358 = arith.constant 9984 : i32
        %dma_wait3A_359 = arith.constant 0 : i32
        %dma_wait3A_360 = tpu.memref_slice %dma_wait3A_357[%dma_wait3A_358, %dma_wait3A_359] : memref<10000x64xf32, #tpu.memory_space<hbm>> -> memref<16x64xf32, #tpu.memory_space<hbm>>
        tpu.wait_dma2 semaphore(%run_scoped3A : memref<!tpu.dma_semaphore, #tpu.memory_space<semaphore_mem>>) src(%dma_wait3A_360 : memref<16x64xf32, #tpu.memory_space<hbm>>) dst(%dma_wait3A_353 : memref<16x64xf32, #tpu.memory_space<vmem_shared>>)
        tpu.yield
      }) : () -> ()
    } else {
    }
    %dma_wait3A = arith.constant 0 : i32
    %dma_wait3A_28 = tpu.memref_slice %arg16[%multiple_of3A, %dma_wait3A] : memref<10000x64xf32, #tpu.memory_space<vmem_shared>> -> memref<624x64xf32, #tpu.memory_space<vmem_shared>>
    %dma_wait3A_29 = arith.constant 0 : i32
    %dma_wait3A_30 = arith.constant 0 : i32
    %dma_wait3A_31 = tpu.memref_slice %arg2[%arg0, %dma_wait3A_29, %dma_wait3A_30] : memref<2x10000x64xf32, #tpu.memory_space<hbm>> -> memref<1x10000x64xf32, #tpu.memory_space<hbm>>
    %dma_wait3A_32 = tpu.memref_squeeze %dma_wait3A_31 : memref<1x10000x64xf32, #tpu.memory_space<hbm>> -> memref<10000x64xf32, #tpu.memory_space<hbm>>
    %dma_wait3A_33 = arith.constant 0 : i32
    %dma_wait3A_34 = tpu.memref_slice %dma_wait3A_32[%multiple_of3A, %dma_wait3A_33] : memref<10000x64xf32, #tpu.memory_space<hbm>> -> memref<624x64xf32, #tpu.memory_space<hbm>>
    tpu.wait_dma2 semaphore(%arg17 : memref<!tpu.dma_semaphore, #tpu.memory_space<semaphore_mem>>) src(%dma_wait3A_34 : memref<624x64xf32, #tpu.memory_space<hbm>>) dst(%dma_wait3A_28 : memref<624x64xf32, #tpu.memory_space<vmem_shared>>)
    %dma_wait3A_35 = arith.constant 0 : i32
    %dma_wait3A_36 = arith.constant 0 : i32
    %dma_wait3A_37 = arith.constant 0 : i32
    %dma_wait3A_38 = tpu.memref_slice %arg3[%dma_wait3A_35, %arg1, %dma_wait3A_36, %dma_wait3A_37] : memref<2x16x250x80xi32, #tpu.memory_space<hbm>> -> memref<1x1x250x80xi32, #tpu.memory_space<hbm>>
    %dma_wait3A_39 = tpu.memref_squeeze %dma_wait3A_38 : memref<1x1x250x80xi32, #tpu.memory_space<hbm>> -> memref<250x80xi32, #tpu.memory_space<hbm>>
    %dma_wait3A_40 = arith.constant 0 : i32
    %dma_wait3A_41 = arith.constant 0 : i32
    %dma_wait3A_42 = tpu.memref_slice %arg3[%dma_wait3A_35, %arg1, %dma_wait3A_40, %dma_wait3A_41] : memref<2x16x250x80xi32, #tpu.memory_space<hbm>> -> memref<1x1x250x80xi32, #tpu.memory_space<hbm>>
    %dma_wait3A_43 = tpu.memref_squeeze %dma_wait3A_42 : memref<1x1x250x80xi32, #tpu.memory_space<hbm>> -> memref<250x80xi32, #tpu.memory_space<hbm>>
    tpu.wait_dma2 semaphore(%arg18 : memref<!tpu.dma_semaphore, #tpu.memory_space<semaphore_mem>>) src(%dma_wait3A_43 : memref<250x80xi32, #tpu.memory_space<hbm>>) dst(%arg5 : memref<250x80xi32, #tpu.memory_space<vmem>>)
    %dma_wait3A_44 = arith.constant 1 : i32
    %dma_wait3A_45 = arith.constant 0 : i32
    %dma_wait3A_46 = arith.constant 0 : i32
    %dma_wait3A_47 = tpu.memref_slice %arg3[%dma_wait3A_44, %arg1, %dma_wait3A_45, %dma_wait3A_46] : memref<2x16x250x80xi32, #tpu.memory_space<hbm>> -> memref<1x1x250x80xi32, #tpu.memory_space<hbm>>
    %dma_wait3A_48 = tpu.memref_squeeze %dma_wait3A_47 : memref<1x1x250x80xi32, #tpu.memory_space<hbm>> -> memref<250x80xi32, #tpu.memory_space<hbm>>
    %dma_wait3A_49 = arith.constant 0 : i32
    %dma_wait3A_50 = arith.constant 0 : i32
    %dma_wait3A_51 = tpu.memref_slice %arg3[%dma_wait3A_44, %arg1, %dma_wait3A_49, %dma_wait3A_50] : memref<2x16x250x80xi32, #tpu.memory_space<hbm>> -> memref<1x1x250x80xi32, #tpu.memory_space<hbm>>
    %dma_wait3A_52 = tpu.memref_squeeze %dma_wait3A_51 : memref<1x1x250x80xi32, #tpu.memory_space<hbm>> -> memref<250x80xi32, #tpu.memory_space<hbm>>
    tpu.wait_dma2 semaphore(%arg19 : memref<!tpu.dma_semaphore, #tpu.memory_space<semaphore_mem>>) src(%dma_wait3A_52 : memref<250x80xi32, #tpu.memory_space<hbm>>) dst(%arg6 : memref<250x80xi32, #tpu.memory_space<vmem>>)
    %barrier3A = arith.constant 0 : index
    tpu.barrier barrier_id(%barrier3A)
    %dma_start3A_53 = arith.constant 0 : i32
    %dma_start3A_54 = arith.constant 0 : i32
    %dma_start3A_55 = tpu.memref_slice %arg5[%dma_start3A_53, %dma_start3A_54] : memref<250x80xi32, #tpu.memory_space<vmem>> -> memref<1x80xi32, #tpu.memory_space<vmem>>
    %dma_start3A_56 = tpu.memref_squeeze %dma_start3A_55 : memref<1x80xi32, #tpu.memory_space<vmem>> -> memref<80xi32, #tpu.memory_space<vmem>>
    %dma_start3A_57 = arith.constant 0 : i32
    %dma_start3A_58 = arith.constant 0 : i32
    %dma_start3A_59 = tpu.memref_slice %arg2[%arg0, %dma_start3A_57, %dma_start3A_58] : memref<2x10000x64xf32, #tpu.memory_space<hbm>> -> memref<1x10000x64xf32, #tpu.memory_space<hbm>>
    %dma_start3A_60 = tpu.memref_squeeze %dma_start3A_59 : memref<1x10000x64xf32, #tpu.memory_space<hbm>> -> memref<10000x64xf32, #tpu.memory_space<hbm>>
    %dma_start3A_61 = arith.constant 0 : i32
    %dma_start3A_62 = arith.constant 0 : i32
    %dma_start3A_63 = tpu.memref_slice %dma_start3A_60[%dma_start3A_61, %dma_start3A_62] : memref<10000x64xf32, #tpu.memory_space<hbm>> -> memref<10000x64xf32, #tpu.memory_space<hbm>>
    tpu.enqueue_indirect_dma source(%dma_start3A_63 : memref<10000x64xf32, #tpu.memory_space<hbm>>) target(%arg7 : memref<80x64xf32, #tpu.memory_space<vmem>>) offsets(%dma_start3A_56 : memref<80xi32, #tpu.memory_space<vmem>>) semaphore(%arg17 : memref<!tpu.dma_semaphore, #tpu.memory_space<semaphore_mem>>)
    %dma_start3A_64 = arith.constant 1 : i32
    %dma_start3A_65 = arith.constant 0 : i32
    %dma_start3A_66 = tpu.memref_slice %arg5[%dma_start3A_64, %dma_start3A_65] : memref<250x80xi32, #tpu.memory_space<vmem>> -> memref<1x80xi32, #tpu.memory_space<vmem>>
    %dma_start3A_67 = tpu.memref_squeeze %dma_start3A_66 : memref<1x80xi32, #tpu.memory_space<vmem>> -> memref<80xi32, #tpu.memory_space<vmem>>
    %dma_start3A_68 = arith.constant 0 : i32
    %dma_start3A_69 = arith.constant 0 : i32
    %dma_start3A_70 = tpu.memref_slice %arg2[%arg0, %dma_start3A_68, %dma_start3A_69] : memref<2x10000x64xf32, #tpu.memory_space<hbm>> -> memref<1x10000x64xf32, #tpu.memory_space<hbm>>
    %dma_start3A_71 = tpu.memref_squeeze %dma_start3A_70 : memref<1x10000x64xf32, #tpu.memory_space<hbm>> -> memref<10000x64xf32, #tpu.memory_space<hbm>>
    %dma_start3A_72 = arith.constant 0 : i32
    %dma_start3A_73 = arith.constant 0 : i32
    %dma_start3A_74 = tpu.memref_slice %dma_start3A_71[%dma_start3A_72, %dma_start3A_73] : memref<10000x64xf32, #tpu.memory_space<hbm>> -> memref<10000x64xf32, #tpu.memory_space<hbm>>
    tpu.enqueue_indirect_dma source(%dma_start3A_74 : memref<10000x64xf32, #tpu.memory_space<hbm>>) target(%arg8 : memref<80x64xf32, #tpu.memory_space<vmem>>) offsets(%dma_start3A_67 : memref<80xi32, #tpu.memory_space<vmem>>) semaphore(%arg18 : memref<!tpu.dma_semaphore, #tpu.memory_space<semaphore_mem>>)
    %dma_start3A_75 = arith.constant 2 : i32
    %dma_start3A_76 = arith.constant 0 : i32
    %dma_start3A_77 = tpu.memref_slice %arg5[%dma_start3A_75, %dma_start3A_76] : memref<250x80xi32, #tpu.memory_space<vmem>> -> memref<1x80xi32, #tpu.memory_space<vmem>>
    %dma_start3A_78 = tpu.memref_squeeze %dma_start3A_77 : memref<1x80xi32, #tpu.memory_space<vmem>> -> memref<80xi32, #tpu.memory_space<vmem>>
    %dma_start3A_79 = arith.constant 0 : i32
    %dma_start3A_80 = arith.constant 0 : i32
    %dma_start3A_81 = tpu.memref_slice %arg2[%arg0, %dma_start3A_79, %dma_start3A_80] : memref<2x10000x64xf32, #tpu.memory_space<hbm>> -> memref<1x10000x64xf32, #tpu.memory_space<hbm>>
    %dma_start3A_82 = tpu.memref_squeeze %dma_start3A_81 : memref<1x10000x64xf32, #tpu.memory_space<hbm>> -> memref<10000x64xf32, #tpu.memory_space<hbm>>
    %dma_start3A_83 = arith.constant 0 : i32
    %dma_start3A_84 = arith.constant 0 : i32
    %dma_start3A_85 = tpu.memref_slice %dma_start3A_82[%dma_start3A_83, %dma_start3A_84] : memref<10000x64xf32, #tpu.memory_space<hbm>> -> memref<10000x64xf32, #tpu.memory_space<hbm>>
    tpu.enqueue_indirect_dma source(%dma_start3A_85 : memref<10000x64xf32, #tpu.memory_space<hbm>>) target(%arg9 : memref<80x64xf32, #tpu.memory_space<vmem>>) offsets(%dma_start3A_78 : memref<80xi32, #tpu.memory_space<vmem>>) semaphore(%arg19 : memref<!tpu.dma_semaphore, #tpu.memory_space<semaphore_mem>>)
    %dma_start3A_86 = arith.constant 3 : i32
    %dma_start3A_87 = arith.constant 0 : i32
    %dma_start3A_88 = tpu.memref_slice %arg5[%dma_start3A_86, %dma_start3A_87] : memref<250x80xi32, #tpu.memory_space<vmem>> -> memref<1x80xi32, #tpu.memory_space<vmem>>
    %dma_start3A_89 = tpu.memref_squeeze %dma_start3A_88 : memref<1x80xi32, #tpu.memory_space<vmem>> -> memref<80xi32, #tpu.memory_space<vmem>>
    %dma_start3A_90 = arith.constant 0 : i32
    %dma_start3A_91 = arith.constant 0 : i32
    %dma_start3A_92 = tpu.memref_slice %arg2[%arg0, %dma_start3A_90, %dma_start3A_91] : memref<2x10000x64xf32, #tpu.memory_space<hbm>> -> memref<1x10000x64xf32, #tpu.memory_space<hbm>>
    %dma_start3A_93 = tpu.memref_squeeze %dma_start3A_92 : memref<1x10000x64xf32, #tpu.memory_space<hbm>> -> memref<10000x64xf32, #tpu.memory_space<hbm>>
    %dma_start3A_94 = arith.constant 0 : i32
    %dma_start3A_95 = arith.constant 0 : i32
    %dma_start3A_96 = tpu.memref_slice %dma_start3A_93[%dma_start3A_94, %dma_start3A_95] : memref<10000x64xf32, #tpu.memory_space<hbm>> -> memref<10000x64xf32, #tpu.memory_space<hbm>>
    tpu.enqueue_indirect_dma source(%dma_start3A_96 : memref<10000x64xf32, #tpu.memory_space<hbm>>) target(%arg10 : memref<80x64xf32, #tpu.memory_space<vmem>>) offsets(%dma_start3A_89 : memref<80xi32, #tpu.memory_space<vmem>>) semaphore(%arg20 : memref<!tpu.dma_semaphore, #tpu.memory_space<semaphore_mem>>)
    %dma_start3A_97 = arith.constant 4 : i32
    %dma_start3A_98 = arith.constant 0 : i32
    %dma_start3A_99 = tpu.memref_slice %arg5[%dma_start3A_97, %dma_start3A_98] : memref<250x80xi32, #tpu.memory_space<vmem>> -> memref<1x80xi32, #tpu.memory_space<vmem>>
    %dma_start3A_100 = tpu.memref_squeeze %dma_start3A_99 : memref<1x80xi32, #tpu.memory_space<vmem>> -> memref<80xi32, #tpu.memory_space<vmem>>
    %dma_start3A_101 = arith.constant 0 : i32
    %dma_start3A_102 = arith.constant 0 : i32
    %dma_start3A_103 = tpu.memref_slice %arg2[%arg0, %dma_start3A_101, %dma_start3A_102] : memref<2x10000x64xf32, #tpu.memory_space<hbm>> -> memref<1x10000x64xf32, #tpu.memory_space<hbm>>
    %dma_start3A_104 = tpu.memref_squeeze %dma_start3A_103 : memref<1x10000x64xf32, #tpu.memory_space<hbm>> -> memref<10000x64xf32, #tpu.memory_space<hbm>>
    %dma_start3A_105 = arith.constant 0 : i32
    %dma_start3A_106 = arith.constant 0 : i32
    %dma_start3A_107 = tpu.memref_slice %dma_start3A_104[%dma_start3A_105, %dma_start3A_106] : memref<10000x64xf32, #tpu.memory_space<hbm>> -> memref<10000x64xf32, #tpu.memory_space<hbm>>
    tpu.enqueue_indirect_dma source(%dma_start3A_107 : memref<10000x64xf32, #tpu.memory_space<hbm>>) target(%arg11 : memref<80x64xf32, #tpu.memory_space<vmem>>) offsets(%dma_start3A_100 : memref<80xi32, #tpu.memory_space<vmem>>) semaphore(%arg21 : memref<!tpu.dma_semaphore, #tpu.memory_space<semaphore_mem>>)
    %dma_start3A_108 = arith.constant 5 : i32
    %dma_start3A_109 = arith.constant 0 : i32
    %dma_start3A_110 = tpu.memref_slice %arg5[%dma_start3A_108, %dma_start3A_109] : memref<250x80xi32, #tpu.memory_space<vmem>> -> memref<1x80xi32, #tpu.memory_space<vmem>>
    %dma_start3A_111 = tpu.memref_squeeze %dma_start3A_110 : memref<1x80xi32, #tpu.memory_space<vmem>> -> memref<80xi32, #tpu.memory_space<vmem>>
    %dma_start3A_112 = arith.constant 0 : i32
    %dma_start3A_113 = arith.constant 0 : i32
    %dma_start3A_114 = tpu.memref_slice %arg2[%arg0, %dma_start3A_112, %dma_start3A_113] : memref<2x10000x64xf32, #tpu.memory_space<hbm>> -> memref<1x10000x64xf32, #tpu.memory_space<hbm>>
    %dma_start3A_115 = tpu.memref_squeeze %dma_start3A_114 : memref<1x10000x64xf32, #tpu.memory_space<hbm>> -> memref<10000x64xf32, #tpu.memory_space<hbm>>
    %dma_start3A_116 = arith.constant 0 : i32
    %dma_start3A_117 = arith.constant 0 : i32
    %dma_start3A_118 = tpu.memref_slice %dma_start3A_115[%dma_start3A_116, %dma_start3A_117] : memref<10000x64xf32, #tpu.memory_space<hbm>> -> memref<10000x64xf32, #tpu.memory_space<hbm>>
    tpu.enqueue_indirect_dma source(%dma_start3A_118 : memref<10000x64xf32, #tpu.memory_space<hbm>>) target(%arg12 : memref<80x64xf32, #tpu.memory_space<vmem>>) offsets(%dma_start3A_111 : memref<80xi32, #tpu.memory_space<vmem>>) semaphore(%arg22 : memref<!tpu.dma_semaphore, #tpu.memory_space<semaphore_mem>>)
    %dma_start3A_119 = arith.constant 6 : i32
    %dma_start3A_120 = arith.constant 0 : i32
    %dma_start3A_121 = tpu.memref_slice %arg5[%dma_start3A_119, %dma_start3A_120] : memref<250x80xi32, #tpu.memory_space<vmem>> -> memref<1x80xi32, #tpu.memory_space<vmem>>
    %dma_start3A_122 = tpu.memref_squeeze %dma_start3A_121 : memref<1x80xi32, #tpu.memory_space<vmem>> -> memref<80xi32, #tpu.memory_space<vmem>>
    %dma_start3A_123 = arith.constant 0 : i32
    %dma_start3A_124 = arith.constant 0 : i32
    %dma_start3A_125 = tpu.memref_slice %arg2[%arg0, %dma_start3A_123, %dma_start3A_124] : memref<2x10000x64xf32, #tpu.memory_space<hbm>> -> memref<1x10000x64xf32, #tpu.memory_space<hbm>>
    %dma_start3A_126 = tpu.memref_squeeze %dma_start3A_125 : memref<1x10000x64xf32, #tpu.memory_space<hbm>> -> memref<10000x64xf32, #tpu.memory_space<hbm>>
    %dma_start3A_127 = arith.constant 0 : i32
    %dma_start3A_128 = arith.constant 0 : i32
    %dma_start3A_129 = tpu.memref_slice %dma_start3A_126[%dma_start3A_127, %dma_start3A_128] : memref<10000x64xf32, #tpu.memory_space<hbm>> -> memref<10000x64xf32, #tpu.memory_space<hbm>>
    tpu.enqueue_indirect_dma source(%dma_start3A_129 : memref<10000x64xf32, #tpu.memory_space<hbm>>) target(%arg13 : memref<80x64xf32, #tpu.memory_space<vmem>>) offsets(%dma_start3A_122 : memref<80xi32, #tpu.memory_space<vmem>>) semaphore(%arg23 : memref<!tpu.dma_semaphore, #tpu.memory_space<semaphore_mem>>)
    %dma_start3A_130 = arith.constant 7 : i32
    %dma_start3A_131 = arith.constant 0 : i32
    %dma_start3A_132 = tpu.memref_slice %arg5[%dma_start3A_130, %dma_start3A_131] : memref<250x80xi32, #tpu.memory_space<vmem>> -> memref<1x80xi32, #tpu.memory_space<vmem>>
    %dma_start3A_133 = tpu.memref_squeeze %dma_start3A_132 : memref<1x80xi32, #tpu.memory_space<vmem>> -> memref<80xi32, #tpu.memory_space<vmem>>
    %dma_start3A_134 = arith.constant 0 : i32
    %dma_start3A_135 = arith.constant 0 : i32
    %dma_start3A_136 = tpu.memref_slice %arg2[%arg0, %dma_start3A_134, %dma_start3A_135] : memref<2x10000x64xf32, #tpu.memory_space<hbm>> -> memref<1x10000x64xf32, #tpu.memory_space<hbm>>
    %dma_start3A_137 = tpu.memref_squeeze %dma_start3A_136 : memref<1x10000x64xf32, #tpu.memory_space<hbm>> -> memref<10000x64xf32, #tpu.memory_space<hbm>>
    %dma_start3A_138 = arith.constant 0 : i32
    %dma_start3A_139 = arith.constant 0 : i32
    %dma_start3A_140 = tpu.memref_slice %dma_start3A_137[%dma_start3A_138, %dma_start3A_139] : memref<10000x64xf32, #tpu.memory_space<hbm>> -> memref<10000x64xf32, #tpu.memory_space<hbm>>
    tpu.enqueue_indirect_dma source(%dma_start3A_140 : memref<10000x64xf32, #tpu.memory_space<hbm>>) target(%arg14 : memref<80x64xf32, #tpu.memory_space<vmem>>) offsets(%dma_start3A_133 : memref<80xi32, #tpu.memory_space<vmem>>) semaphore(%arg24 : memref<!tpu.dma_semaphore, #tpu.memory_space<semaphore_mem>>)
    %scan3A = arith.constant 0 : i32
    %scan3A_141 = arith.constant 0 : i32
    %scan3A_142 = arith.constant 27 : i32
    %scan3A_143 = arith.addi %scan3A_141, %scan3A_142 : i32
    %scan3A_144 = arith.constant 1 : i32
    scf.for %scan3A_341 = %scan3A_141 to %scan3A_143 step %scan3A_144  : i32 {
      %mul3A_342 = arith.constant 9 : i32
      %mul3A_343 = arith.muli %scan3A_341, %mul3A_342 : i32
      %add3A = arith.constant 0 : i32
      %add3A_344 = arith.addi %mul3A_343, %add3A : i32
      %dma_wait3A_345 = arith.constant 0 : i32
      %dma_wait3A_346 = tpu.memref_slice %arg5[%add3A_344, %dma_wait3A_345] : memref<250x80xi32, #tpu.memory_space<vmem>> -> memref<1x80xi32, #tpu.memory_space<vmem>>
      %dma_wait3A_347 = tpu.memref_squeeze %dma_wait3A_346 : memref<1x80xi32, #tpu.memory_space<vmem>> -> memref<80xi32, #tpu.memory_space<vmem>>
      %dma_wait3A_348 = arith.constant 0 : i32
      %dma_wait3A_349 = arith.constant 0 : i32
      %dma_wait3A_350 = tpu.memref_slice %arg2[%arg0, %dma_wait3A_348, %dma_wait3A_349] : memref<2x10000x64xf32, #tpu.memory_space<hbm>> -> memref<1x10000x64xf32, #tpu.memory_space<hbm>>
      %dma_wait3A_351 = tpu.memref_squeeze %dma_wait3A_350 : memref<1x10000x64xf32, #tpu.memory_space<hbm>> -> memref<10000x64xf32, #tpu.memory_space<hbm>>
      %dma_wait3A_352 = arith.constant 0 : i32
      %dma_wait3A_353 = arith.constant 0 : i32
      %dma_wait3A_354 = tpu.memref_slice %dma_wait3A_351[%dma_wait3A_352, %dma_wait3A_353] : memref<10000x64xf32, #tpu.memory_space<hbm>> -> memref<10000x64xf32, #tpu.memory_space<hbm>>
      tpu.wait_indirect_dma semaphore(%arg17 : memref<!tpu.dma_semaphore, #tpu.memory_space<semaphore_mem>>) src(%dma_wait3A_354 : memref<10000x64xf32, #tpu.memory_space<hbm>>) dst(%arg7 : memref<80x64xf32, #tpu.memory_space<vmem>>)
      %dma_start3A_355 = arith.constant 0 : i32
      %dma_start3A_356 = tpu.memref_slice %arg6[%add3A_344, %dma_start3A_355] : memref<250x80xi32, #tpu.memory_space<vmem>> -> memref<1x80xi32, #tpu.memory_space<vmem>>
      %dma_start3A_357 = tpu.memref_squeeze %dma_start3A_356 : memref<1x80xi32, #tpu.memory_space<vmem>> -> memref<80xi32, #tpu.memory_space<vmem>>
      %dma_start3A_358 = arith.constant 0 : i32
      %dma_start3A_359 = arith.constant 0 : i32
      %dma_start3A_360 = tpu.memref_slice %arg16[%dma_start3A_358, %dma_start3A_359] : memref<10000x64xf32, #tpu.memory_space<vmem_shared>> -> memref<10000x64xf32, #tpu.memory_space<vmem_shared>>
      tpu.enqueue_indirect_dma source(%arg7 : memref<80x64xf32, #tpu.memory_space<vmem>>) target(%dma_start3A_360 : memref<10000x64xf32, #tpu.memory_space<vmem_shared>>) offsets(%dma_start3A_357 : memref<80xi32, #tpu.memory_space<vmem>>) semaphore(%arg26 : memref<!tpu.dma_semaphore, #tpu.memory_space<semaphore_mem>>) {add = true}
      %add3A_361 = arith.constant 9 : i32
      %add3A_362 = arith.addi %add3A_344, %add3A_361 : i32
      %sub3A = arith.constant 1 : i32
      %sub3A_363 = arith.subi %add3A_362, %sub3A : i32
      %lt3A = arith.constant 250 : i32
      %lt3A_364 = arith.cmpi slt, %sub3A_363, %lt3A : i32
      %ge3A = arith.constant 1 : i32
      %ge3A_365 = arith.cmpi sge, %add3A_344, %ge3A : i32
      %and3A = arith.andi %lt3A_364, %ge3A_365 : i1
      %convert_element_type3A_366 = arith.extui %and3A : i1 to i32
      %cond3A_367 = arith.constant 0 : i32
      %cond3A_368 = arith.cmpi ne, %convert_element_type3A_366, %cond3A_367 : i32
      scf.if %cond3A_368 {
        %sub3A_630 = arith.constant 1 : i32
        %sub3A_631 = arith.subi %add3A_344, %sub3A_630 : i32
        %dma_wait3A_632 = arith.constant 0 : i32
        %dma_wait3A_633 = tpu.memref_slice %arg6[%sub3A_631, %dma_wait3A_632] : memref<250x80xi32, #tpu.memory_space<vmem>> -> memref<1x80xi32, #tpu.memory_space<vmem>>
        %dma_wait3A_634 = tpu.memref_squeeze %dma_wait3A_633 : memref<1x80xi32, #tpu.memory_space<vmem>> -> memref<80xi32, #tpu.memory_space<vmem>>
        %dma_wait3A_635 = arith.constant 0 : i32
        %dma_wait3A_636 = arith.constant 0 : i32
        %dma_wait3A_637 = tpu.memref_slice %arg16[%dma_wait3A_635, %dma_wait3A_636] : memref<10000x64xf32, #tpu.memory_space<vmem_shared>> -> memref<10000x64xf32, #tpu.memory_space<vmem_shared>>
        tpu.wait_indirect_dma semaphore(%arg34 : memref<!tpu.dma_semaphore, #tpu.memory_space<semaphore_mem>>) src(%arg15 : memref<80x64xf32, #tpu.memory_space<vmem>>) dst(%dma_wait3A_637 : memref<10000x64xf32, #tpu.memory_space<vmem_shared>>)
      } else {
      }
      %lt3A_369 = arith.constant 250 : i32
      %lt3A_370 = arith.cmpi slt, %sub3A_363, %lt3A_369 : i32
      %convert_element_type3A_371 = arith.extui %lt3A_370 : i1 to i32
      %cond3A_372 = arith.constant 0 : i32
      %cond3A_373 = arith.cmpi ne, %convert_element_type3A_371, %cond3A_372 : i32
      scf.if %cond3A_373 {
        %dma_start3A_630 = arith.constant 0 : i32
        %dma_start3A_631 = tpu.memref_slice %arg5[%sub3A_363, %dma_start3A_630] : memref<250x80xi32, #tpu.memory_space<vmem>> -> memref<1x80xi32, #tpu.memory_space<vmem>>
        %dma_start3A_632 = tpu.memref_squeeze %dma_start3A_631 : memref<1x80xi32, #tpu.memory_space<vmem>> -> memref<80xi32, #tpu.memory_space<vmem>>
        %dma_start3A_633 = arith.constant 0 : i32
        %dma_start3A_634 = arith.constant 0 : i32
        %dma_start3A_635 = tpu.memref_slice %arg2[%arg0, %dma_start3A_633, %dma_start3A_634] : memref<2x10000x64xf32, #tpu.memory_space<hbm>> -> memref<1x10000x64xf32, #tpu.memory_space<hbm>>
        %dma_start3A_636 = tpu.memref_squeeze %dma_start3A_635 : memref<1x10000x64xf32, #tpu.memory_space<hbm>> -> memref<10000x64xf32, #tpu.memory_space<hbm>>
        %dma_start3A_637 = arith.constant 0 : i32
        %dma_start3A_638 = arith.constant 0 : i32
        %dma_start3A_639 = tpu.memref_slice %dma_start3A_636[%dma_start3A_637, %dma_start3A_638] : memref<10000x64xf32, #tpu.memory_space<hbm>> -> memref<10000x64xf32, #tpu.memory_space<hbm>>
        tpu.enqueue_indirect_dma source(%dma_start3A_639 : memref<10000x64xf32, #tpu.memory_space<hbm>>) target(%arg15 : memref<80x64xf32, #tpu.memory_space<vmem>>) offsets(%dma_start3A_632 : memref<80xi32, #tpu.memory_space<vmem>>) semaphore(%arg25 : memref<!tpu.dma_semaphore, #tpu.memory_space<semaphore_mem>>)
      } else {
      }
      %add3A_374 = arith.constant 1 : i32
      %add3A_375 = arith.addi %mul3A_343, %add3A_374 : i32
      %dma_wait3A_376 = arith.constant 0 : i32
      %dma_wait3A_377 = tpu.memref_slice %arg5[%add3A_375, %dma_wait3A_376] : memref<250x80xi32, #tpu.memory_space<vmem>> -> memref<1x80xi32, #tpu.memory_space<vmem>>
      %dma_wait3A_378 = tpu.memref_squeeze %dma_wait3A_377 : memref<1x80xi32, #tpu.memory_space<vmem>> -> memref<80xi32, #tpu.memory_space<vmem>>
      %dma_wait3A_379 = arith.constant 0 : i32
      %dma_wait3A_380 = arith.constant 0 : i32
      %dma_wait3A_381 = tpu.memref_slice %arg2[%arg0, %dma_wait3A_379, %dma_wait3A_380] : memref<2x10000x64xf32, #tpu.memory_space<hbm>> -> memref<1x10000x64xf32, #tpu.memory_space<hbm>>
      %dma_wait3A_382 = tpu.memref_squeeze %dma_wait3A_381 : memref<1x10000x64xf32, #tpu.memory_space<hbm>> -> memref<10000x64xf32, #tpu.memory_space<hbm>>
      %dma_wait3A_383 = arith.constant 0 : i32
      %dma_wait3A_384 = arith.constant 0 : i32
      %dma_wait3A_385 = tpu.memref_slice %dma_wait3A_382[%dma_wait3A_383, %dma_wait3A_384] : memref<10000x64xf32, #tpu.memory_space<hbm>> -> memref<10000x64xf32, #tpu.memory_space<hbm>>
      tpu.wait_indirect_dma semaphore(%arg18 : memref<!tpu.dma_semaphore, #tpu.memory_space<semaphore_mem>>) src(%dma_wait3A_385 : memref<10000x64xf32, #tpu.memory_space<hbm>>) dst(%arg8 : memref<80x64xf32, #tpu.memory_space<vmem>>)
      %dma_start3A_386 = arith.constant 0 : i32
      %dma_start3A_387 = tpu.memref_slice %arg6[%add3A_375, %dma_start3A_386] : memref<250x80xi32, #tpu.memory_space<vmem>> -> memref<1x80xi32, #tpu.memory_space<vmem>>
      %dma_start3A_388 = tpu.memref_squeeze %dma_start3A_387 : memref<1x80xi32, #tpu.memory_space<vmem>> -> memref<80xi32, #tpu.memory_space<vmem>>
      %dma_start3A_389 = arith.constant 0 : i32
      %dma_start3A_390 = arith.constant 0 : i32
      %dma_start3A_391 = tpu.memref_slice %arg16[%dma_start3A_389, %dma_start3A_390] : memref<10000x64xf32, #tpu.memory_space<vmem_shared>> -> memref<10000x64xf32, #tpu.memory_space<vmem_shared>>
      tpu.enqueue_indirect_dma source(%arg8 : memref<80x64xf32, #tpu.memory_space<vmem>>) target(%dma_start3A_391 : memref<10000x64xf32, #tpu.memory_space<vmem_shared>>) offsets(%dma_start3A_388 : memref<80xi32, #tpu.memory_space<vmem>>) semaphore(%arg27 : memref<!tpu.dma_semaphore, #tpu.memory_space<semaphore_mem>>) {add = true}
      %add3A_392 = arith.constant 9 : i32
      %add3A_393 = arith.addi %add3A_375, %add3A_392 : i32
      %sub3A_394 = arith.constant 1 : i32
      %sub3A_395 = arith.subi %add3A_393, %sub3A_394 : i32
      %lt3A_396 = arith.constant 250 : i32
      %lt3A_397 = arith.cmpi slt, %sub3A_395, %lt3A_396 : i32
      %convert_element_type3A_398 = arith.extui %lt3A_397 : i1 to i32
      %cond3A_399 = arith.constant 0 : i32
      %cond3A_400 = arith.cmpi ne, %convert_element_type3A_398, %cond3A_399 : i32
      scf.if %cond3A_400 {
        %sub3A_630 = arith.constant 1 : i32
        %sub3A_631 = arith.subi %add3A_375, %sub3A_630 : i32
        %dma_wait3A_632 = arith.constant 0 : i32
        %dma_wait3A_633 = tpu.memref_slice %arg6[%sub3A_631, %dma_wait3A_632] : memref<250x80xi32, #tpu.memory_space<vmem>> -> memref<1x80xi32, #tpu.memory_space<vmem>>
        %dma_wait3A_634 = tpu.memref_squeeze %dma_wait3A_633 : memref<1x80xi32, #tpu.memory_space<vmem>> -> memref<80xi32, #tpu.memory_space<vmem>>
        %dma_wait3A_635 = arith.constant 0 : i32
        %dma_wait3A_636 = arith.constant 0 : i32
        %dma_wait3A_637 = tpu.memref_slice %arg16[%dma_wait3A_635, %dma_wait3A_636] : memref<10000x64xf32, #tpu.memory_space<vmem_shared>> -> memref<10000x64xf32, #tpu.memory_space<vmem_shared>>
        tpu.wait_indirect_dma semaphore(%arg26 : memref<!tpu.dma_semaphore, #tpu.memory_space<semaphore_mem>>) src(%arg7 : memref<80x64xf32, #tpu.memory_space<vmem>>) dst(%dma_wait3A_637 : memref<10000x64xf32, #tpu.memory_space<vmem_shared>>)
      } else {
      }
      %lt3A_401 = arith.constant 250 : i32
      %lt3A_402 = arith.cmpi slt, %sub3A_395, %lt3A_401 : i32
      %convert_element_type3A_403 = arith.extui %lt3A_402 : i1 to i32
      %cond3A_404 = arith.constant 0 : i32
      %cond3A_405 = arith.cmpi ne, %convert_element_type3A_403, %cond3A_404 : i32
      scf.if %cond3A_405 {
        %dma_start3A_630 = arith.constant 0 : i32
        %dma_start3A_631 = tpu.memref_slice %arg5[%sub3A_395, %dma_start3A_630] : memref<250x80xi32, #tpu.memory_space<vmem>> -> memref<1x80xi32, #tpu.memory_space<vmem>>
        %dma_start3A_632 = tpu.memref_squeeze %dma_start3A_631 : memref<1x80xi32, #tpu.memory_space<vmem>> -> memref<80xi32, #tpu.memory_space<vmem>>
        %dma_start3A_633 = arith.constant 0 : i32
        %dma_start3A_634 = arith.constant 0 : i32
        %dma_start3A_635 = tpu.memref_slice %arg2[%arg0, %dma_start3A_633, %dma_start3A_634] : memref<2x10000x64xf32, #tpu.memory_space<hbm>> -> memref<1x10000x64xf32, #tpu.memory_space<hbm>>
        %dma_start3A_636 = tpu.memref_squeeze %dma_start3A_635 : memref<1x10000x64xf32, #tpu.memory_space<hbm>> -> memref<10000x64xf32, #tpu.memory_space<hbm>>
        %dma_start3A_637 = arith.constant 0 : i32
        %dma_start3A_638 = arith.constant 0 : i32
        %dma_start3A_639 = tpu.memref_slice %dma_start3A_636[%dma_start3A_637, %dma_start3A_638] : memref<10000x64xf32, #tpu.memory_space<hbm>> -> memref<10000x64xf32, #tpu.memory_space<hbm>>
        tpu.enqueue_indirect_dma source(%dma_start3A_639 : memref<10000x64xf32, #tpu.memory_space<hbm>>) target(%arg7 : memref<80x64xf32, #tpu.memory_space<vmem>>) offsets(%dma_start3A_632 : memref<80xi32, #tpu.memory_space<vmem>>) semaphore(%arg17 : memref<!tpu.dma_semaphore, #tpu.memory_space<semaphore_mem>>)
      } else {
      }
      %add3A_406 = arith.constant 2 : i32
      %add3A_407 = arith.addi %mul3A_343, %add3A_406 : i32
      %dma_wait3A_408 = arith.constant 0 : i32
      %dma_wait3A_409 = tpu.memref_slice %arg5[%add3A_407, %dma_wait3A_408] : memref<250x80xi32, #tpu.memory_space<vmem>> -> memref<1x80xi32, #tpu.memory_space<vmem>>
      %dma_wait3A_410 = tpu.memref_squeeze %dma_wait3A_409 : memref<1x80xi32, #tpu.memory_space<vmem>> -> memref<80xi32, #tpu.memory_space<vmem>>
      %dma_wait3A_411 = arith.constant 0 : i32
      %dma_wait3A_412 = arith.constant 0 : i32
      %dma_wait3A_413 = tpu.memref_slice %arg2[%arg0, %dma_wait3A_411, %dma_wait3A_412] : memref<2x10000x64xf32, #tpu.memory_space<hbm>> -> memref<1x10000x64xf32, #tpu.memory_space<hbm>>
      %dma_wait3A_414 = tpu.memref_squeeze %dma_wait3A_413 : memref<1x10000x64xf32, #tpu.memory_space<hbm>> -> memref<10000x64xf32, #tpu.memory_space<hbm>>
      %dma_wait3A_415 = arith.constant 0 : i32
      %dma_wait3A_416 = arith.constant 0 : i32
      %dma_wait3A_417 = tpu.memref_slice %dma_wait3A_414[%dma_wait3A_415, %dma_wait3A_416] : memref<10000x64xf32, #tpu.memory_space<hbm>> -> memref<10000x64xf32, #tpu.memory_space<hbm>>
      tpu.wait_indirect_dma semaphore(%arg19 : memref<!tpu.dma_semaphore, #tpu.memory_space<semaphore_mem>>) src(%dma_wait3A_417 : memref<10000x64xf32, #tpu.memory_space<hbm>>) dst(%arg9 : memref<80x64xf32, #tpu.memory_space<vmem>>)
      %dma_start3A_418 = arith.constant 0 : i32
      %dma_start3A_419 = tpu.memref_slice %arg6[%add3A_407, %dma_start3A_418] : memref<250x80xi32, #tpu.memory_space<vmem>> -> memref<1x80xi32, #tpu.memory_space<vmem>>
      %dma_start3A_420 = tpu.memref_squeeze %dma_start3A_419 : memref<1x80xi32, #tpu.memory_space<vmem>> -> memref<80xi32, #tpu.memory_space<vmem>>
      %dma_start3A_421 = arith.constant 0 : i32
      %dma_start3A_422 = arith.constant 0 : i32
      %dma_start3A_423 = tpu.memref_slice %arg16[%dma_start3A_421, %dma_start3A_422] : memref<10000x64xf32, #tpu.memory_space<vmem_shared>> -> memref<10000x64xf32, #tpu.memory_space<vmem_shared>>
      tpu.enqueue_indirect_dma source(%arg9 : memref<80x64xf32, #tpu.memory_space<vmem>>) target(%dma_start3A_423 : memref<10000x64xf32, #tpu.memory_space<vmem_shared>>) offsets(%dma_start3A_420 : memref<80xi32, #tpu.memory_space<vmem>>) semaphore(%arg28 : memref<!tpu.dma_semaphore, #tpu.memory_space<semaphore_mem>>) {add = true}
      %add3A_424 = arith.constant 9 : i32
      %add3A_425 = arith.addi %add3A_407, %add3A_424 : i32
      %sub3A_426 = arith.constant 1 : i32
      %sub3A_427 = arith.subi %add3A_425, %sub3A_426 : i32
      %lt3A_428 = arith.constant 250 : i32
      %lt3A_429 = arith.cmpi slt, %sub3A_427, %lt3A_428 : i32
      %convert_element_type3A_430 = arith.extui %lt3A_429 : i1 to i32
      %cond3A_431 = arith.constant 0 : i32
      %cond3A_432 = arith.cmpi ne, %convert_element_type3A_430, %cond3A_431 : i32
      scf.if %cond3A_432 {
        %sub3A_630 = arith.constant 1 : i32
        %sub3A_631 = arith.subi %add3A_407, %sub3A_630 : i32
        %dma_wait3A_632 = arith.constant 0 : i32
        %dma_wait3A_633 = tpu.memref_slice %arg6[%sub3A_631, %dma_wait3A_632] : memref<250x80xi32, #tpu.memory_space<vmem>> -> memref<1x80xi32, #tpu.memory_space<vmem>>
        %dma_wait3A_634 = tpu.memref_squeeze %dma_wait3A_633 : memref<1x80xi32, #tpu.memory_space<vmem>> -> memref<80xi32, #tpu.memory_space<vmem>>
        %dma_wait3A_635 = arith.constant 0 : i32
        %dma_wait3A_636 = arith.constant 0 : i32
        %dma_wait3A_637 = tpu.memref_slice %arg16[%dma_wait3A_635, %dma_wait3A_636] : memref<10000x64xf32, #tpu.memory_space<vmem_shared>> -> memref<10000x64xf32, #tpu.memory_space<vmem_shared>>
        tpu.wait_indirect_dma semaphore(%arg27 : memref<!tpu.dma_semaphore, #tpu.memory_space<semaphore_mem>>) src(%arg8 : memref<80x64xf32, #tpu.memory_space<vmem>>) dst(%dma_wait3A_637 : memref<10000x64xf32, #tpu.memory_space<vmem_shared>>)
      } else {
      }
      %lt3A_433 = arith.constant 250 : i32
      %lt3A_434 = arith.cmpi slt, %sub3A_427, %lt3A_433 : i32
      %convert_element_type3A_435 = arith.extui %lt3A_434 : i1 to i32
      %cond3A_436 = arith.constant 0 : i32
      %cond3A_437 = arith.cmpi ne, %convert_element_type3A_435, %cond3A_436 : i32
      scf.if %cond3A_437 {
        %dma_start3A_630 = arith.constant 0 : i32
        %dma_start3A_631 = tpu.memref_slice %arg5[%sub3A_427, %dma_start3A_630] : memref<250x80xi32, #tpu.memory_space<vmem>> -> memref<1x80xi32, #tpu.memory_space<vmem>>
        %dma_start3A_632 = tpu.memref_squeeze %dma_start3A_631 : memref<1x80xi32, #tpu.memory_space<vmem>> -> memref<80xi32, #tpu.memory_space<vmem>>
        %dma_start3A_633 = arith.constant 0 : i32
        %dma_start3A_634 = arith.constant 0 : i32
        %dma_start3A_635 = tpu.memref_slice %arg2[%arg0, %dma_start3A_633, %dma_start3A_634] : memref<2x10000x64xf32, #tpu.memory_space<hbm>> -> memref<1x10000x64xf32, #tpu.memory_space<hbm>>
        %dma_start3A_636 = tpu.memref_squeeze %dma_start3A_635 : memref<1x10000x64xf32, #tpu.memory_space<hbm>> -> memref<10000x64xf32, #tpu.memory_space<hbm>>
        %dma_start3A_637 = arith.constant 0 : i32
        %dma_start3A_638 = arith.constant 0 : i32
        %dma_start3A_639 = tpu.memref_slice %dma_start3A_636[%dma_start3A_637, %dma_start3A_638] : memref<10000x64xf32, #tpu.memory_space<hbm>> -> memref<10000x64xf32, #tpu.memory_space<hbm>>
        tpu.enqueue_indirect_dma source(%dma_start3A_639 : memref<10000x64xf32, #tpu.memory_space<hbm>>) target(%arg8 : memref<80x64xf32, #tpu.memory_space<vmem>>) offsets(%dma_start3A_632 : memref<80xi32, #tpu.memory_space<vmem>>) semaphore(%arg18 : memref<!tpu.dma_semaphore, #tpu.memory_space<semaphore_mem>>)
      } else {
      }
      %add3A_438 = arith.constant 3 : i32
      %add3A_439 = arith.addi %mul3A_343, %add3A_438 : i32
      %dma_wait3A_440 = arith.constant 0 : i32
      %dma_wait3A_441 = tpu.memref_slice %arg5[%add3A_439, %dma_wait3A_440] : memref<250x80xi32, #tpu.memory_space<vmem>> -> memref<1x80xi32, #tpu.memory_space<vmem>>
      %dma_wait3A_442 = tpu.memref_squeeze %dma_wait3A_441 : memref<1x80xi32, #tpu.memory_space<vmem>> -> memref<80xi32, #tpu.memory_space<vmem>>
      %dma_wait3A_443 = arith.constant 0 : i32
      %dma_wait3A_444 = arith.constant 0 : i32
      %dma_wait3A_445 = tpu.memref_slice %arg2[%arg0, %dma_wait3A_443, %dma_wait3A_444] : memref<2x10000x64xf32, #tpu.memory_space<hbm>> -> memref<1x10000x64xf32, #tpu.memory_space<hbm>>
      %dma_wait3A_446 = tpu.memref_squeeze %dma_wait3A_445 : memref<1x10000x64xf32, #tpu.memory_space<hbm>> -> memref<10000x64xf32, #tpu.memory_space<hbm>>
      %dma_wait3A_447 = arith.constant 0 : i32
      %dma_wait3A_448 = arith.constant 0 : i32
      %dma_wait3A_449 = tpu.memref_slice %dma_wait3A_446[%dma_wait3A_447, %dma_wait3A_448] : memref<10000x64xf32, #tpu.memory_space<hbm>> -> memref<10000x64xf32, #tpu.memory_space<hbm>>
      tpu.wait_indirect_dma semaphore(%arg20 : memref<!tpu.dma_semaphore, #tpu.memory_space<semaphore_mem>>) src(%dma_wait3A_449 : memref<10000x64xf32, #tpu.memory_space<hbm>>) dst(%arg10 : memref<80x64xf32, #tpu.memory_space<vmem>>)
      %dma_start3A_450 = arith.constant 0 : i32
      %dma_start3A_451 = tpu.memref_slice %arg6[%add3A_439, %dma_start3A_450] : memref<250x80xi32, #tpu.memory_space<vmem>> -> memref<1x80xi32, #tpu.memory_space<vmem>>
      %dma_start3A_452 = tpu.memref_squeeze %dma_start3A_451 : memref<1x80xi32, #tpu.memory_space<vmem>> -> memref<80xi32, #tpu.memory_space<vmem>>
      %dma_start3A_453 = arith.constant 0 : i32
      %dma_start3A_454 = arith.constant 0 : i32
      %dma_start3A_455 = tpu.memref_slice %arg16[%dma_start3A_453, %dma_start3A_454] : memref<10000x64xf32, #tpu.memory_space<vmem_shared>> -> memref<10000x64xf32, #tpu.memory_space<vmem_shared>>
      tpu.enqueue_indirect_dma source(%arg10 : memref<80x64xf32, #tpu.memory_space<vmem>>) target(%dma_start3A_455 : memref<10000x64xf32, #tpu.memory_space<vmem_shared>>) offsets(%dma_start3A_452 : memref<80xi32, #tpu.memory_space<vmem>>) semaphore(%arg29 : memref<!tpu.dma_semaphore, #tpu.memory_space<semaphore_mem>>) {add = true}
      %add3A_456 = arith.constant 9 : i32
      %add3A_457 = arith.addi %add3A_439, %add3A_456 : i32
      %sub3A_458 = arith.constant 1 : i32
      %sub3A_459 = arith.subi %add3A_457, %sub3A_458 : i32
      %lt3A_460 = arith.constant 250 : i32
      %lt3A_461 = arith.cmpi slt, %sub3A_459, %lt3A_460 : i32
      %convert_element_type3A_462 = arith.extui %lt3A_461 : i1 to i32
      %cond3A_463 = arith.constant 0 : i32
      %cond3A_464 = arith.cmpi ne, %convert_element_type3A_462, %cond3A_463 : i32
      scf.if %cond3A_464 {
        %sub3A_630 = arith.constant 1 : i32
        %sub3A_631 = arith.subi %add3A_439, %sub3A_630 : i32
        %dma_wait3A_632 = arith.constant 0 : i32
        %dma_wait3A_633 = tpu.memref_slice %arg6[%sub3A_631, %dma_wait3A_632] : memref<250x80xi32, #tpu.memory_space<vmem>> -> memref<1x80xi32, #tpu.memory_space<vmem>>
        %dma_wait3A_634 = tpu.memref_squeeze %dma_wait3A_633 : memref<1x80xi32, #tpu.memory_space<vmem>> -> memref<80xi32, #tpu.memory_space<vmem>>
        %dma_wait3A_635 = arith.constant 0 : i32
        %dma_wait3A_636 = arith.constant 0 : i32
        %dma_wait3A_637 = tpu.memref_slice %arg16[%dma_wait3A_635, %dma_wait3A_636] : memref<10000x64xf32, #tpu.memory_space<vmem_shared>> -> memref<10000x64xf32, #tpu.memory_space<vmem_shared>>
        tpu.wait_indirect_dma semaphore(%arg28 : memref<!tpu.dma_semaphore, #tpu.memory_space<semaphore_mem>>) src(%arg9 : memref<80x64xf32, #tpu.memory_space<vmem>>) dst(%dma_wait3A_637 : memref<10000x64xf32, #tpu.memory_space<vmem_shared>>)
      } else {
      }
      %lt3A_465 = arith.constant 250 : i32
      %lt3A_466 = arith.cmpi slt, %sub3A_459, %lt3A_465 : i32
      %convert_element_type3A_467 = arith.extui %lt3A_466 : i1 to i32
      %cond3A_468 = arith.constant 0 : i32
      %cond3A_469 = arith.cmpi ne, %convert_element_type3A_467, %cond3A_468 : i32
      scf.if %cond3A_469 {
        %dma_start3A_630 = arith.constant 0 : i32
        %dma_start3A_631 = tpu.memref_slice %arg5[%sub3A_459, %dma_start3A_630] : memref<250x80xi32, #tpu.memory_space<vmem>> -> memref<1x80xi32, #tpu.memory_space<vmem>>
        %dma_start3A_632 = tpu.memref_squeeze %dma_start3A_631 : memref<1x80xi32, #tpu.memory_space<vmem>> -> memref<80xi32, #tpu.memory_space<vmem>>
        %dma_start3A_633 = arith.constant 0 : i32
        %dma_start3A_634 = arith.constant 0 : i32
        %dma_start3A_635 = tpu.memref_slice %arg2[%arg0, %dma_start3A_633, %dma_start3A_634] : memref<2x10000x64xf32, #tpu.memory_space<hbm>> -> memref<1x10000x64xf32, #tpu.memory_space<hbm>>
        %dma_start3A_636 = tpu.memref_squeeze %dma_start3A_635 : memref<1x10000x64xf32, #tpu.memory_space<hbm>> -> memref<10000x64xf32, #tpu.memory_space<hbm>>
        %dma_start3A_637 = arith.constant 0 : i32
        %dma_start3A_638 = arith.constant 0 : i32
        %dma_start3A_639 = tpu.memref_slice %dma_start3A_636[%dma_start3A_637, %dma_start3A_638] : memref<10000x64xf32, #tpu.memory_space<hbm>> -> memref<10000x64xf32, #tpu.memory_space<hbm>>
        tpu.enqueue_indirect_dma source(%dma_start3A_639 : memref<10000x64xf32, #tpu.memory_space<hbm>>) target(%arg9 : memref<80x64xf32, #tpu.memory_space<vmem>>) offsets(%dma_start3A_632 : memref<80xi32, #tpu.memory_space<vmem>>) semaphore(%arg19 : memref<!tpu.dma_semaphore, #tpu.memory_space<semaphore_mem>>)
      } else {
      }
      %add3A_470 = arith.constant 4 : i32
      %add3A_471 = arith.addi %mul3A_343, %add3A_470 : i32
      %dma_wait3A_472 = arith.constant 0 : i32
      %dma_wait3A_473 = tpu.memref_slice %arg5[%add3A_471, %dma_wait3A_472] : memref<250x80xi32, #tpu.memory_space<vmem>> -> memref<1x80xi32, #tpu.memory_space<vmem>>
      %dma_wait3A_474 = tpu.memref_squeeze %dma_wait3A_473 : memref<1x80xi32, #tpu.memory_space<vmem>> -> memref<80xi32, #tpu.memory_space<vmem>>
      %dma_wait3A_475 = arith.constant 0 : i32
      %dma_wait3A_476 = arith.constant 0 : i32
      %dma_wait3A_477 = tpu.memref_slice %arg2[%arg0, %dma_wait3A_475, %dma_wait3A_476] : memref<2x10000x64xf32, #tpu.memory_space<hbm>> -> memref<1x10000x64xf32, #tpu.memory_space<hbm>>
      %dma_wait3A_478 = tpu.memref_squeeze %dma_wait3A_477 : memref<1x10000x64xf32, #tpu.memory_space<hbm>> -> memref<10000x64xf32, #tpu.memory_space<hbm>>
      %dma_wait3A_479 = arith.constant 0 : i32
      %dma_wait3A_480 = arith.constant 0 : i32
      %dma_wait3A_481 = tpu.memref_slice %dma_wait3A_478[%dma_wait3A_479, %dma_wait3A_480] : memref<10000x64xf32, #tpu.memory_space<hbm>> -> memref<10000x64xf32, #tpu.memory_space<hbm>>
      tpu.wait_indirect_dma semaphore(%arg21 : memref<!tpu.dma_semaphore, #tpu.memory_space<semaphore_mem>>) src(%dma_wait3A_481 : memref<10000x64xf32, #tpu.memory_space<hbm>>) dst(%arg11 : memref<80x64xf32, #tpu.memory_space<vmem>>)
      %dma_start3A_482 = arith.constant 0 : i32
      %dma_start3A_483 = tpu.memref_slice %arg6[%add3A_471, %dma_start3A_482] : memref<250x80xi32, #tpu.memory_space<vmem>> -> memref<1x80xi32, #tpu.memory_space<vmem>>
      %dma_start3A_484 = tpu.memref_squeeze %dma_start3A_483 : memref<1x80xi32, #tpu.memory_space<vmem>> -> memref<80xi32, #tpu.memory_space<vmem>>
      %dma_start3A_485 = arith.constant 0 : i32
      %dma_start3A_486 = arith.constant 0 : i32
      %dma_start3A_487 = tpu.memref_slice %arg16[%dma_start3A_485, %dma_start3A_486] : memref<10000x64xf32, #tpu.memory_space<vmem_shared>> -> memref<10000x64xf32, #tpu.memory_space<vmem_shared>>
      tpu.enqueue_indirect_dma source(%arg11 : memref<80x64xf32, #tpu.memory_space<vmem>>) target(%dma_start3A_487 : memref<10000x64xf32, #tpu.memory_space<vmem_shared>>) offsets(%dma_start3A_484 : memref<80xi32, #tpu.memory_space<vmem>>) semaphore(%arg30 : memref<!tpu.dma_semaphore, #tpu.memory_space<semaphore_mem>>) {add = true}
      %add3A_488 = arith.constant 9 : i32
      %add3A_489 = arith.addi %add3A_471, %add3A_488 : i32
      %sub3A_490 = arith.constant 1 : i32
      %sub3A_491 = arith.subi %add3A_489, %sub3A_490 : i32
      %lt3A_492 = arith.constant 250 : i32
      %lt3A_493 = arith.cmpi slt, %sub3A_491, %lt3A_492 : i32
      %convert_element_type3A_494 = arith.extui %lt3A_493 : i1 to i32
      %cond3A_495 = arith.constant 0 : i32
      %cond3A_496 = arith.cmpi ne, %convert_element_type3A_494, %cond3A_495 : i32
      scf.if %cond3A_496 {
        %sub3A_630 = arith.constant 1 : i32
        %sub3A_631 = arith.subi %add3A_471, %sub3A_630 : i32
        %dma_wait3A_632 = arith.constant 0 : i32
        %dma_wait3A_633 = tpu.memref_slice %arg6[%sub3A_631, %dma_wait3A_632] : memref<250x80xi32, #tpu.memory_space<vmem>> -> memref<1x80xi32, #tpu.memory_space<vmem>>
        %dma_wait3A_634 = tpu.memref_squeeze %dma_wait3A_633 : memref<1x80xi32, #tpu.memory_space<vmem>> -> memref<80xi32, #tpu.memory_space<vmem>>
        %dma_wait3A_635 = arith.constant 0 : i32
        %dma_wait3A_636 = arith.constant 0 : i32
        %dma_wait3A_637 = tpu.memref_slice %arg16[%dma_wait3A_635, %dma_wait3A_636] : memref<10000x64xf32, #tpu.memory_space<vmem_shared>> -> memref<10000x64xf32, #tpu.memory_space<vmem_shared>>
        tpu.wait_indirect_dma semaphore(%arg29 : memref<!tpu.dma_semaphore, #tpu.memory_space<semaphore_mem>>) src(%arg10 : memref<80x64xf32, #tpu.memory_space<vmem>>) dst(%dma_wait3A_637 : memref<10000x64xf32, #tpu.memory_space<vmem_shared>>)
      } else {
      }
      %lt3A_497 = arith.constant 250 : i32
      %lt3A_498 = arith.cmpi slt, %sub3A_491, %lt3A_497 : i32
      %convert_element_type3A_499 = arith.extui %lt3A_498 : i1 to i32
      %cond3A_500 = arith.constant 0 : i32
      %cond3A_501 = arith.cmpi ne, %convert_element_type3A_499, %cond3A_500 : i32
      scf.if %cond3A_501 {
        %dma_start3A_630 = arith.constant 0 : i32
        %dma_start3A_631 = tpu.memref_slice %arg5[%sub3A_491, %dma_start3A_630] : memref<250x80xi32, #tpu.memory_space<vmem>> -> memref<1x80xi32, #tpu.memory_space<vmem>>
        %dma_start3A_632 = tpu.memref_squeeze %dma_start3A_631 : memref<1x80xi32, #tpu.memory_space<vmem>> -> memref<80xi32, #tpu.memory_space<vmem>>
        %dma_start3A_633 = arith.constant 0 : i32
        %dma_start3A_634 = arith.constant 0 : i32
        %dma_start3A_635 = tpu.memref_slice %arg2[%arg0, %dma_start3A_633, %dma_start3A_634] : memref<2x10000x64xf32, #tpu.memory_space<hbm>> -> memref<1x10000x64xf32, #tpu.memory_space<hbm>>
        %dma_start3A_636 = tpu.memref_squeeze %dma_start3A_635 : memref<1x10000x64xf32, #tpu.memory_space<hbm>> -> memref<10000x64xf32, #tpu.memory_space<hbm>>
        %dma_start3A_637 = arith.constant 0 : i32
        %dma_start3A_638 = arith.constant 0 : i32
        %dma_start3A_639 = tpu.memref_slice %dma_start3A_636[%dma_start3A_637, %dma_start3A_638] : memref<10000x64xf32, #tpu.memory_space<hbm>> -> memref<10000x64xf32, #tpu.memory_space<hbm>>
        tpu.enqueue_indirect_dma source(%dma_start3A_639 : memref<10000x64xf32, #tpu.memory_space<hbm>>) target(%arg10 : memref<80x64xf32, #tpu.memory_space<vmem>>) offsets(%dma_start3A_632 : memref<80xi32, #tpu.memory_space<vmem>>) semaphore(%arg20 : memref<!tpu.dma_semaphore, #tpu.memory_space<semaphore_mem>>)
      } else {
      }
      %add3A_502 = arith.constant 5 : i32
      %add3A_503 = arith.addi %mul3A_343, %add3A_502 : i32
      %dma_wait3A_504 = arith.constant 0 : i32
      %dma_wait3A_505 = tpu.memref_slice %arg5[%add3A_503, %dma_wait3A_504] : memref<250x80xi32, #tpu.memory_space<vmem>> -> memref<1x80xi32, #tpu.memory_space<vmem>>
      %dma_wait3A_506 = tpu.memref_squeeze %dma_wait3A_505 : memref<1x80xi32, #tpu.memory_space<vmem>> -> memref<80xi32, #tpu.memory_space<vmem>>
      %dma_wait3A_507 = arith.constant 0 : i32
      %dma_wait3A_508 = arith.constant 0 : i32
      %dma_wait3A_509 = tpu.memref_slice %arg2[%arg0, %dma_wait3A_507, %dma_wait3A_508] : memref<2x10000x64xf32, #tpu.memory_space<hbm>> -> memref<1x10000x64xf32, #tpu.memory_space<hbm>>
      %dma_wait3A_510 = tpu.memref_squeeze %dma_wait3A_509 : memref<1x10000x64xf32, #tpu.memory_space<hbm>> -> memref<10000x64xf32, #tpu.memory_space<hbm>>
      %dma_wait3A_511 = arith.constant 0 : i32
      %dma_wait3A_512 = arith.constant 0 : i32
      %dma_wait3A_513 = tpu.memref_slice %dma_wait3A_510[%dma_wait3A_511, %dma_wait3A_512] : memref<10000x64xf32, #tpu.memory_space<hbm>> -> memref<10000x64xf32, #tpu.memory_space<hbm>>
      tpu.wait_indirect_dma semaphore(%arg22 : memref<!tpu.dma_semaphore, #tpu.memory_space<semaphore_mem>>) src(%dma_wait3A_513 : memref<10000x64xf32, #tpu.memory_space<hbm>>) dst(%arg12 : memref<80x64xf32, #tpu.memory_space<vmem>>)
      %dma_start3A_514 = arith.constant 0 : i32
      %dma_start3A_515 = tpu.memref_slice %arg6[%add3A_503, %dma_start3A_514] : memref<250x80xi32, #tpu.memory_space<vmem>> -> memref<1x80xi32, #tpu.memory_space<vmem>>
      %dma_start3A_516 = tpu.memref_squeeze %dma_start3A_515 : memref<1x80xi32, #tpu.memory_space<vmem>> -> memref<80xi32, #tpu.memory_space<vmem>>
      %dma_start3A_517 = arith.constant 0 : i32
      %dma_start3A_518 = arith.constant 0 : i32
      %dma_start3A_519 = tpu.memref_slice %arg16[%dma_start3A_517, %dma_start3A_518] : memref<10000x64xf32, #tpu.memory_space<vmem_shared>> -> memref<10000x64xf32, #tpu.memory_space<vmem_shared>>
      tpu.enqueue_indirect_dma source(%arg12 : memref<80x64xf32, #tpu.memory_space<vmem>>) target(%dma_start3A_519 : memref<10000x64xf32, #tpu.memory_space<vmem_shared>>) offsets(%dma_start3A_516 : memref<80xi32, #tpu.memory_space<vmem>>) semaphore(%arg31 : memref<!tpu.dma_semaphore, #tpu.memory_space<semaphore_mem>>) {add = true}
      %add3A_520 = arith.constant 9 : i32
      %add3A_521 = arith.addi %add3A_503, %add3A_520 : i32
      %sub3A_522 = arith.constant 1 : i32
      %sub3A_523 = arith.subi %add3A_521, %sub3A_522 : i32
      %lt3A_524 = arith.constant 250 : i32
      %lt3A_525 = arith.cmpi slt, %sub3A_523, %lt3A_524 : i32
      %convert_element_type3A_526 = arith.extui %lt3A_525 : i1 to i32
      %cond3A_527 = arith.constant 0 : i32
      %cond3A_528 = arith.cmpi ne, %convert_element_type3A_526, %cond3A_527 : i32
      scf.if %cond3A_528 {
        %sub3A_630 = arith.constant 1 : i32
        %sub3A_631 = arith.subi %add3A_503, %sub3A_630 : i32
        %dma_wait3A_632 = arith.constant 0 : i32
        %dma_wait3A_633 = tpu.memref_slice %arg6[%sub3A_631, %dma_wait3A_632] : memref<250x80xi32, #tpu.memory_space<vmem>> -> memref<1x80xi32, #tpu.memory_space<vmem>>
        %dma_wait3A_634 = tpu.memref_squeeze %dma_wait3A_633 : memref<1x80xi32, #tpu.memory_space<vmem>> -> memref<80xi32, #tpu.memory_space<vmem>>
        %dma_wait3A_635 = arith.constant 0 : i32
        %dma_wait3A_636 = arith.constant 0 : i32
        %dma_wait3A_637 = tpu.memref_slice %arg16[%dma_wait3A_635, %dma_wait3A_636] : memref<10000x64xf32, #tpu.memory_space<vmem_shared>> -> memref<10000x64xf32, #tpu.memory_space<vmem_shared>>
        tpu.wait_indirect_dma semaphore(%arg30 : memref<!tpu.dma_semaphore, #tpu.memory_space<semaphore_mem>>) src(%arg11 : memref<80x64xf32, #tpu.memory_space<vmem>>) dst(%dma_wait3A_637 : memref<10000x64xf32, #tpu.memory_space<vmem_shared>>)
      } else {
      }
      %lt3A_529 = arith.constant 250 : i32
      %lt3A_530 = arith.cmpi slt, %sub3A_523, %lt3A_529 : i32
      %convert_element_type3A_531 = arith.extui %lt3A_530 : i1 to i32
      %cond3A_532 = arith.constant 0 : i32
      %cond3A_533 = arith.cmpi ne, %convert_element_type3A_531, %cond3A_532 : i32
      scf.if %cond3A_533 {
        %dma_start3A_630 = arith.constant 0 : i32
        %dma_start3A_631 = tpu.memref_slice %arg5[%sub3A_523, %dma_start3A_630] : memref<250x80xi32, #tpu.memory_space<vmem>> -> memref<1x80xi32, #tpu.memory_space<vmem>>
        %dma_start3A_632 = tpu.memref_squeeze %dma_start3A_631 : memref<1x80xi32, #tpu.memory_space<vmem>> -> memref<80xi32, #tpu.memory_space<vmem>>
        %dma_start3A_633 = arith.constant 0 : i32
        %dma_start3A_634 = arith.constant 0 : i32
        %dma_start3A_635 = tpu.memref_slice %arg2[%arg0, %dma_start3A_633, %dma_start3A_634] : memref<2x10000x64xf32, #tpu.memory_space<hbm>> -> memref<1x10000x64xf32, #tpu.memory_space<hbm>>
        %dma_start3A_636 = tpu.memref_squeeze %dma_start3A_635 : memref<1x10000x64xf32, #tpu.memory_space<hbm>> -> memref<10000x64xf32, #tpu.memory_space<hbm>>
        %dma_start3A_637 = arith.constant 0 : i32
        %dma_start3A_638 = arith.constant 0 : i32
        %dma_start3A_639 = tpu.memref_slice %dma_start3A_636[%dma_start3A_637, %dma_start3A_638] : memref<10000x64xf32, #tpu.memory_space<hbm>> -> memref<10000x64xf32, #tpu.memory_space<hbm>>
        tpu.enqueue_indirect_dma source(%dma_start3A_639 : memref<10000x64xf32, #tpu.memory_space<hbm>>) target(%arg11 : memref<80x64xf32, #tpu.memory_space<vmem>>) offsets(%dma_start3A_632 : memref<80xi32, #tpu.memory_space<vmem>>) semaphore(%arg21 : memref<!tpu.dma_semaphore, #tpu.memory_space<semaphore_mem>>)
      } else {
      }
      %add3A_534 = arith.constant 6 : i32
      %add3A_535 = arith.addi %mul3A_343, %add3A_534 : i32
      %dma_wait3A_536 = arith.constant 0 : i32
      %dma_wait3A_537 = tpu.memref_slice %arg5[%add3A_535, %dma_wait3A_536] : memref<250x80xi32, #tpu.memory_space<vmem>> -> memref<1x80xi32, #tpu.memory_space<vmem>>
      %dma_wait3A_538 = tpu.memref_squeeze %dma_wait3A_537 : memref<1x80xi32, #tpu.memory_space<vmem>> -> memref<80xi32, #tpu.memory_space<vmem>>
      %dma_wait3A_539 = arith.constant 0 : i32
      %dma_wait3A_540 = arith.constant 0 : i32
      %dma_wait3A_541 = tpu.memref_slice %arg2[%arg0, %dma_wait3A_539, %dma_wait3A_540] : memref<2x10000x64xf32, #tpu.memory_space<hbm>> -> memref<1x10000x64xf32, #tpu.memory_space<hbm>>
      %dma_wait3A_542 = tpu.memref_squeeze %dma_wait3A_541 : memref<1x10000x64xf32, #tpu.memory_space<hbm>> -> memref<10000x64xf32, #tpu.memory_space<hbm>>
      %dma_wait3A_543 = arith.constant 0 : i32
      %dma_wait3A_544 = arith.constant 0 : i32
      %dma_wait3A_545 = tpu.memref_slice %dma_wait3A_542[%dma_wait3A_543, %dma_wait3A_544] : memref<10000x64xf32, #tpu.memory_space<hbm>> -> memref<10000x64xf32, #tpu.memory_space<hbm>>
      tpu.wait_indirect_dma semaphore(%arg23 : memref<!tpu.dma_semaphore, #tpu.memory_space<semaphore_mem>>) src(%dma_wait3A_545 : memref<10000x64xf32, #tpu.memory_space<hbm>>) dst(%arg13 : memref<80x64xf32, #tpu.memory_space<vmem>>)
      %dma_start3A_546 = arith.constant 0 : i32
      %dma_start3A_547 = tpu.memref_slice %arg6[%add3A_535, %dma_start3A_546] : memref<250x80xi32, #tpu.memory_space<vmem>> -> memref<1x80xi32, #tpu.memory_space<vmem>>
      %dma_start3A_548 = tpu.memref_squeeze %dma_start3A_547 : memref<1x80xi32, #tpu.memory_space<vmem>> -> memref<80xi32, #tpu.memory_space<vmem>>
      %dma_start3A_549 = arith.constant 0 : i32
      %dma_start3A_550 = arith.constant 0 : i32
      %dma_start3A_551 = tpu.memref_slice %arg16[%dma_start3A_549, %dma_start3A_550] : memref<10000x64xf32, #tpu.memory_space<vmem_shared>> -> memref<10000x64xf32, #tpu.memory_space<vmem_shared>>
      tpu.enqueue_indirect_dma source(%arg13 : memref<80x64xf32, #tpu.memory_space<vmem>>) target(%dma_start3A_551 : memref<10000x64xf32, #tpu.memory_space<vmem_shared>>) offsets(%dma_start3A_548 : memref<80xi32, #tpu.memory_space<vmem>>) semaphore(%arg32 : memref<!tpu.dma_semaphore, #tpu.memory_space<semaphore_mem>>) {add = true}
      %add3A_552 = arith.constant 9 : i32
      %add3A_553 = arith.addi %add3A_535, %add3A_552 : i32
      %sub3A_554 = arith.constant 1 : i32
      %sub3A_555 = arith.subi %add3A_553, %sub3A_554 : i32
      %lt3A_556 = arith.constant 250 : i32
      %lt3A_557 = arith.cmpi slt, %sub3A_555, %lt3A_556 : i32
      %convert_element_type3A_558 = arith.extui %lt3A_557 : i1 to i32
      %cond3A_559 = arith.constant 0 : i32
      %cond3A_560 = arith.cmpi ne, %convert_element_type3A_558, %cond3A_559 : i32
      scf.if %cond3A_560 {
        %sub3A_630 = arith.constant 1 : i32
        %sub3A_631 = arith.subi %add3A_535, %sub3A_630 : i32
        %dma_wait3A_632 = arith.constant 0 : i32
        %dma_wait3A_633 = tpu.memref_slice %arg6[%sub3A_631, %dma_wait3A_632] : memref<250x80xi32, #tpu.memory_space<vmem>> -> memref<1x80xi32, #tpu.memory_space<vmem>>
        %dma_wait3A_634 = tpu.memref_squeeze %dma_wait3A_633 : memref<1x80xi32, #tpu.memory_space<vmem>> -> memref<80xi32, #tpu.memory_space<vmem>>
        %dma_wait3A_635 = arith.constant 0 : i32
        %dma_wait3A_636 = arith.constant 0 : i32
        %dma_wait3A_637 = tpu.memref_slice %arg16[%dma_wait3A_635, %dma_wait3A_636] : memref<10000x64xf32, #tpu.memory_space<vmem_shared>> -> memref<10000x64xf32, #tpu.memory_space<vmem_shared>>
        tpu.wait_indirect_dma semaphore(%arg31 : memref<!tpu.dma_semaphore, #tpu.memory_space<semaphore_mem>>) src(%arg12 : memref<80x64xf32, #tpu.memory_space<vmem>>) dst(%dma_wait3A_637 : memref<10000x64xf32, #tpu.memory_space<vmem_shared>>)
      } else {
      }
      %lt3A_561 = arith.constant 250 : i32
      %lt3A_562 = arith.cmpi slt, %sub3A_555, %lt3A_561 : i32
      %convert_element_type3A_563 = arith.extui %lt3A_562 : i1 to i32
      %cond3A_564 = arith.constant 0 : i32
      %cond3A_565 = arith.cmpi ne, %convert_element_type3A_563, %cond3A_564 : i32
      scf.if %cond3A_565 {
        %dma_start3A_630 = arith.constant 0 : i32
        %dma_start3A_631 = tpu.memref_slice %arg5[%sub3A_555, %dma_start3A_630] : memref<250x80xi32, #tpu.memory_space<vmem>> -> memref<1x80xi32, #tpu.memory_space<vmem>>
        %dma_start3A_632 = tpu.memref_squeeze %dma_start3A_631 : memref<1x80xi32, #tpu.memory_space<vmem>> -> memref<80xi32, #tpu.memory_space<vmem>>
        %dma_start3A_633 = arith.constant 0 : i32
        %dma_start3A_634 = arith.constant 0 : i32
        %dma_start3A_635 = tpu.memref_slice %arg2[%arg0, %dma_start3A_633, %dma_start3A_634] : memref<2x10000x64xf32, #tpu.memory_space<hbm>> -> memref<1x10000x64xf32, #tpu.memory_space<hbm>>
        %dma_start3A_636 = tpu.memref_squeeze %dma_start3A_635 : memref<1x10000x64xf32, #tpu.memory_space<hbm>> -> memref<10000x64xf32, #tpu.memory_space<hbm>>
        %dma_start3A_637 = arith.constant 0 : i32
        %dma_start3A_638 = arith.constant 0 : i32
        %dma_start3A_639 = tpu.memref_slice %dma_start3A_636[%dma_start3A_637, %dma_start3A_638] : memref<10000x64xf32, #tpu.memory_space<hbm>> -> memref<10000x64xf32, #tpu.memory_space<hbm>>
        tpu.enqueue_indirect_dma source(%dma_start3A_639 : memref<10000x64xf32, #tpu.memory_space<hbm>>) target(%arg12 : memref<80x64xf32, #tpu.memory_space<vmem>>) offsets(%dma_start3A_632 : memref<80xi32, #tpu.memory_space<vmem>>) semaphore(%arg22 : memref<!tpu.dma_semaphore, #tpu.memory_space<semaphore_mem>>)
      } else {
      }
      %add3A_566 = arith.constant 7 : i32
      %add3A_567 = arith.addi %mul3A_343, %add3A_566 : i32
      %dma_wait3A_568 = arith.constant 0 : i32
      %dma_wait3A_569 = tpu.memref_slice %arg5[%add3A_567, %dma_wait3A_568] : memref<250x80xi32, #tpu.memory_space<vmem>> -> memref<1x80xi32, #tpu.memory_space<vmem>>
      %dma_wait3A_570 = tpu.memref_squeeze %dma_wait3A_569 : memref<1x80xi32, #tpu.memory_space<vmem>> -> memref<80xi32, #tpu.memory_space<vmem>>
      %dma_wait3A_571 = arith.constant 0 : i32
      %dma_wait3A_572 = arith.constant 0 : i32
      %dma_wait3A_573 = tpu.memref_slice %arg2[%arg0, %dma_wait3A_571, %dma_wait3A_572] : memref<2x10000x64xf32, #tpu.memory_space<hbm>> -> memref<1x10000x64xf32, #tpu.memory_space<hbm>>
      %dma_wait3A_574 = tpu.memref_squeeze %dma_wait3A_573 : memref<1x10000x64xf32, #tpu.memory_space<hbm>> -> memref<10000x64xf32, #tpu.memory_space<hbm>>
      %dma_wait3A_575 = arith.constant 0 : i32
      %dma_wait3A_576 = arith.constant 0 : i32
      %dma_wait3A_577 = tpu.memref_slice %dma_wait3A_574[%dma_wait3A_575, %dma_wait3A_576] : memref<10000x64xf32, #tpu.memory_space<hbm>> -> memref<10000x64xf32, #tpu.memory_space<hbm>>
      tpu.wait_indirect_dma semaphore(%arg24 : memref<!tpu.dma_semaphore, #tpu.memory_space<semaphore_mem>>) src(%dma_wait3A_577 : memref<10000x64xf32, #tpu.memory_space<hbm>>) dst(%arg14 : memref<80x64xf32, #tpu.memory_space<vmem>>)
      %dma_start3A_578 = arith.constant 0 : i32
      %dma_start3A_579 = tpu.memref_slice %arg6[%add3A_567, %dma_start3A_578] : memref<250x80xi32, #tpu.memory_space<vmem>> -> memref<1x80xi32, #tpu.memory_space<vmem>>
      %dma_start3A_580 = tpu.memref_squeeze %dma_start3A_579 : memref<1x80xi32, #tpu.memory_space<vmem>> -> memref<80xi32, #tpu.memory_space<vmem>>
      %dma_start3A_581 = arith.constant 0 : i32
      %dma_start3A_582 = arith.constant 0 : i32
      %dma_start3A_583 = tpu.memref_slice %arg16[%dma_start3A_581, %dma_start3A_582] : memref<10000x64xf32, #tpu.memory_space<vmem_shared>> -> memref<10000x64xf32, #tpu.memory_space<vmem_shared>>
      tpu.enqueue_indirect_dma source(%arg14 : memref<80x64xf32, #tpu.memory_space<vmem>>) target(%dma_start3A_583 : memref<10000x64xf32, #tpu.memory_space<vmem_shared>>) offsets(%dma_start3A_580 : memref<80xi32, #tpu.memory_space<vmem>>) semaphore(%arg33 : memref<!tpu.dma_semaphore, #tpu.memory_space<semaphore_mem>>) {add = true}
      %add3A_584 = arith.constant 9 : i32
      %add3A_585 = arith.addi %add3A_567, %add3A_584 : i32
      %sub3A_586 = arith.constant 1 : i32
      %sub3A_587 = arith.subi %add3A_585, %sub3A_586 : i32
      %lt3A_588 = arith.constant 250 : i32
      %lt3A_589 = arith.cmpi slt, %sub3A_587, %lt3A_588 : i32
      %convert_element_type3A_590 = arith.extui %lt3A_589 : i1 to i32
      %cond3A_591 = arith.constant 0 : i32
      %cond3A_592 = arith.cmpi ne, %convert_element_type3A_590, %cond3A_591 : i32
      scf.if %cond3A_592 {
        %sub3A_630 = arith.constant 1 : i32
        %sub3A_631 = arith.subi %add3A_567, %sub3A_630 : i32
        %dma_wait3A_632 = arith.constant 0 : i32
        %dma_wait3A_633 = tpu.memref_slice %arg6[%sub3A_631, %dma_wait3A_632] : memref<250x80xi32, #tpu.memory_space<vmem>> -> memref<1x80xi32, #tpu.memory_space<vmem>>
        %dma_wait3A_634 = tpu.memref_squeeze %dma_wait3A_633 : memref<1x80xi32, #tpu.memory_space<vmem>> -> memref<80xi32, #tpu.memory_space<vmem>>
        %dma_wait3A_635 = arith.constant 0 : i32
        %dma_wait3A_636 = arith.constant 0 : i32
        %dma_wait3A_637 = tpu.memref_slice %arg16[%dma_wait3A_635, %dma_wait3A_636] : memref<10000x64xf32, #tpu.memory_space<vmem_shared>> -> memref<10000x64xf32, #tpu.memory_space<vmem_shared>>
        tpu.wait_indirect_dma semaphore(%arg32 : memref<!tpu.dma_semaphore, #tpu.memory_space<semaphore_mem>>) src(%arg13 : memref<80x64xf32, #tpu.memory_space<vmem>>) dst(%dma_wait3A_637 : memref<10000x64xf32, #tpu.memory_space<vmem_shared>>)
      } else {
      }
      %lt3A_593 = arith.constant 250 : i32
      %lt3A_594 = arith.cmpi slt, %sub3A_587, %lt3A_593 : i32
      %convert_element_type3A_595 = arith.extui %lt3A_594 : i1 to i32
      %cond3A_596 = arith.constant 0 : i32
      %cond3A_597 = arith.cmpi ne, %convert_element_type3A_595, %cond3A_596 : i32
      scf.if %cond3A_597 {
        %dma_start3A_630 = arith.constant 0 : i32
        %dma_start3A_631 = tpu.memref_slice %arg5[%sub3A_587, %dma_start3A_630] : memref<250x80xi32, #tpu.memory_space<vmem>> -> memref<1x80xi32, #tpu.memory_space<vmem>>
        %dma_start3A_632 = tpu.memref_squeeze %dma_start3A_631 : memref<1x80xi32, #tpu.memory_space<vmem>> -> memref<80xi32, #tpu.memory_space<vmem>>
        %dma_start3A_633 = arith.constant 0 : i32
        %dma_start3A_634 = arith.constant 0 : i32
        %dma_start3A_635 = tpu.memref_slice %arg2[%arg0, %dma_start3A_633, %dma_start3A_634] : memref<2x10000x64xf32, #tpu.memory_space<hbm>> -> memref<1x10000x64xf32, #tpu.memory_space<hbm>>
        %dma_start3A_636 = tpu.memref_squeeze %dma_start3A_635 : memref<1x10000x64xf32, #tpu.memory_space<hbm>> -> memref<10000x64xf32, #tpu.memory_space<hbm>>
        %dma_start3A_637 = arith.constant 0 : i32
        %dma_start3A_638 = arith.constant 0 : i32
        %dma_start3A_639 = tpu.memref_slice %dma_start3A_636[%dma_start3A_637, %dma_start3A_638] : memref<10000x64xf32, #tpu.memory_space<hbm>> -> memref<10000x64xf32, #tpu.memory_space<hbm>>
        tpu.enqueue_indirect_dma source(%dma_start3A_639 : memref<10000x64xf32, #tpu.memory_space<hbm>>) target(%arg13 : memref<80x64xf32, #tpu.memory_space<vmem>>) offsets(%dma_start3A_632 : memref<80xi32, #tpu.memory_space<vmem>>) semaphore(%arg23 : memref<!tpu.dma_semaphore, #tpu.memory_space<semaphore_mem>>)
      } else {
      }
      %add3A_598 = arith.constant 8 : i32
      %add3A_599 = arith.addi %mul3A_343, %add3A_598 : i32
      %dma_wait3A_600 = arith.constant 0 : i32
      %dma_wait3A_601 = tpu.memref_slice %arg5[%add3A_599, %dma_wait3A_600] : memref<250x80xi32, #tpu.memory_space<vmem>> -> memref<1x80xi32, #tpu.memory_space<vmem>>
      %dma_wait3A_602 = tpu.memref_squeeze %dma_wait3A_601 : memref<1x80xi32, #tpu.memory_space<vmem>> -> memref<80xi32, #tpu.memory_space<vmem>>
      %dma_wait3A_603 = arith.constant 0 : i32
      %dma_wait3A_604 = arith.constant 0 : i32
      %dma_wait3A_605 = tpu.memref_slice %arg2[%arg0, %dma_wait3A_603, %dma_wait3A_604] : memref<2x10000x64xf32, #tpu.memory_space<hbm>> -> memref<1x10000x64xf32, #tpu.memory_space<hbm>>
      %dma_wait3A_606 = tpu.memref_squeeze %dma_wait3A_605 : memref<1x10000x64xf32, #tpu.memory_space<hbm>> -> memref<10000x64xf32, #tpu.memory_space<hbm>>
      %dma_wait3A_607 = arith.constant 0 : i32
      %dma_wait3A_608 = arith.constant 0 : i32
      %dma_wait3A_609 = tpu.memref_slice %dma_wait3A_606[%dma_wait3A_607, %dma_wait3A_608] : memref<10000x64xf32, #tpu.memory_space<hbm>> -> memref<10000x64xf32, #tpu.memory_space<hbm>>
      tpu.wait_indirect_dma semaphore(%arg25 : memref<!tpu.dma_semaphore, #tpu.memory_space<semaphore_mem>>) src(%dma_wait3A_609 : memref<10000x64xf32, #tpu.memory_space<hbm>>) dst(%arg15 : memref<80x64xf32, #tpu.memory_space<vmem>>)
      %dma_start3A_610 = arith.constant 0 : i32
      %dma_start3A_611 = tpu.memref_slice %arg6[%add3A_599, %dma_start3A_610] : memref<250x80xi32, #tpu.memory_space<vmem>> -> memref<1x80xi32, #tpu.memory_space<vmem>>
      %dma_start3A_612 = tpu.memref_squeeze %dma_start3A_611 : memref<1x80xi32, #tpu.memory_space<vmem>> -> memref<80xi32, #tpu.memory_space<vmem>>
      %dma_start3A_613 = arith.constant 0 : i32
      %dma_start3A_614 = arith.constant 0 : i32
      %dma_start3A_615 = tpu.memref_slice %arg16[%dma_start3A_613, %dma_start3A_614] : memref<10000x64xf32, #tpu.memory_space<vmem_shared>> -> memref<10000x64xf32, #tpu.memory_space<vmem_shared>>
      tpu.enqueue_indirect_dma source(%arg15 : memref<80x64xf32, #tpu.memory_space<vmem>>) target(%dma_start3A_615 : memref<10000x64xf32, #tpu.memory_space<vmem_shared>>) offsets(%dma_start3A_612 : memref<80xi32, #tpu.memory_space<vmem>>) semaphore(%arg34 : memref<!tpu.dma_semaphore, #tpu.memory_space<semaphore_mem>>) {add = true}
      %add3A_616 = arith.constant 9 : i32
      %add3A_617 = arith.addi %add3A_599, %add3A_616 : i32
      %sub3A_618 = arith.constant 1 : i32
      %sub3A_619 = arith.subi %add3A_617, %sub3A_618 : i32
      %lt3A_620 = arith.constant 250 : i32
      %lt3A_621 = arith.cmpi slt, %sub3A_619, %lt3A_620 : i32
      %convert_element_type3A_622 = arith.extui %lt3A_621 : i1 to i32
      %cond3A_623 = arith.constant 0 : i32
      %cond3A_624 = arith.cmpi ne, %convert_element_type3A_622, %cond3A_623 : i32
      scf.if %cond3A_624 {
        %sub3A_630 = arith.constant 1 : i32
        %sub3A_631 = arith.subi %add3A_599, %sub3A_630 : i32
        %dma_wait3A_632 = arith.constant 0 : i32
        %dma_wait3A_633 = tpu.memref_slice %arg6[%sub3A_631, %dma_wait3A_632] : memref<250x80xi32, #tpu.memory_space<vmem>> -> memref<1x80xi32, #tpu.memory_space<vmem>>
        %dma_wait3A_634 = tpu.memref_squeeze %dma_wait3A_633 : memref<1x80xi32, #tpu.memory_space<vmem>> -> memref<80xi32, #tpu.memory_space<vmem>>
        %dma_wait3A_635 = arith.constant 0 : i32
        %dma_wait3A_636 = arith.constant 0 : i32
        %dma_wait3A_637 = tpu.memref_slice %arg16[%dma_wait3A_635, %dma_wait3A_636] : memref<10000x64xf32, #tpu.memory_space<vmem_shared>> -> memref<10000x64xf32, #tpu.memory_space<vmem_shared>>
        tpu.wait_indirect_dma semaphore(%arg33 : memref<!tpu.dma_semaphore, #tpu.memory_space<semaphore_mem>>) src(%arg14 : memref<80x64xf32, #tpu.memory_space<vmem>>) dst(%dma_wait3A_637 : memref<10000x64xf32, #tpu.memory_space<vmem_shared>>)
      } else {
      }
      %lt3A_625 = arith.constant 250 : i32
      %lt3A_626 = arith.cmpi slt, %sub3A_619, %lt3A_625 : i32
      %convert_element_type3A_627 = arith.extui %lt3A_626 : i1 to i32
      %cond3A_628 = arith.constant 0 : i32
      %cond3A_629 = arith.cmpi ne, %convert_element_type3A_627, %cond3A_628 : i32
      scf.if %cond3A_629 {
        %dma_start3A_630 = arith.constant 0 : i32
        %dma_start3A_631 = tpu.memref_slice %arg5[%sub3A_619, %dma_start3A_630] : memref<250x80xi32, #tpu.memory_space<vmem>> -> memref<1x80xi32, #tpu.memory_space<vmem>>
        %dma_start3A_632 = tpu.memref_squeeze %dma_start3A_631 : memref<1x80xi32, #tpu.memory_space<vmem>> -> memref<80xi32, #tpu.memory_space<vmem>>
        %dma_start3A_633 = arith.constant 0 : i32
        %dma_start3A_634 = arith.constant 0 : i32
        %dma_start3A_635 = tpu.memref_slice %arg2[%arg0, %dma_start3A_633, %dma_start3A_634] : memref<2x10000x64xf32, #tpu.memory_space<hbm>> -> memref<1x10000x64xf32, #tpu.memory_space<hbm>>
        %dma_start3A_636 = tpu.memref_squeeze %dma_start3A_635 : memref<1x10000x64xf32, #tpu.memory_space<hbm>> -> memref<10000x64xf32, #tpu.memory_space<hbm>>
        %dma_start3A_637 = arith.constant 0 : i32
        %dma_start3A_638 = arith.constant 0 : i32
        %dma_start3A_639 = tpu.memref_slice %dma_start3A_636[%dma_start3A_637, %dma_start3A_638] : memref<10000x64xf32, #tpu.memory_space<hbm>> -> memref<10000x64xf32, #tpu.memory_space<hbm>>
        tpu.enqueue_indirect_dma source(%dma_start3A_639 : memref<10000x64xf32, #tpu.memory_space<hbm>>) target(%arg14 : memref<80x64xf32, #tpu.memory_space<vmem>>) offsets(%dma_start3A_632 : memref<80xi32, #tpu.memory_space<vmem>>) semaphore(%arg24 : memref<!tpu.dma_semaphore, #tpu.memory_space<semaphore_mem>>)
      } else {
      }
    }
    %scan3A_145 = arith.constant 27 : i32
    %dma_wait3A_146 = arith.constant 243 : i32
    %dma_wait3A_147 = arith.constant 0 : i32
    %dma_wait3A_148 = tpu.memref_slice %arg5[%dma_wait3A_146, %dma_wait3A_147] : memref<250x80xi32, #tpu.memory_space<vmem>> -> memref<1x80xi32, #tpu.memory_space<vmem>>
    %dma_wait3A_149 = tpu.memref_squeeze %dma_wait3A_148 : memref<1x80xi32, #tpu.memory_space<vmem>> -> memref<80xi32, #tpu.memory_space<vmem>>
    %dma_wait3A_150 = arith.constant 0 : i32
    %dma_wait3A_151 = arith.constant 0 : i32
    %dma_wait3A_152 = tpu.memref_slice %arg2[%arg0, %dma_wait3A_150, %dma_wait3A_151] : memref<2x10000x64xf32, #tpu.memory_space<hbm>> -> memref<1x10000x64xf32, #tpu.memory_space<hbm>>
    %dma_wait3A_153 = tpu.memref_squeeze %dma_wait3A_152 : memref<1x10000x64xf32, #tpu.memory_space<hbm>> -> memref<10000x64xf32, #tpu.memory_space<hbm>>
    %dma_wait3A_154 = arith.constant 0 : i32
    %dma_wait3A_155 = arith.constant 0 : i32
    %dma_wait3A_156 = tpu.memref_slice %dma_wait3A_153[%dma_wait3A_154, %dma_wait3A_155] : memref<10000x64xf32, #tpu.memory_space<hbm>> -> memref<10000x64xf32, #tpu.memory_space<hbm>>
    tpu.wait_indirect_dma semaphore(%arg17 : memref<!tpu.dma_semaphore, #tpu.memory_space<semaphore_mem>>) src(%dma_wait3A_156 : memref<10000x64xf32, #tpu.memory_space<hbm>>) dst(%arg7 : memref<80x64xf32, #tpu.memory_space<vmem>>)
    %dma_start3A_157 = arith.constant 243 : i32
    %dma_start3A_158 = arith.constant 0 : i32
    %dma_start3A_159 = tpu.memref_slice %arg6[%dma_start3A_157, %dma_start3A_158] : memref<250x80xi32, #tpu.memory_space<vmem>> -> memref<1x80xi32, #tpu.memory_space<vmem>>
    %dma_start3A_160 = tpu.memref_squeeze %dma_start3A_159 : memref<1x80xi32, #tpu.memory_space<vmem>> -> memref<80xi32, #tpu.memory_space<vmem>>
    %dma_start3A_161 = arith.constant 0 : i32
    %dma_start3A_162 = arith.constant 0 : i32
    %dma_start3A_163 = tpu.memref_slice %arg16[%dma_start3A_161, %dma_start3A_162] : memref<10000x64xf32, #tpu.memory_space<vmem_shared>> -> memref<10000x64xf32, #tpu.memory_space<vmem_shared>>
    tpu.enqueue_indirect_dma source(%arg7 : memref<80x64xf32, #tpu.memory_space<vmem>>) target(%dma_start3A_163 : memref<10000x64xf32, #tpu.memory_space<vmem_shared>>) offsets(%dma_start3A_160 : memref<80xi32, #tpu.memory_space<vmem>>) semaphore(%arg26 : memref<!tpu.dma_semaphore, #tpu.memory_space<semaphore_mem>>) {add = true}
    %dma_wait3A_164 = arith.constant 244 : i32
    %dma_wait3A_165 = arith.constant 0 : i32
    %dma_wait3A_166 = tpu.memref_slice %arg5[%dma_wait3A_164, %dma_wait3A_165] : memref<250x80xi32, #tpu.memory_space<vmem>> -> memref<1x80xi32, #tpu.memory_space<vmem>>
    %dma_wait3A_167 = tpu.memref_squeeze %dma_wait3A_166 : memref<1x80xi32, #tpu.memory_space<vmem>> -> memref<80xi32, #tpu.memory_space<vmem>>
    %dma_wait3A_168 = arith.constant 0 : i32
    %dma_wait3A_169 = arith.constant 0 : i32
    %dma_wait3A_170 = tpu.memref_slice %arg2[%arg0, %dma_wait3A_168, %dma_wait3A_169] : memref<2x10000x64xf32, #tpu.memory_space<hbm>> -> memref<1x10000x64xf32, #tpu.memory_space<hbm>>
    %dma_wait3A_171 = tpu.memref_squeeze %dma_wait3A_170 : memref<1x10000x64xf32, #tpu.memory_space<hbm>> -> memref<10000x64xf32, #tpu.memory_space<hbm>>
    %dma_wait3A_172 = arith.constant 0 : i32
    %dma_wait3A_173 = arith.constant 0 : i32
    %dma_wait3A_174 = tpu.memref_slice %dma_wait3A_171[%dma_wait3A_172, %dma_wait3A_173] : memref<10000x64xf32, #tpu.memory_space<hbm>> -> memref<10000x64xf32, #tpu.memory_space<hbm>>
    tpu.wait_indirect_dma semaphore(%arg18 : memref<!tpu.dma_semaphore, #tpu.memory_space<semaphore_mem>>) src(%dma_wait3A_174 : memref<10000x64xf32, #tpu.memory_space<hbm>>) dst(%arg8 : memref<80x64xf32, #tpu.memory_space<vmem>>)
    %dma_start3A_175 = arith.constant 244 : i32
    %dma_start3A_176 = arith.constant 0 : i32
    %dma_start3A_177 = tpu.memref_slice %arg6[%dma_start3A_175, %dma_start3A_176] : memref<250x80xi32, #tpu.memory_space<vmem>> -> memref<1x80xi32, #tpu.memory_space<vmem>>
    %dma_start3A_178 = tpu.memref_squeeze %dma_start3A_177 : memref<1x80xi32, #tpu.memory_space<vmem>> -> memref<80xi32, #tpu.memory_space<vmem>>
    %dma_start3A_179 = arith.constant 0 : i32
    %dma_start3A_180 = arith.constant 0 : i32
    %dma_start3A_181 = tpu.memref_slice %arg16[%dma_start3A_179, %dma_start3A_180] : memref<10000x64xf32, #tpu.memory_space<vmem_shared>> -> memref<10000x64xf32, #tpu.memory_space<vmem_shared>>
    tpu.enqueue_indirect_dma source(%arg8 : memref<80x64xf32, #tpu.memory_space<vmem>>) target(%dma_start3A_181 : memref<10000x64xf32, #tpu.memory_space<vmem_shared>>) offsets(%dma_start3A_178 : memref<80xi32, #tpu.memory_space<vmem>>) semaphore(%arg27 : memref<!tpu.dma_semaphore, #tpu.memory_space<semaphore_mem>>) {add = true}
    %dma_wait3A_182 = arith.constant 245 : i32
    %dma_wait3A_183 = arith.constant 0 : i32
    %dma_wait3A_184 = tpu.memref_slice %arg5[%dma_wait3A_182, %dma_wait3A_183] : memref<250x80xi32, #tpu.memory_space<vmem>> -> memref<1x80xi32, #tpu.memory_space<vmem>>
    %dma_wait3A_185 = tpu.memref_squeeze %dma_wait3A_184 : memref<1x80xi32, #tpu.memory_space<vmem>> -> memref<80xi32, #tpu.memory_space<vmem>>
    %dma_wait3A_186 = arith.constant 0 : i32
    %dma_wait3A_187 = arith.constant 0 : i32
    %dma_wait3A_188 = tpu.memref_slice %arg2[%arg0, %dma_wait3A_186, %dma_wait3A_187] : memref<2x10000x64xf32, #tpu.memory_space<hbm>> -> memref<1x10000x64xf32, #tpu.memory_space<hbm>>
    %dma_wait3A_189 = tpu.memref_squeeze %dma_wait3A_188 : memref<1x10000x64xf32, #tpu.memory_space<hbm>> -> memref<10000x64xf32, #tpu.memory_space<hbm>>
    %dma_wait3A_190 = arith.constant 0 : i32
    %dma_wait3A_191 = arith.constant 0 : i32
    %dma_wait3A_192 = tpu.memref_slice %dma_wait3A_189[%dma_wait3A_190, %dma_wait3A_191] : memref<10000x64xf32, #tpu.memory_space<hbm>> -> memref<10000x64xf32, #tpu.memory_space<hbm>>
    tpu.wait_indirect_dma semaphore(%arg19 : memref<!tpu.dma_semaphore, #tpu.memory_space<semaphore_mem>>) src(%dma_wait3A_192 : memref<10000x64xf32, #tpu.memory_space<hbm>>) dst(%arg9 : memref<80x64xf32, #tpu.memory_space<vmem>>)
    %dma_start3A_193 = arith.constant 245 : i32
    %dma_start3A_194 = arith.constant 0 : i32
    %dma_start3A_195 = tpu.memref_slice %arg6[%dma_start3A_193, %dma_start3A_194] : memref<250x80xi32, #tpu.memory_space<vmem>> -> memref<1x80xi32, #tpu.memory_space<vmem>>
    %dma_start3A_196 = tpu.memref_squeeze %dma_start3A_195 : memref<1x80xi32, #tpu.memory_space<vmem>> -> memref<80xi32, #tpu.memory_space<vmem>>
    %dma_start3A_197 = arith.constant 0 : i32
    %dma_start3A_198 = arith.constant 0 : i32
    %dma_start3A_199 = tpu.memref_slice %arg16[%dma_start3A_197, %dma_start3A_198] : memref<10000x64xf32, #tpu.memory_space<vmem_shared>> -> memref<10000x64xf32, #tpu.memory_space<vmem_shared>>
    tpu.enqueue_indirect_dma source(%arg9 : memref<80x64xf32, #tpu.memory_space<vmem>>) target(%dma_start3A_199 : memref<10000x64xf32, #tpu.memory_space<vmem_shared>>) offsets(%dma_start3A_196 : memref<80xi32, #tpu.memory_space<vmem>>) semaphore(%arg28 : memref<!tpu.dma_semaphore, #tpu.memory_space<semaphore_mem>>) {add = true}
    %dma_wait3A_200 = arith.constant 246 : i32
    %dma_wait3A_201 = arith.constant 0 : i32
    %dma_wait3A_202 = tpu.memref_slice %arg5[%dma_wait3A_200, %dma_wait3A_201] : memref<250x80xi32, #tpu.memory_space<vmem>> -> memref<1x80xi32, #tpu.memory_space<vmem>>
    %dma_wait3A_203 = tpu.memref_squeeze %dma_wait3A_202 : memref<1x80xi32, #tpu.memory_space<vmem>> -> memref<80xi32, #tpu.memory_space<vmem>>
    %dma_wait3A_204 = arith.constant 0 : i32
    %dma_wait3A_205 = arith.constant 0 : i32
    %dma_wait3A_206 = tpu.memref_slice %arg2[%arg0, %dma_wait3A_204, %dma_wait3A_205] : memref<2x10000x64xf32, #tpu.memory_space<hbm>> -> memref<1x10000x64xf32, #tpu.memory_space<hbm>>
    %dma_wait3A_207 = tpu.memref_squeeze %dma_wait3A_206 : memref<1x10000x64xf32, #tpu.memory_space<hbm>> -> memref<10000x64xf32, #tpu.memory_space<hbm>>
    %dma_wait3A_208 = arith.constant 0 : i32
    %dma_wait3A_209 = arith.constant 0 : i32
    %dma_wait3A_210 = tpu.memref_slice %dma_wait3A_207[%dma_wait3A_208, %dma_wait3A_209] : memref<10000x64xf32, #tpu.memory_space<hbm>> -> memref<10000x64xf32, #tpu.memory_space<hbm>>
    tpu.wait_indirect_dma semaphore(%arg20 : memref<!tpu.dma_semaphore, #tpu.memory_space<semaphore_mem>>) src(%dma_wait3A_210 : memref<10000x64xf32, #tpu.memory_space<hbm>>) dst(%arg10 : memref<80x64xf32, #tpu.memory_space<vmem>>)
    %dma_start3A_211 = arith.constant 246 : i32
    %dma_start3A_212 = arith.constant 0 : i32
    %dma_start3A_213 = tpu.memref_slice %arg6[%dma_start3A_211, %dma_start3A_212] : memref<250x80xi32, #tpu.memory_space<vmem>> -> memref<1x80xi32, #tpu.memory_space<vmem>>
    %dma_start3A_214 = tpu.memref_squeeze %dma_start3A_213 : memref<1x80xi32, #tpu.memory_space<vmem>> -> memref<80xi32, #tpu.memory_space<vmem>>
    %dma_start3A_215 = arith.constant 0 : i32
    %dma_start3A_216 = arith.constant 0 : i32
    %dma_start3A_217 = tpu.memref_slice %arg16[%dma_start3A_215, %dma_start3A_216] : memref<10000x64xf32, #tpu.memory_space<vmem_shared>> -> memref<10000x64xf32, #tpu.memory_space<vmem_shared>>
    tpu.enqueue_indirect_dma source(%arg10 : memref<80x64xf32, #tpu.memory_space<vmem>>) target(%dma_start3A_217 : memref<10000x64xf32, #tpu.memory_space<vmem_shared>>) offsets(%dma_start3A_214 : memref<80xi32, #tpu.memory_space<vmem>>) semaphore(%arg29 : memref<!tpu.dma_semaphore, #tpu.memory_space<semaphore_mem>>) {add = true}
    %dma_wait3A_218 = arith.constant 247 : i32
    %dma_wait3A_219 = arith.constant 0 : i32
    %dma_wait3A_220 = tpu.memref_slice %arg5[%dma_wait3A_218, %dma_wait3A_219] : memref<250x80xi32, #tpu.memory_space<vmem>> -> memref<1x80xi32, #tpu.memory_space<vmem>>
    %dma_wait3A_221 = tpu.memref_squeeze %dma_wait3A_220 : memref<1x80xi32, #tpu.memory_space<vmem>> -> memref<80xi32, #tpu.memory_space<vmem>>
    %dma_wait3A_222 = arith.constant 0 : i32
    %dma_wait3A_223 = arith.constant 0 : i32
    %dma_wait3A_224 = tpu.memref_slice %arg2[%arg0, %dma_wait3A_222, %dma_wait3A_223] : memref<2x10000x64xf32, #tpu.memory_space<hbm>> -> memref<1x10000x64xf32, #tpu.memory_space<hbm>>
    %dma_wait3A_225 = tpu.memref_squeeze %dma_wait3A_224 : memref<1x10000x64xf32, #tpu.memory_space<hbm>> -> memref<10000x64xf32, #tpu.memory_space<hbm>>
    %dma_wait3A_226 = arith.constant 0 : i32
    %dma_wait3A_227 = arith.constant 0 : i32
    %dma_wait3A_228 = tpu.memref_slice %dma_wait3A_225[%dma_wait3A_226, %dma_wait3A_227] : memref<10000x64xf32, #tpu.memory_space<hbm>> -> memref<10000x64xf32, #tpu.memory_space<hbm>>
    tpu.wait_indirect_dma semaphore(%arg21 : memref<!tpu.dma_semaphore, #tpu.memory_space<semaphore_mem>>) src(%dma_wait3A_228 : memref<10000x64xf32, #tpu.memory_space<hbm>>) dst(%arg11 : memref<80x64xf32, #tpu.memory_space<vmem>>)
    %dma_start3A_229 = arith.constant 247 : i32
    %dma_start3A_230 = arith.constant 0 : i32
    %dma_start3A_231 = tpu.memref_slice %arg6[%dma_start3A_229, %dma_start3A_230] : memref<250x80xi32, #tpu.memory_space<vmem>> -> memref<1x80xi32, #tpu.memory_space<vmem>>
    %dma_start3A_232 = tpu.memref_squeeze %dma_start3A_231 : memref<1x80xi32, #tpu.memory_space<vmem>> -> memref<80xi32, #tpu.memory_space<vmem>>
    %dma_start3A_233 = arith.constant 0 : i32
    %dma_start3A_234 = arith.constant 0 : i32
    %dma_start3A_235 = tpu.memref_slice %arg16[%dma_start3A_233, %dma_start3A_234] : memref<10000x64xf32, #tpu.memory_space<vmem_shared>> -> memref<10000x64xf32, #tpu.memory_space<vmem_shared>>
    tpu.enqueue_indirect_dma source(%arg11 : memref<80x64xf32, #tpu.memory_space<vmem>>) target(%dma_start3A_235 : memref<10000x64xf32, #tpu.memory_space<vmem_shared>>) offsets(%dma_start3A_232 : memref<80xi32, #tpu.memory_space<vmem>>) semaphore(%arg30 : memref<!tpu.dma_semaphore, #tpu.memory_space<semaphore_mem>>) {add = true}
    %dma_wait3A_236 = arith.constant 248 : i32
    %dma_wait3A_237 = arith.constant 0 : i32
    %dma_wait3A_238 = tpu.memref_slice %arg5[%dma_wait3A_236, %dma_wait3A_237] : memref<250x80xi32, #tpu.memory_space<vmem>> -> memref<1x80xi32, #tpu.memory_space<vmem>>
    %dma_wait3A_239 = tpu.memref_squeeze %dma_wait3A_238 : memref<1x80xi32, #tpu.memory_space<vmem>> -> memref<80xi32, #tpu.memory_space<vmem>>
    %dma_wait3A_240 = arith.constant 0 : i32
    %dma_wait3A_241 = arith.constant 0 : i32
    %dma_wait3A_242 = tpu.memref_slice %arg2[%arg0, %dma_wait3A_240, %dma_wait3A_241] : memref<2x10000x64xf32, #tpu.memory_space<hbm>> -> memref<1x10000x64xf32, #tpu.memory_space<hbm>>
    %dma_wait3A_243 = tpu.memref_squeeze %dma_wait3A_242 : memref<1x10000x64xf32, #tpu.memory_space<hbm>> -> memref<10000x64xf32, #tpu.memory_space<hbm>>
    %dma_wait3A_244 = arith.constant 0 : i32
    %dma_wait3A_245 = arith.constant 0 : i32
    %dma_wait3A_246 = tpu.memref_slice %dma_wait3A_243[%dma_wait3A_244, %dma_wait3A_245] : memref<10000x64xf32, #tpu.memory_space<hbm>> -> memref<10000x64xf32, #tpu.memory_space<hbm>>
    tpu.wait_indirect_dma semaphore(%arg22 : memref<!tpu.dma_semaphore, #tpu.memory_space<semaphore_mem>>) src(%dma_wait3A_246 : memref<10000x64xf32, #tpu.memory_space<hbm>>) dst(%arg12 : memref<80x64xf32, #tpu.memory_space<vmem>>)
    %dma_start3A_247 = arith.constant 248 : i32
    %dma_start3A_248 = arith.constant 0 : i32
    %dma_start3A_249 = tpu.memref_slice %arg6[%dma_start3A_247, %dma_start3A_248] : memref<250x80xi32, #tpu.memory_space<vmem>> -> memref<1x80xi32, #tpu.memory_space<vmem>>
    %dma_start3A_250 = tpu.memref_squeeze %dma_start3A_249 : memref<1x80xi32, #tpu.memory_space<vmem>> -> memref<80xi32, #tpu.memory_space<vmem>>
    %dma_start3A_251 = arith.constant 0 : i32
    %dma_start3A_252 = arith.constant 0 : i32
    %dma_start3A_253 = tpu.memref_slice %arg16[%dma_start3A_251, %dma_start3A_252] : memref<10000x64xf32, #tpu.memory_space<vmem_shared>> -> memref<10000x64xf32, #tpu.memory_space<vmem_shared>>
    tpu.enqueue_indirect_dma source(%arg12 : memref<80x64xf32, #tpu.memory_space<vmem>>) target(%dma_start3A_253 : memref<10000x64xf32, #tpu.memory_space<vmem_shared>>) offsets(%dma_start3A_250 : memref<80xi32, #tpu.memory_space<vmem>>) semaphore(%arg31 : memref<!tpu.dma_semaphore, #tpu.memory_space<semaphore_mem>>) {add = true}
    %dma_wait3A_254 = arith.constant 249 : i32
    %dma_wait3A_255 = arith.constant 0 : i32
    %dma_wait3A_256 = tpu.memref_slice %arg5[%dma_wait3A_254, %dma_wait3A_255] : memref<250x80xi32, #tpu.memory_space<vmem>> -> memref<1x80xi32, #tpu.memory_space<vmem>>
    %dma_wait3A_257 = tpu.memref_squeeze %dma_wait3A_256 : memref<1x80xi32, #tpu.memory_space<vmem>> -> memref<80xi32, #tpu.memory_space<vmem>>
    %dma_wait3A_258 = arith.constant 0 : i32
    %dma_wait3A_259 = arith.constant 0 : i32
    %dma_wait3A_260 = tpu.memref_slice %arg2[%arg0, %dma_wait3A_258, %dma_wait3A_259] : memref<2x10000x64xf32, #tpu.memory_space<hbm>> -> memref<1x10000x64xf32, #tpu.memory_space<hbm>>
    %dma_wait3A_261 = tpu.memref_squeeze %dma_wait3A_260 : memref<1x10000x64xf32, #tpu.memory_space<hbm>> -> memref<10000x64xf32, #tpu.memory_space<hbm>>
    %dma_wait3A_262 = arith.constant 0 : i32
    %dma_wait3A_263 = arith.constant 0 : i32
    %dma_wait3A_264 = tpu.memref_slice %dma_wait3A_261[%dma_wait3A_262, %dma_wait3A_263] : memref<10000x64xf32, #tpu.memory_space<hbm>> -> memref<10000x64xf32, #tpu.memory_space<hbm>>
    tpu.wait_indirect_dma semaphore(%arg23 : memref<!tpu.dma_semaphore, #tpu.memory_space<semaphore_mem>>) src(%dma_wait3A_264 : memref<10000x64xf32, #tpu.memory_space<hbm>>) dst(%arg13 : memref<80x64xf32, #tpu.memory_space<vmem>>)
    %dma_start3A_265 = arith.constant 249 : i32
    %dma_start3A_266 = arith.constant 0 : i32
    %dma_start3A_267 = tpu.memref_slice %arg6[%dma_start3A_265, %dma_start3A_266] : memref<250x80xi32, #tpu.memory_space<vmem>> -> memref<1x80xi32, #tpu.memory_space<vmem>>
    %dma_start3A_268 = tpu.memref_squeeze %dma_start3A_267 : memref<1x80xi32, #tpu.memory_space<vmem>> -> memref<80xi32, #tpu.memory_space<vmem>>
    %dma_start3A_269 = arith.constant 0 : i32
    %dma_start3A_270 = arith.constant 0 : i32
    %dma_start3A_271 = tpu.memref_slice %arg16[%dma_start3A_269, %dma_start3A_270] : memref<10000x64xf32, #tpu.memory_space<vmem_shared>> -> memref<10000x64xf32, #tpu.memory_space<vmem_shared>>
    tpu.enqueue_indirect_dma source(%arg13 : memref<80x64xf32, #tpu.memory_space<vmem>>) target(%dma_start3A_271 : memref<10000x64xf32, #tpu.memory_space<vmem_shared>>) offsets(%dma_start3A_268 : memref<80xi32, #tpu.memory_space<vmem>>) semaphore(%arg32 : memref<!tpu.dma_semaphore, #tpu.memory_space<semaphore_mem>>) {add = true}
    %dma_wait3A_272 = arith.constant 0 : i32
    %dma_wait3A_273 = arith.constant 0 : i32
    %dma_wait3A_274 = tpu.memref_slice %arg6[%dma_wait3A_272, %dma_wait3A_273] : memref<250x80xi32, #tpu.memory_space<vmem>> -> memref<1x80xi32, #tpu.memory_space<vmem>>
    %dma_wait3A_275 = tpu.memref_squeeze %dma_wait3A_274 : memref<1x80xi32, #tpu.memory_space<vmem>> -> memref<80xi32, #tpu.memory_space<vmem>>
    %dma_wait3A_276 = arith.constant 0 : i32
    %dma_wait3A_277 = arith.constant 0 : i32
    %dma_wait3A_278 = tpu.memref_slice %arg16[%dma_wait3A_276, %dma_wait3A_277] : memref<10000x64xf32, #tpu.memory_space<vmem_shared>> -> memref<10000x64xf32, #tpu.memory_space<vmem_shared>>
    tpu.wait_indirect_dma semaphore(%arg26 : memref<!tpu.dma_semaphore, #tpu.memory_space<semaphore_mem>>) src(%arg7 : memref<80x64xf32, #tpu.memory_space<vmem>>) dst(%dma_wait3A_278 : memref<10000x64xf32, #tpu.memory_space<vmem_shared>>)
    %dma_wait3A_279 = arith.constant 0 : i32
    %dma_wait3A_280 = arith.constant 0 : i32
    %dma_wait3A_281 = tpu.memref_slice %arg6[%dma_wait3A_279, %dma_wait3A_280] : memref<250x80xi32, #tpu.memory_space<vmem>> -> memref<1x80xi32, #tpu.memory_space<vmem>>
    %dma_wait3A_282 = tpu.memref_squeeze %dma_wait3A_281 : memref<1x80xi32, #tpu.memory_space<vmem>> -> memref<80xi32, #tpu.memory_space<vmem>>
    %dma_wait3A_283 = arith.constant 0 : i32
    %dma_wait3A_284 = arith.constant 0 : i32
    %dma_wait3A_285 = tpu.memref_slice %arg16[%dma_wait3A_283, %dma_wait3A_284] : memref<10000x64xf32, #tpu.memory_space<vmem_shared>> -> memref<10000x64xf32, #tpu.memory_space<vmem_shared>>
    tpu.wait_indirect_dma semaphore(%arg27 : memref<!tpu.dma_semaphore, #tpu.memory_space<semaphore_mem>>) src(%arg8 : memref<80x64xf32, #tpu.memory_space<vmem>>) dst(%dma_wait3A_285 : memref<10000x64xf32, #tpu.memory_space<vmem_shared>>)
    %dma_wait3A_286 = arith.constant 0 : i32
    %dma_wait3A_287 = arith.constant 0 : i32
    %dma_wait3A_288 = tpu.memref_slice %arg6[%dma_wait3A_286, %dma_wait3A_287] : memref<250x80xi32, #tpu.memory_space<vmem>> -> memref<1x80xi32, #tpu.memory_space<vmem>>
    %dma_wait3A_289 = tpu.memref_squeeze %dma_wait3A_288 : memref<1x80xi32, #tpu.memory_space<vmem>> -> memref<80xi32, #tpu.memory_space<vmem>>
    %dma_wait3A_290 = arith.constant 0 : i32
    %dma_wait3A_291 = arith.constant 0 : i32
    %dma_wait3A_292 = tpu.memref_slice %arg16[%dma_wait3A_290, %dma_wait3A_291] : memref<10000x64xf32, #tpu.memory_space<vmem_shared>> -> memref<10000x64xf32, #tpu.memory_space<vmem_shared>>
    tpu.wait_indirect_dma semaphore(%arg28 : memref<!tpu.dma_semaphore, #tpu.memory_space<semaphore_mem>>) src(%arg9 : memref<80x64xf32, #tpu.memory_space<vmem>>) dst(%dma_wait3A_292 : memref<10000x64xf32, #tpu.memory_space<vmem_shared>>)
    %dma_wait3A_293 = arith.constant 0 : i32
    %dma_wait3A_294 = arith.constant 0 : i32
    %dma_wait3A_295 = tpu.memref_slice %arg6[%dma_wait3A_293, %dma_wait3A_294] : memref<250x80xi32, #tpu.memory_space<vmem>> -> memref<1x80xi32, #tpu.memory_space<vmem>>
    %dma_wait3A_296 = tpu.memref_squeeze %dma_wait3A_295 : memref<1x80xi32, #tpu.memory_space<vmem>> -> memref<80xi32, #tpu.memory_space<vmem>>
    %dma_wait3A_297 = arith.constant 0 : i32
    %dma_wait3A_298 = arith.constant 0 : i32
    %dma_wait3A_299 = tpu.memref_slice %arg16[%dma_wait3A_297, %dma_wait3A_298] : memref<10000x64xf32, #tpu.memory_space<vmem_shared>> -> memref<10000x64xf32, #tpu.memory_space<vmem_shared>>
    tpu.wait_indirect_dma semaphore(%arg29 : memref<!tpu.dma_semaphore, #tpu.memory_space<semaphore_mem>>) src(%arg10 : memref<80x64xf32, #tpu.memory_space<vmem>>) dst(%dma_wait3A_299 : memref<10000x64xf32, #tpu.memory_space<vmem_shared>>)
    %dma_wait3A_300 = arith.constant 0 : i32
    %dma_wait3A_301 = arith.constant 0 : i32
    %dma_wait3A_302 = tpu.memref_slice %arg6[%dma_wait3A_300, %dma_wait3A_301] : memref<250x80xi32, #tpu.memory_space<vmem>> -> memref<1x80xi32, #tpu.memory_space<vmem>>
    %dma_wait3A_303 = tpu.memref_squeeze %dma_wait3A_302 : memref<1x80xi32, #tpu.memory_space<vmem>> -> memref<80xi32, #tpu.memory_space<vmem>>
    %dma_wait3A_304 = arith.constant 0 : i32
    %dma_wait3A_305 = arith.constant 0 : i32
    %dma_wait3A_306 = tpu.memref_slice %arg16[%dma_wait3A_304, %dma_wait3A_305] : memref<10000x64xf32, #tpu.memory_space<vmem_shared>> -> memref<10000x64xf32, #tpu.memory_space<vmem_shared>>
    tpu.wait_indirect_dma semaphore(%arg30 : memref<!tpu.dma_semaphore, #tpu.memory_space<semaphore_mem>>) src(%arg11 : memref<80x64xf32, #tpu.memory_space<vmem>>) dst(%dma_wait3A_306 : memref<10000x64xf32, #tpu.memory_space<vmem_shared>>)
    %dma_wait3A_307 = arith.constant 0 : i32
    %dma_wait3A_308 = arith.constant 0 : i32
    %dma_wait3A_309 = tpu.memref_slice %arg6[%dma_wait3A_307, %dma_wait3A_308] : memref<250x80xi32, #tpu.memory_space<vmem>> -> memref<1x80xi32, #tpu.memory_space<vmem>>
    %dma_wait3A_310 = tpu.memref_squeeze %dma_wait3A_309 : memref<1x80xi32, #tpu.memory_space<vmem>> -> memref<80xi32, #tpu.memory_space<vmem>>
    %dma_wait3A_311 = arith.constant 0 : i32
    %dma_wait3A_312 = arith.constant 0 : i32
    %dma_wait3A_313 = tpu.memref_slice %arg16[%dma_wait3A_311, %dma_wait3A_312] : memref<10000x64xf32, #tpu.memory_space<vmem_shared>> -> memref<10000x64xf32, #tpu.memory_space<vmem_shared>>
    tpu.wait_indirect_dma semaphore(%arg31 : memref<!tpu.dma_semaphore, #tpu.memory_space<semaphore_mem>>) src(%arg12 : memref<80x64xf32, #tpu.memory_space<vmem>>) dst(%dma_wait3A_313 : memref<10000x64xf32, #tpu.memory_space<vmem_shared>>)
    %dma_wait3A_314 = arith.constant 0 : i32
    %dma_wait3A_315 = arith.constant 0 : i32
    %dma_wait3A_316 = tpu.memref_slice %arg6[%dma_wait3A_314, %dma_wait3A_315] : memref<250x80xi32, #tpu.memory_space<vmem>> -> memref<1x80xi32, #tpu.memory_space<vmem>>
    %dma_wait3A_317 = tpu.memref_squeeze %dma_wait3A_316 : memref<1x80xi32, #tpu.memory_space<vmem>> -> memref<80xi32, #tpu.memory_space<vmem>>
    %dma_wait3A_318 = arith.constant 0 : i32
    %dma_wait3A_319 = arith.constant 0 : i32
    %dma_wait3A_320 = tpu.memref_slice %arg16[%dma_wait3A_318, %dma_wait3A_319] : memref<10000x64xf32, #tpu.memory_space<vmem_shared>> -> memref<10000x64xf32, #tpu.memory_space<vmem_shared>>
    tpu.wait_indirect_dma semaphore(%arg32 : memref<!tpu.dma_semaphore, #tpu.memory_space<semaphore_mem>>) src(%arg13 : memref<80x64xf32, #tpu.memory_space<vmem>>) dst(%dma_wait3A_320 : memref<10000x64xf32, #tpu.memory_space<vmem_shared>>)
    %dma_wait3A_321 = arith.constant 0 : i32
    %dma_wait3A_322 = arith.constant 0 : i32
    %dma_wait3A_323 = tpu.memref_slice %arg6[%dma_wait3A_321, %dma_wait3A_322] : memref<250x80xi32, #tpu.memory_space<vmem>> -> memref<1x80xi32, #tpu.memory_space<vmem>>
    %dma_wait3A_324 = tpu.memref_squeeze %dma_wait3A_323 : memref<1x80xi32, #tpu.memory_space<vmem>> -> memref<80xi32, #tpu.memory_space<vmem>>
    %dma_wait3A_325 = arith.constant 0 : i32
    %dma_wait3A_326 = arith.constant 0 : i32
    %dma_wait3A_327 = tpu.memref_slice %arg16[%dma_wait3A_325, %dma_wait3A_326] : memref<10000x64xf32, #tpu.memory_space<vmem_shared>> -> memref<10000x64xf32, #tpu.memory_space<vmem_shared>>
    tpu.wait_indirect_dma semaphore(%arg33 : memref<!tpu.dma_semaphore, #tpu.memory_space<semaphore_mem>>) src(%arg14 : memref<80x64xf32, #tpu.memory_space<vmem>>) dst(%dma_wait3A_327 : memref<10000x64xf32, #tpu.memory_space<vmem_shared>>)
    %dma_wait3A_328 = arith.constant 0 : i32
    %dma_wait3A_329 = arith.constant 0 : i32
    %dma_wait3A_330 = tpu.memref_slice %arg6[%dma_wait3A_328, %dma_wait3A_329] : memref<250x80xi32, #tpu.memory_space<vmem>> -> memref<1x80xi32, #tpu.memory_space<vmem>>
    %dma_wait3A_331 = tpu.memref_squeeze %dma_wait3A_330 : memref<1x80xi32, #tpu.memory_space<vmem>> -> memref<80xi32, #tpu.memory_space<vmem>>
    %dma_wait3A_332 = arith.constant 0 : i32
    %dma_wait3A_333 = arith.constant 0 : i32
    %dma_wait3A_334 = tpu.memref_slice %arg16[%dma_wait3A_332, %dma_wait3A_333] : memref<10000x64xf32, #tpu.memory_space<vmem_shared>> -> memref<10000x64xf32, #tpu.memory_space<vmem_shared>>
    tpu.wait_indirect_dma semaphore(%arg34 : memref<!tpu.dma_semaphore, #tpu.memory_space<semaphore_mem>>) src(%arg15 : memref<80x64xf32, #tpu.memory_space<vmem>>) dst(%dma_wait3A_334 : memref<10000x64xf32, #tpu.memory_space<vmem_shared>>)
    %barrier3A_335 = arith.constant 0 : index
    tpu.barrier barrier_id(%barrier3A_335)
    "tpu.region"() ({
      %run_scoped3A = tpu.sem_alloc : memref<!tpu.dma_semaphore, #tpu.memory_space<semaphore_mem>>
      %dma_start3A_341 = arith.constant 0 : i32
      %dma_start3A_342 = tpu.memref_slice %arg4[%arg0, %multiple_of3A, %dma_start3A_341] : memref<2x10000x64xf32, #tpu.memory_space<hbm>> -> memref<1x624x64xf32, #tpu.memory_space<hbm>>
      %dma_start3A_343 = tpu.memref_squeeze %dma_start3A_342 : memref<1x624x64xf32, #tpu.memory_space<hbm>> -> memref<624x64xf32, #tpu.memory_space<hbm>>
      %dma_start3A_344 = arith.constant 0 : i32
      %dma_start3A_345 = tpu.memref_slice %arg16[%multiple_of3A, %dma_start3A_344] : memref<10000x64xf32, #tpu.memory_space<vmem_shared>> -> memref<624x64xf32, #tpu.memory_space<vmem_shared>>
      tpu.enqueue_dma source(%dma_start3A_345 : memref<624x64xf32, #tpu.memory_space<vmem_shared>>) target(%dma_start3A_343 : memref<624x64xf32, #tpu.memory_space<hbm>>) target_semaphore(%run_scoped3A : memref<!tpu.dma_semaphore, #tpu.memory_space<semaphore_mem>>)
      %dma_wait3A_346 = arith.constant 0 : i32
      %dma_wait3A_347 = tpu.memref_slice %arg4[%arg0, %multiple_of3A, %dma_wait3A_346] : memref<2x10000x64xf32, #tpu.memory_space<hbm>> -> memref<1x624x64xf32, #tpu.memory_space<hbm>>
      %dma_wait3A_348 = tpu.memref_squeeze %dma_wait3A_347 : memref<1x624x64xf32, #tpu.memory_space<hbm>> -> memref<624x64xf32, #tpu.memory_space<hbm>>
      %dma_wait3A_349 = arith.constant 0 : i32
      %dma_wait3A_350 = tpu.memref_slice %arg16[%multiple_of3A, %dma_wait3A_349] : memref<10000x64xf32, #tpu.memory_space<vmem_shared>> -> memref<624x64xf32, #tpu.memory_space<vmem_shared>>
      tpu.wait_dma2 semaphore(%run_scoped3A : memref<!tpu.dma_semaphore, #tpu.memory_space<semaphore_mem>>) src(%dma_wait3A_350 : memref<624x64xf32, #tpu.memory_space<vmem_shared>>) dst(%dma_wait3A_348 : memref<624x64xf32, #tpu.memory_space<hbm>>)
      tpu.yield
    }) : () -> ()
    %eq3A_336 = arith.constant 15 : i32
    %eq3A_337 = arith.cmpi eq, %arg1, %eq3A_336 : i32
    %convert_element_type3A_338 = arith.extui %eq3A_337 : i1 to i32
    %cond3A_339 = arith.constant 0 : i32
    %cond3A_340 = arith.cmpi ne, %convert_element_type3A_338, %cond3A_339 : i32
    scf.if %cond3A_340 {
      "tpu.region"() ({
        %run_scoped3A = tpu.sem_alloc : memref<!tpu.dma_semaphore, #tpu.memory_space<semaphore_mem>>
        %dma_start3A_341 = arith.constant 9984 : i32
        %dma_start3A_342 = arith.constant 0 : i32
        %dma_start3A_343 = tpu.memref_slice %arg4[%arg0, %dma_start3A_341, %dma_start3A_342] : memref<2x10000x64xf32, #tpu.memory_space<hbm>> -> memref<1x16x64xf32, #tpu.memory_space<hbm>>
        %dma_start3A_344 = tpu.memref_squeeze %dma_start3A_343 : memref<1x16x64xf32, #tpu.memory_space<hbm>> -> memref<16x64xf32, #tpu.memory_space<hbm>>
        %dma_start3A_345 = arith.constant 9984 : i32
        %dma_start3A_346 = arith.constant 0 : i32
        %dma_start3A_347 = tpu.memref_slice %arg16[%dma_start3A_345, %dma_start3A_346] : memref<10000x64xf32, #tpu.memory_space<vmem_shared>> -> memref<16x64xf32, #tpu.memory_space<vmem_shared>>
        tpu.enqueue_dma source(%dma_start3A_347 : memref<16x64xf32, #tpu.memory_space<vmem_shared>>) target(%dma_start3A_344 : memref<16x64xf32, #tpu.memory_space<hbm>>) target_semaphore(%run_scoped3A : memref<!tpu.dma_semaphore, #tpu.memory_space<semaphore_mem>>)
        %dma_wait3A_348 = arith.constant 9984 : i32
        %dma_wait3A_349 = arith.constant 0 : i32
        %dma_wait3A_350 = tpu.memref_slice %arg4[%arg0, %dma_wait3A_348, %dma_wait3A_349] : memref<2x10000x64xf32, #tpu.memory_space<hbm>> -> memref<1x16x64xf32, #tpu.memory_space<hbm>>
        %dma_wait3A_351 = tpu.memref_squeeze %dma_wait3A_350 : memref<1x16x64xf32, #tpu.memory_space<hbm>> -> memref<16x64xf32, #tpu.memory_space<hbm>>
        %dma_wait3A_352 = arith.constant 9984 : i32
        %dma_wait3A_353 = arith.constant 0 : i32
        %dma_wait3A_354 = tpu.memref_slice %arg16[%dma_wait3A_352, %dma_wait3A_353] : memref<10000x64xf32, #tpu.memory_space<vmem_shared>> -> memref<16x64xf32, #tpu.memory_space<vmem_shared>>
        tpu.wait_dma2 semaphore(%run_scoped3A : memref<!tpu.dma_semaphore, #tpu.memory_space<semaphore_mem>>) src(%dma_wait3A_354 : memref<16x64xf32, #tpu.memory_space<vmem_shared>>) dst(%dma_wait3A_351 : memref<16x64xf32, #tpu.memory_space<hbm>>)
        tpu.yield
      }) : () -> ()
    } else {
    }
    return
  }
}

#map = affine_map<(d0, d1) -> (0, 0, 0)>
#map1 = affine_map<(d0, d1) -> (0, 0, 0, 0)>
module attributes {stable_mosaic.version = 14 : i64} {
  func.func @_agg_body(%arg0: i32, %arg1: i32, %arg2: memref<2x10000x64xf32, #tpu.memory_space<hbm>>, %arg3: memref<2x16x250x80xi32, #tpu.memory_space<hbm>>, %arg4: memref<2x10000x64xf32, #tpu.memory_space<hbm>>, %arg5: memref<250x80xi32, #tpu.memory_space<vmem>>, %arg6: memref<250x80xi32, #tpu.memory_space<vmem>>, %arg7: memref<80x64xf32, #tpu.memory_space<vmem>>, %arg8: memref<80x64xf32, #tpu.memory_space<vmem>>, %arg9: memref<80x64xf32, #tpu.memory_space<vmem>>, %arg10: memref<80x64xf32, #tpu.memory_space<vmem>>, %arg11: memref<80x64xf32, #tpu.memory_space<vmem>>, %arg12: memref<80x64xf32, #tpu.memory_space<vmem>>, %arg13: memref<80x64xf32, #tpu.memory_space<vmem>>, %arg14: memref<80x64xf32, #tpu.memory_space<vmem>>, %arg15: memref<80x64xf32, #tpu.memory_space<vmem>>, %arg16: memref<10000x64xf32, #tpu.memory_space<vmem_shared>>, %arg17: memref<!tpu.dma_semaphore, #tpu.memory_space<semaphore_mem>>, %arg18: memref<!tpu.dma_semaphore, #tpu.memory_space<semaphore_mem>>, %arg19: memref<!tpu.dma_semaphore, #tpu.memory_space<semaphore_mem>>, %arg20: memref<!tpu.dma_semaphore, #tpu.memory_space<semaphore_mem>>, %arg21: memref<!tpu.dma_semaphore, #tpu.memory_space<semaphore_mem>>, %arg22: memref<!tpu.dma_semaphore, #tpu.memory_space<semaphore_mem>>, %arg23: memref<!tpu.dma_semaphore, #tpu.memory_space<semaphore_mem>>, %arg24: memref<!tpu.dma_semaphore, #tpu.memory_space<semaphore_mem>>, %arg25: memref<!tpu.dma_semaphore, #tpu.memory_space<semaphore_mem>>, %arg26: memref<!tpu.dma_semaphore, #tpu.memory_space<semaphore_mem>>, %arg27: memref<!tpu.dma_semaphore, #tpu.memory_space<semaphore_mem>>, %arg28: memref<!tpu.dma_semaphore, #tpu.memory_space<semaphore_mem>>, %arg29: memref<!tpu.dma_semaphore, #tpu.memory_space<semaphore_mem>>, %arg30: memref<!tpu.dma_semaphore, #tpu.memory_space<semaphore_mem>>, %arg31: memref<!tpu.dma_semaphore, #tpu.memory_space<semaphore_mem>>, %arg32: memref<!tpu.dma_semaphore, #tpu.memory_space<semaphore_mem>>, %arg33: memref<!tpu.dma_semaphore, #tpu.memory_space<semaphore_mem>>, %arg34: memref<!tpu.dma_semaphore, #tpu.memory_space<semaphore_mem>>) attributes {dimension_semantics = [#tpu.dimension_semantics<core_parallel>, #tpu.dimension_semantics<subcore_parallel>], iteration_bounds = array<i64: 2, 16>, scalar_prefetch = 0 : i64, scratch_operands = 30 : i64, tpu.core_type = #tpu.core_type<sc_vector_subcore>, window_params = [{transform_indices = #map}, {transform_indices = #map1}, {transform_indices = #map}]} {
    %mul3A = arith.constant 624 : i32
    %mul3A_0 = arith.muli %arg1, %mul3A : i32
    %multiple_of3A = tpu.assume_multiple %mul3A_0, 8 : i32
    %dma_start3A = arith.constant 0 : i32
    %dma_start3A_1 = tpu.memref_slice %arg16[%multiple_of3A, %dma_start3A] : memref<10000x64xf32, #tpu.memory_space<vmem_shared>> -> memref<624x64xf32, #tpu.memory_space<vmem_shared>>
    %dma_start3A_2 = arith.constant 0 : i32
    %dma_start3A_3 = arith.constant 0 : i32
    %dma_start3A_4 = tpu.memref_slice %arg2[%arg0, %dma_start3A_2, %dma_start3A_3] : memref<2x10000x64xf32, #tpu.memory_space<hbm>> -> memref<1x10000x64xf32, #tpu.memory_space<hbm>>
    %dma_start3A_5 = tpu.memref_squeeze %dma_start3A_4 : memref<1x10000x64xf32, #tpu.memory_space<hbm>> -> memref<10000x64xf32, #tpu.memory_space<hbm>>
    %dma_start3A_6 = arith.constant 0 : i32
    %dma_start3A_7 = tpu.memref_slice %dma_start3A_5[%multiple_of3A, %dma_start3A_6] : memref<10000x64xf32, #tpu.memory_space<hbm>> -> memref<624x64xf32, #tpu.memory_space<hbm>>
    tpu.enqueue_dma source(%dma_start3A_7 : memref<624x64xf32, #tpu.memory_space<hbm>>) target(%dma_start3A_1 : memref<624x64xf32, #tpu.memory_space<vmem_shared>>) target_semaphore(%arg17 : memref<!tpu.dma_semaphore, #tpu.memory_space<semaphore_mem>>)
    %dma_start3A_8 = arith.constant 0 : i32
    %dma_start3A_9 = arith.constant 0 : i32
    %dma_start3A_10 = arith.constant 0 : i32
    %dma_start3A_11 = tpu.memref_slice %arg3[%dma_start3A_8, %arg1, %dma_start3A_9, %dma_start3A_10] : memref<2x16x250x80xi32, #tpu.memory_space<hbm>> -> memref<1x1x250x80xi32, #tpu.memory_space<hbm>>
    %dma_start3A_12 = tpu.memref_squeeze %dma_start3A_11 : memref<1x1x250x80xi32, #tpu.memory_space<hbm>> -> memref<250x80xi32, #tpu.memory_space<hbm>>
    %dma_start3A_13 = arith.constant 0 : i32
    %dma_start3A_14 = arith.constant 0 : i32
    %dma_start3A_15 = tpu.memref_slice %arg3[%dma_start3A_8, %arg1, %dma_start3A_13, %dma_start3A_14] : memref<2x16x250x80xi32, #tpu.memory_space<hbm>> -> memref<1x1x250x80xi32, #tpu.memory_space<hbm>>
    %dma_start3A_16 = tpu.memref_squeeze %dma_start3A_15 : memref<1x1x250x80xi32, #tpu.memory_space<hbm>> -> memref<250x80xi32, #tpu.memory_space<hbm>>
    tpu.enqueue_dma source(%dma_start3A_16 : memref<250x80xi32, #tpu.memory_space<hbm>>) target(%arg5 : memref<250x80xi32, #tpu.memory_space<vmem>>) target_semaphore(%arg18 : memref<!tpu.dma_semaphore, #tpu.memory_space<semaphore_mem>>)
    %dma_start3A_17 = arith.constant 1 : i32
    %dma_start3A_18 = arith.constant 0 : i32
    %dma_start3A_19 = arith.constant 0 : i32
    %dma_start3A_20 = tpu.memref_slice %arg3[%dma_start3A_17, %arg1, %dma_start3A_18, %dma_start3A_19] : memref<2x16x250x80xi32, #tpu.memory_space<hbm>> -> memref<1x1x250x80xi32, #tpu.memory_space<hbm>>
    %dma_start3A_21 = tpu.memref_squeeze %dma_start3A_20 : memref<1x1x250x80xi32, #tpu.memory_space<hbm>> -> memref<250x80xi32, #tpu.memory_space<hbm>>
    %dma_start3A_22 = arith.constant 0 : i32
    %dma_start3A_23 = arith.constant 0 : i32
    %dma_start3A_24 = tpu.memref_slice %arg3[%dma_start3A_17, %arg1, %dma_start3A_22, %dma_start3A_23] : memref<2x16x250x80xi32, #tpu.memory_space<hbm>> -> memref<1x1x250x80xi32, #tpu.memory_space<hbm>>
    %dma_start3A_25 = tpu.memref_squeeze %dma_start3A_24 : memref<1x1x250x80xi32, #tpu.memory_space<hbm>> -> memref<250x80xi32, #tpu.memory_space<hbm>>
    tpu.enqueue_dma source(%dma_start3A_25 : memref<250x80xi32, #tpu.memory_space<hbm>>) target(%arg6 : memref<250x80xi32, #tpu.memory_space<vmem>>) target_semaphore(%arg19 : memref<!tpu.dma_semaphore, #tpu.memory_space<semaphore_mem>>)
    %eq3A = arith.constant 15 : i32
    %eq3A_26 = arith.cmpi eq, %arg1, %eq3A : i32
    %convert_element_type3A = arith.extui %eq3A_26 : i1 to i32
    %cond3A = arith.constant 0 : i32
    %cond3A_27 = arith.cmpi ne, %convert_element_type3A, %cond3A : i32
    scf.if %cond3A_27 {
      "tpu.region"() ({
        %run_scoped3A = tpu.sem_alloc : memref<!tpu.dma_semaphore, #tpu.memory_space<semaphore_mem>>
        %dma_start3A_341 = arith.constant 9984 : i32
        %dma_start3A_342 = arith.constant 0 : i32
        %dma_start3A_343 = tpu.memref_slice %arg16[%dma_start3A_341, %dma_start3A_342] : memref<10000x64xf32, #tpu.memory_space<vmem_shared>> -> memref<16x64xf32, #tpu.memory_space<vmem_shared>>
        %dma_start3A_344 = arith.constant 0 : i32
        %dma_start3A_345 = arith.constant 0 : i32
        %dma_start3A_346 = tpu.memref_slice %arg2[%arg0, %dma_start3A_344, %dma_start3A_345] : memref<2x10000x64xf32, #tpu.memory_space<hbm>> -> memref<1x10000x64xf32, #tpu.memory_space<hbm>>
        %dma_start3A_347 = tpu.memref_squeeze %dma_start3A_346 : memref<1x10000x64xf32, #tpu.memory_space<hbm>> -> memref<10000x64xf32, #tpu.memory_space<hbm>>
        %dma_start3A_348 = arith.constant 9984 : i32
        %dma_start3A_349 = arith.constant 0 : i32
        %dma_start3A_350 = tpu.memref_slice %dma_start3A_347[%dma_start3A_348, %dma_start3A_349] : memref<10000x64xf32, #tpu.memory_space<hbm>> -> memref<16x64xf32, #tpu.memory_space<hbm>>
        tpu.enqueue_dma source(%dma_start3A_350 : memref<16x64xf32, #tpu.memory_space<hbm>>) target(%dma_start3A_343 : memref<16x64xf32, #tpu.memory_space<vmem_shared>>) target_semaphore(%run_scoped3A : memref<!tpu.dma_semaphore, #tpu.memory_space<semaphore_mem>>)
        %dma_wait3A_351 = arith.constant 9984 : i32
        %dma_wait3A_352 = arith.constant 0 : i32
        %dma_wait3A_353 = tpu.memref_slice %arg16[%dma_wait3A_351, %dma_wait3A_352] : memref<10000x64xf32, #tpu.memory_space<vmem_shared>> -> memref<16x64xf32, #tpu.memory_space<vmem_shared>>
        %dma_wait3A_354 = arith.constant 0 : i32
        %dma_wait3A_355 = arith.constant 0 : i32
        %dma_wait3A_356 = tpu.memref_slice %arg2[%arg0, %dma_wait3A_354, %dma_wait3A_355] : memref<2x10000x64xf32, #tpu.memory_space<hbm>> -> memref<1x10000x64xf32, #tpu.memory_space<hbm>>
        %dma_wait3A_357 = tpu.memref_squeeze %dma_wait3A_356 : memref<1x10000x64xf32, #tpu.memory_space<hbm>> -> memref<10000x64xf32, #tpu.memory_space<hbm>>
        %dma_wait3A_358 = arith.constant 9984 : i32
        %dma_wait3A_359 = arith.constant 0 : i32
        %dma_wait3A_360 = tpu.memref_slice %dma_wait3A_357[%dma_wait3A_358, %dma_wait3A_359] : memref<10000x64xf32, #tpu.memory_space<hbm>> -> memref<16x64xf32, #tpu.memory_space<hbm>>
        tpu.wait_dma2 semaphore(%run_scoped3A : memref<!tpu.dma_semaphore, #tpu.memory_space<semaphore_mem>>) src(%dma_wait3A_360 : memref<16x64xf32, #tpu.memory_space<hbm>>) dst(%dma_wait3A_353 : memref<16x64xf32, #tpu.memory_space<vmem_shared>>)
        tpu.yield
      }) : () -> ()
    } else {
    }
    %dma_wait3A = arith.constant 0 : i32
    %dma_wait3A_28 = tpu.memref_slice %arg16[%multiple_of3A, %dma_wait3A] : memref<10000x64xf32, #tpu.memory_space<vmem_shared>> -> memref<624x64xf32, #tpu.memory_space<vmem_shared>>
    %dma_wait3A_29 = arith.constant 0 : i32
    %dma_wait3A_30 = arith.constant 0 : i32
    %dma_wait3A_31 = tpu.memref_slice %arg2[%arg0, %dma_wait3A_29, %dma_wait3A_30] : memref<2x10000x64xf32, #tpu.memory_space<hbm>> -> memref<1x10000x64xf32, #tpu.memory_space<hbm>>
    %dma_wait3A_32 = tpu.memref_squeeze %dma_wait3A_31 : memref<1x10000x64xf32, #tpu.memory_space<hbm>> -> memref<10000x64xf32, #tpu.memory_space<hbm>>
    %dma_wait3A_33 = arith.constant 0 : i32
    %dma_wait3A_34 = tpu.memref_slice %dma_wait3A_32[%multiple_of3A, %dma_wait3A_33] : memref<10000x64xf32, #tpu.memory_space<hbm>> -> memref<624x64xf32, #tpu.memory_space<hbm>>
    tpu.wait_dma2 semaphore(%arg17 : memref<!tpu.dma_semaphore, #tpu.memory_space<semaphore_mem>>) src(%dma_wait3A_34 : memref<624x64xf32, #tpu.memory_space<hbm>>) dst(%dma_wait3A_28 : memref<624x64xf32, #tpu.memory_space<vmem_shared>>)
    %dma_wait3A_35 = arith.constant 0 : i32
    %dma_wait3A_36 = arith.constant 0 : i32
    %dma_wait3A_37 = arith.constant 0 : i32
    %dma_wait3A_38 = tpu.memref_slice %arg3[%dma_wait3A_35, %arg1, %dma_wait3A_36, %dma_wait3A_37] : memref<2x16x250x80xi32, #tpu.memory_space<hbm>> -> memref<1x1x250x80xi32, #tpu.memory_space<hbm>>
    %dma_wait3A_39 = tpu.memref_squeeze %dma_wait3A_38 : memref<1x1x250x80xi32, #tpu.memory_space<hbm>> -> memref<250x80xi32, #tpu.memory_space<hbm>>
    %dma_wait3A_40 = arith.constant 0 : i32
    %dma_wait3A_41 = arith.constant 0 : i32
    %dma_wait3A_42 = tpu.memref_slice %arg3[%dma_wait3A_35, %arg1, %dma_wait3A_40, %dma_wait3A_41] : memref<2x16x250x80xi32, #tpu.memory_space<hbm>> -> memref<1x1x250x80xi32, #tpu.memory_space<hbm>>
    %dma_wait3A_43 = tpu.memref_squeeze %dma_wait3A_42 : memref<1x1x250x80xi32, #tpu.memory_space<hbm>> -> memref<250x80xi32, #tpu.memory_space<hbm>>
    tpu.wait_dma2 semaphore(%arg18 : memref<!tpu.dma_semaphore, #tpu.memory_space<semaphore_mem>>) src(%dma_wait3A_43 : memref<250x80xi32, #tpu.memory_space<hbm>>) dst(%arg5 : memref<250x80xi32, #tpu.memory_space<vmem>>)
    %dma_wait3A_44 = arith.constant 1 : i32
    %dma_wait3A_45 = arith.constant 0 : i32
    %dma_wait3A_46 = arith.constant 0 : i32
    %dma_wait3A_47 = tpu.memref_slice %arg3[%dma_wait3A_44, %arg1, %dma_wait3A_45, %dma_wait3A_46] : memref<2x16x250x80xi32, #tpu.memory_space<hbm>> -> memref<1x1x250x80xi32, #tpu.memory_space<hbm>>
    %dma_wait3A_48 = tpu.memref_squeeze %dma_wait3A_47 : memref<1x1x250x80xi32, #tpu.memory_space<hbm>> -> memref<250x80xi32, #tpu.memory_space<hbm>>
    %dma_wait3A_49 = arith.constant 0 : i32
    %dma_wait3A_50 = arith.constant 0 : i32
    %dma_wait3A_51 = tpu.memref_slice %arg3[%dma_wait3A_44, %arg1, %dma_wait3A_49, %dma_wait3A_50] : memref<2x16x250x80xi32, #tpu.memory_space<hbm>> -> memref<1x1x250x80xi32, #tpu.memory_space<hbm>>
    %dma_wait3A_52 = tpu.memref_squeeze %dma_wait3A_51 : memref<1x1x250x80xi32, #tpu.memory_space<hbm>> -> memref<250x80xi32, #tpu.memory_space<hbm>>
    tpu.wait_dma2 semaphore(%arg19 : memref<!tpu.dma_semaphore, #tpu.memory_space<semaphore_mem>>) src(%dma_wait3A_52 : memref<250x80xi32, #tpu.memory_space<hbm>>) dst(%arg6 : memref<250x80xi32, #tpu.memory_space<vmem>>)
    %barrier3A = arith.constant 0 : index
    tpu.barrier barrier_id(%barrier3A)
    %dma_start3A_53 = arith.constant 0 : i32
    %dma_start3A_54 = arith.constant 0 : i32
    %dma_start3A_55 = tpu.memref_slice %arg5[%dma_start3A_53, %dma_start3A_54] : memref<250x80xi32, #tpu.memory_space<vmem>> -> memref<1x80xi32, #tpu.memory_space<vmem>>
    %dma_start3A_56 = tpu.memref_squeeze %dma_start3A_55 : memref<1x80xi32, #tpu.memory_space<vmem>> -> memref<80xi32, #tpu.memory_space<vmem>>
    %dma_start3A_57 = arith.constant 0 : i32
    %dma_start3A_58 = arith.constant 0 : i32
    %dma_start3A_59 = tpu.memref_slice %arg2[%arg0, %dma_start3A_57, %dma_start3A_58] : memref<2x10000x64xf32, #tpu.memory_space<hbm>> -> memref<1x10000x64xf32, #tpu.memory_space<hbm>>
    %dma_start3A_60 = tpu.memref_squeeze %dma_start3A_59 : memref<1x10000x64xf32, #tpu.memory_space<hbm>> -> memref<10000x64xf32, #tpu.memory_space<hbm>>
    %dma_start3A_61 = arith.constant 0 : i32
    %dma_start3A_62 = arith.constant 0 : i32
    %dma_start3A_63 = tpu.memref_slice %dma_start3A_60[%dma_start3A_61, %dma_start3A_62] : memref<10000x64xf32, #tpu.memory_space<hbm>> -> memref<10000x64xf32, #tpu.memory_space<hbm>>
    tpu.enqueue_indirect_dma source(%dma_start3A_63 : memref<10000x64xf32, #tpu.memory_space<hbm>>) target(%arg7 : memref<80x64xf32, #tpu.memory_space<vmem>>) offsets(%dma_start3A_56 : memref<80xi32, #tpu.memory_space<vmem>>) semaphore(%arg17 : memref<!tpu.dma_semaphore, #tpu.memory_space<semaphore_mem>>)
    %dma_start3A_64 = arith.constant 1 : i32
    %dma_start3A_65 = arith.constant 0 : i32
    %dma_start3A_66 = tpu.memref_slice %arg5[%dma_start3A_64, %dma_start3A_65] : memref<250x80xi32, #tpu.memory_space<vmem>> -> memref<1x80xi32, #tpu.memory_space<vmem>>
    %dma_start3A_67 = tpu.memref_squeeze %dma_start3A_66 : memref<1x80xi32, #tpu.memory_space<vmem>> -> memref<80xi32, #tpu.memory_space<vmem>>
    %dma_start3A_68 = arith.constant 0 : i32
    %dma_start3A_69 = arith.constant 0 : i32
    %dma_start3A_70 = tpu.memref_slice %arg2[%arg0, %dma_start3A_68, %dma_start3A_69] : memref<2x10000x64xf32, #tpu.memory_space<hbm>> -> memref<1x10000x64xf32, #tpu.memory_space<hbm>>
    %dma_start3A_71 = tpu.memref_squeeze %dma_start3A_70 : memref<1x10000x64xf32, #tpu.memory_space<hbm>> -> memref<10000x64xf32, #tpu.memory_space<hbm>>
    %dma_start3A_72 = arith.constant 0 : i32
    %dma_start3A_73 = arith.constant 0 : i32
    %dma_start3A_74 = tpu.memref_slice %dma_start3A_71[%dma_start3A_72, %dma_start3A_73] : memref<10000x64xf32, #tpu.memory_space<hbm>> -> memref<10000x64xf32, #tpu.memory_space<hbm>>
    tpu.enqueue_indirect_dma source(%dma_start3A_74 : memref<10000x64xf32, #tpu.memory_space<hbm>>) target(%arg8 : memref<80x64xf32, #tpu.memory_space<vmem>>) offsets(%dma_start3A_67 : memref<80xi32, #tpu.memory_space<vmem>>) semaphore(%arg18 : memref<!tpu.dma_semaphore, #tpu.memory_space<semaphore_mem>>)
    %dma_start3A_75 = arith.constant 2 : i32
    %dma_start3A_76 = arith.constant 0 : i32
    %dma_start3A_77 = tpu.memref_slice %arg5[%dma_start3A_75, %dma_start3A_76] : memref<250x80xi32, #tpu.memory_space<vmem>> -> memref<1x80xi32, #tpu.memory_space<vmem>>
    %dma_start3A_78 = tpu.memref_squeeze %dma_start3A_77 : memref<1x80xi32, #tpu.memory_space<vmem>> -> memref<80xi32, #tpu.memory_space<vmem>>
    %dma_start3A_79 = arith.constant 0 : i32
    %dma_start3A_80 = arith.constant 0 : i32
    %dma_start3A_81 = tpu.memref_slice %arg2[%arg0, %dma_start3A_79, %dma_start3A_80] : memref<2x10000x64xf32, #tpu.memory_space<hbm>> -> memref<1x10000x64xf32, #tpu.memory_space<hbm>>
    %dma_start3A_82 = tpu.memref_squeeze %dma_start3A_81 : memref<1x10000x64xf32, #tpu.memory_space<hbm>> -> memref<10000x64xf32, #tpu.memory_space<hbm>>
    %dma_start3A_83 = arith.constant 0 : i32
    %dma_start3A_84 = arith.constant 0 : i32
    %dma_start3A_85 = tpu.memref_slice %dma_start3A_82[%dma_start3A_83, %dma_start3A_84] : memref<10000x64xf32, #tpu.memory_space<hbm>> -> memref<10000x64xf32, #tpu.memory_space<hbm>>
    tpu.enqueue_indirect_dma source(%dma_start3A_85 : memref<10000x64xf32, #tpu.memory_space<hbm>>) target(%arg9 : memref<80x64xf32, #tpu.memory_space<vmem>>) offsets(%dma_start3A_78 : memref<80xi32, #tpu.memory_space<vmem>>) semaphore(%arg19 : memref<!tpu.dma_semaphore, #tpu.memory_space<semaphore_mem>>)
    %dma_start3A_86 = arith.constant 3 : i32
    %dma_start3A_87 = arith.constant 0 : i32
    %dma_start3A_88 = tpu.memref_slice %arg5[%dma_start3A_86, %dma_start3A_87] : memref<250x80xi32, #tpu.memory_space<vmem>> -> memref<1x80xi32, #tpu.memory_space<vmem>>
    %dma_start3A_89 = tpu.memref_squeeze %dma_start3A_88 : memref<1x80xi32, #tpu.memory_space<vmem>> -> memref<80xi32, #tpu.memory_space<vmem>>
    %dma_start3A_90 = arith.constant 0 : i32
    %dma_start3A_91 = arith.constant 0 : i32
    %dma_start3A_92 = tpu.memref_slice %arg2[%arg0, %dma_start3A_90, %dma_start3A_91] : memref<2x10000x64xf32, #tpu.memory_space<hbm>> -> memref<1x10000x64xf32, #tpu.memory_space<hbm>>
    %dma_start3A_93 = tpu.memref_squeeze %dma_start3A_92 : memref<1x10000x64xf32, #tpu.memory_space<hbm>> -> memref<10000x64xf32, #tpu.memory_space<hbm>>
    %dma_start3A_94 = arith.constant 0 : i32
    %dma_start3A_95 = arith.constant 0 : i32
    %dma_start3A_96 = tpu.memref_slice %dma_start3A_93[%dma_start3A_94, %dma_start3A_95] : memref<10000x64xf32, #tpu.memory_space<hbm>> -> memref<10000x64xf32, #tpu.memory_space<hbm>>
    tpu.enqueue_indirect_dma source(%dma_start3A_96 : memref<10000x64xf32, #tpu.memory_space<hbm>>) target(%arg10 : memref<80x64xf32, #tpu.memory_space<vmem>>) offsets(%dma_start3A_89 : memref<80xi32, #tpu.memory_space<vmem>>) semaphore(%arg20 : memref<!tpu.dma_semaphore, #tpu.memory_space<semaphore_mem>>)
    %dma_start3A_97 = arith.constant 4 : i32
    %dma_start3A_98 = arith.constant 0 : i32
    %dma_start3A_99 = tpu.memref_slice %arg5[%dma_start3A_97, %dma_start3A_98] : memref<250x80xi32, #tpu.memory_space<vmem>> -> memref<1x80xi32, #tpu.memory_space<vmem>>
    %dma_start3A_100 = tpu.memref_squeeze %dma_start3A_99 : memref<1x80xi32, #tpu.memory_space<vmem>> -> memref<80xi32, #tpu.memory_space<vmem>>
    %dma_start3A_101 = arith.constant 0 : i32
    %dma_start3A_102 = arith.constant 0 : i32
    %dma_start3A_103 = tpu.memref_slice %arg2[%arg0, %dma_start3A_101, %dma_start3A_102] : memref<2x10000x64xf32, #tpu.memory_space<hbm>> -> memref<1x10000x64xf32, #tpu.memory_space<hbm>>
    %dma_start3A_104 = tpu.memref_squeeze %dma_start3A_103 : memref<1x10000x64xf32, #tpu.memory_space<hbm>> -> memref<10000x64xf32, #tpu.memory_space<hbm>>
    %dma_start3A_105 = arith.constant 0 : i32
    %dma_start3A_106 = arith.constant 0 : i32
    %dma_start3A_107 = tpu.memref_slice %dma_start3A_104[%dma_start3A_105, %dma_start3A_106] : memref<10000x64xf32, #tpu.memory_space<hbm>> -> memref<10000x64xf32, #tpu.memory_space<hbm>>
    tpu.enqueue_indirect_dma source(%dma_start3A_107 : memref<10000x64xf32, #tpu.memory_space<hbm>>) target(%arg11 : memref<80x64xf32, #tpu.memory_space<vmem>>) offsets(%dma_start3A_100 : memref<80xi32, #tpu.memory_space<vmem>>) semaphore(%arg21 : memref<!tpu.dma_semaphore, #tpu.memory_space<semaphore_mem>>)
    %dma_start3A_108 = arith.constant 5 : i32
    %dma_start3A_109 = arith.constant 0 : i32
    %dma_start3A_110 = tpu.memref_slice %arg5[%dma_start3A_108, %dma_start3A_109] : memref<250x80xi32, #tpu.memory_space<vmem>> -> memref<1x80xi32, #tpu.memory_space<vmem>>
    %dma_start3A_111 = tpu.memref_squeeze %dma_start3A_110 : memref<1x80xi32, #tpu.memory_space<vmem>> -> memref<80xi32, #tpu.memory_space<vmem>>
    %dma_start3A_112 = arith.constant 0 : i32
    %dma_start3A_113 = arith.constant 0 : i32
    %dma_start3A_114 = tpu.memref_slice %arg2[%arg0, %dma_start3A_112, %dma_start3A_113] : memref<2x10000x64xf32, #tpu.memory_space<hbm>> -> memref<1x10000x64xf32, #tpu.memory_space<hbm>>
    %dma_start3A_115 = tpu.memref_squeeze %dma_start3A_114 : memref<1x10000x64xf32, #tpu.memory_space<hbm>> -> memref<10000x64xf32, #tpu.memory_space<hbm>>
    %dma_start3A_116 = arith.constant 0 : i32
    %dma_start3A_117 = arith.constant 0 : i32
    %dma_start3A_118 = tpu.memref_slice %dma_start3A_115[%dma_start3A_116, %dma_start3A_117] : memref<10000x64xf32, #tpu.memory_space<hbm>> -> memref<10000x64xf32, #tpu.memory_space<hbm>>
    tpu.enqueue_indirect_dma source(%dma_start3A_118 : memref<10000x64xf32, #tpu.memory_space<hbm>>) target(%arg12 : memref<80x64xf32, #tpu.memory_space<vmem>>) offsets(%dma_start3A_111 : memref<80xi32, #tpu.memory_space<vmem>>) semaphore(%arg22 : memref<!tpu.dma_semaphore, #tpu.memory_space<semaphore_mem>>)
    %dma_start3A_119 = arith.constant 6 : i32
    %dma_start3A_120 = arith.constant 0 : i32
    %dma_start3A_121 = tpu.memref_slice %arg5[%dma_start3A_119, %dma_start3A_120] : memref<250x80xi32, #tpu.memory_space<vmem>> -> memref<1x80xi32, #tpu.memory_space<vmem>>
    %dma_start3A_122 = tpu.memref_squeeze %dma_start3A_121 : memref<1x80xi32, #tpu.memory_space<vmem>> -> memref<80xi32, #tpu.memory_space<vmem>>
    %dma_start3A_123 = arith.constant 0 : i32
    %dma_start3A_124 = arith.constant 0 : i32
    %dma_start3A_125 = tpu.memref_slice %arg2[%arg0, %dma_start3A_123, %dma_start3A_124] : memref<2x10000x64xf32, #tpu.memory_space<hbm>> -> memref<1x10000x64xf32, #tpu.memory_space<hbm>>
    %dma_start3A_126 = tpu.memref_squeeze %dma_start3A_125 : memref<1x10000x64xf32, #tpu.memory_space<hbm>> -> memref<10000x64xf32, #tpu.memory_space<hbm>>
    %dma_start3A_127 = arith.constant 0 : i32
    %dma_start3A_128 = arith.constant 0 : i32
    %dma_start3A_129 = tpu.memref_slice %dma_start3A_126[%dma_start3A_127, %dma_start3A_128] : memref<10000x64xf32, #tpu.memory_space<hbm>> -> memref<10000x64xf32, #tpu.memory_space<hbm>>
    tpu.enqueue_indirect_dma source(%dma_start3A_129 : memref<10000x64xf32, #tpu.memory_space<hbm>>) target(%arg13 : memref<80x64xf32, #tpu.memory_space<vmem>>) offsets(%dma_start3A_122 : memref<80xi32, #tpu.memory_space<vmem>>) semaphore(%arg23 : memref<!tpu.dma_semaphore, #tpu.memory_space<semaphore_mem>>)
    %dma_start3A_130 = arith.constant 7 : i32
    %dma_start3A_131 = arith.constant 0 : i32
    %dma_start3A_132 = tpu.memref_slice %arg5[%dma_start3A_130, %dma_start3A_131] : memref<250x80xi32, #tpu.memory_space<vmem>> -> memref<1x80xi32, #tpu.memory_space<vmem>>
    %dma_start3A_133 = tpu.memref_squeeze %dma_start3A_132 : memref<1x80xi32, #tpu.memory_space<vmem>> -> memref<80xi32, #tpu.memory_space<vmem>>
    %dma_start3A_134 = arith.constant 0 : i32
    %dma_start3A_135 = arith.constant 0 : i32
    %dma_start3A_136 = tpu.memref_slice %arg2[%arg0, %dma_start3A_134, %dma_start3A_135] : memref<2x10000x64xf32, #tpu.memory_space<hbm>> -> memref<1x10000x64xf32, #tpu.memory_space<hbm>>
    %dma_start3A_137 = tpu.memref_squeeze %dma_start3A_136 : memref<1x10000x64xf32, #tpu.memory_space<hbm>> -> memref<10000x64xf32, #tpu.memory_space<hbm>>
    %dma_start3A_138 = arith.constant 0 : i32
    %dma_start3A_139 = arith.constant 0 : i32
    %dma_start3A_140 = tpu.memref_slice %dma_start3A_137[%dma_start3A_138, %dma_start3A_139] : memref<10000x64xf32, #tpu.memory_space<hbm>> -> memref<10000x64xf32, #tpu.memory_space<hbm>>
    tpu.enqueue_indirect_dma source(%dma_start3A_140 : memref<10000x64xf32, #tpu.memory_space<hbm>>) target(%arg14 : memref<80x64xf32, #tpu.memory_space<vmem>>) offsets(%dma_start3A_133 : memref<80xi32, #tpu.memory_space<vmem>>) semaphore(%arg24 : memref<!tpu.dma_semaphore, #tpu.memory_space<semaphore_mem>>)
    %scan3A = arith.constant 0 : i32
    %scan3A_141 = arith.constant 0 : i32
    %scan3A_142 = arith.constant 27 : i32
    %scan3A_143 = arith.addi %scan3A_141, %scan3A_142 : i32
    %scan3A_144 = arith.constant 1 : i32
    scf.for %scan3A_341 = %scan3A_141 to %scan3A_143 step %scan3A_144  : i32 {
      %mul3A_342 = arith.constant 9 : i32
      %mul3A_343 = arith.muli %scan3A_341, %mul3A_342 : i32
      %add3A = arith.constant 0 : i32
      %add3A_344 = arith.addi %mul3A_343, %add3A : i32
      %dma_wait3A_345 = arith.constant 0 : i32
      %dma_wait3A_346 = tpu.memref_slice %arg5[%add3A_344, %dma_wait3A_345] : memref<250x80xi32, #tpu.memory_space<vmem>> -> memref<1x80xi32, #tpu.memory_space<vmem>>
      %dma_wait3A_347 = tpu.memref_squeeze %dma_wait3A_346 : memref<1x80xi32, #tpu.memory_space<vmem>> -> memref<80xi32, #tpu.memory_space<vmem>>
      %dma_wait3A_348 = arith.constant 0 : i32
      %dma_wait3A_349 = arith.constant 0 : i32
      %dma_wait3A_350 = tpu.memref_slice %arg2[%arg0, %dma_wait3A_348, %dma_wait3A_349] : memref<2x10000x64xf32, #tpu.memory_space<hbm>> -> memref<1x10000x64xf32, #tpu.memory_space<hbm>>
      %dma_wait3A_351 = tpu.memref_squeeze %dma_wait3A_350 : memref<1x10000x64xf32, #tpu.memory_space<hbm>> -> memref<10000x64xf32, #tpu.memory_space<hbm>>
      %dma_wait3A_352 = arith.constant 0 : i32
      %dma_wait3A_353 = arith.constant 0 : i32
      %dma_wait3A_354 = tpu.memref_slice %dma_wait3A_351[%dma_wait3A_352, %dma_wait3A_353] : memref<10000x64xf32, #tpu.memory_space<hbm>> -> memref<10000x64xf32, #tpu.memory_space<hbm>>
      tpu.wait_indirect_dma semaphore(%arg17 : memref<!tpu.dma_semaphore, #tpu.memory_space<semaphore_mem>>) src(%dma_wait3A_354 : memref<10000x64xf32, #tpu.memory_space<hbm>>) dst(%arg7 : memref<80x64xf32, #tpu.memory_space<vmem>>)
      %dma_start3A_355 = arith.constant 0 : i32
      %dma_start3A_356 = tpu.memref_slice %arg6[%add3A_344, %dma_start3A_355] : memref<250x80xi32, #tpu.memory_space<vmem>> -> memref<1x80xi32, #tpu.memory_space<vmem>>
      %dma_start3A_357 = tpu.memref_squeeze %dma_start3A_356 : memref<1x80xi32, #tpu.memory_space<vmem>> -> memref<80xi32, #tpu.memory_space<vmem>>
      %dma_start3A_358 = arith.constant 0 : i32
      %dma_start3A_359 = arith.constant 0 : i32
      %dma_start3A_360 = tpu.memref_slice %arg16[%dma_start3A_358, %dma_start3A_359] : memref<10000x64xf32, #tpu.memory_space<vmem_shared>> -> memref<10000x64xf32, #tpu.memory_space<vmem_shared>>
      tpu.enqueue_indirect_dma source(%arg7 : memref<80x64xf32, #tpu.memory_space<vmem>>) target(%dma_start3A_360 : memref<10000x64xf32, #tpu.memory_space<vmem_shared>>) offsets(%dma_start3A_357 : memref<80xi32, #tpu.memory_space<vmem>>) semaphore(%arg26 : memref<!tpu.dma_semaphore, #tpu.memory_space<semaphore_mem>>) {add = true}
      %add3A_361 = arith.constant 9 : i32
      %add3A_362 = arith.addi %add3A_344, %add3A_361 : i32
      %sub3A = arith.constant 1 : i32
      %sub3A_363 = arith.subi %add3A_362, %sub3A : i32
      %lt3A = arith.constant 250 : i32
      %lt3A_364 = arith.cmpi slt, %sub3A_363, %lt3A : i32
      %ge3A = arith.constant 1 : i32
      %ge3A_365 = arith.cmpi sge, %add3A_344, %ge3A : i32
      %and3A = arith.andi %lt3A_364, %ge3A_365 : i1
      %convert_element_type3A_366 = arith.extui %and3A : i1 to i32
      %cond3A_367 = arith.constant 0 : i32
      %cond3A_368 = arith.cmpi ne, %convert_element_type3A_366, %cond3A_367 : i32
      scf.if %cond3A_368 {
        %sub3A_630 = arith.constant 1 : i32
        %sub3A_631 = arith.subi %add3A_344, %sub3A_630 : i32
        %dma_wait3A_632 = arith.constant 0 : i32
        %dma_wait3A_633 = tpu.memref_slice %arg6[%sub3A_631, %dma_wait3A_632] : memref<250x80xi32, #tpu.memory_space<vmem>> -> memref<1x80xi32, #tpu.memory_space<vmem>>
        %dma_wait3A_634 = tpu.memref_squeeze %dma_wait3A_633 : memref<1x80xi32, #tpu.memory_space<vmem>> -> memref<80xi32, #tpu.memory_space<vmem>>
        %dma_wait3A_635 = arith.constant 0 : i32
        %dma_wait3A_636 = arith.constant 0 : i32
        %dma_wait3A_637 = tpu.memref_slice %arg16[%dma_wait3A_635, %dma_wait3A_636] : memref<10000x64xf32, #tpu.memory_space<vmem_shared>> -> memref<10000x64xf32, #tpu.memory_space<vmem_shared>>
        tpu.wait_indirect_dma semaphore(%arg34 : memref<!tpu.dma_semaphore, #tpu.memory_space<semaphore_mem>>) src(%arg15 : memref<80x64xf32, #tpu.memory_space<vmem>>) dst(%dma_wait3A_637 : memref<10000x64xf32, #tpu.memory_space<vmem_shared>>)
      } else {
      }
      %lt3A_369 = arith.constant 250 : i32
      %lt3A_370 = arith.cmpi slt, %sub3A_363, %lt3A_369 : i32
      %convert_element_type3A_371 = arith.extui %lt3A_370 : i1 to i32
      %cond3A_372 = arith.constant 0 : i32
      %cond3A_373 = arith.cmpi ne, %convert_element_type3A_371, %cond3A_372 : i32
      scf.if %cond3A_373 {
        %dma_start3A_630 = arith.constant 0 : i32
        %dma_start3A_631 = tpu.memref_slice %arg5[%sub3A_363, %dma_start3A_630] : memref<250x80xi32, #tpu.memory_space<vmem>> -> memref<1x80xi32, #tpu.memory_space<vmem>>
        %dma_start3A_632 = tpu.memref_squeeze %dma_start3A_631 : memref<1x80xi32, #tpu.memory_space<vmem>> -> memref<80xi32, #tpu.memory_space<vmem>>
        %dma_start3A_633 = arith.constant 0 : i32
        %dma_start3A_634 = arith.constant 0 : i32
        %dma_start3A_635 = tpu.memref_slice %arg2[%arg0, %dma_start3A_633, %dma_start3A_634] : memref<2x10000x64xf32, #tpu.memory_space<hbm>> -> memref<1x10000x64xf32, #tpu.memory_space<hbm>>
        %dma_start3A_636 = tpu.memref_squeeze %dma_start3A_635 : memref<1x10000x64xf32, #tpu.memory_space<hbm>> -> memref<10000x64xf32, #tpu.memory_space<hbm>>
        %dma_start3A_637 = arith.constant 0 : i32
        %dma_start3A_638 = arith.constant 0 : i32
        %dma_start3A_639 = tpu.memref_slice %dma_start3A_636[%dma_start3A_637, %dma_start3A_638] : memref<10000x64xf32, #tpu.memory_space<hbm>> -> memref<10000x64xf32, #tpu.memory_space<hbm>>
        tpu.enqueue_indirect_dma source(%dma_start3A_639 : memref<10000x64xf32, #tpu.memory_space<hbm>>) target(%arg15 : memref<80x64xf32, #tpu.memory_space<vmem>>) offsets(%dma_start3A_632 : memref<80xi32, #tpu.memory_space<vmem>>) semaphore(%arg25 : memref<!tpu.dma_semaphore, #tpu.memory_space<semaphore_mem>>)
      } else {
      }
      %add3A_374 = arith.constant 1 : i32
      %add3A_375 = arith.addi %mul3A_343, %add3A_374 : i32
      %dma_wait3A_376 = arith.constant 0 : i32
      %dma_wait3A_377 = tpu.memref_slice %arg5[%add3A_375, %dma_wait3A_376] : memref<250x80xi32, #tpu.memory_space<vmem>> -> memref<1x80xi32, #tpu.memory_space<vmem>>
      %dma_wait3A_378 = tpu.memref_squeeze %dma_wait3A_377 : memref<1x80xi32, #tpu.memory_space<vmem>> -> memref<80xi32, #tpu.memory_space<vmem>>
      %dma_wait3A_379 = arith.constant 0 : i32
      %dma_wait3A_380 = arith.constant 0 : i32
      %dma_wait3A_381 = tpu.memref_slice %arg2[%arg0, %dma_wait3A_379, %dma_wait3A_380] : memref<2x10000x64xf32, #tpu.memory_space<hbm>> -> memref<1x10000x64xf32, #tpu.memory_space<hbm>>
      %dma_wait3A_382 = tpu.memref_squeeze %dma_wait3A_381 : memref<1x10000x64xf32, #tpu.memory_space<hbm>> -> memref<10000x64xf32, #tpu.memory_space<hbm>>
      %dma_wait3A_383 = arith.constant 0 : i32
      %dma_wait3A_384 = arith.constant 0 : i32
      %dma_wait3A_385 = tpu.memref_slice %dma_wait3A_382[%dma_wait3A_383, %dma_wait3A_384] : memref<10000x64xf32, #tpu.memory_space<hbm>> -> memref<10000x64xf32, #tpu.memory_space<hbm>>
      tpu.wait_indirect_dma semaphore(%arg18 : memref<!tpu.dma_semaphore, #tpu.memory_space<semaphore_mem>>) src(%dma_wait3A_385 : memref<10000x64xf32, #tpu.memory_space<hbm>>) dst(%arg8 : memref<80x64xf32, #tpu.memory_space<vmem>>)
      %dma_start3A_386 = arith.constant 0 : i32
      %dma_start3A_387 = tpu.memref_slice %arg6[%add3A_375, %dma_start3A_386] : memref<250x80xi32, #tpu.memory_space<vmem>> -> memref<1x80xi32, #tpu.memory_space<vmem>>
      %dma_start3A_388 = tpu.memref_squeeze %dma_start3A_387 : memref<1x80xi32, #tpu.memory_space<vmem>> -> memref<80xi32, #tpu.memory_space<vmem>>
      %dma_start3A_389 = arith.constant 0 : i32
      %dma_start3A_390 = arith.constant 0 : i32
      %dma_start3A_391 = tpu.memref_slice %arg16[%dma_start3A_389, %dma_start3A_390] : memref<10000x64xf32, #tpu.memory_space<vmem_shared>> -> memref<10000x64xf32, #tpu.memory_space<vmem_shared>>
      tpu.enqueue_indirect_dma source(%arg8 : memref<80x64xf32, #tpu.memory_space<vmem>>) target(%dma_start3A_391 : memref<10000x64xf32, #tpu.memory_space<vmem_shared>>) offsets(%dma_start3A_388 : memref<80xi32, #tpu.memory_space<vmem>>) semaphore(%arg27 : memref<!tpu.dma_semaphore, #tpu.memory_space<semaphore_mem>>) {add = true}
      %add3A_392 = arith.constant 9 : i32
      %add3A_393 = arith.addi %add3A_375, %add3A_392 : i32
      %sub3A_394 = arith.constant 1 : i32
      %sub3A_395 = arith.subi %add3A_393, %sub3A_394 : i32
      %lt3A_396 = arith.constant 250 : i32
      %lt3A_397 = arith.cmpi slt, %sub3A_395, %lt3A_396 : i32
      %convert_element_type3A_398 = arith.extui %lt3A_397 : i1 to i32
      %cond3A_399 = arith.constant 0 : i32
      %cond3A_400 = arith.cmpi ne, %convert_element_type3A_398, %cond3A_399 : i32
      scf.if %cond3A_400 {
        %sub3A_630 = arith.constant 1 : i32
        %sub3A_631 = arith.subi %add3A_375, %sub3A_630 : i32
        %dma_wait3A_632 = arith.constant 0 : i32
        %dma_wait3A_633 = tpu.memref_slice %arg6[%sub3A_631, %dma_wait3A_632] : memref<250x80xi32, #tpu.memory_space<vmem>> -> memref<1x80xi32, #tpu.memory_space<vmem>>
        %dma_wait3A_634 = tpu.memref_squeeze %dma_wait3A_633 : memref<1x80xi32, #tpu.memory_space<vmem>> -> memref<80xi32, #tpu.memory_space<vmem>>
        %dma_wait3A_635 = arith.constant 0 : i32
        %dma_wait3A_636 = arith.constant 0 : i32
        %dma_wait3A_637 = tpu.memref_slice %arg16[%dma_wait3A_635, %dma_wait3A_636] : memref<10000x64xf32, #tpu.memory_space<vmem_shared>> -> memref<10000x64xf32, #tpu.memory_space<vmem_shared>>
        tpu.wait_indirect_dma semaphore(%arg26 : memref<!tpu.dma_semaphore, #tpu.memory_space<semaphore_mem>>) src(%arg7 : memref<80x64xf32, #tpu.memory_space<vmem>>) dst(%dma_wait3A_637 : memref<10000x64xf32, #tpu.memory_space<vmem_shared>>)
      } else {
      }
      %lt3A_401 = arith.constant 250 : i32
      %lt3A_402 = arith.cmpi slt, %sub3A_395, %lt3A_401 : i32
      %convert_element_type3A_403 = arith.extui %lt3A_402 : i1 to i32
      %cond3A_404 = arith.constant 0 : i32
      %cond3A_405 = arith.cmpi ne, %convert_element_type3A_403, %cond3A_404 : i32
      scf.if %cond3A_405 {
        %dma_start3A_630 = arith.constant 0 : i32
        %dma_start3A_631 = tpu.memref_slice %arg5[%sub3A_395, %dma_start3A_630] : memref<250x80xi32, #tpu.memory_space<vmem>> -> memref<1x80xi32, #tpu.memory_space<vmem>>
        %dma_start3A_632 = tpu.memref_squeeze %dma_start3A_631 : memref<1x80xi32, #tpu.memory_space<vmem>> -> memref<80xi32, #tpu.memory_space<vmem>>
        %dma_start3A_633 = arith.constant 0 : i32
        %dma_start3A_634 = arith.constant 0 : i32
        %dma_start3A_635 = tpu.memref_slice %arg2[%arg0, %dma_start3A_633, %dma_start3A_634] : memref<2x10000x64xf32, #tpu.memory_space<hbm>> -> memref<1x10000x64xf32, #tpu.memory_space<hbm>>
        %dma_start3A_636 = tpu.memref_squeeze %dma_start3A_635 : memref<1x10000x64xf32, #tpu.memory_space<hbm>> -> memref<10000x64xf32, #tpu.memory_space<hbm>>
        %dma_start3A_637 = arith.constant 0 : i32
        %dma_start3A_638 = arith.constant 0 : i32
        %dma_start3A_639 = tpu.memref_slice %dma_start3A_636[%dma_start3A_637, %dma_start3A_638] : memref<10000x64xf32, #tpu.memory_space<hbm>> -> memref<10000x64xf32, #tpu.memory_space<hbm>>
        tpu.enqueue_indirect_dma source(%dma_start3A_639 : memref<10000x64xf32, #tpu.memory_space<hbm>>) target(%arg7 : memref<80x64xf32, #tpu.memory_space<vmem>>) offsets(%dma_start3A_632 : memref<80xi32, #tpu.memory_space<vmem>>) semaphore(%arg17 : memref<!tpu.dma_semaphore, #tpu.memory_space<semaphore_mem>>)
      } else {
      }
      %add3A_406 = arith.constant 2 : i32
      %add3A_407 = arith.addi %mul3A_343, %add3A_406 : i32
      %dma_wait3A_408 = arith.constant 0 : i32
      %dma_wait3A_409 = tpu.memref_slice %arg5[%add3A_407, %dma_wait3A_408] : memref<250x80xi32, #tpu.memory_space<vmem>> -> memref<1x80xi32, #tpu.memory_space<vmem>>
      %dma_wait3A_410 = tpu.memref_squeeze %dma_wait3A_409 : memref<1x80xi32, #tpu.memory_space<vmem>> -> memref<80xi32, #tpu.memory_space<vmem>>
      %dma_wait3A_411 = arith.constant 0 : i32
      %dma_wait3A_412 = arith.constant 0 : i32
      %dma_wait3A_413 = tpu.memref_slice %arg2[%arg0, %dma_wait3A_411, %dma_wait3A_412] : memref<2x10000x64xf32, #tpu.memory_space<hbm>> -> memref<1x10000x64xf32, #tpu.memory_space<hbm>>
      %dma_wait3A_414 = tpu.memref_squeeze %dma_wait3A_413 : memref<1x10000x64xf32, #tpu.memory_space<hbm>> -> memref<10000x64xf32, #tpu.memory_space<hbm>>
      %dma_wait3A_415 = arith.constant 0 : i32
      %dma_wait3A_416 = arith.constant 0 : i32
      %dma_wait3A_417 = tpu.memref_slice %dma_wait3A_414[%dma_wait3A_415, %dma_wait3A_416] : memref<10000x64xf32, #tpu.memory_space<hbm>> -> memref<10000x64xf32, #tpu.memory_space<hbm>>
      tpu.wait_indirect_dma semaphore(%arg19 : memref<!tpu.dma_semaphore, #tpu.memory_space<semaphore_mem>>) src(%dma_wait3A_417 : memref<10000x64xf32, #tpu.memory_space<hbm>>) dst(%arg9 : memref<80x64xf32, #tpu.memory_space<vmem>>)
      %dma_start3A_418 = arith.constant 0 : i32
      %dma_start3A_419 = tpu.memref_slice %arg6[%add3A_407, %dma_start3A_418] : memref<250x80xi32, #tpu.memory_space<vmem>> -> memref<1x80xi32, #tpu.memory_space<vmem>>
      %dma_start3A_420 = tpu.memref_squeeze %dma_start3A_419 : memref<1x80xi32, #tpu.memory_space<vmem>> -> memref<80xi32, #tpu.memory_space<vmem>>
      %dma_start3A_421 = arith.constant 0 : i32
      %dma_start3A_422 = arith.constant 0 : i32
      %dma_start3A_423 = tpu.memref_slice %arg16[%dma_start3A_421, %dma_start3A_422] : memref<10000x64xf32, #tpu.memory_space<vmem_shared>> -> memref<10000x64xf32, #tpu.memory_space<vmem_shared>>
      tpu.enqueue_indirect_dma source(%arg9 : memref<80x64xf32, #tpu.memory_space<vmem>>) target(%dma_start3A_423 : memref<10000x64xf32, #tpu.memory_space<vmem_shared>>) offsets(%dma_start3A_420 : memref<80xi32, #tpu.memory_space<vmem>>) semaphore(%arg28 : memref<!tpu.dma_semaphore, #tpu.memory_space<semaphore_mem>>) {add = true}
      %add3A_424 = arith.constant 9 : i32
      %add3A_425 = arith.addi %add3A_407, %add3A_424 : i32
      %sub3A_426 = arith.constant 1 : i32
      %sub3A_427 = arith.subi %add3A_425, %sub3A_426 : i32
      %lt3A_428 = arith.constant 250 : i32
      %lt3A_429 = arith.cmpi slt, %sub3A_427, %lt3A_428 : i32
      %convert_element_type3A_430 = arith.extui %lt3A_429 : i1 to i32
      %cond3A_431 = arith.constant 0 : i32
      %cond3A_432 = arith.cmpi ne, %convert_element_type3A_430, %cond3A_431 : i32
      scf.if %cond3A_432 {
        %sub3A_630 = arith.constant 1 : i32
        %sub3A_631 = arith.subi %add3A_407, %sub3A_630 : i32
        %dma_wait3A_632 = arith.constant 0 : i32
        %dma_wait3A_633 = tpu.memref_slice %arg6[%sub3A_631, %dma_wait3A_632] : memref<250x80xi32, #tpu.memory_space<vmem>> -> memref<1x80xi32, #tpu.memory_space<vmem>>
        %dma_wait3A_634 = tpu.memref_squeeze %dma_wait3A_633 : memref<1x80xi32, #tpu.memory_space<vmem>> -> memref<80xi32, #tpu.memory_space<vmem>>
        %dma_wait3A_635 = arith.constant 0 : i32
        %dma_wait3A_636 = arith.constant 0 : i32
        %dma_wait3A_637 = tpu.memref_slice %arg16[%dma_wait3A_635, %dma_wait3A_636] : memref<10000x64xf32, #tpu.memory_space<vmem_shared>> -> memref<10000x64xf32, #tpu.memory_space<vmem_shared>>
        tpu.wait_indirect_dma semaphore(%arg27 : memref<!tpu.dma_semaphore, #tpu.memory_space<semaphore_mem>>) src(%arg8 : memref<80x64xf32, #tpu.memory_space<vmem>>) dst(%dma_wait3A_637 : memref<10000x64xf32, #tpu.memory_space<vmem_shared>>)
      } else {
      }
      %lt3A_433 = arith.constant 250 : i32
      %lt3A_434 = arith.cmpi slt, %sub3A_427, %lt3A_433 : i32
      %convert_element_type3A_435 = arith.extui %lt3A_434 : i1 to i32
      %cond3A_436 = arith.constant 0 : i32
      %cond3A_437 = arith.cmpi ne, %convert_element_type3A_435, %cond3A_436 : i32
      scf.if %cond3A_437 {
        %dma_start3A_630 = arith.constant 0 : i32
        %dma_start3A_631 = tpu.memref_slice %arg5[%sub3A_427, %dma_start3A_630] : memref<250x80xi32, #tpu.memory_space<vmem>> -> memref<1x80xi32, #tpu.memory_space<vmem>>
        %dma_start3A_632 = tpu.memref_squeeze %dma_start3A_631 : memref<1x80xi32, #tpu.memory_space<vmem>> -> memref<80xi32, #tpu.memory_space<vmem>>
        %dma_start3A_633 = arith.constant 0 : i32
        %dma_start3A_634 = arith.constant 0 : i32
        %dma_start3A_635 = tpu.memref_slice %arg2[%arg0, %dma_start3A_633, %dma_start3A_634] : memref<2x10000x64xf32, #tpu.memory_space<hbm>> -> memref<1x10000x64xf32, #tpu.memory_space<hbm>>
        %dma_start3A_636 = tpu.memref_squeeze %dma_start3A_635 : memref<1x10000x64xf32, #tpu.memory_space<hbm>> -> memref<10000x64xf32, #tpu.memory_space<hbm>>
        %dma_start3A_637 = arith.constant 0 : i32
        %dma_start3A_638 = arith.constant 0 : i32
        %dma_start3A_639 = tpu.memref_slice %dma_start3A_636[%dma_start3A_637, %dma_start3A_638] : memref<10000x64xf32, #tpu.memory_space<hbm>> -> memref<10000x64xf32, #tpu.memory_space<hbm>>
        tpu.enqueue_indirect_dma source(%dma_start3A_639 : memref<10000x64xf32, #tpu.memory_space<hbm>>) target(%arg8 : memref<80x64xf32, #tpu.memory_space<vmem>>) offsets(%dma_start3A_632 : memref<80xi32, #tpu.memory_space<vmem>>) semaphore(%arg18 : memref<!tpu.dma_semaphore, #tpu.memory_space<semaphore_mem>>)
      } else {
      }
      %add3A_438 = arith.constant 3 : i32
      %add3A_439 = arith.addi %mul3A_343, %add3A_438 : i32
      %dma_wait3A_440 = arith.constant 0 : i32
      %dma_wait3A_441 = tpu.memref_slice %arg5[%add3A_439, %dma_wait3A_440] : memref<250x80xi32, #tpu.memory_space<vmem>> -> memref<1x80xi32, #tpu.memory_space<vmem>>
      %dma_wait3A_442 = tpu.memref_squeeze %dma_wait3A_441 : memref<1x80xi32, #tpu.memory_space<vmem>> -> memref<80xi32, #tpu.memory_space<vmem>>
      %dma_wait3A_443 = arith.constant 0 : i32
      %dma_wait3A_444 = arith.constant 0 : i32
      %dma_wait3A_445 = tpu.memref_slice %arg2[%arg0, %dma_wait3A_443, %dma_wait3A_444] : memref<2x10000x64xf32, #tpu.memory_space<hbm>> -> memref<1x10000x64xf32, #tpu.memory_space<hbm>>
      %dma_wait3A_446 = tpu.memref_squeeze %dma_wait3A_445 : memref<1x10000x64xf32, #tpu.memory_space<hbm>> -> memref<10000x64xf32, #tpu.memory_space<hbm>>
      %dma_wait3A_447 = arith.constant 0 : i32
      %dma_wait3A_448 = arith.constant 0 : i32
      %dma_wait3A_449 = tpu.memref_slice %dma_wait3A_446[%dma_wait3A_447, %dma_wait3A_448] : memref<10000x64xf32, #tpu.memory_space<hbm>> -> memref<10000x64xf32, #tpu.memory_space<hbm>>
      tpu.wait_indirect_dma semaphore(%arg20 : memref<!tpu.dma_semaphore, #tpu.memory_space<semaphore_mem>>) src(%dma_wait3A_449 : memref<10000x64xf32, #tpu.memory_space<hbm>>) dst(%arg10 : memref<80x64xf32, #tpu.memory_space<vmem>>)
      %dma_start3A_450 = arith.constant 0 : i32
      %dma_start3A_451 = tpu.memref_slice %arg6[%add3A_439, %dma_start3A_450] : memref<250x80xi32, #tpu.memory_space<vmem>> -> memref<1x80xi32, #tpu.memory_space<vmem>>
      %dma_start3A_452 = tpu.memref_squeeze %dma_start3A_451 : memref<1x80xi32, #tpu.memory_space<vmem>> -> memref<80xi32, #tpu.memory_space<vmem>>
      %dma_start3A_453 = arith.constant 0 : i32
      %dma_start3A_454 = arith.constant 0 : i32
      %dma_start3A_455 = tpu.memref_slice %arg16[%dma_start3A_453, %dma_start3A_454] : memref<10000x64xf32, #tpu.memory_space<vmem_shared>> -> memref<10000x64xf32, #tpu.memory_space<vmem_shared>>
      tpu.enqueue_indirect_dma source(%arg10 : memref<80x64xf32, #tpu.memory_space<vmem>>) target(%dma_start3A_455 : memref<10000x64xf32, #tpu.memory_space<vmem_shared>>) offsets(%dma_start3A_452 : memref<80xi32, #tpu.memory_space<vmem>>) semaphore(%arg29 : memref<!tpu.dma_semaphore, #tpu.memory_space<semaphore_mem>>) {add = true}
      %add3A_456 = arith.constant 9 : i32
      %add3A_457 = arith.addi %add3A_439, %add3A_456 : i32
      %sub3A_458 = arith.constant 1 : i32
      %sub3A_459 = arith.subi %add3A_457, %sub3A_458 : i32
      %lt3A_460 = arith.constant 250 : i32
      %lt3A_461 = arith.cmpi slt, %sub3A_459, %lt3A_460 : i32
      %convert_element_type3A_462 = arith.extui %lt3A_461 : i1 to i32
      %cond3A_463 = arith.constant 0 : i32
      %cond3A_464 = arith.cmpi ne, %convert_element_type3A_462, %cond3A_463 : i32
      scf.if %cond3A_464 {
        %sub3A_630 = arith.constant 1 : i32
        %sub3A_631 = arith.subi %add3A_439, %sub3A_630 : i32
        %dma_wait3A_632 = arith.constant 0 : i32
        %dma_wait3A_633 = tpu.memref_slice %arg6[%sub3A_631, %dma_wait3A_632] : memref<250x80xi32, #tpu.memory_space<vmem>> -> memref<1x80xi32, #tpu.memory_space<vmem>>
        %dma_wait3A_634 = tpu.memref_squeeze %dma_wait3A_633 : memref<1x80xi32, #tpu.memory_space<vmem>> -> memref<80xi32, #tpu.memory_space<vmem>>
        %dma_wait3A_635 = arith.constant 0 : i32
        %dma_wait3A_636 = arith.constant 0 : i32
        %dma_wait3A_637 = tpu.memref_slice %arg16[%dma_wait3A_635, %dma_wait3A_636] : memref<10000x64xf32, #tpu.memory_space<vmem_shared>> -> memref<10000x64xf32, #tpu.memory_space<vmem_shared>>
        tpu.wait_indirect_dma semaphore(%arg28 : memref<!tpu.dma_semaphore, #tpu.memory_space<semaphore_mem>>) src(%arg9 : memref<80x64xf32, #tpu.memory_space<vmem>>) dst(%dma_wait3A_637 : memref<10000x64xf32, #tpu.memory_space<vmem_shared>>)
      } else {
      }
      %lt3A_465 = arith.constant 250 : i32
      %lt3A_466 = arith.cmpi slt, %sub3A_459, %lt3A_465 : i32
      %convert_element_type3A_467 = arith.extui %lt3A_466 : i1 to i32
      %cond3A_468 = arith.constant 0 : i32
      %cond3A_469 = arith.cmpi ne, %convert_element_type3A_467, %cond3A_468 : i32
      scf.if %cond3A_469 {
        %dma_start3A_630 = arith.constant 0 : i32
        %dma_start3A_631 = tpu.memref_slice %arg5[%sub3A_459, %dma_start3A_630] : memref<250x80xi32, #tpu.memory_space<vmem>> -> memref<1x80xi32, #tpu.memory_space<vmem>>
        %dma_start3A_632 = tpu.memref_squeeze %dma_start3A_631 : memref<1x80xi32, #tpu.memory_space<vmem>> -> memref<80xi32, #tpu.memory_space<vmem>>
        %dma_start3A_633 = arith.constant 0 : i32
        %dma_start3A_634 = arith.constant 0 : i32
        %dma_start3A_635 = tpu.memref_slice %arg2[%arg0, %dma_start3A_633, %dma_start3A_634] : memref<2x10000x64xf32, #tpu.memory_space<hbm>> -> memref<1x10000x64xf32, #tpu.memory_space<hbm>>
        %dma_start3A_636 = tpu.memref_squeeze %dma_start3A_635 : memref<1x10000x64xf32, #tpu.memory_space<hbm>> -> memref<10000x64xf32, #tpu.memory_space<hbm>>
        %dma_start3A_637 = arith.constant 0 : i32
        %dma_start3A_638 = arith.constant 0 : i32
        %dma_start3A_639 = tpu.memref_slice %dma_start3A_636[%dma_start3A_637, %dma_start3A_638] : memref<10000x64xf32, #tpu.memory_space<hbm>> -> memref<10000x64xf32, #tpu.memory_space<hbm>>
        tpu.enqueue_indirect_dma source(%dma_start3A_639 : memref<10000x64xf32, #tpu.memory_space<hbm>>) target(%arg9 : memref<80x64xf32, #tpu.memory_space<vmem>>) offsets(%dma_start3A_632 : memref<80xi32, #tpu.memory_space<vmem>>) semaphore(%arg19 : memref<!tpu.dma_semaphore, #tpu.memory_space<semaphore_mem>>)
      } else {
      }
      %add3A_470 = arith.constant 4 : i32
      %add3A_471 = arith.addi %mul3A_343, %add3A_470 : i32
      %dma_wait3A_472 = arith.constant 0 : i32
      %dma_wait3A_473 = tpu.memref_slice %arg5[%add3A_471, %dma_wait3A_472] : memref<250x80xi32, #tpu.memory_space<vmem>> -> memref<1x80xi32, #tpu.memory_space<vmem>>
      %dma_wait3A_474 = tpu.memref_squeeze %dma_wait3A_473 : memref<1x80xi32, #tpu.memory_space<vmem>> -> memref<80xi32, #tpu.memory_space<vmem>>
      %dma_wait3A_475 = arith.constant 0 : i32
      %dma_wait3A_476 = arith.constant 0 : i32
      %dma_wait3A_477 = tpu.memref_slice %arg2[%arg0, %dma_wait3A_475, %dma_wait3A_476] : memref<2x10000x64xf32, #tpu.memory_space<hbm>> -> memref<1x10000x64xf32, #tpu.memory_space<hbm>>
      %dma_wait3A_478 = tpu.memref_squeeze %dma_wait3A_477 : memref<1x10000x64xf32, #tpu.memory_space<hbm>> -> memref<10000x64xf32, #tpu.memory_space<hbm>>
      %dma_wait3A_479 = arith.constant 0 : i32
      %dma_wait3A_480 = arith.constant 0 : i32
      %dma_wait3A_481 = tpu.memref_slice %dma_wait3A_478[%dma_wait3A_479, %dma_wait3A_480] : memref<10000x64xf32, #tpu.memory_space<hbm>> -> memref<10000x64xf32, #tpu.memory_space<hbm>>
      tpu.wait_indirect_dma semaphore(%arg21 : memref<!tpu.dma_semaphore, #tpu.memory_space<semaphore_mem>>) src(%dma_wait3A_481 : memref<10000x64xf32, #tpu.memory_space<hbm>>) dst(%arg11 : memref<80x64xf32, #tpu.memory_space<vmem>>)
      %dma_start3A_482 = arith.constant 0 : i32
      %dma_start3A_483 = tpu.memref_slice %arg6[%add3A_471, %dma_start3A_482] : memref<250x80xi32, #tpu.memory_space<vmem>> -> memref<1x80xi32, #tpu.memory_space<vmem>>
      %dma_start3A_484 = tpu.memref_squeeze %dma_start3A_483 : memref<1x80xi32, #tpu.memory_space<vmem>> -> memref<80xi32, #tpu.memory_space<vmem>>
      %dma_start3A_485 = arith.constant 0 : i32
      %dma_start3A_486 = arith.constant 0 : i32
      %dma_start3A_487 = tpu.memref_slice %arg16[%dma_start3A_485, %dma_start3A_486] : memref<10000x64xf32, #tpu.memory_space<vmem_shared>> -> memref<10000x64xf32, #tpu.memory_space<vmem_shared>>
      tpu.enqueue_indirect_dma source(%arg11 : memref<80x64xf32, #tpu.memory_space<vmem>>) target(%dma_start3A_487 : memref<10000x64xf32, #tpu.memory_space<vmem_shared>>) offsets(%dma_start3A_484 : memref<80xi32, #tpu.memory_space<vmem>>) semaphore(%arg30 : memref<!tpu.dma_semaphore, #tpu.memory_space<semaphore_mem>>) {add = true}
      %add3A_488 = arith.constant 9 : i32
      %add3A_489 = arith.addi %add3A_471, %add3A_488 : i32
      %sub3A_490 = arith.constant 1 : i32
      %sub3A_491 = arith.subi %add3A_489, %sub3A_490 : i32
      %lt3A_492 = arith.constant 250 : i32
      %lt3A_493 = arith.cmpi slt, %sub3A_491, %lt3A_492 : i32
      %convert_element_type3A_494 = arith.extui %lt3A_493 : i1 to i32
      %cond3A_495 = arith.constant 0 : i32
      %cond3A_496 = arith.cmpi ne, %convert_element_type3A_494, %cond3A_495 : i32
      scf.if %cond3A_496 {
        %sub3A_630 = arith.constant 1 : i32
        %sub3A_631 = arith.subi %add3A_471, %sub3A_630 : i32
        %dma_wait3A_632 = arith.constant 0 : i32
        %dma_wait3A_633 = tpu.memref_slice %arg6[%sub3A_631, %dma_wait3A_632] : memref<250x80xi32, #tpu.memory_space<vmem>> -> memref<1x80xi32, #tpu.memory_space<vmem>>
        %dma_wait3A_634 = tpu.memref_squeeze %dma_wait3A_633 : memref<1x80xi32, #tpu.memory_space<vmem>> -> memref<80xi32, #tpu.memory_space<vmem>>
        %dma_wait3A_635 = arith.constant 0 : i32
        %dma_wait3A_636 = arith.constant 0 : i32
        %dma_wait3A_637 = tpu.memref_slice %arg16[%dma_wait3A_635, %dma_wait3A_636] : memref<10000x64xf32, #tpu.memory_space<vmem_shared>> -> memref<10000x64xf32, #tpu.memory_space<vmem_shared>>
        tpu.wait_indirect_dma semaphore(%arg29 : memref<!tpu.dma_semaphore, #tpu.memory_space<semaphore_mem>>) src(%arg10 : memref<80x64xf32, #tpu.memory_space<vmem>>) dst(%dma_wait3A_637 : memref<10000x64xf32, #tpu.memory_space<vmem_shared>>)
      } else {
      }
      %lt3A_497 = arith.constant 250 : i32
      %lt3A_498 = arith.cmpi slt, %sub3A_491, %lt3A_497 : i32
      %convert_element_type3A_499 = arith.extui %lt3A_498 : i1 to i32
      %cond3A_500 = arith.constant 0 : i32
      %cond3A_501 = arith.cmpi ne, %convert_element_type3A_499, %cond3A_500 : i32
      scf.if %cond3A_501 {
        %dma_start3A_630 = arith.constant 0 : i32
        %dma_start3A_631 = tpu.memref_slice %arg5[%sub3A_491, %dma_start3A_630] : memref<250x80xi32, #tpu.memory_space<vmem>> -> memref<1x80xi32, #tpu.memory_space<vmem>>
        %dma_start3A_632 = tpu.memref_squeeze %dma_start3A_631 : memref<1x80xi32, #tpu.memory_space<vmem>> -> memref<80xi32, #tpu.memory_space<vmem>>
        %dma_start3A_633 = arith.constant 0 : i32
        %dma_start3A_634 = arith.constant 0 : i32
        %dma_start3A_635 = tpu.memref_slice %arg2[%arg0, %dma_start3A_633, %dma_start3A_634] : memref<2x10000x64xf32, #tpu.memory_space<hbm>> -> memref<1x10000x64xf32, #tpu.memory_space<hbm>>
        %dma_start3A_636 = tpu.memref_squeeze %dma_start3A_635 : memref<1x10000x64xf32, #tpu.memory_space<hbm>> -> memref<10000x64xf32, #tpu.memory_space<hbm>>
        %dma_start3A_637 = arith.constant 0 : i32
        %dma_start3A_638 = arith.constant 0 : i32
        %dma_start3A_639 = tpu.memref_slice %dma_start3A_636[%dma_start3A_637, %dma_start3A_638] : memref<10000x64xf32, #tpu.memory_space<hbm>> -> memref<10000x64xf32, #tpu.memory_space<hbm>>
        tpu.enqueue_indirect_dma source(%dma_start3A_639 : memref<10000x64xf32, #tpu.memory_space<hbm>>) target(%arg10 : memref<80x64xf32, #tpu.memory_space<vmem>>) offsets(%dma_start3A_632 : memref<80xi32, #tpu.memory_space<vmem>>) semaphore(%arg20 : memref<!tpu.dma_semaphore, #tpu.memory_space<semaphore_mem>>)
      } else {
      }
      %add3A_502 = arith.constant 5 : i32
      %add3A_503 = arith.addi %mul3A_343, %add3A_502 : i32
      %dma_wait3A_504 = arith.constant 0 : i32
      %dma_wait3A_505 = tpu.memref_slice %arg5[%add3A_503, %dma_wait3A_504] : memref<250x80xi32, #tpu.memory_space<vmem>> -> memref<1x80xi32, #tpu.memory_space<vmem>>
      %dma_wait3A_506 = tpu.memref_squeeze %dma_wait3A_505 : memref<1x80xi32, #tpu.memory_space<vmem>> -> memref<80xi32, #tpu.memory_space<vmem>>
      %dma_wait3A_507 = arith.constant 0 : i32
      %dma_wait3A_508 = arith.constant 0 : i32
      %dma_wait3A_509 = tpu.memref_slice %arg2[%arg0, %dma_wait3A_507, %dma_wait3A_508] : memref<2x10000x64xf32, #tpu.memory_space<hbm>> -> memref<1x10000x64xf32, #tpu.memory_space<hbm>>
      %dma_wait3A_510 = tpu.memref_squeeze %dma_wait3A_509 : memref<1x10000x64xf32, #tpu.memory_space<hbm>> -> memref<10000x64xf32, #tpu.memory_space<hbm>>
      %dma_wait3A_511 = arith.constant 0 : i32
      %dma_wait3A_512 = arith.constant 0 : i32
      %dma_wait3A_513 = tpu.memref_slice %dma_wait3A_510[%dma_wait3A_511, %dma_wait3A_512] : memref<10000x64xf32, #tpu.memory_space<hbm>> -> memref<10000x64xf32, #tpu.memory_space<hbm>>
      tpu.wait_indirect_dma semaphore(%arg22 : memref<!tpu.dma_semaphore, #tpu.memory_space<semaphore_mem>>) src(%dma_wait3A_513 : memref<10000x64xf32, #tpu.memory_space<hbm>>) dst(%arg12 : memref<80x64xf32, #tpu.memory_space<vmem>>)
      %dma_start3A_514 = arith.constant 0 : i32
      %dma_start3A_515 = tpu.memref_slice %arg6[%add3A_503, %dma_start3A_514] : memref<250x80xi32, #tpu.memory_space<vmem>> -> memref<1x80xi32, #tpu.memory_space<vmem>>
      %dma_start3A_516 = tpu.memref_squeeze %dma_start3A_515 : memref<1x80xi32, #tpu.memory_space<vmem>> -> memref<80xi32, #tpu.memory_space<vmem>>
      %dma_start3A_517 = arith.constant 0 : i32
      %dma_start3A_518 = arith.constant 0 : i32
      %dma_start3A_519 = tpu.memref_slice %arg16[%dma_start3A_517, %dma_start3A_518] : memref<10000x64xf32, #tpu.memory_space<vmem_shared>> -> memref<10000x64xf32, #tpu.memory_space<vmem_shared>>
      tpu.enqueue_indirect_dma source(%arg12 : memref<80x64xf32, #tpu.memory_space<vmem>>) target(%dma_start3A_519 : memref<10000x64xf32, #tpu.memory_space<vmem_shared>>) offsets(%dma_start3A_516 : memref<80xi32, #tpu.memory_space<vmem>>) semaphore(%arg31 : memref<!tpu.dma_semaphore, #tpu.memory_space<semaphore_mem>>) {add = true}
      %add3A_520 = arith.constant 9 : i32
      %add3A_521 = arith.addi %add3A_503, %add3A_520 : i32
      %sub3A_522 = arith.constant 1 : i32
      %sub3A_523 = arith.subi %add3A_521, %sub3A_522 : i32
      %lt3A_524 = arith.constant 250 : i32
      %lt3A_525 = arith.cmpi slt, %sub3A_523, %lt3A_524 : i32
      %convert_element_type3A_526 = arith.extui %lt3A_525 : i1 to i32
      %cond3A_527 = arith.constant 0 : i32
      %cond3A_528 = arith.cmpi ne, %convert_element_type3A_526, %cond3A_527 : i32
      scf.if %cond3A_528 {
        %sub3A_630 = arith.constant 1 : i32
        %sub3A_631 = arith.subi %add3A_503, %sub3A_630 : i32
        %dma_wait3A_632 = arith.constant 0 : i32
        %dma_wait3A_633 = tpu.memref_slice %arg6[%sub3A_631, %dma_wait3A_632] : memref<250x80xi32, #tpu.memory_space<vmem>> -> memref<1x80xi32, #tpu.memory_space<vmem>>
        %dma_wait3A_634 = tpu.memref_squeeze %dma_wait3A_633 : memref<1x80xi32, #tpu.memory_space<vmem>> -> memref<80xi32, #tpu.memory_space<vmem>>
        %dma_wait3A_635 = arith.constant 0 : i32
        %dma_wait3A_636 = arith.constant 0 : i32
        %dma_wait3A_637 = tpu.memref_slice %arg16[%dma_wait3A_635, %dma_wait3A_636] : memref<10000x64xf32, #tpu.memory_space<vmem_shared>> -> memref<10000x64xf32, #tpu.memory_space<vmem_shared>>
        tpu.wait_indirect_dma semaphore(%arg30 : memref<!tpu.dma_semaphore, #tpu.memory_space<semaphore_mem>>) src(%arg11 : memref<80x64xf32, #tpu.memory_space<vmem>>) dst(%dma_wait3A_637 : memref<10000x64xf32, #tpu.memory_space<vmem_shared>>)
      } else {
      }
      %lt3A_529 = arith.constant 250 : i32
      %lt3A_530 = arith.cmpi slt, %sub3A_523, %lt3A_529 : i32
      %convert_element_type3A_531 = arith.extui %lt3A_530 : i1 to i32
      %cond3A_532 = arith.constant 0 : i32
      %cond3A_533 = arith.cmpi ne, %convert_element_type3A_531, %cond3A_532 : i32
      scf.if %cond3A_533 {
        %dma_start3A_630 = arith.constant 0 : i32
        %dma_start3A_631 = tpu.memref_slice %arg5[%sub3A_523, %dma_start3A_630] : memref<250x80xi32, #tpu.memory_space<vmem>> -> memref<1x80xi32, #tpu.memory_space<vmem>>
        %dma_start3A_632 = tpu.memref_squeeze %dma_start3A_631 : memref<1x80xi32, #tpu.memory_space<vmem>> -> memref<80xi32, #tpu.memory_space<vmem>>
        %dma_start3A_633 = arith.constant 0 : i32
        %dma_start3A_634 = arith.constant 0 : i32
        %dma_start3A_635 = tpu.memref_slice %arg2[%arg0, %dma_start3A_633, %dma_start3A_634] : memref<2x10000x64xf32, #tpu.memory_space<hbm>> -> memref<1x10000x64xf32, #tpu.memory_space<hbm>>
        %dma_start3A_636 = tpu.memref_squeeze %dma_start3A_635 : memref<1x10000x64xf32, #tpu.memory_space<hbm>> -> memref<10000x64xf32, #tpu.memory_space<hbm>>
        %dma_start3A_637 = arith.constant 0 : i32
        %dma_start3A_638 = arith.constant 0 : i32
        %dma_start3A_639 = tpu.memref_slice %dma_start3A_636[%dma_start3A_637, %dma_start3A_638] : memref<10000x64xf32, #tpu.memory_space<hbm>> -> memref<10000x64xf32, #tpu.memory_space<hbm>>
        tpu.enqueue_indirect_dma source(%dma_start3A_639 : memref<10000x64xf32, #tpu.memory_space<hbm>>) target(%arg11 : memref<80x64xf32, #tpu.memory_space<vmem>>) offsets(%dma_start3A_632 : memref<80xi32, #tpu.memory_space<vmem>>) semaphore(%arg21 : memref<!tpu.dma_semaphore, #tpu.memory_space<semaphore_mem>>)
      } else {
      }
      %add3A_534 = arith.constant 6 : i32
      %add3A_535 = arith.addi %mul3A_343, %add3A_534 : i32
      %dma_wait3A_536 = arith.constant 0 : i32
      %dma_wait3A_537 = tpu.memref_slice %arg5[%add3A_535, %dma_wait3A_536] : memref<250x80xi32, #tpu.memory_space<vmem>> -> memref<1x80xi32, #tpu.memory_space<vmem>>
      %dma_wait3A_538 = tpu.memref_squeeze %dma_wait3A_537 : memref<1x80xi32, #tpu.memory_space<vmem>> -> memref<80xi32, #tpu.memory_space<vmem>>
      %dma_wait3A_539 = arith.constant 0 : i32
      %dma_wait3A_540 = arith.constant 0 : i32
      %dma_wait3A_541 = tpu.memref_slice %arg2[%arg0, %dma_wait3A_539, %dma_wait3A_540] : memref<2x10000x64xf32, #tpu.memory_space<hbm>> -> memref<1x10000x64xf32, #tpu.memory_space<hbm>>
      %dma_wait3A_542 = tpu.memref_squeeze %dma_wait3A_541 : memref<1x10000x64xf32, #tpu.memory_space<hbm>> -> memref<10000x64xf32, #tpu.memory_space<hbm>>
      %dma_wait3A_543 = arith.constant 0 : i32
      %dma_wait3A_544 = arith.constant 0 : i32
      %dma_wait3A_545 = tpu.memref_slice %dma_wait3A_542[%dma_wait3A_543, %dma_wait3A_544] : memref<10000x64xf32, #tpu.memory_space<hbm>> -> memref<10000x64xf32, #tpu.memory_space<hbm>>
      tpu.wait_indirect_dma semaphore(%arg23 : memref<!tpu.dma_semaphore, #tpu.memory_space<semaphore_mem>>) src(%dma_wait3A_545 : memref<10000x64xf32, #tpu.memory_space<hbm>>) dst(%arg13 : memref<80x64xf32, #tpu.memory_space<vmem>>)
      %dma_start3A_546 = arith.constant 0 : i32
      %dma_start3A_547 = tpu.memref_slice %arg6[%add3A_535, %dma_start3A_546] : memref<250x80xi32, #tpu.memory_space<vmem>> -> memref<1x80xi32, #tpu.memory_space<vmem>>
      %dma_start3A_548 = tpu.memref_squeeze %dma_start3A_547 : memref<1x80xi32, #tpu.memory_space<vmem>> -> memref<80xi32, #tpu.memory_space<vmem>>
      %dma_start3A_549 = arith.constant 0 : i32
      %dma_start3A_550 = arith.constant 0 : i32
      %dma_start3A_551 = tpu.memref_slice %arg16[%dma_start3A_549, %dma_start3A_550] : memref<10000x64xf32, #tpu.memory_space<vmem_shared>> -> memref<10000x64xf32, #tpu.memory_space<vmem_shared>>
      tpu.enqueue_indirect_dma source(%arg13 : memref<80x64xf32, #tpu.memory_space<vmem>>) target(%dma_start3A_551 : memref<10000x64xf32, #tpu.memory_space<vmem_shared>>) offsets(%dma_start3A_548 : memref<80xi32, #tpu.memory_space<vmem>>) semaphore(%arg32 : memref<!tpu.dma_semaphore, #tpu.memory_space<semaphore_mem>>) {add = true}
      %add3A_552 = arith.constant 9 : i32
      %add3A_553 = arith.addi %add3A_535, %add3A_552 : i32
      %sub3A_554 = arith.constant 1 : i32
      %sub3A_555 = arith.subi %add3A_553, %sub3A_554 : i32
      %lt3A_556 = arith.constant 250 : i32
      %lt3A_557 = arith.cmpi slt, %sub3A_555, %lt3A_556 : i32
      %convert_element_type3A_558 = arith.extui %lt3A_557 : i1 to i32
      %cond3A_559 = arith.constant 0 : i32
      %cond3A_560 = arith.cmpi ne, %convert_element_type3A_558, %cond3A_559 : i32
      scf.if %cond3A_560 {
        %sub3A_630 = arith.constant 1 : i32
        %sub3A_631 = arith.subi %add3A_535, %sub3A_630 : i32
        %dma_wait3A_632 = arith.constant 0 : i32
        %dma_wait3A_633 = tpu.memref_slice %arg6[%sub3A_631, %dma_wait3A_632] : memref<250x80xi32, #tpu.memory_space<vmem>> -> memref<1x80xi32, #tpu.memory_space<vmem>>
        %dma_wait3A_634 = tpu.memref_squeeze %dma_wait3A_633 : memref<1x80xi32, #tpu.memory_space<vmem>> -> memref<80xi32, #tpu.memory_space<vmem>>
        %dma_wait3A_635 = arith.constant 0 : i32
        %dma_wait3A_636 = arith.constant 0 : i32
        %dma_wait3A_637 = tpu.memref_slice %arg16[%dma_wait3A_635, %dma_wait3A_636] : memref<10000x64xf32, #tpu.memory_space<vmem_shared>> -> memref<10000x64xf32, #tpu.memory_space<vmem_shared>>
        tpu.wait_indirect_dma semaphore(%arg31 : memref<!tpu.dma_semaphore, #tpu.memory_space<semaphore_mem>>) src(%arg12 : memref<80x64xf32, #tpu.memory_space<vmem>>) dst(%dma_wait3A_637 : memref<10000x64xf32, #tpu.memory_space<vmem_shared>>)
      } else {
      }
      %lt3A_561 = arith.constant 250 : i32
      %lt3A_562 = arith.cmpi slt, %sub3A_555, %lt3A_561 : i32
      %convert_element_type3A_563 = arith.extui %lt3A_562 : i1 to i32
      %cond3A_564 = arith.constant 0 : i32
      %cond3A_565 = arith.cmpi ne, %convert_element_type3A_563, %cond3A_564 : i32
      scf.if %cond3A_565 {
        %dma_start3A_630 = arith.constant 0 : i32
        %dma_start3A_631 = tpu.memref_slice %arg5[%sub3A_555, %dma_start3A_630] : memref<250x80xi32, #tpu.memory_space<vmem>> -> memref<1x80xi32, #tpu.memory_space<vmem>>
        %dma_start3A_632 = tpu.memref_squeeze %dma_start3A_631 : memref<1x80xi32, #tpu.memory_space<vmem>> -> memref<80xi32, #tpu.memory_space<vmem>>
        %dma_start3A_633 = arith.constant 0 : i32
        %dma_start3A_634 = arith.constant 0 : i32
        %dma_start3A_635 = tpu.memref_slice %arg2[%arg0, %dma_start3A_633, %dma_start3A_634] : memref<2x10000x64xf32, #tpu.memory_space<hbm>> -> memref<1x10000x64xf32, #tpu.memory_space<hbm>>
        %dma_start3A_636 = tpu.memref_squeeze %dma_start3A_635 : memref<1x10000x64xf32, #tpu.memory_space<hbm>> -> memref<10000x64xf32, #tpu.memory_space<hbm>>
        %dma_start3A_637 = arith.constant 0 : i32
        %dma_start3A_638 = arith.constant 0 : i32
        %dma_start3A_639 = tpu.memref_slice %dma_start3A_636[%dma_start3A_637, %dma_start3A_638] : memref<10000x64xf32, #tpu.memory_space<hbm>> -> memref<10000x64xf32, #tpu.memory_space<hbm>>
        tpu.enqueue_indirect_dma source(%dma_start3A_639 : memref<10000x64xf32, #tpu.memory_space<hbm>>) target(%arg12 : memref<80x64xf32, #tpu.memory_space<vmem>>) offsets(%dma_start3A_632 : memref<80xi32, #tpu.memory_space<vmem>>) semaphore(%arg22 : memref<!tpu.dma_semaphore, #tpu.memory_space<semaphore_mem>>)
      } else {
      }
      %add3A_566 = arith.constant 7 : i32
      %add3A_567 = arith.addi %mul3A_343, %add3A_566 : i32
      %dma_wait3A_568 = arith.constant 0 : i32
      %dma_wait3A_569 = tpu.memref_slice %arg5[%add3A_567, %dma_wait3A_568] : memref<250x80xi32, #tpu.memory_space<vmem>> -> memref<1x80xi32, #tpu.memory_space<vmem>>
      %dma_wait3A_570 = tpu.memref_squeeze %dma_wait3A_569 : memref<1x80xi32, #tpu.memory_space<vmem>> -> memref<80xi32, #tpu.memory_space<vmem>>
      %dma_wait3A_571 = arith.constant 0 : i32
      %dma_wait3A_572 = arith.constant 0 : i32
      %dma_wait3A_573 = tpu.memref_slice %arg2[%arg0, %dma_wait3A_571, %dma_wait3A_572] : memref<2x10000x64xf32, #tpu.memory_space<hbm>> -> memref<1x10000x64xf32, #tpu.memory_space<hbm>>
      %dma_wait3A_574 = tpu.memref_squeeze %dma_wait3A_573 : memref<1x10000x64xf32, #tpu.memory_space<hbm>> -> memref<10000x64xf32, #tpu.memory_space<hbm>>
      %dma_wait3A_575 = arith.constant 0 : i32
      %dma_wait3A_576 = arith.constant 0 : i32
      %dma_wait3A_577 = tpu.memref_slice %dma_wait3A_574[%dma_wait3A_575, %dma_wait3A_576] : memref<10000x64xf32, #tpu.memory_space<hbm>> -> memref<10000x64xf32, #tpu.memory_space<hbm>>
      tpu.wait_indirect_dma semaphore(%arg24 : memref<!tpu.dma_semaphore, #tpu.memory_space<semaphore_mem>>) src(%dma_wait3A_577 : memref<10000x64xf32, #tpu.memory_space<hbm>>) dst(%arg14 : memref<80x64xf32, #tpu.memory_space<vmem>>)
      %dma_start3A_578 = arith.constant 0 : i32
      %dma_start3A_579 = tpu.memref_slice %arg6[%add3A_567, %dma_start3A_578] : memref<250x80xi32, #tpu.memory_space<vmem>> -> memref<1x80xi32, #tpu.memory_space<vmem>>
      %dma_start3A_580 = tpu.memref_squeeze %dma_start3A_579 : memref<1x80xi32, #tpu.memory_space<vmem>> -> memref<80xi32, #tpu.memory_space<vmem>>
      %dma_start3A_581 = arith.constant 0 : i32
      %dma_start3A_582 = arith.constant 0 : i32
      %dma_start3A_583 = tpu.memref_slice %arg16[%dma_start3A_581, %dma_start3A_582] : memref<10000x64xf32, #tpu.memory_space<vmem_shared>> -> memref<10000x64xf32, #tpu.memory_space<vmem_shared>>
      tpu.enqueue_indirect_dma source(%arg14 : memref<80x64xf32, #tpu.memory_space<vmem>>) target(%dma_start3A_583 : memref<10000x64xf32, #tpu.memory_space<vmem_shared>>) offsets(%dma_start3A_580 : memref<80xi32, #tpu.memory_space<vmem>>) semaphore(%arg33 : memref<!tpu.dma_semaphore, #tpu.memory_space<semaphore_mem>>) {add = true}
      %add3A_584 = arith.constant 9 : i32
      %add3A_585 = arith.addi %add3A_567, %add3A_584 : i32
      %sub3A_586 = arith.constant 1 : i32
      %sub3A_587 = arith.subi %add3A_585, %sub3A_586 : i32
      %lt3A_588 = arith.constant 250 : i32
      %lt3A_589 = arith.cmpi slt, %sub3A_587, %lt3A_588 : i32
      %convert_element_type3A_590 = arith.extui %lt3A_589 : i1 to i32
      %cond3A_591 = arith.constant 0 : i32
      %cond3A_592 = arith.cmpi ne, %convert_element_type3A_590, %cond3A_591 : i32
      scf.if %cond3A_592 {
        %sub3A_630 = arith.constant 1 : i32
        %sub3A_631 = arith.subi %add3A_567, %sub3A_630 : i32
        %dma_wait3A_632 = arith.constant 0 : i32
        %dma_wait3A_633 = tpu.memref_slice %arg6[%sub3A_631, %dma_wait3A_632] : memref<250x80xi32, #tpu.memory_space<vmem>> -> memref<1x80xi32, #tpu.memory_space<vmem>>
        %dma_wait3A_634 = tpu.memref_squeeze %dma_wait3A_633 : memref<1x80xi32, #tpu.memory_space<vmem>> -> memref<80xi32, #tpu.memory_space<vmem>>
        %dma_wait3A_635 = arith.constant 0 : i32
        %dma_wait3A_636 = arith.constant 0 : i32
        %dma_wait3A_637 = tpu.memref_slice %arg16[%dma_wait3A_635, %dma_wait3A_636] : memref<10000x64xf32, #tpu.memory_space<vmem_shared>> -> memref<10000x64xf32, #tpu.memory_space<vmem_shared>>
        tpu.wait_indirect_dma semaphore(%arg32 : memref<!tpu.dma_semaphore, #tpu.memory_space<semaphore_mem>>) src(%arg13 : memref<80x64xf32, #tpu.memory_space<vmem>>) dst(%dma_wait3A_637 : memref<10000x64xf32, #tpu.memory_space<vmem_shared>>)
      } else {
      }
      %lt3A_593 = arith.constant 250 : i32
      %lt3A_594 = arith.cmpi slt, %sub3A_587, %lt3A_593 : i32
      %convert_element_type3A_595 = arith.extui %lt3A_594 : i1 to i32
      %cond3A_596 = arith.constant 0 : i32
      %cond3A_597 = arith.cmpi ne, %convert_element_type3A_595, %cond3A_596 : i32
      scf.if %cond3A_597 {
        %dma_start3A_630 = arith.constant 0 : i32
        %dma_start3A_631 = tpu.memref_slice %arg5[%sub3A_587, %dma_start3A_630] : memref<250x80xi32, #tpu.memory_space<vmem>> -> memref<1x80xi32, #tpu.memory_space<vmem>>
        %dma_start3A_632 = tpu.memref_squeeze %dma_start3A_631 : memref<1x80xi32, #tpu.memory_space<vmem>> -> memref<80xi32, #tpu.memory_space<vmem>>
        %dma_start3A_633 = arith.constant 0 : i32
        %dma_start3A_634 = arith.constant 0 : i32
        %dma_start3A_635 = tpu.memref_slice %arg2[%arg0, %dma_start3A_633, %dma_start3A_634] : memref<2x10000x64xf32, #tpu.memory_space<hbm>> -> memref<1x10000x64xf32, #tpu.memory_space<hbm>>
        %dma_start3A_636 = tpu.memref_squeeze %dma_start3A_635 : memref<1x10000x64xf32, #tpu.memory_space<hbm>> -> memref<10000x64xf32, #tpu.memory_space<hbm>>
        %dma_start3A_637 = arith.constant 0 : i32
        %dma_start3A_638 = arith.constant 0 : i32
        %dma_start3A_639 = tpu.memref_slice %dma_start3A_636[%dma_start3A_637, %dma_start3A_638] : memref<10000x64xf32, #tpu.memory_space<hbm>> -> memref<10000x64xf32, #tpu.memory_space<hbm>>
        tpu.enqueue_indirect_dma source(%dma_start3A_639 : memref<10000x64xf32, #tpu.memory_space<hbm>>) target(%arg13 : memref<80x64xf32, #tpu.memory_space<vmem>>) offsets(%dma_start3A_632 : memref<80xi32, #tpu.memory_space<vmem>>) semaphore(%arg23 : memref<!tpu.dma_semaphore, #tpu.memory_space<semaphore_mem>>)
      } else {
      }
      %add3A_598 = arith.constant 8 : i32
      %add3A_599 = arith.addi %mul3A_343, %add3A_598 : i32
      %dma_wait3A_600 = arith.constant 0 : i32
      %dma_wait3A_601 = tpu.memref_slice %arg5[%add3A_599, %dma_wait3A_600] : memref<250x80xi32, #tpu.memory_space<vmem>> -> memref<1x80xi32, #tpu.memory_space<vmem>>
      %dma_wait3A_602 = tpu.memref_squeeze %dma_wait3A_601 : memref<1x80xi32, #tpu.memory_space<vmem>> -> memref<80xi32, #tpu.memory_space<vmem>>
      %dma_wait3A_603 = arith.constant 0 : i32
      %dma_wait3A_604 = arith.constant 0 : i32
      %dma_wait3A_605 = tpu.memref_slice %arg2[%arg0, %dma_wait3A_603, %dma_wait3A_604] : memref<2x10000x64xf32, #tpu.memory_space<hbm>> -> memref<1x10000x64xf32, #tpu.memory_space<hbm>>
      %dma_wait3A_606 = tpu.memref_squeeze %dma_wait3A_605 : memref<1x10000x64xf32, #tpu.memory_space<hbm>> -> memref<10000x64xf32, #tpu.memory_space<hbm>>
      %dma_wait3A_607 = arith.constant 0 : i32
      %dma_wait3A_608 = arith.constant 0 : i32
      %dma_wait3A_609 = tpu.memref_slice %dma_wait3A_606[%dma_wait3A_607, %dma_wait3A_608] : memref<10000x64xf32, #tpu.memory_space<hbm>> -> memref<10000x64xf32, #tpu.memory_space<hbm>>
      tpu.wait_indirect_dma semaphore(%arg25 : memref<!tpu.dma_semaphore, #tpu.memory_space<semaphore_mem>>) src(%dma_wait3A_609 : memref<10000x64xf32, #tpu.memory_space<hbm>>) dst(%arg15 : memref<80x64xf32, #tpu.memory_space<vmem>>)
      %dma_start3A_610 = arith.constant 0 : i32
      %dma_start3A_611 = tpu.memref_slice %arg6[%add3A_599, %dma_start3A_610] : memref<250x80xi32, #tpu.memory_space<vmem>> -> memref<1x80xi32, #tpu.memory_space<vmem>>
      %dma_start3A_612 = tpu.memref_squeeze %dma_start3A_611 : memref<1x80xi32, #tpu.memory_space<vmem>> -> memref<80xi32, #tpu.memory_space<vmem>>
      %dma_start3A_613 = arith.constant 0 : i32
      %dma_start3A_614 = arith.constant 0 : i32
      %dma_start3A_615 = tpu.memref_slice %arg16[%dma_start3A_613, %dma_start3A_614] : memref<10000x64xf32, #tpu.memory_space<vmem_shared>> -> memref<10000x64xf32, #tpu.memory_space<vmem_shared>>
      tpu.enqueue_indirect_dma source(%arg15 : memref<80x64xf32, #tpu.memory_space<vmem>>) target(%dma_start3A_615 : memref<10000x64xf32, #tpu.memory_space<vmem_shared>>) offsets(%dma_start3A_612 : memref<80xi32, #tpu.memory_space<vmem>>) semaphore(%arg34 : memref<!tpu.dma_semaphore, #tpu.memory_space<semaphore_mem>>) {add = true}
      %add3A_616 = arith.constant 9 : i32
      %add3A_617 = arith.addi %add3A_599, %add3A_616 : i32
      %sub3A_618 = arith.constant 1 : i32
      %sub3A_619 = arith.subi %add3A_617, %sub3A_618 : i32
      %lt3A_620 = arith.constant 250 : i32
      %lt3A_621 = arith.cmpi slt, %sub3A_619, %lt3A_620 : i32
      %convert_element_type3A_622 = arith.extui %lt3A_621 : i1 to i32
      %cond3A_623 = arith.constant 0 : i32
      %cond3A_624 = arith.cmpi ne, %convert_element_type3A_622, %cond3A_623 : i32
      scf.if %cond3A_624 {
        %sub3A_630 = arith.constant 1 : i32
        %sub3A_631 = arith.subi %add3A_599, %sub3A_630 : i32
        %dma_wait3A_632 = arith.constant 0 : i32
        %dma_wait3A_633 = tpu.memref_slice %arg6[%sub3A_631, %dma_wait3A_632] : memref<250x80xi32, #tpu.memory_space<vmem>> -> memref<1x80xi32, #tpu.memory_space<vmem>>
        %dma_wait3A_634 = tpu.memref_squeeze %dma_wait3A_633 : memref<1x80xi32, #tpu.memory_space<vmem>> -> memref<80xi32, #tpu.memory_space<vmem>>
        %dma_wait3A_635 = arith.constant 0 : i32
        %dma_wait3A_636 = arith.constant 0 : i32
        %dma_wait3A_637 = tpu.memref_slice %arg16[%dma_wait3A_635, %dma_wait3A_636] : memref<10000x64xf32, #tpu.memory_space<vmem_shared>> -> memref<10000x64xf32, #tpu.memory_space<vmem_shared>>
        tpu.wait_indirect_dma semaphore(%arg33 : memref<!tpu.dma_semaphore, #tpu.memory_space<semaphore_mem>>) src(%arg14 : memref<80x64xf32, #tpu.memory_space<vmem>>) dst(%dma_wait3A_637 : memref<10000x64xf32, #tpu.memory_space<vmem_shared>>)
      } else {
      }
      %lt3A_625 = arith.constant 250 : i32
      %lt3A_626 = arith.cmpi slt, %sub3A_619, %lt3A_625 : i32
      %convert_element_type3A_627 = arith.extui %lt3A_626 : i1 to i32
      %cond3A_628 = arith.constant 0 : i32
      %cond3A_629 = arith.cmpi ne, %convert_element_type3A_627, %cond3A_628 : i32
      scf.if %cond3A_629 {
        %dma_start3A_630 = arith.constant 0 : i32
        %dma_start3A_631 = tpu.memref_slice %arg5[%sub3A_619, %dma_start3A_630] : memref<250x80xi32, #tpu.memory_space<vmem>> -> memref<1x80xi32, #tpu.memory_space<vmem>>
        %dma_start3A_632 = tpu.memref_squeeze %dma_start3A_631 : memref<1x80xi32, #tpu.memory_space<vmem>> -> memref<80xi32, #tpu.memory_space<vmem>>
        %dma_start3A_633 = arith.constant 0 : i32
        %dma_start3A_634 = arith.constant 0 : i32
        %dma_start3A_635 = tpu.memref_slice %arg2[%arg0, %dma_start3A_633, %dma_start3A_634] : memref<2x10000x64xf32, #tpu.memory_space<hbm>> -> memref<1x10000x64xf32, #tpu.memory_space<hbm>>
        %dma_start3A_636 = tpu.memref_squeeze %dma_start3A_635 : memref<1x10000x64xf32, #tpu.memory_space<hbm>> -> memref<10000x64xf32, #tpu.memory_space<hbm>>
        %dma_start3A_637 = arith.constant 0 : i32
        %dma_start3A_638 = arith.constant 0 : i32
        %dma_start3A_639 = tpu.memref_slice %dma_start3A_636[%dma_start3A_637, %dma_start3A_638] : memref<10000x64xf32, #tpu.memory_space<hbm>> -> memref<10000x64xf32, #tpu.memory_space<hbm>>
        tpu.enqueue_indirect_dma source(%dma_start3A_639 : memref<10000x64xf32, #tpu.memory_space<hbm>>) target(%arg14 : memref<80x64xf32, #tpu.memory_space<vmem>>) offsets(%dma_start3A_632 : memref<80xi32, #tpu.memory_space<vmem>>) semaphore(%arg24 : memref<!tpu.dma_semaphore, #tpu.memory_space<semaphore_mem>>)
      } else {
      }
    }
    %scan3A_145 = arith.constant 27 : i32
    %dma_wait3A_146 = arith.constant 243 : i32
    %dma_wait3A_147 = arith.constant 0 : i32
    %dma_wait3A_148 = tpu.memref_slice %arg5[%dma_wait3A_146, %dma_wait3A_147] : memref<250x80xi32, #tpu.memory_space<vmem>> -> memref<1x80xi32, #tpu.memory_space<vmem>>
    %dma_wait3A_149 = tpu.memref_squeeze %dma_wait3A_148 : memref<1x80xi32, #tpu.memory_space<vmem>> -> memref<80xi32, #tpu.memory_space<vmem>>
    %dma_wait3A_150 = arith.constant 0 : i32
    %dma_wait3A_151 = arith.constant 0 : i32
    %dma_wait3A_152 = tpu.memref_slice %arg2[%arg0, %dma_wait3A_150, %dma_wait3A_151] : memref<2x10000x64xf32, #tpu.memory_space<hbm>> -> memref<1x10000x64xf32, #tpu.memory_space<hbm>>
    %dma_wait3A_153 = tpu.memref_squeeze %dma_wait3A_152 : memref<1x10000x64xf32, #tpu.memory_space<hbm>> -> memref<10000x64xf32, #tpu.memory_space<hbm>>
    %dma_wait3A_154 = arith.constant 0 : i32
    %dma_wait3A_155 = arith.constant 0 : i32
    %dma_wait3A_156 = tpu.memref_slice %dma_wait3A_153[%dma_wait3A_154, %dma_wait3A_155] : memref<10000x64xf32, #tpu.memory_space<hbm>> -> memref<10000x64xf32, #tpu.memory_space<hbm>>
    tpu.wait_indirect_dma semaphore(%arg17 : memref<!tpu.dma_semaphore, #tpu.memory_space<semaphore_mem>>) src(%dma_wait3A_156 : memref<10000x64xf32, #tpu.memory_space<hbm>>) dst(%arg7 : memref<80x64xf32, #tpu.memory_space<vmem>>)
    %dma_start3A_157 = arith.constant 243 : i32
    %dma_start3A_158 = arith.constant 0 : i32
    %dma_start3A_159 = tpu.memref_slice %arg6[%dma_start3A_157, %dma_start3A_158] : memref<250x80xi32, #tpu.memory_space<vmem>> -> memref<1x80xi32, #tpu.memory_space<vmem>>
    %dma_start3A_160 = tpu.memref_squeeze %dma_start3A_159 : memref<1x80xi32, #tpu.memory_space<vmem>> -> memref<80xi32, #tpu.memory_space<vmem>>
    %dma_start3A_161 = arith.constant 0 : i32
    %dma_start3A_162 = arith.constant 0 : i32
    %dma_start3A_163 = tpu.memref_slice %arg16[%dma_start3A_161, %dma_start3A_162] : memref<10000x64xf32, #tpu.memory_space<vmem_shared>> -> memref<10000x64xf32, #tpu.memory_space<vmem_shared>>
    tpu.enqueue_indirect_dma source(%arg7 : memref<80x64xf32, #tpu.memory_space<vmem>>) target(%dma_start3A_163 : memref<10000x64xf32, #tpu.memory_space<vmem_shared>>) offsets(%dma_start3A_160 : memref<80xi32, #tpu.memory_space<vmem>>) semaphore(%arg26 : memref<!tpu.dma_semaphore, #tpu.memory_space<semaphore_mem>>) {add = true}
    %dma_wait3A_164 = arith.constant 244 : i32
    %dma_wait3A_165 = arith.constant 0 : i32
    %dma_wait3A_166 = tpu.memref_slice %arg5[%dma_wait3A_164, %dma_wait3A_165] : memref<250x80xi32, #tpu.memory_space<vmem>> -> memref<1x80xi32, #tpu.memory_space<vmem>>
    %dma_wait3A_167 = tpu.memref_squeeze %dma_wait3A_166 : memref<1x80xi32, #tpu.memory_space<vmem>> -> memref<80xi32, #tpu.memory_space<vmem>>
    %dma_wait3A_168 = arith.constant 0 : i32
    %dma_wait3A_169 = arith.constant 0 : i32
    %dma_wait3A_170 = tpu.memref_slice %arg2[%arg0, %dma_wait3A_168, %dma_wait3A_169] : memref<2x10000x64xf32, #tpu.memory_space<hbm>> -> memref<1x10000x64xf32, #tpu.memory_space<hbm>>
    %dma_wait3A_171 = tpu.memref_squeeze %dma_wait3A_170 : memref<1x10000x64xf32, #tpu.memory_space<hbm>> -> memref<10000x64xf32, #tpu.memory_space<hbm>>
    %dma_wait3A_172 = arith.constant 0 : i32
    %dma_wait3A_173 = arith.constant 0 : i32
    %dma_wait3A_174 = tpu.memref_slice %dma_wait3A_171[%dma_wait3A_172, %dma_wait3A_173] : memref<10000x64xf32, #tpu.memory_space<hbm>> -> memref<10000x64xf32, #tpu.memory_space<hbm>>
    tpu.wait_indirect_dma semaphore(%arg18 : memref<!tpu.dma_semaphore, #tpu.memory_space<semaphore_mem>>) src(%dma_wait3A_174 : memref<10000x64xf32, #tpu.memory_space<hbm>>) dst(%arg8 : memref<80x64xf32, #tpu.memory_space<vmem>>)
    %dma_start3A_175 = arith.constant 244 : i32
    %dma_start3A_176 = arith.constant 0 : i32
    %dma_start3A_177 = tpu.memref_slice %arg6[%dma_start3A_175, %dma_start3A_176] : memref<250x80xi32, #tpu.memory_space<vmem>> -> memref<1x80xi32, #tpu.memory_space<vmem>>
    %dma_start3A_178 = tpu.memref_squeeze %dma_start3A_177 : memref<1x80xi32, #tpu.memory_space<vmem>> -> memref<80xi32, #tpu.memory_space<vmem>>
    %dma_start3A_179 = arith.constant 0 : i32
    %dma_start3A_180 = arith.constant 0 : i32
    %dma_start3A_181 = tpu.memref_slice %arg16[%dma_start3A_179, %dma_start3A_180] : memref<10000x64xf32, #tpu.memory_space<vmem_shared>> -> memref<10000x64xf32, #tpu.memory_space<vmem_shared>>
    tpu.enqueue_indirect_dma source(%arg8 : memref<80x64xf32, #tpu.memory_space<vmem>>) target(%dma_start3A_181 : memref<10000x64xf32, #tpu.memory_space<vmem_shared>>) offsets(%dma_start3A_178 : memref<80xi32, #tpu.memory_space<vmem>>) semaphore(%arg27 : memref<!tpu.dma_semaphore, #tpu.memory_space<semaphore_mem>>) {add = true}
    %dma_wait3A_182 = arith.constant 245 : i32
    %dma_wait3A_183 = arith.constant 0 : i32
    %dma_wait3A_184 = tpu.memref_slice %arg5[%dma_wait3A_182, %dma_wait3A_183] : memref<250x80xi32, #tpu.memory_space<vmem>> -> memref<1x80xi32, #tpu.memory_space<vmem>>
    %dma_wait3A_185 = tpu.memref_squeeze %dma_wait3A_184 : memref<1x80xi32, #tpu.memory_space<vmem>> -> memref<80xi32, #tpu.memory_space<vmem>>
    %dma_wait3A_186 = arith.constant 0 : i32
    %dma_wait3A_187 = arith.constant 0 : i32
    %dma_wait3A_188 = tpu.memref_slice %arg2[%arg0, %dma_wait3A_186, %dma_wait3A_187] : memref<2x10000x64xf32, #tpu.memory_space<hbm>> -> memref<1x10000x64xf32, #tpu.memory_space<hbm>>
    %dma_wait3A_189 = tpu.memref_squeeze %dma_wait3A_188 : memref<1x10000x64xf32, #tpu.memory_space<hbm>> -> memref<10000x64xf32, #tpu.memory_space<hbm>>
    %dma_wait3A_190 = arith.constant 0 : i32
    %dma_wait3A_191 = arith.constant 0 : i32
    %dma_wait3A_192 = tpu.memref_slice %dma_wait3A_189[%dma_wait3A_190, %dma_wait3A_191] : memref<10000x64xf32, #tpu.memory_space<hbm>> -> memref<10000x64xf32, #tpu.memory_space<hbm>>
    tpu.wait_indirect_dma semaphore(%arg19 : memref<!tpu.dma_semaphore, #tpu.memory_space<semaphore_mem>>) src(%dma_wait3A_192 : memref<10000x64xf32, #tpu.memory_space<hbm>>) dst(%arg9 : memref<80x64xf32, #tpu.memory_space<vmem>>)
    %dma_start3A_193 = arith.constant 245 : i32
    %dma_start3A_194 = arith.constant 0 : i32
    %dma_start3A_195 = tpu.memref_slice %arg6[%dma_start3A_193, %dma_start3A_194] : memref<250x80xi32, #tpu.memory_space<vmem>> -> memref<1x80xi32, #tpu.memory_space<vmem>>
    %dma_start3A_196 = tpu.memref_squeeze %dma_start3A_195 : memref<1x80xi32, #tpu.memory_space<vmem>> -> memref<80xi32, #tpu.memory_space<vmem>>
    %dma_start3A_197 = arith.constant 0 : i32
    %dma_start3A_198 = arith.constant 0 : i32
    %dma_start3A_199 = tpu.memref_slice %arg16[%dma_start3A_197, %dma_start3A_198] : memref<10000x64xf32, #tpu.memory_space<vmem_shared>> -> memref<10000x64xf32, #tpu.memory_space<vmem_shared>>
    tpu.enqueue_indirect_dma source(%arg9 : memref<80x64xf32, #tpu.memory_space<vmem>>) target(%dma_start3A_199 : memref<10000x64xf32, #tpu.memory_space<vmem_shared>>) offsets(%dma_start3A_196 : memref<80xi32, #tpu.memory_space<vmem>>) semaphore(%arg28 : memref<!tpu.dma_semaphore, #tpu.memory_space<semaphore_mem>>) {add = true}
    %dma_wait3A_200 = arith.constant 246 : i32
    %dma_wait3A_201 = arith.constant 0 : i32
    %dma_wait3A_202 = tpu.memref_slice %arg5[%dma_wait3A_200, %dma_wait3A_201] : memref<250x80xi32, #tpu.memory_space<vmem>> -> memref<1x80xi32, #tpu.memory_space<vmem>>
    %dma_wait3A_203 = tpu.memref_squeeze %dma_wait3A_202 : memref<1x80xi32, #tpu.memory_space<vmem>> -> memref<80xi32, #tpu.memory_space<vmem>>
    %dma_wait3A_204 = arith.constant 0 : i32
    %dma_wait3A_205 = arith.constant 0 : i32
    %dma_wait3A_206 = tpu.memref_slice %arg2[%arg0, %dma_wait3A_204, %dma_wait3A_205] : memref<2x10000x64xf32, #tpu.memory_space<hbm>> -> memref<1x10000x64xf32, #tpu.memory_space<hbm>>
    %dma_wait3A_207 = tpu.memref_squeeze %dma_wait3A_206 : memref<1x10000x64xf32, #tpu.memory_space<hbm>> -> memref<10000x64xf32, #tpu.memory_space<hbm>>
    %dma_wait3A_208 = arith.constant 0 : i32
    %dma_wait3A_209 = arith.constant 0 : i32
    %dma_wait3A_210 = tpu.memref_slice %dma_wait3A_207[%dma_wait3A_208, %dma_wait3A_209] : memref<10000x64xf32, #tpu.memory_space<hbm>> -> memref<10000x64xf32, #tpu.memory_space<hbm>>
    tpu.wait_indirect_dma semaphore(%arg20 : memref<!tpu.dma_semaphore, #tpu.memory_space<semaphore_mem>>) src(%dma_wait3A_210 : memref<10000x64xf32, #tpu.memory_space<hbm>>) dst(%arg10 : memref<80x64xf32, #tpu.memory_space<vmem>>)
    %dma_start3A_211 = arith.constant 246 : i32
    %dma_start3A_212 = arith.constant 0 : i32
    %dma_start3A_213 = tpu.memref_slice %arg6[%dma_start3A_211, %dma_start3A_212] : memref<250x80xi32, #tpu.memory_space<vmem>> -> memref<1x80xi32, #tpu.memory_space<vmem>>
    %dma_start3A_214 = tpu.memref_squeeze %dma_start3A_213 : memref<1x80xi32, #tpu.memory_space<vmem>> -> memref<80xi32, #tpu.memory_space<vmem>>
    %dma_start3A_215 = arith.constant 0 : i32
    %dma_start3A_216 = arith.constant 0 : i32
    %dma_start3A_217 = tpu.memref_slice %arg16[%dma_start3A_215, %dma_start3A_216] : memref<10000x64xf32, #tpu.memory_space<vmem_shared>> -> memref<10000x64xf32, #tpu.memory_space<vmem_shared>>
    tpu.enqueue_indirect_dma source(%arg10 : memref<80x64xf32, #tpu.memory_space<vmem>>) target(%dma_start3A_217 : memref<10000x64xf32, #tpu.memory_space<vmem_shared>>) offsets(%dma_start3A_214 : memref<80xi32, #tpu.memory_space<vmem>>) semaphore(%arg29 : memref<!tpu.dma_semaphore, #tpu.memory_space<semaphore_mem>>) {add = true}
    %dma_wait3A_218 = arith.constant 247 : i32
    %dma_wait3A_219 = arith.constant 0 : i32
    %dma_wait3A_220 = tpu.memref_slice %arg5[%dma_wait3A_218, %dma_wait3A_219] : memref<250x80xi32, #tpu.memory_space<vmem>> -> memref<1x80xi32, #tpu.memory_space<vmem>>
    %dma_wait3A_221 = tpu.memref_squeeze %dma_wait3A_220 : memref<1x80xi32, #tpu.memory_space<vmem>> -> memref<80xi32, #tpu.memory_space<vmem>>
    %dma_wait3A_222 = arith.constant 0 : i32
    %dma_wait3A_223 = arith.constant 0 : i32
    %dma_wait3A_224 = tpu.memref_slice %arg2[%arg0, %dma_wait3A_222, %dma_wait3A_223] : memref<2x10000x64xf32, #tpu.memory_space<hbm>> -> memref<1x10000x64xf32, #tpu.memory_space<hbm>>
    %dma_wait3A_225 = tpu.memref_squeeze %dma_wait3A_224 : memref<1x10000x64xf32, #tpu.memory_space<hbm>> -> memref<10000x64xf32, #tpu.memory_space<hbm>>
    %dma_wait3A_226 = arith.constant 0 : i32
    %dma_wait3A_227 = arith.constant 0 : i32
    %dma_wait3A_228 = tpu.memref_slice %dma_wait3A_225[%dma_wait3A_226, %dma_wait3A_227] : memref<10000x64xf32, #tpu.memory_space<hbm>> -> memref<10000x64xf32, #tpu.memory_space<hbm>>
    tpu.wait_indirect_dma semaphore(%arg21 : memref<!tpu.dma_semaphore, #tpu.memory_space<semaphore_mem>>) src(%dma_wait3A_228 : memref<10000x64xf32, #tpu.memory_space<hbm>>) dst(%arg11 : memref<80x64xf32, #tpu.memory_space<vmem>>)
    %dma_start3A_229 = arith.constant 247 : i32
    %dma_start3A_230 = arith.constant 0 : i32
    %dma_start3A_231 = tpu.memref_slice %arg6[%dma_start3A_229, %dma_start3A_230] : memref<250x80xi32, #tpu.memory_space<vmem>> -> memref<1x80xi32, #tpu.memory_space<vmem>>
    %dma_start3A_232 = tpu.memref_squeeze %dma_start3A_231 : memref<1x80xi32, #tpu.memory_space<vmem>> -> memref<80xi32, #tpu.memory_space<vmem>>
    %dma_start3A_233 = arith.constant 0 : i32
    %dma_start3A_234 = arith.constant 0 : i32
    %dma_start3A_235 = tpu.memref_slice %arg16[%dma_start3A_233, %dma_start3A_234] : memref<10000x64xf32, #tpu.memory_space<vmem_shared>> -> memref<10000x64xf32, #tpu.memory_space<vmem_shared>>
    tpu.enqueue_indirect_dma source(%arg11 : memref<80x64xf32, #tpu.memory_space<vmem>>) target(%dma_start3A_235 : memref<10000x64xf32, #tpu.memory_space<vmem_shared>>) offsets(%dma_start3A_232 : memref<80xi32, #tpu.memory_space<vmem>>) semaphore(%arg30 : memref<!tpu.dma_semaphore, #tpu.memory_space<semaphore_mem>>) {add = true}
    %dma_wait3A_236 = arith.constant 248 : i32
    %dma_wait3A_237 = arith.constant 0 : i32
    %dma_wait3A_238 = tpu.memref_slice %arg5[%dma_wait3A_236, %dma_wait3A_237] : memref<250x80xi32, #tpu.memory_space<vmem>> -> memref<1x80xi32, #tpu.memory_space<vmem>>
    %dma_wait3A_239 = tpu.memref_squeeze %dma_wait3A_238 : memref<1x80xi32, #tpu.memory_space<vmem>> -> memref<80xi32, #tpu.memory_space<vmem>>
    %dma_wait3A_240 = arith.constant 0 : i32
    %dma_wait3A_241 = arith.constant 0 : i32
    %dma_wait3A_242 = tpu.memref_slice %arg2[%arg0, %dma_wait3A_240, %dma_wait3A_241] : memref<2x10000x64xf32, #tpu.memory_space<hbm>> -> memref<1x10000x64xf32, #tpu.memory_space<hbm>>
    %dma_wait3A_243 = tpu.memref_squeeze %dma_wait3A_242 : memref<1x10000x64xf32, #tpu.memory_space<hbm>> -> memref<10000x64xf32, #tpu.memory_space<hbm>>
    %dma_wait3A_244 = arith.constant 0 : i32
    %dma_wait3A_245 = arith.constant 0 : i32
    %dma_wait3A_246 = tpu.memref_slice %dma_wait3A_243[%dma_wait3A_244, %dma_wait3A_245] : memref<10000x64xf32, #tpu.memory_space<hbm>> -> memref<10000x64xf32, #tpu.memory_space<hbm>>
    tpu.wait_indirect_dma semaphore(%arg22 : memref<!tpu.dma_semaphore, #tpu.memory_space<semaphore_mem>>) src(%dma_wait3A_246 : memref<10000x64xf32, #tpu.memory_space<hbm>>) dst(%arg12 : memref<80x64xf32, #tpu.memory_space<vmem>>)
    %dma_start3A_247 = arith.constant 248 : i32
    %dma_start3A_248 = arith.constant 0 : i32
    %dma_start3A_249 = tpu.memref_slice %arg6[%dma_start3A_247, %dma_start3A_248] : memref<250x80xi32, #tpu.memory_space<vmem>> -> memref<1x80xi32, #tpu.memory_space<vmem>>
    %dma_start3A_250 = tpu.memref_squeeze %dma_start3A_249 : memref<1x80xi32, #tpu.memory_space<vmem>> -> memref<80xi32, #tpu.memory_space<vmem>>
    %dma_start3A_251 = arith.constant 0 : i32
    %dma_start3A_252 = arith.constant 0 : i32
    %dma_start3A_253 = tpu.memref_slice %arg16[%dma_start3A_251, %dma_start3A_252] : memref<10000x64xf32, #tpu.memory_space<vmem_shared>> -> memref<10000x64xf32, #tpu.memory_space<vmem_shared>>
    tpu.enqueue_indirect_dma source(%arg12 : memref<80x64xf32, #tpu.memory_space<vmem>>) target(%dma_start3A_253 : memref<10000x64xf32, #tpu.memory_space<vmem_shared>>) offsets(%dma_start3A_250 : memref<80xi32, #tpu.memory_space<vmem>>) semaphore(%arg31 : memref<!tpu.dma_semaphore, #tpu.memory_space<semaphore_mem>>) {add = true}
    %dma_wait3A_254 = arith.constant 249 : i32
    %dma_wait3A_255 = arith.constant 0 : i32
    %dma_wait3A_256 = tpu.memref_slice %arg5[%dma_wait3A_254, %dma_wait3A_255] : memref<250x80xi32, #tpu.memory_space<vmem>> -> memref<1x80xi32, #tpu.memory_space<vmem>>
    %dma_wait3A_257 = tpu.memref_squeeze %dma_wait3A_256 : memref<1x80xi32, #tpu.memory_space<vmem>> -> memref<80xi32, #tpu.memory_space<vmem>>
    %dma_wait3A_258 = arith.constant 0 : i32
    %dma_wait3A_259 = arith.constant 0 : i32
    %dma_wait3A_260 = tpu.memref_slice %arg2[%arg0, %dma_wait3A_258, %dma_wait3A_259] : memref<2x10000x64xf32, #tpu.memory_space<hbm>> -> memref<1x10000x64xf32, #tpu.memory_space<hbm>>
    %dma_wait3A_261 = tpu.memref_squeeze %dma_wait3A_260 : memref<1x10000x64xf32, #tpu.memory_space<hbm>> -> memref<10000x64xf32, #tpu.memory_space<hbm>>
    %dma_wait3A_262 = arith.constant 0 : i32
    %dma_wait3A_263 = arith.constant 0 : i32
    %dma_wait3A_264 = tpu.memref_slice %dma_wait3A_261[%dma_wait3A_262, %dma_wait3A_263] : memref<10000x64xf32, #tpu.memory_space<hbm>> -> memref<10000x64xf32, #tpu.memory_space<hbm>>
    tpu.wait_indirect_dma semaphore(%arg23 : memref<!tpu.dma_semaphore, #tpu.memory_space<semaphore_mem>>) src(%dma_wait3A_264 : memref<10000x64xf32, #tpu.memory_space<hbm>>) dst(%arg13 : memref<80x64xf32, #tpu.memory_space<vmem>>)
    %dma_start3A_265 = arith.constant 249 : i32
    %dma_start3A_266 = arith.constant 0 : i32
    %dma_start3A_267 = tpu.memref_slice %arg6[%dma_start3A_265, %dma_start3A_266] : memref<250x80xi32, #tpu.memory_space<vmem>> -> memref<1x80xi32, #tpu.memory_space<vmem>>
    %dma_start3A_268 = tpu.memref_squeeze %dma_start3A_267 : memref<1x80xi32, #tpu.memory_space<vmem>> -> memref<80xi32, #tpu.memory_space<vmem>>
    %dma_start3A_269 = arith.constant 0 : i32
    %dma_start3A_270 = arith.constant 0 : i32
    %dma_start3A_271 = tpu.memref_slice %arg16[%dma_start3A_269, %dma_start3A_270] : memref<10000x64xf32, #tpu.memory_space<vmem_shared>> -> memref<10000x64xf32, #tpu.memory_space<vmem_shared>>
    tpu.enqueue_indirect_dma source(%arg13 : memref<80x64xf32, #tpu.memory_space<vmem>>) target(%dma_start3A_271 : memref<10000x64xf32, #tpu.memory_space<vmem_shared>>) offsets(%dma_start3A_268 : memref<80xi32, #tpu.memory_space<vmem>>) semaphore(%arg32 : memref<!tpu.dma_semaphore, #tpu.memory_space<semaphore_mem>>) {add = true}
    %dma_wait3A_272 = arith.constant 0 : i32
    %dma_wait3A_273 = arith.constant 0 : i32
    %dma_wait3A_274 = tpu.memref_slice %arg6[%dma_wait3A_272, %dma_wait3A_273] : memref<250x80xi32, #tpu.memory_space<vmem>> -> memref<1x80xi32, #tpu.memory_space<vmem>>
    %dma_wait3A_275 = tpu.memref_squeeze %dma_wait3A_274 : memref<1x80xi32, #tpu.memory_space<vmem>> -> memref<80xi32, #tpu.memory_space<vmem>>
    %dma_wait3A_276 = arith.constant 0 : i32
    %dma_wait3A_277 = arith.constant 0 : i32
    %dma_wait3A_278 = tpu.memref_slice %arg16[%dma_wait3A_276, %dma_wait3A_277] : memref<10000x64xf32, #tpu.memory_space<vmem_shared>> -> memref<10000x64xf32, #tpu.memory_space<vmem_shared>>
    tpu.wait_indirect_dma semaphore(%arg26 : memref<!tpu.dma_semaphore, #tpu.memory_space<semaphore_mem>>) src(%arg7 : memref<80x64xf32, #tpu.memory_space<vmem>>) dst(%dma_wait3A_278 : memref<10000x64xf32, #tpu.memory_space<vmem_shared>>)
    %dma_wait3A_279 = arith.constant 0 : i32
    %dma_wait3A_280 = arith.constant 0 : i32
    %dma_wait3A_281 = tpu.memref_slice %arg6[%dma_wait3A_279, %dma_wait3A_280] : memref<250x80xi32, #tpu.memory_space<vmem>> -> memref<1x80xi32, #tpu.memory_space<vmem>>
    %dma_wait3A_282 = tpu.memref_squeeze %dma_wait3A_281 : memref<1x80xi32, #tpu.memory_space<vmem>> -> memref<80xi32, #tpu.memory_space<vmem>>
    %dma_wait3A_283 = arith.constant 0 : i32
    %dma_wait3A_284 = arith.constant 0 : i32
    %dma_wait3A_285 = tpu.memref_slice %arg16[%dma_wait3A_283, %dma_wait3A_284] : memref<10000x64xf32, #tpu.memory_space<vmem_shared>> -> memref<10000x64xf32, #tpu.memory_space<vmem_shared>>
    tpu.wait_indirect_dma semaphore(%arg27 : memref<!tpu.dma_semaphore, #tpu.memory_space<semaphore_mem>>) src(%arg8 : memref<80x64xf32, #tpu.memory_space<vmem>>) dst(%dma_wait3A_285 : memref<10000x64xf32, #tpu.memory_space<vmem_shared>>)
    %dma_wait3A_286 = arith.constant 0 : i32
    %dma_wait3A_287 = arith.constant 0 : i32
    %dma_wait3A_288 = tpu.memref_slice %arg6[%dma_wait3A_286, %dma_wait3A_287] : memref<250x80xi32, #tpu.memory_space<vmem>> -> memref<1x80xi32, #tpu.memory_space<vmem>>
    %dma_wait3A_289 = tpu.memref_squeeze %dma_wait3A_288 : memref<1x80xi32, #tpu.memory_space<vmem>> -> memref<80xi32, #tpu.memory_space<vmem>>
    %dma_wait3A_290 = arith.constant 0 : i32
    %dma_wait3A_291 = arith.constant 0 : i32
    %dma_wait3A_292 = tpu.memref_slice %arg16[%dma_wait3A_290, %dma_wait3A_291] : memref<10000x64xf32, #tpu.memory_space<vmem_shared>> -> memref<10000x64xf32, #tpu.memory_space<vmem_shared>>
    tpu.wait_indirect_dma semaphore(%arg28 : memref<!tpu.dma_semaphore, #tpu.memory_space<semaphore_mem>>) src(%arg9 : memref<80x64xf32, #tpu.memory_space<vmem>>) dst(%dma_wait3A_292 : memref<10000x64xf32, #tpu.memory_space<vmem_shared>>)
    %dma_wait3A_293 = arith.constant 0 : i32
    %dma_wait3A_294 = arith.constant 0 : i32
    %dma_wait3A_295 = tpu.memref_slice %arg6[%dma_wait3A_293, %dma_wait3A_294] : memref<250x80xi32, #tpu.memory_space<vmem>> -> memref<1x80xi32, #tpu.memory_space<vmem>>
    %dma_wait3A_296 = tpu.memref_squeeze %dma_wait3A_295 : memref<1x80xi32, #tpu.memory_space<vmem>> -> memref<80xi32, #tpu.memory_space<vmem>>
    %dma_wait3A_297 = arith.constant 0 : i32
    %dma_wait3A_298 = arith.constant 0 : i32
    %dma_wait3A_299 = tpu.memref_slice %arg16[%dma_wait3A_297, %dma_wait3A_298] : memref<10000x64xf32, #tpu.memory_space<vmem_shared>> -> memref<10000x64xf32, #tpu.memory_space<vmem_shared>>
    tpu.wait_indirect_dma semaphore(%arg29 : memref<!tpu.dma_semaphore, #tpu.memory_space<semaphore_mem>>) src(%arg10 : memref<80x64xf32, #tpu.memory_space<vmem>>) dst(%dma_wait3A_299 : memref<10000x64xf32, #tpu.memory_space<vmem_shared>>)
    %dma_wait3A_300 = arith.constant 0 : i32
    %dma_wait3A_301 = arith.constant 0 : i32
    %dma_wait3A_302 = tpu.memref_slice %arg6[%dma_wait3A_300, %dma_wait3A_301] : memref<250x80xi32, #tpu.memory_space<vmem>> -> memref<1x80xi32, #tpu.memory_space<vmem>>
    %dma_wait3A_303 = tpu.memref_squeeze %dma_wait3A_302 : memref<1x80xi32, #tpu.memory_space<vmem>> -> memref<80xi32, #tpu.memory_space<vmem>>
    %dma_wait3A_304 = arith.constant 0 : i32
    %dma_wait3A_305 = arith.constant 0 : i32
    %dma_wait3A_306 = tpu.memref_slice %arg16[%dma_wait3A_304, %dma_wait3A_305] : memref<10000x64xf32, #tpu.memory_space<vmem_shared>> -> memref<10000x64xf32, #tpu.memory_space<vmem_shared>>
    tpu.wait_indirect_dma semaphore(%arg30 : memref<!tpu.dma_semaphore, #tpu.memory_space<semaphore_mem>>) src(%arg11 : memref<80x64xf32, #tpu.memory_space<vmem>>) dst(%dma_wait3A_306 : memref<10000x64xf32, #tpu.memory_space<vmem_shared>>)
    %dma_wait3A_307 = arith.constant 0 : i32
    %dma_wait3A_308 = arith.constant 0 : i32
    %dma_wait3A_309 = tpu.memref_slice %arg6[%dma_wait3A_307, %dma_wait3A_308] : memref<250x80xi32, #tpu.memory_space<vmem>> -> memref<1x80xi32, #tpu.memory_space<vmem>>
    %dma_wait3A_310 = tpu.memref_squeeze %dma_wait3A_309 : memref<1x80xi32, #tpu.memory_space<vmem>> -> memref<80xi32, #tpu.memory_space<vmem>>
    %dma_wait3A_311 = arith.constant 0 : i32
    %dma_wait3A_312 = arith.constant 0 : i32
    %dma_wait3A_313 = tpu.memref_slice %arg16[%dma_wait3A_311, %dma_wait3A_312] : memref<10000x64xf32, #tpu.memory_space<vmem_shared>> -> memref<10000x64xf32, #tpu.memory_space<vmem_shared>>
    tpu.wait_indirect_dma semaphore(%arg31 : memref<!tpu.dma_semaphore, #tpu.memory_space<semaphore_mem>>) src(%arg12 : memref<80x64xf32, #tpu.memory_space<vmem>>) dst(%dma_wait3A_313 : memref<10000x64xf32, #tpu.memory_space<vmem_shared>>)
    %dma_wait3A_314 = arith.constant 0 : i32
    %dma_wait3A_315 = arith.constant 0 : i32
    %dma_wait3A_316 = tpu.memref_slice %arg6[%dma_wait3A_314, %dma_wait3A_315] : memref<250x80xi32, #tpu.memory_space<vmem>> -> memref<1x80xi32, #tpu.memory_space<vmem>>
    %dma_wait3A_317 = tpu.memref_squeeze %dma_wait3A_316 : memref<1x80xi32, #tpu.memory_space<vmem>> -> memref<80xi32, #tpu.memory_space<vmem>>
    %dma_wait3A_318 = arith.constant 0 : i32
    %dma_wait3A_319 = arith.constant 0 : i32
    %dma_wait3A_320 = tpu.memref_slice %arg16[%dma_wait3A_318, %dma_wait3A_319] : memref<10000x64xf32, #tpu.memory_space<vmem_shared>> -> memref<10000x64xf32, #tpu.memory_space<vmem_shared>>
    tpu.wait_indirect_dma semaphore(%arg32 : memref<!tpu.dma_semaphore, #tpu.memory_space<semaphore_mem>>) src(%arg13 : memref<80x64xf32, #tpu.memory_space<vmem>>) dst(%dma_wait3A_320 : memref<10000x64xf32, #tpu.memory_space<vmem_shared>>)
    %dma_wait3A_321 = arith.constant 0 : i32
    %dma_wait3A_322 = arith.constant 0 : i32
    %dma_wait3A_323 = tpu.memref_slice %arg6[%dma_wait3A_321, %dma_wait3A_322] : memref<250x80xi32, #tpu.memory_space<vmem>> -> memref<1x80xi32, #tpu.memory_space<vmem>>
    %dma_wait3A_324 = tpu.memref_squeeze %dma_wait3A_323 : memref<1x80xi32, #tpu.memory_space<vmem>> -> memref<80xi32, #tpu.memory_space<vmem>>
    %dma_wait3A_325 = arith.constant 0 : i32
    %dma_wait3A_326 = arith.constant 0 : i32
    %dma_wait3A_327 = tpu.memref_slice %arg16[%dma_wait3A_325, %dma_wait3A_326] : memref<10000x64xf32, #tpu.memory_space<vmem_shared>> -> memref<10000x64xf32, #tpu.memory_space<vmem_shared>>
    tpu.wait_indirect_dma semaphore(%arg33 : memref<!tpu.dma_semaphore, #tpu.memory_space<semaphore_mem>>) src(%arg14 : memref<80x64xf32, #tpu.memory_space<vmem>>) dst(%dma_wait3A_327 : memref<10000x64xf32, #tpu.memory_space<vmem_shared>>)
    %dma_wait3A_328 = arith.constant 0 : i32
    %dma_wait3A_329 = arith.constant 0 : i32
    %dma_wait3A_330 = tpu.memref_slice %arg6[%dma_wait3A_328, %dma_wait3A_329] : memref<250x80xi32, #tpu.memory_space<vmem>> -> memref<1x80xi32, #tpu.memory_space<vmem>>
    %dma_wait3A_331 = tpu.memref_squeeze %dma_wait3A_330 : memref<1x80xi32, #tpu.memory_space<vmem>> -> memref<80xi32, #tpu.memory_space<vmem>>
    %dma_wait3A_332 = arith.constant 0 : i32
    %dma_wait3A_333 = arith.constant 0 : i32
    %dma_wait3A_334 = tpu.memref_slice %arg16[%dma_wait3A_332, %dma_wait3A_333] : memref<10000x64xf32, #tpu.memory_space<vmem_shared>> -> memref<10000x64xf32, #tpu.memory_space<vmem_shared>>
    tpu.wait_indirect_dma semaphore(%arg34 : memref<!tpu.dma_semaphore, #tpu.memory_space<semaphore_mem>>) src(%arg15 : memref<80x64xf32, #tpu.memory_space<vmem>>) dst(%dma_wait3A_334 : memref<10000x64xf32, #tpu.memory_space<vmem_shared>>)
    %barrier3A_335 = arith.constant 0 : index
    tpu.barrier barrier_id(%barrier3A_335)
    "tpu.region"() ({
      %run_scoped3A = tpu.sem_alloc : memref<!tpu.dma_semaphore, #tpu.memory_space<semaphore_mem>>
      %dma_start3A_341 = arith.constant 0 : i32
      %dma_start3A_342 = tpu.memref_slice %arg4[%arg0, %multiple_of3A, %dma_start3A_341] : memref<2x10000x64xf32, #tpu.memory_space<hbm>> -> memref<1x624x64xf32, #tpu.memory_space<hbm>>
      %dma_start3A_343 = tpu.memref_squeeze %dma_start3A_342 : memref<1x624x64xf32, #tpu.memory_space<hbm>> -> memref<624x64xf32, #tpu.memory_space<hbm>>
      %dma_start3A_344 = arith.constant 0 : i32
      %dma_start3A_345 = tpu.memref_slice %arg16[%multiple_of3A, %dma_start3A_344] : memref<10000x64xf32, #tpu.memory_space<vmem_shared>> -> memref<624x64xf32, #tpu.memory_space<vmem_shared>>
      tpu.enqueue_dma source(%dma_start3A_345 : memref<624x64xf32, #tpu.memory_space<vmem_shared>>) target(%dma_start3A_343 : memref<624x64xf32, #tpu.memory_space<hbm>>) target_semaphore(%run_scoped3A : memref<!tpu.dma_semaphore, #tpu.memory_space<semaphore_mem>>)
      %dma_wait3A_346 = arith.constant 0 : i32
      %dma_wait3A_347 = tpu.memref_slice %arg4[%arg0, %multiple_of3A, %dma_wait3A_346] : memref<2x10000x64xf32, #tpu.memory_space<hbm>> -> memref<1x624x64xf32, #tpu.memory_space<hbm>>
      %dma_wait3A_348 = tpu.memref_squeeze %dma_wait3A_347 : memref<1x624x64xf32, #tpu.memory_space<hbm>> -> memref<624x64xf32, #tpu.memory_space<hbm>>
      %dma_wait3A_349 = arith.constant 0 : i32
      %dma_wait3A_350 = tpu.memref_slice %arg16[%multiple_of3A, %dma_wait3A_349] : memref<10000x64xf32, #tpu.memory_space<vmem_shared>> -> memref<624x64xf32, #tpu.memory_space<vmem_shared>>
      tpu.wait_dma2 semaphore(%run_scoped3A : memref<!tpu.dma_semaphore, #tpu.memory_space<semaphore_mem>>) src(%dma_wait3A_350 : memref<624x64xf32, #tpu.memory_space<vmem_shared>>) dst(%dma_wait3A_348 : memref<624x64xf32, #tpu.memory_space<hbm>>)
      tpu.yield
    }) : () -> ()
    %eq3A_336 = arith.constant 15 : i32
    %eq3A_337 = arith.cmpi eq, %arg1, %eq3A_336 : i32
    %convert_element_type3A_338 = arith.extui %eq3A_337 : i1 to i32
    %cond3A_339 = arith.constant 0 : i32
    %cond3A_340 = arith.cmpi ne, %convert_element_type3A_338, %cond3A_339 : i32
    scf.if %cond3A_340 {
      "tpu.region"() ({
        %run_scoped3A = tpu.sem_alloc : memref<!tpu.dma_semaphore, #tpu.memory_space<semaphore_mem>>
        %dma_start3A_341 = arith.constant 9984 : i32
        %dma_start3A_342 = arith.constant 0 : i32
        %dma_start3A_343 = tpu.memref_slice %arg4[%arg0, %dma_start3A_341, %dma_start3A_342] : memref<2x10000x64xf32, #tpu.memory_space<hbm>> -> memref<1x16x64xf32, #tpu.memory_space<hbm>>
        %dma_start3A_344 = tpu.memref_squeeze %dma_start3A_343 : memref<1x16x64xf32, #tpu.memory_space<hbm>> -> memref<16x64xf32, #tpu.memory_space<hbm>>
        %dma_start3A_345 = arith.constant 9984 : i32
        %dma_start3A_346 = arith.constant 0 : i32
        %dma_start3A_347 = tpu.memref_slice %arg16[%dma_start3A_345, %dma_start3A_346] : memref<10000x64xf32, #tpu.memory_space<vmem_shared>> -> memref<16x64xf32, #tpu.memory_space<vmem_shared>>
        tpu.enqueue_dma source(%dma_start3A_347 : memref<16x64xf32, #tpu.memory_space<vmem_shared>>) target(%dma_start3A_344 : memref<16x64xf32, #tpu.memory_space<hbm>>) target_semaphore(%run_scoped3A : memref<!tpu.dma_semaphore, #tpu.memory_space<semaphore_mem>>)
        %dma_wait3A_348 = arith.constant 9984 : i32
        %dma_wait3A_349 = arith.constant 0 : i32
        %dma_wait3A_350 = tpu.memref_slice %arg4[%arg0, %dma_wait3A_348, %dma_wait3A_349] : memref<2x10000x64xf32, #tpu.memory_space<hbm>> -> memref<1x16x64xf32, #tpu.memory_space<hbm>>
        %dma_wait3A_351 = tpu.memref_squeeze %dma_wait3A_350 : memref<1x16x64xf32, #tpu.memory_space<hbm>> -> memref<16x64xf32, #tpu.memory_space<hbm>>
        %dma_wait3A_352 = arith.constant 9984 : i32
        %dma_wait3A_353 = arith.constant 0 : i32
        %dma_wait3A_354 = tpu.memref_slice %arg16[%dma_wait3A_352, %dma_wait3A_353] : memref<10000x64xf32, #tpu.memory_space<vmem_shared>> -> memref<16x64xf32, #tpu.memory_space<vmem_shared>>
        tpu.wait_dma2 semaphore(%run_scoped3A : memref<!tpu.dma_semaphore, #tpu.memory_space<semaphore_mem>>) src(%dma_wait3A_354 : memref<16x64xf32, #tpu.memory_space<vmem_shared>>) dst(%dma_wait3A_351 : memref<16x64xf32, #tpu.memory_space<hbm>>)
        tpu.yield
      }) : () -> ()
    } else {
    }
    return
  }
}

#map = affine_map<(d0, d1) -> (0, 0, 0)>
#map1 = affine_map<(d0, d1) -> (0, 0, 0, 0)>
module attributes {stable_mosaic.version = 14 : i64} {
  func.func @_agg_body(%arg0: i32, %arg1: i32, %arg2: memref<2x10000x64xf32, #tpu.memory_space<hbm>>, %arg3: memref<2x16x250x80xi32, #tpu.memory_space<hbm>>, %arg4: memref<2x10000x64xf32, #tpu.memory_space<hbm>>, %arg5: memref<250x80xi32, #tpu.memory_space<vmem>>, %arg6: memref<250x80xi32, #tpu.memory_space<vmem>>, %arg7: memref<80x64xf32, #tpu.memory_space<vmem>>, %arg8: memref<80x64xf32, #tpu.memory_space<vmem>>, %arg9: memref<80x64xf32, #tpu.memory_space<vmem>>, %arg10: memref<80x64xf32, #tpu.memory_space<vmem>>, %arg11: memref<80x64xf32, #tpu.memory_space<vmem>>, %arg12: memref<80x64xf32, #tpu.memory_space<vmem>>, %arg13: memref<80x64xf32, #tpu.memory_space<vmem>>, %arg14: memref<80x64xf32, #tpu.memory_space<vmem>>, %arg15: memref<80x64xf32, #tpu.memory_space<vmem>>, %arg16: memref<10000x64xf32, #tpu.memory_space<vmem_shared>>, %arg17: memref<!tpu.dma_semaphore, #tpu.memory_space<semaphore_mem>>, %arg18: memref<!tpu.dma_semaphore, #tpu.memory_space<semaphore_mem>>, %arg19: memref<!tpu.dma_semaphore, #tpu.memory_space<semaphore_mem>>, %arg20: memref<!tpu.dma_semaphore, #tpu.memory_space<semaphore_mem>>, %arg21: memref<!tpu.dma_semaphore, #tpu.memory_space<semaphore_mem>>, %arg22: memref<!tpu.dma_semaphore, #tpu.memory_space<semaphore_mem>>, %arg23: memref<!tpu.dma_semaphore, #tpu.memory_space<semaphore_mem>>, %arg24: memref<!tpu.dma_semaphore, #tpu.memory_space<semaphore_mem>>, %arg25: memref<!tpu.dma_semaphore, #tpu.memory_space<semaphore_mem>>, %arg26: memref<!tpu.dma_semaphore, #tpu.memory_space<semaphore_mem>>, %arg27: memref<!tpu.dma_semaphore, #tpu.memory_space<semaphore_mem>>, %arg28: memref<!tpu.dma_semaphore, #tpu.memory_space<semaphore_mem>>, %arg29: memref<!tpu.dma_semaphore, #tpu.memory_space<semaphore_mem>>, %arg30: memref<!tpu.dma_semaphore, #tpu.memory_space<semaphore_mem>>, %arg31: memref<!tpu.dma_semaphore, #tpu.memory_space<semaphore_mem>>, %arg32: memref<!tpu.dma_semaphore, #tpu.memory_space<semaphore_mem>>, %arg33: memref<!tpu.dma_semaphore, #tpu.memory_space<semaphore_mem>>, %arg34: memref<!tpu.dma_semaphore, #tpu.memory_space<semaphore_mem>>) attributes {dimension_semantics = [#tpu.dimension_semantics<core_parallel>, #tpu.dimension_semantics<subcore_parallel>], iteration_bounds = array<i64: 2, 16>, scalar_prefetch = 0 : i64, scratch_operands = 30 : i64, tpu.core_type = #tpu.core_type<sc_vector_subcore>, window_params = [{transform_indices = #map}, {transform_indices = #map1}, {transform_indices = #map}]} {
    %mul3A = arith.constant 624 : i32
    %mul3A_0 = arith.muli %arg1, %mul3A : i32
    %multiple_of3A = tpu.assume_multiple %mul3A_0, 8 : i32
    %dma_start3A = arith.constant 0 : i32
    %dma_start3A_1 = tpu.memref_slice %arg16[%multiple_of3A, %dma_start3A] : memref<10000x64xf32, #tpu.memory_space<vmem_shared>> -> memref<624x64xf32, #tpu.memory_space<vmem_shared>>
    %dma_start3A_2 = arith.constant 0 : i32
    %dma_start3A_3 = arith.constant 0 : i32
    %dma_start3A_4 = tpu.memref_slice %arg2[%arg0, %dma_start3A_2, %dma_start3A_3] : memref<2x10000x64xf32, #tpu.memory_space<hbm>> -> memref<1x10000x64xf32, #tpu.memory_space<hbm>>
    %dma_start3A_5 = tpu.memref_squeeze %dma_start3A_4 : memref<1x10000x64xf32, #tpu.memory_space<hbm>> -> memref<10000x64xf32, #tpu.memory_space<hbm>>
    %dma_start3A_6 = arith.constant 0 : i32
    %dma_start3A_7 = tpu.memref_slice %dma_start3A_5[%multiple_of3A, %dma_start3A_6] : memref<10000x64xf32, #tpu.memory_space<hbm>> -> memref<624x64xf32, #tpu.memory_space<hbm>>
    tpu.enqueue_dma source(%dma_start3A_7 : memref<624x64xf32, #tpu.memory_space<hbm>>) target(%dma_start3A_1 : memref<624x64xf32, #tpu.memory_space<vmem_shared>>) target_semaphore(%arg17 : memref<!tpu.dma_semaphore, #tpu.memory_space<semaphore_mem>>)
    %dma_start3A_8 = arith.constant 0 : i32
    %dma_start3A_9 = arith.constant 0 : i32
    %dma_start3A_10 = arith.constant 0 : i32
    %dma_start3A_11 = tpu.memref_slice %arg3[%dma_start3A_8, %arg1, %dma_start3A_9, %dma_start3A_10] : memref<2x16x250x80xi32, #tpu.memory_space<hbm>> -> memref<1x1x250x80xi32, #tpu.memory_space<hbm>>
    %dma_start3A_12 = tpu.memref_squeeze %dma_start3A_11 : memref<1x1x250x80xi32, #tpu.memory_space<hbm>> -> memref<250x80xi32, #tpu.memory_space<hbm>>
    %dma_start3A_13 = arith.constant 0 : i32
    %dma_start3A_14 = arith.constant 0 : i32
    %dma_start3A_15 = tpu.memref_slice %arg3[%dma_start3A_8, %arg1, %dma_start3A_13, %dma_start3A_14] : memref<2x16x250x80xi32, #tpu.memory_space<hbm>> -> memref<1x1x250x80xi32, #tpu.memory_space<hbm>>
    %dma_start3A_16 = tpu.memref_squeeze %dma_start3A_15 : memref<1x1x250x80xi32, #tpu.memory_space<hbm>> -> memref<250x80xi32, #tpu.memory_space<hbm>>
    tpu.enqueue_dma source(%dma_start3A_16 : memref<250x80xi32, #tpu.memory_space<hbm>>) target(%arg5 : memref<250x80xi32, #tpu.memory_space<vmem>>) target_semaphore(%arg18 : memref<!tpu.dma_semaphore, #tpu.memory_space<semaphore_mem>>)
    %dma_start3A_17 = arith.constant 1 : i32
    %dma_start3A_18 = arith.constant 0 : i32
    %dma_start3A_19 = arith.constant 0 : i32
    %dma_start3A_20 = tpu.memref_slice %arg3[%dma_start3A_17, %arg1, %dma_start3A_18, %dma_start3A_19] : memref<2x16x250x80xi32, #tpu.memory_space<hbm>> -> memref<1x1x250x80xi32, #tpu.memory_space<hbm>>
    %dma_start3A_21 = tpu.memref_squeeze %dma_start3A_20 : memref<1x1x250x80xi32, #tpu.memory_space<hbm>> -> memref<250x80xi32, #tpu.memory_space<hbm>>
    %dma_start3A_22 = arith.constant 0 : i32
    %dma_start3A_23 = arith.constant 0 : i32
    %dma_start3A_24 = tpu.memref_slice %arg3[%dma_start3A_17, %arg1, %dma_start3A_22, %dma_start3A_23] : memref<2x16x250x80xi32, #tpu.memory_space<hbm>> -> memref<1x1x250x80xi32, #tpu.memory_space<hbm>>
    %dma_start3A_25 = tpu.memref_squeeze %dma_start3A_24 : memref<1x1x250x80xi32, #tpu.memory_space<hbm>> -> memref<250x80xi32, #tpu.memory_space<hbm>>
    tpu.enqueue_dma source(%dma_start3A_25 : memref<250x80xi32, #tpu.memory_space<hbm>>) target(%arg6 : memref<250x80xi32, #tpu.memory_space<vmem>>) target_semaphore(%arg19 : memref<!tpu.dma_semaphore, #tpu.memory_space<semaphore_mem>>)
    %eq3A = arith.constant 15 : i32
    %eq3A_26 = arith.cmpi eq, %arg1, %eq3A : i32
    %convert_element_type3A = arith.extui %eq3A_26 : i1 to i32
    %cond3A = arith.constant 0 : i32
    %cond3A_27 = arith.cmpi ne, %convert_element_type3A, %cond3A : i32
    scf.if %cond3A_27 {
      "tpu.region"() ({
        %run_scoped3A = tpu.sem_alloc : memref<!tpu.dma_semaphore, #tpu.memory_space<semaphore_mem>>
        %dma_start3A_341 = arith.constant 9984 : i32
        %dma_start3A_342 = arith.constant 0 : i32
        %dma_start3A_343 = tpu.memref_slice %arg16[%dma_start3A_341, %dma_start3A_342] : memref<10000x64xf32, #tpu.memory_space<vmem_shared>> -> memref<16x64xf32, #tpu.memory_space<vmem_shared>>
        %dma_start3A_344 = arith.constant 0 : i32
        %dma_start3A_345 = arith.constant 0 : i32
        %dma_start3A_346 = tpu.memref_slice %arg2[%arg0, %dma_start3A_344, %dma_start3A_345] : memref<2x10000x64xf32, #tpu.memory_space<hbm>> -> memref<1x10000x64xf32, #tpu.memory_space<hbm>>
        %dma_start3A_347 = tpu.memref_squeeze %dma_start3A_346 : memref<1x10000x64xf32, #tpu.memory_space<hbm>> -> memref<10000x64xf32, #tpu.memory_space<hbm>>
        %dma_start3A_348 = arith.constant 9984 : i32
        %dma_start3A_349 = arith.constant 0 : i32
        %dma_start3A_350 = tpu.memref_slice %dma_start3A_347[%dma_start3A_348, %dma_start3A_349] : memref<10000x64xf32, #tpu.memory_space<hbm>> -> memref<16x64xf32, #tpu.memory_space<hbm>>
        tpu.enqueue_dma source(%dma_start3A_350 : memref<16x64xf32, #tpu.memory_space<hbm>>) target(%dma_start3A_343 : memref<16x64xf32, #tpu.memory_space<vmem_shared>>) target_semaphore(%run_scoped3A : memref<!tpu.dma_semaphore, #tpu.memory_space<semaphore_mem>>)
        %dma_wait3A_351 = arith.constant 9984 : i32
        %dma_wait3A_352 = arith.constant 0 : i32
        %dma_wait3A_353 = tpu.memref_slice %arg16[%dma_wait3A_351, %dma_wait3A_352] : memref<10000x64xf32, #tpu.memory_space<vmem_shared>> -> memref<16x64xf32, #tpu.memory_space<vmem_shared>>
        %dma_wait3A_354 = arith.constant 0 : i32
        %dma_wait3A_355 = arith.constant 0 : i32
        %dma_wait3A_356 = tpu.memref_slice %arg2[%arg0, %dma_wait3A_354, %dma_wait3A_355] : memref<2x10000x64xf32, #tpu.memory_space<hbm>> -> memref<1x10000x64xf32, #tpu.memory_space<hbm>>
        %dma_wait3A_357 = tpu.memref_squeeze %dma_wait3A_356 : memref<1x10000x64xf32, #tpu.memory_space<hbm>> -> memref<10000x64xf32, #tpu.memory_space<hbm>>
        %dma_wait3A_358 = arith.constant 9984 : i32
        %dma_wait3A_359 = arith.constant 0 : i32
        %dma_wait3A_360 = tpu.memref_slice %dma_wait3A_357[%dma_wait3A_358, %dma_wait3A_359] : memref<10000x64xf32, #tpu.memory_space<hbm>> -> memref<16x64xf32, #tpu.memory_space<hbm>>
        tpu.wait_dma2 semaphore(%run_scoped3A : memref<!tpu.dma_semaphore, #tpu.memory_space<semaphore_mem>>) src(%dma_wait3A_360 : memref<16x64xf32, #tpu.memory_space<hbm>>) dst(%dma_wait3A_353 : memref<16x64xf32, #tpu.memory_space<vmem_shared>>)
        tpu.yield
      }) : () -> ()
    } else {
    }
    %dma_wait3A = arith.constant 0 : i32
    %dma_wait3A_28 = tpu.memref_slice %arg16[%multiple_of3A, %dma_wait3A] : memref<10000x64xf32, #tpu.memory_space<vmem_shared>> -> memref<624x64xf32, #tpu.memory_space<vmem_shared>>
    %dma_wait3A_29 = arith.constant 0 : i32
    %dma_wait3A_30 = arith.constant 0 : i32
    %dma_wait3A_31 = tpu.memref_slice %arg2[%arg0, %dma_wait3A_29, %dma_wait3A_30] : memref<2x10000x64xf32, #tpu.memory_space<hbm>> -> memref<1x10000x64xf32, #tpu.memory_space<hbm>>
    %dma_wait3A_32 = tpu.memref_squeeze %dma_wait3A_31 : memref<1x10000x64xf32, #tpu.memory_space<hbm>> -> memref<10000x64xf32, #tpu.memory_space<hbm>>
    %dma_wait3A_33 = arith.constant 0 : i32
    %dma_wait3A_34 = tpu.memref_slice %dma_wait3A_32[%multiple_of3A, %dma_wait3A_33] : memref<10000x64xf32, #tpu.memory_space<hbm>> -> memref<624x64xf32, #tpu.memory_space<hbm>>
    tpu.wait_dma2 semaphore(%arg17 : memref<!tpu.dma_semaphore, #tpu.memory_space<semaphore_mem>>) src(%dma_wait3A_34 : memref<624x64xf32, #tpu.memory_space<hbm>>) dst(%dma_wait3A_28 : memref<624x64xf32, #tpu.memory_space<vmem_shared>>)
    %dma_wait3A_35 = arith.constant 0 : i32
    %dma_wait3A_36 = arith.constant 0 : i32
    %dma_wait3A_37 = arith.constant 0 : i32
    %dma_wait3A_38 = tpu.memref_slice %arg3[%dma_wait3A_35, %arg1, %dma_wait3A_36, %dma_wait3A_37] : memref<2x16x250x80xi32, #tpu.memory_space<hbm>> -> memref<1x1x250x80xi32, #tpu.memory_space<hbm>>
    %dma_wait3A_39 = tpu.memref_squeeze %dma_wait3A_38 : memref<1x1x250x80xi32, #tpu.memory_space<hbm>> -> memref<250x80xi32, #tpu.memory_space<hbm>>
    %dma_wait3A_40 = arith.constant 0 : i32
    %dma_wait3A_41 = arith.constant 0 : i32
    %dma_wait3A_42 = tpu.memref_slice %arg3[%dma_wait3A_35, %arg1, %dma_wait3A_40, %dma_wait3A_41] : memref<2x16x250x80xi32, #tpu.memory_space<hbm>> -> memref<1x1x250x80xi32, #tpu.memory_space<hbm>>
    %dma_wait3A_43 = tpu.memref_squeeze %dma_wait3A_42 : memref<1x1x250x80xi32, #tpu.memory_space<hbm>> -> memref<250x80xi32, #tpu.memory_space<hbm>>
    tpu.wait_dma2 semaphore(%arg18 : memref<!tpu.dma_semaphore, #tpu.memory_space<semaphore_mem>>) src(%dma_wait3A_43 : memref<250x80xi32, #tpu.memory_space<hbm>>) dst(%arg5 : memref<250x80xi32, #tpu.memory_space<vmem>>)
    %dma_wait3A_44 = arith.constant 1 : i32
    %dma_wait3A_45 = arith.constant 0 : i32
    %dma_wait3A_46 = arith.constant 0 : i32
    %dma_wait3A_47 = tpu.memref_slice %arg3[%dma_wait3A_44, %arg1, %dma_wait3A_45, %dma_wait3A_46] : memref<2x16x250x80xi32, #tpu.memory_space<hbm>> -> memref<1x1x250x80xi32, #tpu.memory_space<hbm>>
    %dma_wait3A_48 = tpu.memref_squeeze %dma_wait3A_47 : memref<1x1x250x80xi32, #tpu.memory_space<hbm>> -> memref<250x80xi32, #tpu.memory_space<hbm>>
    %dma_wait3A_49 = arith.constant 0 : i32
    %dma_wait3A_50 = arith.constant 0 : i32
    %dma_wait3A_51 = tpu.memref_slice %arg3[%dma_wait3A_44, %arg1, %dma_wait3A_49, %dma_wait3A_50] : memref<2x16x250x80xi32, #tpu.memory_space<hbm>> -> memref<1x1x250x80xi32, #tpu.memory_space<hbm>>
    %dma_wait3A_52 = tpu.memref_squeeze %dma_wait3A_51 : memref<1x1x250x80xi32, #tpu.memory_space<hbm>> -> memref<250x80xi32, #tpu.memory_space<hbm>>
    tpu.wait_dma2 semaphore(%arg19 : memref<!tpu.dma_semaphore, #tpu.memory_space<semaphore_mem>>) src(%dma_wait3A_52 : memref<250x80xi32, #tpu.memory_space<hbm>>) dst(%arg6 : memref<250x80xi32, #tpu.memory_space<vmem>>)
    %barrier3A = arith.constant 0 : index
    tpu.barrier barrier_id(%barrier3A)
    %dma_start3A_53 = arith.constant 0 : i32
    %dma_start3A_54 = arith.constant 0 : i32
    %dma_start3A_55 = tpu.memref_slice %arg5[%dma_start3A_53, %dma_start3A_54] : memref<250x80xi32, #tpu.memory_space<vmem>> -> memref<1x80xi32, #tpu.memory_space<vmem>>
    %dma_start3A_56 = tpu.memref_squeeze %dma_start3A_55 : memref<1x80xi32, #tpu.memory_space<vmem>> -> memref<80xi32, #tpu.memory_space<vmem>>
    %dma_start3A_57 = arith.constant 0 : i32
    %dma_start3A_58 = arith.constant 0 : i32
    %dma_start3A_59 = tpu.memref_slice %arg2[%arg0, %dma_start3A_57, %dma_start3A_58] : memref<2x10000x64xf32, #tpu.memory_space<hbm>> -> memref<1x10000x64xf32, #tpu.memory_space<hbm>>
    %dma_start3A_60 = tpu.memref_squeeze %dma_start3A_59 : memref<1x10000x64xf32, #tpu.memory_space<hbm>> -> memref<10000x64xf32, #tpu.memory_space<hbm>>
    %dma_start3A_61 = arith.constant 0 : i32
    %dma_start3A_62 = arith.constant 0 : i32
    %dma_start3A_63 = tpu.memref_slice %dma_start3A_60[%dma_start3A_61, %dma_start3A_62] : memref<10000x64xf32, #tpu.memory_space<hbm>> -> memref<10000x64xf32, #tpu.memory_space<hbm>>
    tpu.enqueue_indirect_dma source(%dma_start3A_63 : memref<10000x64xf32, #tpu.memory_space<hbm>>) target(%arg7 : memref<80x64xf32, #tpu.memory_space<vmem>>) offsets(%dma_start3A_56 : memref<80xi32, #tpu.memory_space<vmem>>) semaphore(%arg17 : memref<!tpu.dma_semaphore, #tpu.memory_space<semaphore_mem>>)
    %dma_start3A_64 = arith.constant 1 : i32
    %dma_start3A_65 = arith.constant 0 : i32
    %dma_start3A_66 = tpu.memref_slice %arg5[%dma_start3A_64, %dma_start3A_65] : memref<250x80xi32, #tpu.memory_space<vmem>> -> memref<1x80xi32, #tpu.memory_space<vmem>>
    %dma_start3A_67 = tpu.memref_squeeze %dma_start3A_66 : memref<1x80xi32, #tpu.memory_space<vmem>> -> memref<80xi32, #tpu.memory_space<vmem>>
    %dma_start3A_68 = arith.constant 0 : i32
    %dma_start3A_69 = arith.constant 0 : i32
    %dma_start3A_70 = tpu.memref_slice %arg2[%arg0, %dma_start3A_68, %dma_start3A_69] : memref<2x10000x64xf32, #tpu.memory_space<hbm>> -> memref<1x10000x64xf32, #tpu.memory_space<hbm>>
    %dma_start3A_71 = tpu.memref_squeeze %dma_start3A_70 : memref<1x10000x64xf32, #tpu.memory_space<hbm>> -> memref<10000x64xf32, #tpu.memory_space<hbm>>
    %dma_start3A_72 = arith.constant 0 : i32
    %dma_start3A_73 = arith.constant 0 : i32
    %dma_start3A_74 = tpu.memref_slice %dma_start3A_71[%dma_start3A_72, %dma_start3A_73] : memref<10000x64xf32, #tpu.memory_space<hbm>> -> memref<10000x64xf32, #tpu.memory_space<hbm>>
    tpu.enqueue_indirect_dma source(%dma_start3A_74 : memref<10000x64xf32, #tpu.memory_space<hbm>>) target(%arg8 : memref<80x64xf32, #tpu.memory_space<vmem>>) offsets(%dma_start3A_67 : memref<80xi32, #tpu.memory_space<vmem>>) semaphore(%arg18 : memref<!tpu.dma_semaphore, #tpu.memory_space<semaphore_mem>>)
    %dma_start3A_75 = arith.constant 2 : i32
    %dma_start3A_76 = arith.constant 0 : i32
    %dma_start3A_77 = tpu.memref_slice %arg5[%dma_start3A_75, %dma_start3A_76] : memref<250x80xi32, #tpu.memory_space<vmem>> -> memref<1x80xi32, #tpu.memory_space<vmem>>
    %dma_start3A_78 = tpu.memref_squeeze %dma_start3A_77 : memref<1x80xi32, #tpu.memory_space<vmem>> -> memref<80xi32, #tpu.memory_space<vmem>>
    %dma_start3A_79 = arith.constant 0 : i32
    %dma_start3A_80 = arith.constant 0 : i32
    %dma_start3A_81 = tpu.memref_slice %arg2[%arg0, %dma_start3A_79, %dma_start3A_80] : memref<2x10000x64xf32, #tpu.memory_space<hbm>> -> memref<1x10000x64xf32, #tpu.memory_space<hbm>>
    %dma_start3A_82 = tpu.memref_squeeze %dma_start3A_81 : memref<1x10000x64xf32, #tpu.memory_space<hbm>> -> memref<10000x64xf32, #tpu.memory_space<hbm>>
    %dma_start3A_83 = arith.constant 0 : i32
    %dma_start3A_84 = arith.constant 0 : i32
    %dma_start3A_85 = tpu.memref_slice %dma_start3A_82[%dma_start3A_83, %dma_start3A_84] : memref<10000x64xf32, #tpu.memory_space<hbm>> -> memref<10000x64xf32, #tpu.memory_space<hbm>>
    tpu.enqueue_indirect_dma source(%dma_start3A_85 : memref<10000x64xf32, #tpu.memory_space<hbm>>) target(%arg9 : memref<80x64xf32, #tpu.memory_space<vmem>>) offsets(%dma_start3A_78 : memref<80xi32, #tpu.memory_space<vmem>>) semaphore(%arg19 : memref<!tpu.dma_semaphore, #tpu.memory_space<semaphore_mem>>)
    %dma_start3A_86 = arith.constant 3 : i32
    %dma_start3A_87 = arith.constant 0 : i32
    %dma_start3A_88 = tpu.memref_slice %arg5[%dma_start3A_86, %dma_start3A_87] : memref<250x80xi32, #tpu.memory_space<vmem>> -> memref<1x80xi32, #tpu.memory_space<vmem>>
    %dma_start3A_89 = tpu.memref_squeeze %dma_start3A_88 : memref<1x80xi32, #tpu.memory_space<vmem>> -> memref<80xi32, #tpu.memory_space<vmem>>
    %dma_start3A_90 = arith.constant 0 : i32
    %dma_start3A_91 = arith.constant 0 : i32
    %dma_start3A_92 = tpu.memref_slice %arg2[%arg0, %dma_start3A_90, %dma_start3A_91] : memref<2x10000x64xf32, #tpu.memory_space<hbm>> -> memref<1x10000x64xf32, #tpu.memory_space<hbm>>
    %dma_start3A_93 = tpu.memref_squeeze %dma_start3A_92 : memref<1x10000x64xf32, #tpu.memory_space<hbm>> -> memref<10000x64xf32, #tpu.memory_space<hbm>>
    %dma_start3A_94 = arith.constant 0 : i32
    %dma_start3A_95 = arith.constant 0 : i32
    %dma_start3A_96 = tpu.memref_slice %dma_start3A_93[%dma_start3A_94, %dma_start3A_95] : memref<10000x64xf32, #tpu.memory_space<hbm>> -> memref<10000x64xf32, #tpu.memory_space<hbm>>
    tpu.enqueue_indirect_dma source(%dma_start3A_96 : memref<10000x64xf32, #tpu.memory_space<hbm>>) target(%arg10 : memref<80x64xf32, #tpu.memory_space<vmem>>) offsets(%dma_start3A_89 : memref<80xi32, #tpu.memory_space<vmem>>) semaphore(%arg20 : memref<!tpu.dma_semaphore, #tpu.memory_space<semaphore_mem>>)
    %dma_start3A_97 = arith.constant 4 : i32
    %dma_start3A_98 = arith.constant 0 : i32
    %dma_start3A_99 = tpu.memref_slice %arg5[%dma_start3A_97, %dma_start3A_98] : memref<250x80xi32, #tpu.memory_space<vmem>> -> memref<1x80xi32, #tpu.memory_space<vmem>>
    %dma_start3A_100 = tpu.memref_squeeze %dma_start3A_99 : memref<1x80xi32, #tpu.memory_space<vmem>> -> memref<80xi32, #tpu.memory_space<vmem>>
    %dma_start3A_101 = arith.constant 0 : i32
    %dma_start3A_102 = arith.constant 0 : i32
    %dma_start3A_103 = tpu.memref_slice %arg2[%arg0, %dma_start3A_101, %dma_start3A_102] : memref<2x10000x64xf32, #tpu.memory_space<hbm>> -> memref<1x10000x64xf32, #tpu.memory_space<hbm>>
    %dma_start3A_104 = tpu.memref_squeeze %dma_start3A_103 : memref<1x10000x64xf32, #tpu.memory_space<hbm>> -> memref<10000x64xf32, #tpu.memory_space<hbm>>
    %dma_start3A_105 = arith.constant 0 : i32
    %dma_start3A_106 = arith.constant 0 : i32
    %dma_start3A_107 = tpu.memref_slice %dma_start3A_104[%dma_start3A_105, %dma_start3A_106] : memref<10000x64xf32, #tpu.memory_space<hbm>> -> memref<10000x64xf32, #tpu.memory_space<hbm>>
    tpu.enqueue_indirect_dma source(%dma_start3A_107 : memref<10000x64xf32, #tpu.memory_space<hbm>>) target(%arg11 : memref<80x64xf32, #tpu.memory_space<vmem>>) offsets(%dma_start3A_100 : memref<80xi32, #tpu.memory_space<vmem>>) semaphore(%arg21 : memref<!tpu.dma_semaphore, #tpu.memory_space<semaphore_mem>>)
    %dma_start3A_108 = arith.constant 5 : i32
    %dma_start3A_109 = arith.constant 0 : i32
    %dma_start3A_110 = tpu.memref_slice %arg5[%dma_start3A_108, %dma_start3A_109] : memref<250x80xi32, #tpu.memory_space<vmem>> -> memref<1x80xi32, #tpu.memory_space<vmem>>
    %dma_start3A_111 = tpu.memref_squeeze %dma_start3A_110 : memref<1x80xi32, #tpu.memory_space<vmem>> -> memref<80xi32, #tpu.memory_space<vmem>>
    %dma_start3A_112 = arith.constant 0 : i32
    %dma_start3A_113 = arith.constant 0 : i32
    %dma_start3A_114 = tpu.memref_slice %arg2[%arg0, %dma_start3A_112, %dma_start3A_113] : memref<2x10000x64xf32, #tpu.memory_space<hbm>> -> memref<1x10000x64xf32, #tpu.memory_space<hbm>>
    %dma_start3A_115 = tpu.memref_squeeze %dma_start3A_114 : memref<1x10000x64xf32, #tpu.memory_space<hbm>> -> memref<10000x64xf32, #tpu.memory_space<hbm>>
    %dma_start3A_116 = arith.constant 0 : i32
    %dma_start3A_117 = arith.constant 0 : i32
    %dma_start3A_118 = tpu.memref_slice %dma_start3A_115[%dma_start3A_116, %dma_start3A_117] : memref<10000x64xf32, #tpu.memory_space<hbm>> -> memref<10000x64xf32, #tpu.memory_space<hbm>>
    tpu.enqueue_indirect_dma source(%dma_start3A_118 : memref<10000x64xf32, #tpu.memory_space<hbm>>) target(%arg12 : memref<80x64xf32, #tpu.memory_space<vmem>>) offsets(%dma_start3A_111 : memref<80xi32, #tpu.memory_space<vmem>>) semaphore(%arg22 : memref<!tpu.dma_semaphore, #tpu.memory_space<semaphore_mem>>)
    %dma_start3A_119 = arith.constant 6 : i32
    %dma_start3A_120 = arith.constant 0 : i32
    %dma_start3A_121 = tpu.memref_slice %arg5[%dma_start3A_119, %dma_start3A_120] : memref<250x80xi32, #tpu.memory_space<vmem>> -> memref<1x80xi32, #tpu.memory_space<vmem>>
    %dma_start3A_122 = tpu.memref_squeeze %dma_start3A_121 : memref<1x80xi32, #tpu.memory_space<vmem>> -> memref<80xi32, #tpu.memory_space<vmem>>
    %dma_start3A_123 = arith.constant 0 : i32
    %dma_start3A_124 = arith.constant 0 : i32
    %dma_start3A_125 = tpu.memref_slice %arg2[%arg0, %dma_start3A_123, %dma_start3A_124] : memref<2x10000x64xf32, #tpu.memory_space<hbm>> -> memref<1x10000x64xf32, #tpu.memory_space<hbm>>
    %dma_start3A_126 = tpu.memref_squeeze %dma_start3A_125 : memref<1x10000x64xf32, #tpu.memory_space<hbm>> -> memref<10000x64xf32, #tpu.memory_space<hbm>>
    %dma_start3A_127 = arith.constant 0 : i32
    %dma_start3A_128 = arith.constant 0 : i32
    %dma_start3A_129 = tpu.memref_slice %dma_start3A_126[%dma_start3A_127, %dma_start3A_128] : memref<10000x64xf32, #tpu.memory_space<hbm>> -> memref<10000x64xf32, #tpu.memory_space<hbm>>
    tpu.enqueue_indirect_dma source(%dma_start3A_129 : memref<10000x64xf32, #tpu.memory_space<hbm>>) target(%arg13 : memref<80x64xf32, #tpu.memory_space<vmem>>) offsets(%dma_start3A_122 : memref<80xi32, #tpu.memory_space<vmem>>) semaphore(%arg23 : memref<!tpu.dma_semaphore, #tpu.memory_space<semaphore_mem>>)
    %dma_start3A_130 = arith.constant 7 : i32
    %dma_start3A_131 = arith.constant 0 : i32
    %dma_start3A_132 = tpu.memref_slice %arg5[%dma_start3A_130, %dma_start3A_131] : memref<250x80xi32, #tpu.memory_space<vmem>> -> memref<1x80xi32, #tpu.memory_space<vmem>>
    %dma_start3A_133 = tpu.memref_squeeze %dma_start3A_132 : memref<1x80xi32, #tpu.memory_space<vmem>> -> memref<80xi32, #tpu.memory_space<vmem>>
    %dma_start3A_134 = arith.constant 0 : i32
    %dma_start3A_135 = arith.constant 0 : i32
    %dma_start3A_136 = tpu.memref_slice %arg2[%arg0, %dma_start3A_134, %dma_start3A_135] : memref<2x10000x64xf32, #tpu.memory_space<hbm>> -> memref<1x10000x64xf32, #tpu.memory_space<hbm>>
    %dma_start3A_137 = tpu.memref_squeeze %dma_start3A_136 : memref<1x10000x64xf32, #tpu.memory_space<hbm>> -> memref<10000x64xf32, #tpu.memory_space<hbm>>
    %dma_start3A_138 = arith.constant 0 : i32
    %dma_start3A_139 = arith.constant 0 : i32
    %dma_start3A_140 = tpu.memref_slice %dma_start3A_137[%dma_start3A_138, %dma_start3A_139] : memref<10000x64xf32, #tpu.memory_space<hbm>> -> memref<10000x64xf32, #tpu.memory_space<hbm>>
    tpu.enqueue_indirect_dma source(%dma_start3A_140 : memref<10000x64xf32, #tpu.memory_space<hbm>>) target(%arg14 : memref<80x64xf32, #tpu.memory_space<vmem>>) offsets(%dma_start3A_133 : memref<80xi32, #tpu.memory_space<vmem>>) semaphore(%arg24 : memref<!tpu.dma_semaphore, #tpu.memory_space<semaphore_mem>>)
    %scan3A = arith.constant 0 : i32
    %scan3A_141 = arith.constant 0 : i32
    %scan3A_142 = arith.constant 27 : i32
    %scan3A_143 = arith.addi %scan3A_141, %scan3A_142 : i32
    %scan3A_144 = arith.constant 1 : i32
    scf.for %scan3A_341 = %scan3A_141 to %scan3A_143 step %scan3A_144  : i32 {
      %mul3A_342 = arith.constant 9 : i32
      %mul3A_343 = arith.muli %scan3A_341, %mul3A_342 : i32
      %add3A = arith.constant 0 : i32
      %add3A_344 = arith.addi %mul3A_343, %add3A : i32
      %dma_wait3A_345 = arith.constant 0 : i32
      %dma_wait3A_346 = tpu.memref_slice %arg5[%add3A_344, %dma_wait3A_345] : memref<250x80xi32, #tpu.memory_space<vmem>> -> memref<1x80xi32, #tpu.memory_space<vmem>>
      %dma_wait3A_347 = tpu.memref_squeeze %dma_wait3A_346 : memref<1x80xi32, #tpu.memory_space<vmem>> -> memref<80xi32, #tpu.memory_space<vmem>>
      %dma_wait3A_348 = arith.constant 0 : i32
      %dma_wait3A_349 = arith.constant 0 : i32
      %dma_wait3A_350 = tpu.memref_slice %arg2[%arg0, %dma_wait3A_348, %dma_wait3A_349] : memref<2x10000x64xf32, #tpu.memory_space<hbm>> -> memref<1x10000x64xf32, #tpu.memory_space<hbm>>
      %dma_wait3A_351 = tpu.memref_squeeze %dma_wait3A_350 : memref<1x10000x64xf32, #tpu.memory_space<hbm>> -> memref<10000x64xf32, #tpu.memory_space<hbm>>
      %dma_wait3A_352 = arith.constant 0 : i32
      %dma_wait3A_353 = arith.constant 0 : i32
      %dma_wait3A_354 = tpu.memref_slice %dma_wait3A_351[%dma_wait3A_352, %dma_wait3A_353] : memref<10000x64xf32, #tpu.memory_space<hbm>> -> memref<10000x64xf32, #tpu.memory_space<hbm>>
      tpu.wait_indirect_dma semaphore(%arg17 : memref<!tpu.dma_semaphore, #tpu.memory_space<semaphore_mem>>) src(%dma_wait3A_354 : memref<10000x64xf32, #tpu.memory_space<hbm>>) dst(%arg7 : memref<80x64xf32, #tpu.memory_space<vmem>>)
      %dma_start3A_355 = arith.constant 0 : i32
      %dma_start3A_356 = tpu.memref_slice %arg6[%add3A_344, %dma_start3A_355] : memref<250x80xi32, #tpu.memory_space<vmem>> -> memref<1x80xi32, #tpu.memory_space<vmem>>
      %dma_start3A_357 = tpu.memref_squeeze %dma_start3A_356 : memref<1x80xi32, #tpu.memory_space<vmem>> -> memref<80xi32, #tpu.memory_space<vmem>>
      %dma_start3A_358 = arith.constant 0 : i32
      %dma_start3A_359 = arith.constant 0 : i32
      %dma_start3A_360 = tpu.memref_slice %arg16[%dma_start3A_358, %dma_start3A_359] : memref<10000x64xf32, #tpu.memory_space<vmem_shared>> -> memref<10000x64xf32, #tpu.memory_space<vmem_shared>>
      tpu.enqueue_indirect_dma source(%arg7 : memref<80x64xf32, #tpu.memory_space<vmem>>) target(%dma_start3A_360 : memref<10000x64xf32, #tpu.memory_space<vmem_shared>>) offsets(%dma_start3A_357 : memref<80xi32, #tpu.memory_space<vmem>>) semaphore(%arg26 : memref<!tpu.dma_semaphore, #tpu.memory_space<semaphore_mem>>) {add = true}
      %add3A_361 = arith.constant 9 : i32
      %add3A_362 = arith.addi %add3A_344, %add3A_361 : i32
      %sub3A = arith.constant 1 : i32
      %sub3A_363 = arith.subi %add3A_362, %sub3A : i32
      %lt3A = arith.constant 250 : i32
      %lt3A_364 = arith.cmpi slt, %sub3A_363, %lt3A : i32
      %ge3A = arith.constant 1 : i32
      %ge3A_365 = arith.cmpi sge, %add3A_344, %ge3A : i32
      %and3A = arith.andi %lt3A_364, %ge3A_365 : i1
      %convert_element_type3A_366 = arith.extui %and3A : i1 to i32
      %cond3A_367 = arith.constant 0 : i32
      %cond3A_368 = arith.cmpi ne, %convert_element_type3A_366, %cond3A_367 : i32
      scf.if %cond3A_368 {
        %sub3A_630 = arith.constant 1 : i32
        %sub3A_631 = arith.subi %add3A_344, %sub3A_630 : i32
        %dma_wait3A_632 = arith.constant 0 : i32
        %dma_wait3A_633 = tpu.memref_slice %arg6[%sub3A_631, %dma_wait3A_632] : memref<250x80xi32, #tpu.memory_space<vmem>> -> memref<1x80xi32, #tpu.memory_space<vmem>>
        %dma_wait3A_634 = tpu.memref_squeeze %dma_wait3A_633 : memref<1x80xi32, #tpu.memory_space<vmem>> -> memref<80xi32, #tpu.memory_space<vmem>>
        %dma_wait3A_635 = arith.constant 0 : i32
        %dma_wait3A_636 = arith.constant 0 : i32
        %dma_wait3A_637 = tpu.memref_slice %arg16[%dma_wait3A_635, %dma_wait3A_636] : memref<10000x64xf32, #tpu.memory_space<vmem_shared>> -> memref<10000x64xf32, #tpu.memory_space<vmem_shared>>
        tpu.wait_indirect_dma semaphore(%arg34 : memref<!tpu.dma_semaphore, #tpu.memory_space<semaphore_mem>>) src(%arg15 : memref<80x64xf32, #tpu.memory_space<vmem>>) dst(%dma_wait3A_637 : memref<10000x64xf32, #tpu.memory_space<vmem_shared>>)
      } else {
      }
      %lt3A_369 = arith.constant 250 : i32
      %lt3A_370 = arith.cmpi slt, %sub3A_363, %lt3A_369 : i32
      %convert_element_type3A_371 = arith.extui %lt3A_370 : i1 to i32
      %cond3A_372 = arith.constant 0 : i32
      %cond3A_373 = arith.cmpi ne, %convert_element_type3A_371, %cond3A_372 : i32
      scf.if %cond3A_373 {
        %dma_start3A_630 = arith.constant 0 : i32
        %dma_start3A_631 = tpu.memref_slice %arg5[%sub3A_363, %dma_start3A_630] : memref<250x80xi32, #tpu.memory_space<vmem>> -> memref<1x80xi32, #tpu.memory_space<vmem>>
        %dma_start3A_632 = tpu.memref_squeeze %dma_start3A_631 : memref<1x80xi32, #tpu.memory_space<vmem>> -> memref<80xi32, #tpu.memory_space<vmem>>
        %dma_start3A_633 = arith.constant 0 : i32
        %dma_start3A_634 = arith.constant 0 : i32
        %dma_start3A_635 = tpu.memref_slice %arg2[%arg0, %dma_start3A_633, %dma_start3A_634] : memref<2x10000x64xf32, #tpu.memory_space<hbm>> -> memref<1x10000x64xf32, #tpu.memory_space<hbm>>
        %dma_start3A_636 = tpu.memref_squeeze %dma_start3A_635 : memref<1x10000x64xf32, #tpu.memory_space<hbm>> -> memref<10000x64xf32, #tpu.memory_space<hbm>>
        %dma_start3A_637 = arith.constant 0 : i32
        %dma_start3A_638 = arith.constant 0 : i32
        %dma_start3A_639 = tpu.memref_slice %dma_start3A_636[%dma_start3A_637, %dma_start3A_638] : memref<10000x64xf32, #tpu.memory_space<hbm>> -> memref<10000x64xf32, #tpu.memory_space<hbm>>
        tpu.enqueue_indirect_dma source(%dma_start3A_639 : memref<10000x64xf32, #tpu.memory_space<hbm>>) target(%arg15 : memref<80x64xf32, #tpu.memory_space<vmem>>) offsets(%dma_start3A_632 : memref<80xi32, #tpu.memory_space<vmem>>) semaphore(%arg25 : memref<!tpu.dma_semaphore, #tpu.memory_space<semaphore_mem>>)
      } else {
      }
      %add3A_374 = arith.constant 1 : i32
      %add3A_375 = arith.addi %mul3A_343, %add3A_374 : i32
      %dma_wait3A_376 = arith.constant 0 : i32
      %dma_wait3A_377 = tpu.memref_slice %arg5[%add3A_375, %dma_wait3A_376] : memref<250x80xi32, #tpu.memory_space<vmem>> -> memref<1x80xi32, #tpu.memory_space<vmem>>
      %dma_wait3A_378 = tpu.memref_squeeze %dma_wait3A_377 : memref<1x80xi32, #tpu.memory_space<vmem>> -> memref<80xi32, #tpu.memory_space<vmem>>
      %dma_wait3A_379 = arith.constant 0 : i32
      %dma_wait3A_380 = arith.constant 0 : i32
      %dma_wait3A_381 = tpu.memref_slice %arg2[%arg0, %dma_wait3A_379, %dma_wait3A_380] : memref<2x10000x64xf32, #tpu.memory_space<hbm>> -> memref<1x10000x64xf32, #tpu.memory_space<hbm>>
      %dma_wait3A_382 = tpu.memref_squeeze %dma_wait3A_381 : memref<1x10000x64xf32, #tpu.memory_space<hbm>> -> memref<10000x64xf32, #tpu.memory_space<hbm>>
      %dma_wait3A_383 = arith.constant 0 : i32
      %dma_wait3A_384 = arith.constant 0 : i32
      %dma_wait3A_385 = tpu.memref_slice %dma_wait3A_382[%dma_wait3A_383, %dma_wait3A_384] : memref<10000x64xf32, #tpu.memory_space<hbm>> -> memref<10000x64xf32, #tpu.memory_space<hbm>>
      tpu.wait_indirect_dma semaphore(%arg18 : memref<!tpu.dma_semaphore, #tpu.memory_space<semaphore_mem>>) src(%dma_wait3A_385 : memref<10000x64xf32, #tpu.memory_space<hbm>>) dst(%arg8 : memref<80x64xf32, #tpu.memory_space<vmem>>)
      %dma_start3A_386 = arith.constant 0 : i32
      %dma_start3A_387 = tpu.memref_slice %arg6[%add3A_375, %dma_start3A_386] : memref<250x80xi32, #tpu.memory_space<vmem>> -> memref<1x80xi32, #tpu.memory_space<vmem>>
      %dma_start3A_388 = tpu.memref_squeeze %dma_start3A_387 : memref<1x80xi32, #tpu.memory_space<vmem>> -> memref<80xi32, #tpu.memory_space<vmem>>
      %dma_start3A_389 = arith.constant 0 : i32
      %dma_start3A_390 = arith.constant 0 : i32
      %dma_start3A_391 = tpu.memref_slice %arg16[%dma_start3A_389, %dma_start3A_390] : memref<10000x64xf32, #tpu.memory_space<vmem_shared>> -> memref<10000x64xf32, #tpu.memory_space<vmem_shared>>
      tpu.enqueue_indirect_dma source(%arg8 : memref<80x64xf32, #tpu.memory_space<vmem>>) target(%dma_start3A_391 : memref<10000x64xf32, #tpu.memory_space<vmem_shared>>) offsets(%dma_start3A_388 : memref<80xi32, #tpu.memory_space<vmem>>) semaphore(%arg27 : memref<!tpu.dma_semaphore, #tpu.memory_space<semaphore_mem>>) {add = true}
      %add3A_392 = arith.constant 9 : i32
      %add3A_393 = arith.addi %add3A_375, %add3A_392 : i32
      %sub3A_394 = arith.constant 1 : i32
      %sub3A_395 = arith.subi %add3A_393, %sub3A_394 : i32
      %lt3A_396 = arith.constant 250 : i32
      %lt3A_397 = arith.cmpi slt, %sub3A_395, %lt3A_396 : i32
      %convert_element_type3A_398 = arith.extui %lt3A_397 : i1 to i32
      %cond3A_399 = arith.constant 0 : i32
      %cond3A_400 = arith.cmpi ne, %convert_element_type3A_398, %cond3A_399 : i32
      scf.if %cond3A_400 {
        %sub3A_630 = arith.constant 1 : i32
        %sub3A_631 = arith.subi %add3A_375, %sub3A_630 : i32
        %dma_wait3A_632 = arith.constant 0 : i32
        %dma_wait3A_633 = tpu.memref_slice %arg6[%sub3A_631, %dma_wait3A_632] : memref<250x80xi32, #tpu.memory_space<vmem>> -> memref<1x80xi32, #tpu.memory_space<vmem>>
        %dma_wait3A_634 = tpu.memref_squeeze %dma_wait3A_633 : memref<1x80xi32, #tpu.memory_space<vmem>> -> memref<80xi32, #tpu.memory_space<vmem>>
        %dma_wait3A_635 = arith.constant 0 : i32
        %dma_wait3A_636 = arith.constant 0 : i32
        %dma_wait3A_637 = tpu.memref_slice %arg16[%dma_wait3A_635, %dma_wait3A_636] : memref<10000x64xf32, #tpu.memory_space<vmem_shared>> -> memref<10000x64xf32, #tpu.memory_space<vmem_shared>>
        tpu.wait_indirect_dma semaphore(%arg26 : memref<!tpu.dma_semaphore, #tpu.memory_space<semaphore_mem>>) src(%arg7 : memref<80x64xf32, #tpu.memory_space<vmem>>) dst(%dma_wait3A_637 : memref<10000x64xf32, #tpu.memory_space<vmem_shared>>)
      } else {
      }
      %lt3A_401 = arith.constant 250 : i32
      %lt3A_402 = arith.cmpi slt, %sub3A_395, %lt3A_401 : i32
      %convert_element_type3A_403 = arith.extui %lt3A_402 : i1 to i32
      %cond3A_404 = arith.constant 0 : i32
      %cond3A_405 = arith.cmpi ne, %convert_element_type3A_403, %cond3A_404 : i32
      scf.if %cond3A_405 {
        %dma_start3A_630 = arith.constant 0 : i32
        %dma_start3A_631 = tpu.memref_slice %arg5[%sub3A_395, %dma_start3A_630] : memref<250x80xi32, #tpu.memory_space<vmem>> -> memref<1x80xi32, #tpu.memory_space<vmem>>
        %dma_start3A_632 = tpu.memref_squeeze %dma_start3A_631 : memref<1x80xi32, #tpu.memory_space<vmem>> -> memref<80xi32, #tpu.memory_space<vmem>>
        %dma_start3A_633 = arith.constant 0 : i32
        %dma_start3A_634 = arith.constant 0 : i32
        %dma_start3A_635 = tpu.memref_slice %arg2[%arg0, %dma_start3A_633, %dma_start3A_634] : memref<2x10000x64xf32, #tpu.memory_space<hbm>> -> memref<1x10000x64xf32, #tpu.memory_space<hbm>>
        %dma_start3A_636 = tpu.memref_squeeze %dma_start3A_635 : memref<1x10000x64xf32, #tpu.memory_space<hbm>> -> memref<10000x64xf32, #tpu.memory_space<hbm>>
        %dma_start3A_637 = arith.constant 0 : i32
        %dma_start3A_638 = arith.constant 0 : i32
        %dma_start3A_639 = tpu.memref_slice %dma_start3A_636[%dma_start3A_637, %dma_start3A_638] : memref<10000x64xf32, #tpu.memory_space<hbm>> -> memref<10000x64xf32, #tpu.memory_space<hbm>>
        tpu.enqueue_indirect_dma source(%dma_start3A_639 : memref<10000x64xf32, #tpu.memory_space<hbm>>) target(%arg7 : memref<80x64xf32, #tpu.memory_space<vmem>>) offsets(%dma_start3A_632 : memref<80xi32, #tpu.memory_space<vmem>>) semaphore(%arg17 : memref<!tpu.dma_semaphore, #tpu.memory_space<semaphore_mem>>)
      } else {
      }
      %add3A_406 = arith.constant 2 : i32
      %add3A_407 = arith.addi %mul3A_343, %add3A_406 : i32
      %dma_wait3A_408 = arith.constant 0 : i32
      %dma_wait3A_409 = tpu.memref_slice %arg5[%add3A_407, %dma_wait3A_408] : memref<250x80xi32, #tpu.memory_space<vmem>> -> memref<1x80xi32, #tpu.memory_space<vmem>>
      %dma_wait3A_410 = tpu.memref_squeeze %dma_wait3A_409 : memref<1x80xi32, #tpu.memory_space<vmem>> -> memref<80xi32, #tpu.memory_space<vmem>>
      %dma_wait3A_411 = arith.constant 0 : i32
      %dma_wait3A_412 = arith.constant 0 : i32
      %dma_wait3A_413 = tpu.memref_slice %arg2[%arg0, %dma_wait3A_411, %dma_wait3A_412] : memref<2x10000x64xf32, #tpu.memory_space<hbm>> -> memref<1x10000x64xf32, #tpu.memory_space<hbm>>
      %dma_wait3A_414 = tpu.memref_squeeze %dma_wait3A_413 : memref<1x10000x64xf32, #tpu.memory_space<hbm>> -> memref<10000x64xf32, #tpu.memory_space<hbm>>
      %dma_wait3A_415 = arith.constant 0 : i32
      %dma_wait3A_416 = arith.constant 0 : i32
      %dma_wait3A_417 = tpu.memref_slice %dma_wait3A_414[%dma_wait3A_415, %dma_wait3A_416] : memref<10000x64xf32, #tpu.memory_space<hbm>> -> memref<10000x64xf32, #tpu.memory_space<hbm>>
      tpu.wait_indirect_dma semaphore(%arg19 : memref<!tpu.dma_semaphore, #tpu.memory_space<semaphore_mem>>) src(%dma_wait3A_417 : memref<10000x64xf32, #tpu.memory_space<hbm>>) dst(%arg9 : memref<80x64xf32, #tpu.memory_space<vmem>>)
      %dma_start3A_418 = arith.constant 0 : i32
      %dma_start3A_419 = tpu.memref_slice %arg6[%add3A_407, %dma_start3A_418] : memref<250x80xi32, #tpu.memory_space<vmem>> -> memref<1x80xi32, #tpu.memory_space<vmem>>
      %dma_start3A_420 = tpu.memref_squeeze %dma_start3A_419 : memref<1x80xi32, #tpu.memory_space<vmem>> -> memref<80xi32, #tpu.memory_space<vmem>>
      %dma_start3A_421 = arith.constant 0 : i32
      %dma_start3A_422 = arith.constant 0 : i32
      %dma_start3A_423 = tpu.memref_slice %arg16[%dma_start3A_421, %dma_start3A_422] : memref<10000x64xf32, #tpu.memory_space<vmem_shared>> -> memref<10000x64xf32, #tpu.memory_space<vmem_shared>>
      tpu.enqueue_indirect_dma source(%arg9 : memref<80x64xf32, #tpu.memory_space<vmem>>) target(%dma_start3A_423 : memref<10000x64xf32, #tpu.memory_space<vmem_shared>>) offsets(%dma_start3A_420 : memref<80xi32, #tpu.memory_space<vmem>>) semaphore(%arg28 : memref<!tpu.dma_semaphore, #tpu.memory_space<semaphore_mem>>) {add = true}
      %add3A_424 = arith.constant 9 : i32
      %add3A_425 = arith.addi %add3A_407, %add3A_424 : i32
      %sub3A_426 = arith.constant 1 : i32
      %sub3A_427 = arith.subi %add3A_425, %sub3A_426 : i32
      %lt3A_428 = arith.constant 250 : i32
      %lt3A_429 = arith.cmpi slt, %sub3A_427, %lt3A_428 : i32
      %convert_element_type3A_430 = arith.extui %lt3A_429 : i1 to i32
      %cond3A_431 = arith.constant 0 : i32
      %cond3A_432 = arith.cmpi ne, %convert_element_type3A_430, %cond3A_431 : i32
      scf.if %cond3A_432 {
        %sub3A_630 = arith.constant 1 : i32
        %sub3A_631 = arith.subi %add3A_407, %sub3A_630 : i32
        %dma_wait3A_632 = arith.constant 0 : i32
        %dma_wait3A_633 = tpu.memref_slice %arg6[%sub3A_631, %dma_wait3A_632] : memref<250x80xi32, #tpu.memory_space<vmem>> -> memref<1x80xi32, #tpu.memory_space<vmem>>
        %dma_wait3A_634 = tpu.memref_squeeze %dma_wait3A_633 : memref<1x80xi32, #tpu.memory_space<vmem>> -> memref<80xi32, #tpu.memory_space<vmem>>
        %dma_wait3A_635 = arith.constant 0 : i32
        %dma_wait3A_636 = arith.constant 0 : i32
        %dma_wait3A_637 = tpu.memref_slice %arg16[%dma_wait3A_635, %dma_wait3A_636] : memref<10000x64xf32, #tpu.memory_space<vmem_shared>> -> memref<10000x64xf32, #tpu.memory_space<vmem_shared>>
        tpu.wait_indirect_dma semaphore(%arg27 : memref<!tpu.dma_semaphore, #tpu.memory_space<semaphore_mem>>) src(%arg8 : memref<80x64xf32, #tpu.memory_space<vmem>>) dst(%dma_wait3A_637 : memref<10000x64xf32, #tpu.memory_space<vmem_shared>>)
      } else {
      }
      %lt3A_433 = arith.constant 250 : i32
      %lt3A_434 = arith.cmpi slt, %sub3A_427, %lt3A_433 : i32
      %convert_element_type3A_435 = arith.extui %lt3A_434 : i1 to i32
      %cond3A_436 = arith.constant 0 : i32
      %cond3A_437 = arith.cmpi ne, %convert_element_type3A_435, %cond3A_436 : i32
      scf.if %cond3A_437 {
        %dma_start3A_630 = arith.constant 0 : i32
        %dma_start3A_631 = tpu.memref_slice %arg5[%sub3A_427, %dma_start3A_630] : memref<250x80xi32, #tpu.memory_space<vmem>> -> memref<1x80xi32, #tpu.memory_space<vmem>>
        %dma_start3A_632 = tpu.memref_squeeze %dma_start3A_631 : memref<1x80xi32, #tpu.memory_space<vmem>> -> memref<80xi32, #tpu.memory_space<vmem>>
        %dma_start3A_633 = arith.constant 0 : i32
        %dma_start3A_634 = arith.constant 0 : i32
        %dma_start3A_635 = tpu.memref_slice %arg2[%arg0, %dma_start3A_633, %dma_start3A_634] : memref<2x10000x64xf32, #tpu.memory_space<hbm>> -> memref<1x10000x64xf32, #tpu.memory_space<hbm>>
        %dma_start3A_636 = tpu.memref_squeeze %dma_start3A_635 : memref<1x10000x64xf32, #tpu.memory_space<hbm>> -> memref<10000x64xf32, #tpu.memory_space<hbm>>
        %dma_start3A_637 = arith.constant 0 : i32
        %dma_start3A_638 = arith.constant 0 : i32
        %dma_start3A_639 = tpu.memref_slice %dma_start3A_636[%dma_start3A_637, %dma_start3A_638] : memref<10000x64xf32, #tpu.memory_space<hbm>> -> memref<10000x64xf32, #tpu.memory_space<hbm>>
        tpu.enqueue_indirect_dma source(%dma_start3A_639 : memref<10000x64xf32, #tpu.memory_space<hbm>>) target(%arg8 : memref<80x64xf32, #tpu.memory_space<vmem>>) offsets(%dma_start3A_632 : memref<80xi32, #tpu.memory_space<vmem>>) semaphore(%arg18 : memref<!tpu.dma_semaphore, #tpu.memory_space<semaphore_mem>>)
      } else {
      }
      %add3A_438 = arith.constant 3 : i32
      %add3A_439 = arith.addi %mul3A_343, %add3A_438 : i32
      %dma_wait3A_440 = arith.constant 0 : i32
      %dma_wait3A_441 = tpu.memref_slice %arg5[%add3A_439, %dma_wait3A_440] : memref<250x80xi32, #tpu.memory_space<vmem>> -> memref<1x80xi32, #tpu.memory_space<vmem>>
      %dma_wait3A_442 = tpu.memref_squeeze %dma_wait3A_441 : memref<1x80xi32, #tpu.memory_space<vmem>> -> memref<80xi32, #tpu.memory_space<vmem>>
      %dma_wait3A_443 = arith.constant 0 : i32
      %dma_wait3A_444 = arith.constant 0 : i32
      %dma_wait3A_445 = tpu.memref_slice %arg2[%arg0, %dma_wait3A_443, %dma_wait3A_444] : memref<2x10000x64xf32, #tpu.memory_space<hbm>> -> memref<1x10000x64xf32, #tpu.memory_space<hbm>>
      %dma_wait3A_446 = tpu.memref_squeeze %dma_wait3A_445 : memref<1x10000x64xf32, #tpu.memory_space<hbm>> -> memref<10000x64xf32, #tpu.memory_space<hbm>>
      %dma_wait3A_447 = arith.constant 0 : i32
      %dma_wait3A_448 = arith.constant 0 : i32
      %dma_wait3A_449 = tpu.memref_slice %dma_wait3A_446[%dma_wait3A_447, %dma_wait3A_448] : memref<10000x64xf32, #tpu.memory_space<hbm>> -> memref<10000x64xf32, #tpu.memory_space<hbm>>
      tpu.wait_indirect_dma semaphore(%arg20 : memref<!tpu.dma_semaphore, #tpu.memory_space<semaphore_mem>>) src(%dma_wait3A_449 : memref<10000x64xf32, #tpu.memory_space<hbm>>) dst(%arg10 : memref<80x64xf32, #tpu.memory_space<vmem>>)
      %dma_start3A_450 = arith.constant 0 : i32
      %dma_start3A_451 = tpu.memref_slice %arg6[%add3A_439, %dma_start3A_450] : memref<250x80xi32, #tpu.memory_space<vmem>> -> memref<1x80xi32, #tpu.memory_space<vmem>>
      %dma_start3A_452 = tpu.memref_squeeze %dma_start3A_451 : memref<1x80xi32, #tpu.memory_space<vmem>> -> memref<80xi32, #tpu.memory_space<vmem>>
      %dma_start3A_453 = arith.constant 0 : i32
      %dma_start3A_454 = arith.constant 0 : i32
      %dma_start3A_455 = tpu.memref_slice %arg16[%dma_start3A_453, %dma_start3A_454] : memref<10000x64xf32, #tpu.memory_space<vmem_shared>> -> memref<10000x64xf32, #tpu.memory_space<vmem_shared>>
      tpu.enqueue_indirect_dma source(%arg10 : memref<80x64xf32, #tpu.memory_space<vmem>>) target(%dma_start3A_455 : memref<10000x64xf32, #tpu.memory_space<vmem_shared>>) offsets(%dma_start3A_452 : memref<80xi32, #tpu.memory_space<vmem>>) semaphore(%arg29 : memref<!tpu.dma_semaphore, #tpu.memory_space<semaphore_mem>>) {add = true}
      %add3A_456 = arith.constant 9 : i32
      %add3A_457 = arith.addi %add3A_439, %add3A_456 : i32
      %sub3A_458 = arith.constant 1 : i32
      %sub3A_459 = arith.subi %add3A_457, %sub3A_458 : i32
      %lt3A_460 = arith.constant 250 : i32
      %lt3A_461 = arith.cmpi slt, %sub3A_459, %lt3A_460 : i32
      %convert_element_type3A_462 = arith.extui %lt3A_461 : i1 to i32
      %cond3A_463 = arith.constant 0 : i32
      %cond3A_464 = arith.cmpi ne, %convert_element_type3A_462, %cond3A_463 : i32
      scf.if %cond3A_464 {
        %sub3A_630 = arith.constant 1 : i32
        %sub3A_631 = arith.subi %add3A_439, %sub3A_630 : i32
        %dma_wait3A_632 = arith.constant 0 : i32
        %dma_wait3A_633 = tpu.memref_slice %arg6[%sub3A_631, %dma_wait3A_632] : memref<250x80xi32, #tpu.memory_space<vmem>> -> memref<1x80xi32, #tpu.memory_space<vmem>>
        %dma_wait3A_634 = tpu.memref_squeeze %dma_wait3A_633 : memref<1x80xi32, #tpu.memory_space<vmem>> -> memref<80xi32, #tpu.memory_space<vmem>>
        %dma_wait3A_635 = arith.constant 0 : i32
        %dma_wait3A_636 = arith.constant 0 : i32
        %dma_wait3A_637 = tpu.memref_slice %arg16[%dma_wait3A_635, %dma_wait3A_636] : memref<10000x64xf32, #tpu.memory_space<vmem_shared>> -> memref<10000x64xf32, #tpu.memory_space<vmem_shared>>
        tpu.wait_indirect_dma semaphore(%arg28 : memref<!tpu.dma_semaphore, #tpu.memory_space<semaphore_mem>>) src(%arg9 : memref<80x64xf32, #tpu.memory_space<vmem>>) dst(%dma_wait3A_637 : memref<10000x64xf32, #tpu.memory_space<vmem_shared>>)
      } else {
      }
      %lt3A_465 = arith.constant 250 : i32
      %lt3A_466 = arith.cmpi slt, %sub3A_459, %lt3A_465 : i32
      %convert_element_type3A_467 = arith.extui %lt3A_466 : i1 to i32
      %cond3A_468 = arith.constant 0 : i32
      %cond3A_469 = arith.cmpi ne, %convert_element_type3A_467, %cond3A_468 : i32
      scf.if %cond3A_469 {
        %dma_start3A_630 = arith.constant 0 : i32
        %dma_start3A_631 = tpu.memref_slice %arg5[%sub3A_459, %dma_start3A_630] : memref<250x80xi32, #tpu.memory_space<vmem>> -> memref<1x80xi32, #tpu.memory_space<vmem>>
        %dma_start3A_632 = tpu.memref_squeeze %dma_start3A_631 : memref<1x80xi32, #tpu.memory_space<vmem>> -> memref<80xi32, #tpu.memory_space<vmem>>
        %dma_start3A_633 = arith.constant 0 : i32
        %dma_start3A_634 = arith.constant 0 : i32
        %dma_start3A_635 = tpu.memref_slice %arg2[%arg0, %dma_start3A_633, %dma_start3A_634] : memref<2x10000x64xf32, #tpu.memory_space<hbm>> -> memref<1x10000x64xf32, #tpu.memory_space<hbm>>
        %dma_start3A_636 = tpu.memref_squeeze %dma_start3A_635 : memref<1x10000x64xf32, #tpu.memory_space<hbm>> -> memref<10000x64xf32, #tpu.memory_space<hbm>>
        %dma_start3A_637 = arith.constant 0 : i32
        %dma_start3A_638 = arith.constant 0 : i32
        %dma_start3A_639 = tpu.memref_slice %dma_start3A_636[%dma_start3A_637, %dma_start3A_638] : memref<10000x64xf32, #tpu.memory_space<hbm>> -> memref<10000x64xf32, #tpu.memory_space<hbm>>
        tpu.enqueue_indirect_dma source(%dma_start3A_639 : memref<10000x64xf32, #tpu.memory_space<hbm>>) target(%arg9 : memref<80x64xf32, #tpu.memory_space<vmem>>) offsets(%dma_start3A_632 : memref<80xi32, #tpu.memory_space<vmem>>) semaphore(%arg19 : memref<!tpu.dma_semaphore, #tpu.memory_space<semaphore_mem>>)
      } else {
      }
      %add3A_470 = arith.constant 4 : i32
      %add3A_471 = arith.addi %mul3A_343, %add3A_470 : i32
      %dma_wait3A_472 = arith.constant 0 : i32
      %dma_wait3A_473 = tpu.memref_slice %arg5[%add3A_471, %dma_wait3A_472] : memref<250x80xi32, #tpu.memory_space<vmem>> -> memref<1x80xi32, #tpu.memory_space<vmem>>
      %dma_wait3A_474 = tpu.memref_squeeze %dma_wait3A_473 : memref<1x80xi32, #tpu.memory_space<vmem>> -> memref<80xi32, #tpu.memory_space<vmem>>
      %dma_wait3A_475 = arith.constant 0 : i32
      %dma_wait3A_476 = arith.constant 0 : i32
      %dma_wait3A_477 = tpu.memref_slice %arg2[%arg0, %dma_wait3A_475, %dma_wait3A_476] : memref<2x10000x64xf32, #tpu.memory_space<hbm>> -> memref<1x10000x64xf32, #tpu.memory_space<hbm>>
      %dma_wait3A_478 = tpu.memref_squeeze %dma_wait3A_477 : memref<1x10000x64xf32, #tpu.memory_space<hbm>> -> memref<10000x64xf32, #tpu.memory_space<hbm>>
      %dma_wait3A_479 = arith.constant 0 : i32
      %dma_wait3A_480 = arith.constant 0 : i32
      %dma_wait3A_481 = tpu.memref_slice %dma_wait3A_478[%dma_wait3A_479, %dma_wait3A_480] : memref<10000x64xf32, #tpu.memory_space<hbm>> -> memref<10000x64xf32, #tpu.memory_space<hbm>>
      tpu.wait_indirect_dma semaphore(%arg21 : memref<!tpu.dma_semaphore, #tpu.memory_space<semaphore_mem>>) src(%dma_wait3A_481 : memref<10000x64xf32, #tpu.memory_space<hbm>>) dst(%arg11 : memref<80x64xf32, #tpu.memory_space<vmem>>)
      %dma_start3A_482 = arith.constant 0 : i32
      %dma_start3A_483 = tpu.memref_slice %arg6[%add3A_471, %dma_start3A_482] : memref<250x80xi32, #tpu.memory_space<vmem>> -> memref<1x80xi32, #tpu.memory_space<vmem>>
      %dma_start3A_484 = tpu.memref_squeeze %dma_start3A_483 : memref<1x80xi32, #tpu.memory_space<vmem>> -> memref<80xi32, #tpu.memory_space<vmem>>
      %dma_start3A_485 = arith.constant 0 : i32
      %dma_start3A_486 = arith.constant 0 : i32
      %dma_start3A_487 = tpu.memref_slice %arg16[%dma_start3A_485, %dma_start3A_486] : memref<10000x64xf32, #tpu.memory_space<vmem_shared>> -> memref<10000x64xf32, #tpu.memory_space<vmem_shared>>
      tpu.enqueue_indirect_dma source(%arg11 : memref<80x64xf32, #tpu.memory_space<vmem>>) target(%dma_start3A_487 : memref<10000x64xf32, #tpu.memory_space<vmem_shared>>) offsets(%dma_start3A_484 : memref<80xi32, #tpu.memory_space<vmem>>) semaphore(%arg30 : memref<!tpu.dma_semaphore, #tpu.memory_space<semaphore_mem>>) {add = true}
      %add3A_488 = arith.constant 9 : i32
      %add3A_489 = arith.addi %add3A_471, %add3A_488 : i32
      %sub3A_490 = arith.constant 1 : i32
      %sub3A_491 = arith.subi %add3A_489, %sub3A_490 : i32
      %lt3A_492 = arith.constant 250 : i32
      %lt3A_493 = arith.cmpi slt, %sub3A_491, %lt3A_492 : i32
      %convert_element_type3A_494 = arith.extui %lt3A_493 : i1 to i32
      %cond3A_495 = arith.constant 0 : i32
      %cond3A_496 = arith.cmpi ne, %convert_element_type3A_494, %cond3A_495 : i32
      scf.if %cond3A_496 {
        %sub3A_630 = arith.constant 1 : i32
        %sub3A_631 = arith.subi %add3A_471, %sub3A_630 : i32
        %dma_wait3A_632 = arith.constant 0 : i32
        %dma_wait3A_633 = tpu.memref_slice %arg6[%sub3A_631, %dma_wait3A_632] : memref<250x80xi32, #tpu.memory_space<vmem>> -> memref<1x80xi32, #tpu.memory_space<vmem>>
        %dma_wait3A_634 = tpu.memref_squeeze %dma_wait3A_633 : memref<1x80xi32, #tpu.memory_space<vmem>> -> memref<80xi32, #tpu.memory_space<vmem>>
        %dma_wait3A_635 = arith.constant 0 : i32
        %dma_wait3A_636 = arith.constant 0 : i32
        %dma_wait3A_637 = tpu.memref_slice %arg16[%dma_wait3A_635, %dma_wait3A_636] : memref<10000x64xf32, #tpu.memory_space<vmem_shared>> -> memref<10000x64xf32, #tpu.memory_space<vmem_shared>>
        tpu.wait_indirect_dma semaphore(%arg29 : memref<!tpu.dma_semaphore, #tpu.memory_space<semaphore_mem>>) src(%arg10 : memref<80x64xf32, #tpu.memory_space<vmem>>) dst(%dma_wait3A_637 : memref<10000x64xf32, #tpu.memory_space<vmem_shared>>)
      } else {
      }
      %lt3A_497 = arith.constant 250 : i32
      %lt3A_498 = arith.cmpi slt, %sub3A_491, %lt3A_497 : i32
      %convert_element_type3A_499 = arith.extui %lt3A_498 : i1 to i32
      %cond3A_500 = arith.constant 0 : i32
      %cond3A_501 = arith.cmpi ne, %convert_element_type3A_499, %cond3A_500 : i32
      scf.if %cond3A_501 {
        %dma_start3A_630 = arith.constant 0 : i32
        %dma_start3A_631 = tpu.memref_slice %arg5[%sub3A_491, %dma_start3A_630] : memref<250x80xi32, #tpu.memory_space<vmem>> -> memref<1x80xi32, #tpu.memory_space<vmem>>
        %dma_start3A_632 = tpu.memref_squeeze %dma_start3A_631 : memref<1x80xi32, #tpu.memory_space<vmem>> -> memref<80xi32, #tpu.memory_space<vmem>>
        %dma_start3A_633 = arith.constant 0 : i32
        %dma_start3A_634 = arith.constant 0 : i32
        %dma_start3A_635 = tpu.memref_slice %arg2[%arg0, %dma_start3A_633, %dma_start3A_634] : memref<2x10000x64xf32, #tpu.memory_space<hbm>> -> memref<1x10000x64xf32, #tpu.memory_space<hbm>>
        %dma_start3A_636 = tpu.memref_squeeze %dma_start3A_635 : memref<1x10000x64xf32, #tpu.memory_space<hbm>> -> memref<10000x64xf32, #tpu.memory_space<hbm>>
        %dma_start3A_637 = arith.constant 0 : i32
        %dma_start3A_638 = arith.constant 0 : i32
        %dma_start3A_639 = tpu.memref_slice %dma_start3A_636[%dma_start3A_637, %dma_start3A_638] : memref<10000x64xf32, #tpu.memory_space<hbm>> -> memref<10000x64xf32, #tpu.memory_space<hbm>>
        tpu.enqueue_indirect_dma source(%dma_start3A_639 : memref<10000x64xf32, #tpu.memory_space<hbm>>) target(%arg10 : memref<80x64xf32, #tpu.memory_space<vmem>>) offsets(%dma_start3A_632 : memref<80xi32, #tpu.memory_space<vmem>>) semaphore(%arg20 : memref<!tpu.dma_semaphore, #tpu.memory_space<semaphore_mem>>)
      } else {
      }
      %add3A_502 = arith.constant 5 : i32
      %add3A_503 = arith.addi %mul3A_343, %add3A_502 : i32
      %dma_wait3A_504 = arith.constant 0 : i32
      %dma_wait3A_505 = tpu.memref_slice %arg5[%add3A_503, %dma_wait3A_504] : memref<250x80xi32, #tpu.memory_space<vmem>> -> memref<1x80xi32, #tpu.memory_space<vmem>>
      %dma_wait3A_506 = tpu.memref_squeeze %dma_wait3A_505 : memref<1x80xi32, #tpu.memory_space<vmem>> -> memref<80xi32, #tpu.memory_space<vmem>>
      %dma_wait3A_507 = arith.constant 0 : i32
      %dma_wait3A_508 = arith.constant 0 : i32
      %dma_wait3A_509 = tpu.memref_slice %arg2[%arg0, %dma_wait3A_507, %dma_wait3A_508] : memref<2x10000x64xf32, #tpu.memory_space<hbm>> -> memref<1x10000x64xf32, #tpu.memory_space<hbm>>
      %dma_wait3A_510 = tpu.memref_squeeze %dma_wait3A_509 : memref<1x10000x64xf32, #tpu.memory_space<hbm>> -> memref<10000x64xf32, #tpu.memory_space<hbm>>
      %dma_wait3A_511 = arith.constant 0 : i32
      %dma_wait3A_512 = arith.constant 0 : i32
      %dma_wait3A_513 = tpu.memref_slice %dma_wait3A_510[%dma_wait3A_511, %dma_wait3A_512] : memref<10000x64xf32, #tpu.memory_space<hbm>> -> memref<10000x64xf32, #tpu.memory_space<hbm>>
      tpu.wait_indirect_dma semaphore(%arg22 : memref<!tpu.dma_semaphore, #tpu.memory_space<semaphore_mem>>) src(%dma_wait3A_513 : memref<10000x64xf32, #tpu.memory_space<hbm>>) dst(%arg12 : memref<80x64xf32, #tpu.memory_space<vmem>>)
      %dma_start3A_514 = arith.constant 0 : i32
      %dma_start3A_515 = tpu.memref_slice %arg6[%add3A_503, %dma_start3A_514] : memref<250x80xi32, #tpu.memory_space<vmem>> -> memref<1x80xi32, #tpu.memory_space<vmem>>
      %dma_start3A_516 = tpu.memref_squeeze %dma_start3A_515 : memref<1x80xi32, #tpu.memory_space<vmem>> -> memref<80xi32, #tpu.memory_space<vmem>>
      %dma_start3A_517 = arith.constant 0 : i32
      %dma_start3A_518 = arith.constant 0 : i32
      %dma_start3A_519 = tpu.memref_slice %arg16[%dma_start3A_517, %dma_start3A_518] : memref<10000x64xf32, #tpu.memory_space<vmem_shared>> -> memref<10000x64xf32, #tpu.memory_space<vmem_shared>>
      tpu.enqueue_indirect_dma source(%arg12 : memref<80x64xf32, #tpu.memory_space<vmem>>) target(%dma_start3A_519 : memref<10000x64xf32, #tpu.memory_space<vmem_shared>>) offsets(%dma_start3A_516 : memref<80xi32, #tpu.memory_space<vmem>>) semaphore(%arg31 : memref<!tpu.dma_semaphore, #tpu.memory_space<semaphore_mem>>) {add = true}
      %add3A_520 = arith.constant 9 : i32
      %add3A_521 = arith.addi %add3A_503, %add3A_520 : i32
      %sub3A_522 = arith.constant 1 : i32
      %sub3A_523 = arith.subi %add3A_521, %sub3A_522 : i32
      %lt3A_524 = arith.constant 250 : i32
      %lt3A_525 = arith.cmpi slt, %sub3A_523, %lt3A_524 : i32
      %convert_element_type3A_526 = arith.extui %lt3A_525 : i1 to i32
      %cond3A_527 = arith.constant 0 : i32
      %cond3A_528 = arith.cmpi ne, %convert_element_type3A_526, %cond3A_527 : i32
      scf.if %cond3A_528 {
        %sub3A_630 = arith.constant 1 : i32
        %sub3A_631 = arith.subi %add3A_503, %sub3A_630 : i32
        %dma_wait3A_632 = arith.constant 0 : i32
        %dma_wait3A_633 = tpu.memref_slice %arg6[%sub3A_631, %dma_wait3A_632] : memref<250x80xi32, #tpu.memory_space<vmem>> -> memref<1x80xi32, #tpu.memory_space<vmem>>
        %dma_wait3A_634 = tpu.memref_squeeze %dma_wait3A_633 : memref<1x80xi32, #tpu.memory_space<vmem>> -> memref<80xi32, #tpu.memory_space<vmem>>
        %dma_wait3A_635 = arith.constant 0 : i32
        %dma_wait3A_636 = arith.constant 0 : i32
        %dma_wait3A_637 = tpu.memref_slice %arg16[%dma_wait3A_635, %dma_wait3A_636] : memref<10000x64xf32, #tpu.memory_space<vmem_shared>> -> memref<10000x64xf32, #tpu.memory_space<vmem_shared>>
        tpu.wait_indirect_dma semaphore(%arg30 : memref<!tpu.dma_semaphore, #tpu.memory_space<semaphore_mem>>) src(%arg11 : memref<80x64xf32, #tpu.memory_space<vmem>>) dst(%dma_wait3A_637 : memref<10000x64xf32, #tpu.memory_space<vmem_shared>>)
      } else {
      }
      %lt3A_529 = arith.constant 250 : i32
      %lt3A_530 = arith.cmpi slt, %sub3A_523, %lt3A_529 : i32
      %convert_element_type3A_531 = arith.extui %lt3A_530 : i1 to i32
      %cond3A_532 = arith.constant 0 : i32
      %cond3A_533 = arith.cmpi ne, %convert_element_type3A_531, %cond3A_532 : i32
      scf.if %cond3A_533 {
        %dma_start3A_630 = arith.constant 0 : i32
        %dma_start3A_631 = tpu.memref_slice %arg5[%sub3A_523, %dma_start3A_630] : memref<250x80xi32, #tpu.memory_space<vmem>> -> memref<1x80xi32, #tpu.memory_space<vmem>>
        %dma_start3A_632 = tpu.memref_squeeze %dma_start3A_631 : memref<1x80xi32, #tpu.memory_space<vmem>> -> memref<80xi32, #tpu.memory_space<vmem>>
        %dma_start3A_633 = arith.constant 0 : i32
        %dma_start3A_634 = arith.constant 0 : i32
        %dma_start3A_635 = tpu.memref_slice %arg2[%arg0, %dma_start3A_633, %dma_start3A_634] : memref<2x10000x64xf32, #tpu.memory_space<hbm>> -> memref<1x10000x64xf32, #tpu.memory_space<hbm>>
        %dma_start3A_636 = tpu.memref_squeeze %dma_start3A_635 : memref<1x10000x64xf32, #tpu.memory_space<hbm>> -> memref<10000x64xf32, #tpu.memory_space<hbm>>
        %dma_start3A_637 = arith.constant 0 : i32
        %dma_start3A_638 = arith.constant 0 : i32
        %dma_start3A_639 = tpu.memref_slice %dma_start3A_636[%dma_start3A_637, %dma_start3A_638] : memref<10000x64xf32, #tpu.memory_space<hbm>> -> memref<10000x64xf32, #tpu.memory_space<hbm>>
        tpu.enqueue_indirect_dma source(%dma_start3A_639 : memref<10000x64xf32, #tpu.memory_space<hbm>>) target(%arg11 : memref<80x64xf32, #tpu.memory_space<vmem>>) offsets(%dma_start3A_632 : memref<80xi32, #tpu.memory_space<vmem>>) semaphore(%arg21 : memref<!tpu.dma_semaphore, #tpu.memory_space<semaphore_mem>>)
      } else {
      }
      %add3A_534 = arith.constant 6 : i32
      %add3A_535 = arith.addi %mul3A_343, %add3A_534 : i32
      %dma_wait3A_536 = arith.constant 0 : i32
      %dma_wait3A_537 = tpu.memref_slice %arg5[%add3A_535, %dma_wait3A_536] : memref<250x80xi32, #tpu.memory_space<vmem>> -> memref<1x80xi32, #tpu.memory_space<vmem>>
      %dma_wait3A_538 = tpu.memref_squeeze %dma_wait3A_537 : memref<1x80xi32, #tpu.memory_space<vmem>> -> memref<80xi32, #tpu.memory_space<vmem>>
      %dma_wait3A_539 = arith.constant 0 : i32
      %dma_wait3A_540 = arith.constant 0 : i32
      %dma_wait3A_541 = tpu.memref_slice %arg2[%arg0, %dma_wait3A_539, %dma_wait3A_540] : memref<2x10000x64xf32, #tpu.memory_space<hbm>> -> memref<1x10000x64xf32, #tpu.memory_space<hbm>>
      %dma_wait3A_542 = tpu.memref_squeeze %dma_wait3A_541 : memref<1x10000x64xf32, #tpu.memory_space<hbm>> -> memref<10000x64xf32, #tpu.memory_space<hbm>>
      %dma_wait3A_543 = arith.constant 0 : i32
      %dma_wait3A_544 = arith.constant 0 : i32
      %dma_wait3A_545 = tpu.memref_slice %dma_wait3A_542[%dma_wait3A_543, %dma_wait3A_544] : memref<10000x64xf32, #tpu.memory_space<hbm>> -> memref<10000x64xf32, #tpu.memory_space<hbm>>
      tpu.wait_indirect_dma semaphore(%arg23 : memref<!tpu.dma_semaphore, #tpu.memory_space<semaphore_mem>>) src(%dma_wait3A_545 : memref<10000x64xf32, #tpu.memory_space<hbm>>) dst(%arg13 : memref<80x64xf32, #tpu.memory_space<vmem>>)
      %dma_start3A_546 = arith.constant 0 : i32
      %dma_start3A_547 = tpu.memref_slice %arg6[%add3A_535, %dma_start3A_546] : memref<250x80xi32, #tpu.memory_space<vmem>> -> memref<1x80xi32, #tpu.memory_space<vmem>>
      %dma_start3A_548 = tpu.memref_squeeze %dma_start3A_547 : memref<1x80xi32, #tpu.memory_space<vmem>> -> memref<80xi32, #tpu.memory_space<vmem>>
      %dma_start3A_549 = arith.constant 0 : i32
      %dma_start3A_550 = arith.constant 0 : i32
      %dma_start3A_551 = tpu.memref_slice %arg16[%dma_start3A_549, %dma_start3A_550] : memref<10000x64xf32, #tpu.memory_space<vmem_shared>> -> memref<10000x64xf32, #tpu.memory_space<vmem_shared>>
      tpu.enqueue_indirect_dma source(%arg13 : memref<80x64xf32, #tpu.memory_space<vmem>>) target(%dma_start3A_551 : memref<10000x64xf32, #tpu.memory_space<vmem_shared>>) offsets(%dma_start3A_548 : memref<80xi32, #tpu.memory_space<vmem>>) semaphore(%arg32 : memref<!tpu.dma_semaphore, #tpu.memory_space<semaphore_mem>>) {add = true}
      %add3A_552 = arith.constant 9 : i32
      %add3A_553 = arith.addi %add3A_535, %add3A_552 : i32
      %sub3A_554 = arith.constant 1 : i32
      %sub3A_555 = arith.subi %add3A_553, %sub3A_554 : i32
      %lt3A_556 = arith.constant 250 : i32
      %lt3A_557 = arith.cmpi slt, %sub3A_555, %lt3A_556 : i32
      %convert_element_type3A_558 = arith.extui %lt3A_557 : i1 to i32
      %cond3A_559 = arith.constant 0 : i32
      %cond3A_560 = arith.cmpi ne, %convert_element_type3A_558, %cond3A_559 : i32
      scf.if %cond3A_560 {
        %sub3A_630 = arith.constant 1 : i32
        %sub3A_631 = arith.subi %add3A_535, %sub3A_630 : i32
        %dma_wait3A_632 = arith.constant 0 : i32
        %dma_wait3A_633 = tpu.memref_slice %arg6[%sub3A_631, %dma_wait3A_632] : memref<250x80xi32, #tpu.memory_space<vmem>> -> memref<1x80xi32, #tpu.memory_space<vmem>>
        %dma_wait3A_634 = tpu.memref_squeeze %dma_wait3A_633 : memref<1x80xi32, #tpu.memory_space<vmem>> -> memref<80xi32, #tpu.memory_space<vmem>>
        %dma_wait3A_635 = arith.constant 0 : i32
        %dma_wait3A_636 = arith.constant 0 : i32
        %dma_wait3A_637 = tpu.memref_slice %arg16[%dma_wait3A_635, %dma_wait3A_636] : memref<10000x64xf32, #tpu.memory_space<vmem_shared>> -> memref<10000x64xf32, #tpu.memory_space<vmem_shared>>
        tpu.wait_indirect_dma semaphore(%arg31 : memref<!tpu.dma_semaphore, #tpu.memory_space<semaphore_mem>>) src(%arg12 : memref<80x64xf32, #tpu.memory_space<vmem>>) dst(%dma_wait3A_637 : memref<10000x64xf32, #tpu.memory_space<vmem_shared>>)
      } else {
      }
      %lt3A_561 = arith.constant 250 : i32
      %lt3A_562 = arith.cmpi slt, %sub3A_555, %lt3A_561 : i32
      %convert_element_type3A_563 = arith.extui %lt3A_562 : i1 to i32
      %cond3A_564 = arith.constant 0 : i32
      %cond3A_565 = arith.cmpi ne, %convert_element_type3A_563, %cond3A_564 : i32
      scf.if %cond3A_565 {
        %dma_start3A_630 = arith.constant 0 : i32
        %dma_start3A_631 = tpu.memref_slice %arg5[%sub3A_555, %dma_start3A_630] : memref<250x80xi32, #tpu.memory_space<vmem>> -> memref<1x80xi32, #tpu.memory_space<vmem>>
        %dma_start3A_632 = tpu.memref_squeeze %dma_start3A_631 : memref<1x80xi32, #tpu.memory_space<vmem>> -> memref<80xi32, #tpu.memory_space<vmem>>
        %dma_start3A_633 = arith.constant 0 : i32
        %dma_start3A_634 = arith.constant 0 : i32
        %dma_start3A_635 = tpu.memref_slice %arg2[%arg0, %dma_start3A_633, %dma_start3A_634] : memref<2x10000x64xf32, #tpu.memory_space<hbm>> -> memref<1x10000x64xf32, #tpu.memory_space<hbm>>
        %dma_start3A_636 = tpu.memref_squeeze %dma_start3A_635 : memref<1x10000x64xf32, #tpu.memory_space<hbm>> -> memref<10000x64xf32, #tpu.memory_space<hbm>>
        %dma_start3A_637 = arith.constant 0 : i32
        %dma_start3A_638 = arith.constant 0 : i32
        %dma_start3A_639 = tpu.memref_slice %dma_start3A_636[%dma_start3A_637, %dma_start3A_638] : memref<10000x64xf32, #tpu.memory_space<hbm>> -> memref<10000x64xf32, #tpu.memory_space<hbm>>
        tpu.enqueue_indirect_dma source(%dma_start3A_639 : memref<10000x64xf32, #tpu.memory_space<hbm>>) target(%arg12 : memref<80x64xf32, #tpu.memory_space<vmem>>) offsets(%dma_start3A_632 : memref<80xi32, #tpu.memory_space<vmem>>) semaphore(%arg22 : memref<!tpu.dma_semaphore, #tpu.memory_space<semaphore_mem>>)
      } else {
      }
      %add3A_566 = arith.constant 7 : i32
      %add3A_567 = arith.addi %mul3A_343, %add3A_566 : i32
      %dma_wait3A_568 = arith.constant 0 : i32
      %dma_wait3A_569 = tpu.memref_slice %arg5[%add3A_567, %dma_wait3A_568] : memref<250x80xi32, #tpu.memory_space<vmem>> -> memref<1x80xi32, #tpu.memory_space<vmem>>
      %dma_wait3A_570 = tpu.memref_squeeze %dma_wait3A_569 : memref<1x80xi32, #tpu.memory_space<vmem>> -> memref<80xi32, #tpu.memory_space<vmem>>
      %dma_wait3A_571 = arith.constant 0 : i32
      %dma_wait3A_572 = arith.constant 0 : i32
      %dma_wait3A_573 = tpu.memref_slice %arg2[%arg0, %dma_wait3A_571, %dma_wait3A_572] : memref<2x10000x64xf32, #tpu.memory_space<hbm>> -> memref<1x10000x64xf32, #tpu.memory_space<hbm>>
      %dma_wait3A_574 = tpu.memref_squeeze %dma_wait3A_573 : memref<1x10000x64xf32, #tpu.memory_space<hbm>> -> memref<10000x64xf32, #tpu.memory_space<hbm>>
      %dma_wait3A_575 = arith.constant 0 : i32
      %dma_wait3A_576 = arith.constant 0 : i32
      %dma_wait3A_577 = tpu.memref_slice %dma_wait3A_574[%dma_wait3A_575, %dma_wait3A_576] : memref<10000x64xf32, #tpu.memory_space<hbm>> -> memref<10000x64xf32, #tpu.memory_space<hbm>>
      tpu.wait_indirect_dma semaphore(%arg24 : memref<!tpu.dma_semaphore, #tpu.memory_space<semaphore_mem>>) src(%dma_wait3A_577 : memref<10000x64xf32, #tpu.memory_space<hbm>>) dst(%arg14 : memref<80x64xf32, #tpu.memory_space<vmem>>)
      %dma_start3A_578 = arith.constant 0 : i32
      %dma_start3A_579 = tpu.memref_slice %arg6[%add3A_567, %dma_start3A_578] : memref<250x80xi32, #tpu.memory_space<vmem>> -> memref<1x80xi32, #tpu.memory_space<vmem>>
      %dma_start3A_580 = tpu.memref_squeeze %dma_start3A_579 : memref<1x80xi32, #tpu.memory_space<vmem>> -> memref<80xi32, #tpu.memory_space<vmem>>
      %dma_start3A_581 = arith.constant 0 : i32
      %dma_start3A_582 = arith.constant 0 : i32
      %dma_start3A_583 = tpu.memref_slice %arg16[%dma_start3A_581, %dma_start3A_582] : memref<10000x64xf32, #tpu.memory_space<vmem_shared>> -> memref<10000x64xf32, #tpu.memory_space<vmem_shared>>
      tpu.enqueue_indirect_dma source(%arg14 : memref<80x64xf32, #tpu.memory_space<vmem>>) target(%dma_start3A_583 : memref<10000x64xf32, #tpu.memory_space<vmem_shared>>) offsets(%dma_start3A_580 : memref<80xi32, #tpu.memory_space<vmem>>) semaphore(%arg33 : memref<!tpu.dma_semaphore, #tpu.memory_space<semaphore_mem>>) {add = true}
      %add3A_584 = arith.constant 9 : i32
      %add3A_585 = arith.addi %add3A_567, %add3A_584 : i32
      %sub3A_586 = arith.constant 1 : i32
      %sub3A_587 = arith.subi %add3A_585, %sub3A_586 : i32
      %lt3A_588 = arith.constant 250 : i32
      %lt3A_589 = arith.cmpi slt, %sub3A_587, %lt3A_588 : i32
      %convert_element_type3A_590 = arith.extui %lt3A_589 : i1 to i32
      %cond3A_591 = arith.constant 0 : i32
      %cond3A_592 = arith.cmpi ne, %convert_element_type3A_590, %cond3A_591 : i32
      scf.if %cond3A_592 {
        %sub3A_630 = arith.constant 1 : i32
        %sub3A_631 = arith.subi %add3A_567, %sub3A_630 : i32
        %dma_wait3A_632 = arith.constant 0 : i32
        %dma_wait3A_633 = tpu.memref_slice %arg6[%sub3A_631, %dma_wait3A_632] : memref<250x80xi32, #tpu.memory_space<vmem>> -> memref<1x80xi32, #tpu.memory_space<vmem>>
        %dma_wait3A_634 = tpu.memref_squeeze %dma_wait3A_633 : memref<1x80xi32, #tpu.memory_space<vmem>> -> memref<80xi32, #tpu.memory_space<vmem>>
        %dma_wait3A_635 = arith.constant 0 : i32
        %dma_wait3A_636 = arith.constant 0 : i32
        %dma_wait3A_637 = tpu.memref_slice %arg16[%dma_wait3A_635, %dma_wait3A_636] : memref<10000x64xf32, #tpu.memory_space<vmem_shared>> -> memref<10000x64xf32, #tpu.memory_space<vmem_shared>>
        tpu.wait_indirect_dma semaphore(%arg32 : memref<!tpu.dma_semaphore, #tpu.memory_space<semaphore_mem>>) src(%arg13 : memref<80x64xf32, #tpu.memory_space<vmem>>) dst(%dma_wait3A_637 : memref<10000x64xf32, #tpu.memory_space<vmem_shared>>)
      } else {
      }
      %lt3A_593 = arith.constant 250 : i32
      %lt3A_594 = arith.cmpi slt, %sub3A_587, %lt3A_593 : i32
      %convert_element_type3A_595 = arith.extui %lt3A_594 : i1 to i32
      %cond3A_596 = arith.constant 0 : i32
      %cond3A_597 = arith.cmpi ne, %convert_element_type3A_595, %cond3A_596 : i32
      scf.if %cond3A_597 {
        %dma_start3A_630 = arith.constant 0 : i32
        %dma_start3A_631 = tpu.memref_slice %arg5[%sub3A_587, %dma_start3A_630] : memref<250x80xi32, #tpu.memory_space<vmem>> -> memref<1x80xi32, #tpu.memory_space<vmem>>
        %dma_start3A_632 = tpu.memref_squeeze %dma_start3A_631 : memref<1x80xi32, #tpu.memory_space<vmem>> -> memref<80xi32, #tpu.memory_space<vmem>>
        %dma_start3A_633 = arith.constant 0 : i32
        %dma_start3A_634 = arith.constant 0 : i32
        %dma_start3A_635 = tpu.memref_slice %arg2[%arg0, %dma_start3A_633, %dma_start3A_634] : memref<2x10000x64xf32, #tpu.memory_space<hbm>> -> memref<1x10000x64xf32, #tpu.memory_space<hbm>>
        %dma_start3A_636 = tpu.memref_squeeze %dma_start3A_635 : memref<1x10000x64xf32, #tpu.memory_space<hbm>> -> memref<10000x64xf32, #tpu.memory_space<hbm>>
        %dma_start3A_637 = arith.constant 0 : i32
        %dma_start3A_638 = arith.constant 0 : i32
        %dma_start3A_639 = tpu.memref_slice %dma_start3A_636[%dma_start3A_637, %dma_start3A_638] : memref<10000x64xf32, #tpu.memory_space<hbm>> -> memref<10000x64xf32, #tpu.memory_space<hbm>>
        tpu.enqueue_indirect_dma source(%dma_start3A_639 : memref<10000x64xf32, #tpu.memory_space<hbm>>) target(%arg13 : memref<80x64xf32, #tpu.memory_space<vmem>>) offsets(%dma_start3A_632 : memref<80xi32, #tpu.memory_space<vmem>>) semaphore(%arg23 : memref<!tpu.dma_semaphore, #tpu.memory_space<semaphore_mem>>)
      } else {
      }
      %add3A_598 = arith.constant 8 : i32
      %add3A_599 = arith.addi %mul3A_343, %add3A_598 : i32
      %dma_wait3A_600 = arith.constant 0 : i32
      %dma_wait3A_601 = tpu.memref_slice %arg5[%add3A_599, %dma_wait3A_600] : memref<250x80xi32, #tpu.memory_space<vmem>> -> memref<1x80xi32, #tpu.memory_space<vmem>>
      %dma_wait3A_602 = tpu.memref_squeeze %dma_wait3A_601 : memref<1x80xi32, #tpu.memory_space<vmem>> -> memref<80xi32, #tpu.memory_space<vmem>>
      %dma_wait3A_603 = arith.constant 0 : i32
      %dma_wait3A_604 = arith.constant 0 : i32
      %dma_wait3A_605 = tpu.memref_slice %arg2[%arg0, %dma_wait3A_603, %dma_wait3A_604] : memref<2x10000x64xf32, #tpu.memory_space<hbm>> -> memref<1x10000x64xf32, #tpu.memory_space<hbm>>
      %dma_wait3A_606 = tpu.memref_squeeze %dma_wait3A_605 : memref<1x10000x64xf32, #tpu.memory_space<hbm>> -> memref<10000x64xf32, #tpu.memory_space<hbm>>
      %dma_wait3A_607 = arith.constant 0 : i32
      %dma_wait3A_608 = arith.constant 0 : i32
      %dma_wait3A_609 = tpu.memref_slice %dma_wait3A_606[%dma_wait3A_607, %dma_wait3A_608] : memref<10000x64xf32, #tpu.memory_space<hbm>> -> memref<10000x64xf32, #tpu.memory_space<hbm>>
      tpu.wait_indirect_dma semaphore(%arg25 : memref<!tpu.dma_semaphore, #tpu.memory_space<semaphore_mem>>) src(%dma_wait3A_609 : memref<10000x64xf32, #tpu.memory_space<hbm>>) dst(%arg15 : memref<80x64xf32, #tpu.memory_space<vmem>>)
      %dma_start3A_610 = arith.constant 0 : i32
      %dma_start3A_611 = tpu.memref_slice %arg6[%add3A_599, %dma_start3A_610] : memref<250x80xi32, #tpu.memory_space<vmem>> -> memref<1x80xi32, #tpu.memory_space<vmem>>
      %dma_start3A_612 = tpu.memref_squeeze %dma_start3A_611 : memref<1x80xi32, #tpu.memory_space<vmem>> -> memref<80xi32, #tpu.memory_space<vmem>>
      %dma_start3A_613 = arith.constant 0 : i32
      %dma_start3A_614 = arith.constant 0 : i32
      %dma_start3A_615 = tpu.memref_slice %arg16[%dma_start3A_613, %dma_start3A_614] : memref<10000x64xf32, #tpu.memory_space<vmem_shared>> -> memref<10000x64xf32, #tpu.memory_space<vmem_shared>>
      tpu.enqueue_indirect_dma source(%arg15 : memref<80x64xf32, #tpu.memory_space<vmem>>) target(%dma_start3A_615 : memref<10000x64xf32, #tpu.memory_space<vmem_shared>>) offsets(%dma_start3A_612 : memref<80xi32, #tpu.memory_space<vmem>>) semaphore(%arg34 : memref<!tpu.dma_semaphore, #tpu.memory_space<semaphore_mem>>) {add = true}
      %add3A_616 = arith.constant 9 : i32
      %add3A_617 = arith.addi %add3A_599, %add3A_616 : i32
      %sub3A_618 = arith.constant 1 : i32
      %sub3A_619 = arith.subi %add3A_617, %sub3A_618 : i32
      %lt3A_620 = arith.constant 250 : i32
      %lt3A_621 = arith.cmpi slt, %sub3A_619, %lt3A_620 : i32
      %convert_element_type3A_622 = arith.extui %lt3A_621 : i1 to i32
      %cond3A_623 = arith.constant 0 : i32
      %cond3A_624 = arith.cmpi ne, %convert_element_type3A_622, %cond3A_623 : i32
      scf.if %cond3A_624 {
        %sub3A_630 = arith.constant 1 : i32
        %sub3A_631 = arith.subi %add3A_599, %sub3A_630 : i32
        %dma_wait3A_632 = arith.constant 0 : i32
        %dma_wait3A_633 = tpu.memref_slice %arg6[%sub3A_631, %dma_wait3A_632] : memref<250x80xi32, #tpu.memory_space<vmem>> -> memref<1x80xi32, #tpu.memory_space<vmem>>
        %dma_wait3A_634 = tpu.memref_squeeze %dma_wait3A_633 : memref<1x80xi32, #tpu.memory_space<vmem>> -> memref<80xi32, #tpu.memory_space<vmem>>
        %dma_wait3A_635 = arith.constant 0 : i32
        %dma_wait3A_636 = arith.constant 0 : i32
        %dma_wait3A_637 = tpu.memref_slice %arg16[%dma_wait3A_635, %dma_wait3A_636] : memref<10000x64xf32, #tpu.memory_space<vmem_shared>> -> memref<10000x64xf32, #tpu.memory_space<vmem_shared>>
        tpu.wait_indirect_dma semaphore(%arg33 : memref<!tpu.dma_semaphore, #tpu.memory_space<semaphore_mem>>) src(%arg14 : memref<80x64xf32, #tpu.memory_space<vmem>>) dst(%dma_wait3A_637 : memref<10000x64xf32, #tpu.memory_space<vmem_shared>>)
      } else {
      }
      %lt3A_625 = arith.constant 250 : i32
      %lt3A_626 = arith.cmpi slt, %sub3A_619, %lt3A_625 : i32
      %convert_element_type3A_627 = arith.extui %lt3A_626 : i1 to i32
      %cond3A_628 = arith.constant 0 : i32
      %cond3A_629 = arith.cmpi ne, %convert_element_type3A_627, %cond3A_628 : i32
      scf.if %cond3A_629 {
        %dma_start3A_630 = arith.constant 0 : i32
        %dma_start3A_631 = tpu.memref_slice %arg5[%sub3A_619, %dma_start3A_630] : memref<250x80xi32, #tpu.memory_space<vmem>> -> memref<1x80xi32, #tpu.memory_space<vmem>>
        %dma_start3A_632 = tpu.memref_squeeze %dma_start3A_631 : memref<1x80xi32, #tpu.memory_space<vmem>> -> memref<80xi32, #tpu.memory_space<vmem>>
        %dma_start3A_633 = arith.constant 0 : i32
        %dma_start3A_634 = arith.constant 0 : i32
        %dma_start3A_635 = tpu.memref_slice %arg2[%arg0, %dma_start3A_633, %dma_start3A_634] : memref<2x10000x64xf32, #tpu.memory_space<hbm>> -> memref<1x10000x64xf32, #tpu.memory_space<hbm>>
        %dma_start3A_636 = tpu.memref_squeeze %dma_start3A_635 : memref<1x10000x64xf32, #tpu.memory_space<hbm>> -> memref<10000x64xf32, #tpu.memory_space<hbm>>
        %dma_start3A_637 = arith.constant 0 : i32
        %dma_start3A_638 = arith.constant 0 : i32
        %dma_start3A_639 = tpu.memref_slice %dma_start3A_636[%dma_start3A_637, %dma_start3A_638] : memref<10000x64xf32, #tpu.memory_space<hbm>> -> memref<10000x64xf32, #tpu.memory_space<hbm>>
        tpu.enqueue_indirect_dma source(%dma_start3A_639 : memref<10000x64xf32, #tpu.memory_space<hbm>>) target(%arg14 : memref<80x64xf32, #tpu.memory_space<vmem>>) offsets(%dma_start3A_632 : memref<80xi32, #tpu.memory_space<vmem>>) semaphore(%arg24 : memref<!tpu.dma_semaphore, #tpu.memory_space<semaphore_mem>>)
      } else {
      }
    }
    %scan3A_145 = arith.constant 27 : i32
    %dma_wait3A_146 = arith.constant 243 : i32
    %dma_wait3A_147 = arith.constant 0 : i32
    %dma_wait3A_148 = tpu.memref_slice %arg5[%dma_wait3A_146, %dma_wait3A_147] : memref<250x80xi32, #tpu.memory_space<vmem>> -> memref<1x80xi32, #tpu.memory_space<vmem>>
    %dma_wait3A_149 = tpu.memref_squeeze %dma_wait3A_148 : memref<1x80xi32, #tpu.memory_space<vmem>> -> memref<80xi32, #tpu.memory_space<vmem>>
    %dma_wait3A_150 = arith.constant 0 : i32
    %dma_wait3A_151 = arith.constant 0 : i32
    %dma_wait3A_152 = tpu.memref_slice %arg2[%arg0, %dma_wait3A_150, %dma_wait3A_151] : memref<2x10000x64xf32, #tpu.memory_space<hbm>> -> memref<1x10000x64xf32, #tpu.memory_space<hbm>>
    %dma_wait3A_153 = tpu.memref_squeeze %dma_wait3A_152 : memref<1x10000x64xf32, #tpu.memory_space<hbm>> -> memref<10000x64xf32, #tpu.memory_space<hbm>>
    %dma_wait3A_154 = arith.constant 0 : i32
    %dma_wait3A_155 = arith.constant 0 : i32
    %dma_wait3A_156 = tpu.memref_slice %dma_wait3A_153[%dma_wait3A_154, %dma_wait3A_155] : memref<10000x64xf32, #tpu.memory_space<hbm>> -> memref<10000x64xf32, #tpu.memory_space<hbm>>
    tpu.wait_indirect_dma semaphore(%arg17 : memref<!tpu.dma_semaphore, #tpu.memory_space<semaphore_mem>>) src(%dma_wait3A_156 : memref<10000x64xf32, #tpu.memory_space<hbm>>) dst(%arg7 : memref<80x64xf32, #tpu.memory_space<vmem>>)
    %dma_start3A_157 = arith.constant 243 : i32
    %dma_start3A_158 = arith.constant 0 : i32
    %dma_start3A_159 = tpu.memref_slice %arg6[%dma_start3A_157, %dma_start3A_158] : memref<250x80xi32, #tpu.memory_space<vmem>> -> memref<1x80xi32, #tpu.memory_space<vmem>>
    %dma_start3A_160 = tpu.memref_squeeze %dma_start3A_159 : memref<1x80xi32, #tpu.memory_space<vmem>> -> memref<80xi32, #tpu.memory_space<vmem>>
    %dma_start3A_161 = arith.constant 0 : i32
    %dma_start3A_162 = arith.constant 0 : i32
    %dma_start3A_163 = tpu.memref_slice %arg16[%dma_start3A_161, %dma_start3A_162] : memref<10000x64xf32, #tpu.memory_space<vmem_shared>> -> memref<10000x64xf32, #tpu.memory_space<vmem_shared>>
    tpu.enqueue_indirect_dma source(%arg7 : memref<80x64xf32, #tpu.memory_space<vmem>>) target(%dma_start3A_163 : memref<10000x64xf32, #tpu.memory_space<vmem_shared>>) offsets(%dma_start3A_160 : memref<80xi32, #tpu.memory_space<vmem>>) semaphore(%arg26 : memref<!tpu.dma_semaphore, #tpu.memory_space<semaphore_mem>>) {add = true}
    %dma_wait3A_164 = arith.constant 244 : i32
    %dma_wait3A_165 = arith.constant 0 : i32
    %dma_wait3A_166 = tpu.memref_slice %arg5[%dma_wait3A_164, %dma_wait3A_165] : memref<250x80xi32, #tpu.memory_space<vmem>> -> memref<1x80xi32, #tpu.memory_space<vmem>>
    %dma_wait3A_167 = tpu.memref_squeeze %dma_wait3A_166 : memref<1x80xi32, #tpu.memory_space<vmem>> -> memref<80xi32, #tpu.memory_space<vmem>>
    %dma_wait3A_168 = arith.constant 0 : i32
    %dma_wait3A_169 = arith.constant 0 : i32
    %dma_wait3A_170 = tpu.memref_slice %arg2[%arg0, %dma_wait3A_168, %dma_wait3A_169] : memref<2x10000x64xf32, #tpu.memory_space<hbm>> -> memref<1x10000x64xf32, #tpu.memory_space<hbm>>
    %dma_wait3A_171 = tpu.memref_squeeze %dma_wait3A_170 : memref<1x10000x64xf32, #tpu.memory_space<hbm>> -> memref<10000x64xf32, #tpu.memory_space<hbm>>
    %dma_wait3A_172 = arith.constant 0 : i32
    %dma_wait3A_173 = arith.constant 0 : i32
    %dma_wait3A_174 = tpu.memref_slice %dma_wait3A_171[%dma_wait3A_172, %dma_wait3A_173] : memref<10000x64xf32, #tpu.memory_space<hbm>> -> memref<10000x64xf32, #tpu.memory_space<hbm>>
    tpu.wait_indirect_dma semaphore(%arg18 : memref<!tpu.dma_semaphore, #tpu.memory_space<semaphore_mem>>) src(%dma_wait3A_174 : memref<10000x64xf32, #tpu.memory_space<hbm>>) dst(%arg8 : memref<80x64xf32, #tpu.memory_space<vmem>>)
    %dma_start3A_175 = arith.constant 244 : i32
    %dma_start3A_176 = arith.constant 0 : i32
    %dma_start3A_177 = tpu.memref_slice %arg6[%dma_start3A_175, %dma_start3A_176] : memref<250x80xi32, #tpu.memory_space<vmem>> -> memref<1x80xi32, #tpu.memory_space<vmem>>
    %dma_start3A_178 = tpu.memref_squeeze %dma_start3A_177 : memref<1x80xi32, #tpu.memory_space<vmem>> -> memref<80xi32, #tpu.memory_space<vmem>>
    %dma_start3A_179 = arith.constant 0 : i32
    %dma_start3A_180 = arith.constant 0 : i32
    %dma_start3A_181 = tpu.memref_slice %arg16[%dma_start3A_179, %dma_start3A_180] : memref<10000x64xf32, #tpu.memory_space<vmem_shared>> -> memref<10000x64xf32, #tpu.memory_space<vmem_shared>>
    tpu.enqueue_indirect_dma source(%arg8 : memref<80x64xf32, #tpu.memory_space<vmem>>) target(%dma_start3A_181 : memref<10000x64xf32, #tpu.memory_space<vmem_shared>>) offsets(%dma_start3A_178 : memref<80xi32, #tpu.memory_space<vmem>>) semaphore(%arg27 : memref<!tpu.dma_semaphore, #tpu.memory_space<semaphore_mem>>) {add = true}
    %dma_wait3A_182 = arith.constant 245 : i32
    %dma_wait3A_183 = arith.constant 0 : i32
    %dma_wait3A_184 = tpu.memref_slice %arg5[%dma_wait3A_182, %dma_wait3A_183] : memref<250x80xi32, #tpu.memory_space<vmem>> -> memref<1x80xi32, #tpu.memory_space<vmem>>
    %dma_wait3A_185 = tpu.memref_squeeze %dma_wait3A_184 : memref<1x80xi32, #tpu.memory_space<vmem>> -> memref<80xi32, #tpu.memory_space<vmem>>
    %dma_wait3A_186 = arith.constant 0 : i32
    %dma_wait3A_187 = arith.constant 0 : i32
    %dma_wait3A_188 = tpu.memref_slice %arg2[%arg0, %dma_wait3A_186, %dma_wait3A_187] : memref<2x10000x64xf32, #tpu.memory_space<hbm>> -> memref<1x10000x64xf32, #tpu.memory_space<hbm>>
    %dma_wait3A_189 = tpu.memref_squeeze %dma_wait3A_188 : memref<1x10000x64xf32, #tpu.memory_space<hbm>> -> memref<10000x64xf32, #tpu.memory_space<hbm>>
    %dma_wait3A_190 = arith.constant 0 : i32
    %dma_wait3A_191 = arith.constant 0 : i32
    %dma_wait3A_192 = tpu.memref_slice %dma_wait3A_189[%dma_wait3A_190, %dma_wait3A_191] : memref<10000x64xf32, #tpu.memory_space<hbm>> -> memref<10000x64xf32, #tpu.memory_space<hbm>>
    tpu.wait_indirect_dma semaphore(%arg19 : memref<!tpu.dma_semaphore, #tpu.memory_space<semaphore_mem>>) src(%dma_wait3A_192 : memref<10000x64xf32, #tpu.memory_space<hbm>>) dst(%arg9 : memref<80x64xf32, #tpu.memory_space<vmem>>)
    %dma_start3A_193 = arith.constant 245 : i32
    %dma_start3A_194 = arith.constant 0 : i32
    %dma_start3A_195 = tpu.memref_slice %arg6[%dma_start3A_193, %dma_start3A_194] : memref<250x80xi32, #tpu.memory_space<vmem>> -> memref<1x80xi32, #tpu.memory_space<vmem>>
    %dma_start3A_196 = tpu.memref_squeeze %dma_start3A_195 : memref<1x80xi32, #tpu.memory_space<vmem>> -> memref<80xi32, #tpu.memory_space<vmem>>
    %dma_start3A_197 = arith.constant 0 : i32
    %dma_start3A_198 = arith.constant 0 : i32
    %dma_start3A_199 = tpu.memref_slice %arg16[%dma_start3A_197, %dma_start3A_198] : memref<10000x64xf32, #tpu.memory_space<vmem_shared>> -> memref<10000x64xf32, #tpu.memory_space<vmem_shared>>
    tpu.enqueue_indirect_dma source(%arg9 : memref<80x64xf32, #tpu.memory_space<vmem>>) target(%dma_start3A_199 : memref<10000x64xf32, #tpu.memory_space<vmem_shared>>) offsets(%dma_start3A_196 : memref<80xi32, #tpu.memory_space<vmem>>) semaphore(%arg28 : memref<!tpu.dma_semaphore, #tpu.memory_space<semaphore_mem>>) {add = true}
    %dma_wait3A_200 = arith.constant 246 : i32
    %dma_wait3A_201 = arith.constant 0 : i32
    %dma_wait3A_202 = tpu.memref_slice %arg5[%dma_wait3A_200, %dma_wait3A_201] : memref<250x80xi32, #tpu.memory_space<vmem>> -> memref<1x80xi32, #tpu.memory_space<vmem>>
    %dma_wait3A_203 = tpu.memref_squeeze %dma_wait3A_202 : memref<1x80xi32, #tpu.memory_space<vmem>> -> memref<80xi32, #tpu.memory_space<vmem>>
    %dma_wait3A_204 = arith.constant 0 : i32
    %dma_wait3A_205 = arith.constant 0 : i32
    %dma_wait3A_206 = tpu.memref_slice %arg2[%arg0, %dma_wait3A_204, %dma_wait3A_205] : memref<2x10000x64xf32, #tpu.memory_space<hbm>> -> memref<1x10000x64xf32, #tpu.memory_space<hbm>>
    %dma_wait3A_207 = tpu.memref_squeeze %dma_wait3A_206 : memref<1x10000x64xf32, #tpu.memory_space<hbm>> -> memref<10000x64xf32, #tpu.memory_space<hbm>>
    %dma_wait3A_208 = arith.constant 0 : i32
    %dma_wait3A_209 = arith.constant 0 : i32
    %dma_wait3A_210 = tpu.memref_slice %dma_wait3A_207[%dma_wait3A_208, %dma_wait3A_209] : memref<10000x64xf32, #tpu.memory_space<hbm>> -> memref<10000x64xf32, #tpu.memory_space<hbm>>
    tpu.wait_indirect_dma semaphore(%arg20 : memref<!tpu.dma_semaphore, #tpu.memory_space<semaphore_mem>>) src(%dma_wait3A_210 : memref<10000x64xf32, #tpu.memory_space<hbm>>) dst(%arg10 : memref<80x64xf32, #tpu.memory_space<vmem>>)
    %dma_start3A_211 = arith.constant 246 : i32
    %dma_start3A_212 = arith.constant 0 : i32
    %dma_start3A_213 = tpu.memref_slice %arg6[%dma_start3A_211, %dma_start3A_212] : memref<250x80xi32, #tpu.memory_space<vmem>> -> memref<1x80xi32, #tpu.memory_space<vmem>>
    %dma_start3A_214 = tpu.memref_squeeze %dma_start3A_213 : memref<1x80xi32, #tpu.memory_space<vmem>> -> memref<80xi32, #tpu.memory_space<vmem>>
    %dma_start3A_215 = arith.constant 0 : i32
    %dma_start3A_216 = arith.constant 0 : i32
    %dma_start3A_217 = tpu.memref_slice %arg16[%dma_start3A_215, %dma_start3A_216] : memref<10000x64xf32, #tpu.memory_space<vmem_shared>> -> memref<10000x64xf32, #tpu.memory_space<vmem_shared>>
    tpu.enqueue_indirect_dma source(%arg10 : memref<80x64xf32, #tpu.memory_space<vmem>>) target(%dma_start3A_217 : memref<10000x64xf32, #tpu.memory_space<vmem_shared>>) offsets(%dma_start3A_214 : memref<80xi32, #tpu.memory_space<vmem>>) semaphore(%arg29 : memref<!tpu.dma_semaphore, #tpu.memory_space<semaphore_mem>>) {add = true}
    %dma_wait3A_218 = arith.constant 247 : i32
    %dma_wait3A_219 = arith.constant 0 : i32
    %dma_wait3A_220 = tpu.memref_slice %arg5[%dma_wait3A_218, %dma_wait3A_219] : memref<250x80xi32, #tpu.memory_space<vmem>> -> memref<1x80xi32, #tpu.memory_space<vmem>>
    %dma_wait3A_221 = tpu.memref_squeeze %dma_wait3A_220 : memref<1x80xi32, #tpu.memory_space<vmem>> -> memref<80xi32, #tpu.memory_space<vmem>>
    %dma_wait3A_222 = arith.constant 0 : i32
    %dma_wait3A_223 = arith.constant 0 : i32
    %dma_wait3A_224 = tpu.memref_slice %arg2[%arg0, %dma_wait3A_222, %dma_wait3A_223] : memref<2x10000x64xf32, #tpu.memory_space<hbm>> -> memref<1x10000x64xf32, #tpu.memory_space<hbm>>
    %dma_wait3A_225 = tpu.memref_squeeze %dma_wait3A_224 : memref<1x10000x64xf32, #tpu.memory_space<hbm>> -> memref<10000x64xf32, #tpu.memory_space<hbm>>
    %dma_wait3A_226 = arith.constant 0 : i32
    %dma_wait3A_227 = arith.constant 0 : i32
    %dma_wait3A_228 = tpu.memref_slice %dma_wait3A_225[%dma_wait3A_226, %dma_wait3A_227] : memref<10000x64xf32, #tpu.memory_space<hbm>> -> memref<10000x64xf32, #tpu.memory_space<hbm>>
    tpu.wait_indirect_dma semaphore(%arg21 : memref<!tpu.dma_semaphore, #tpu.memory_space<semaphore_mem>>) src(%dma_wait3A_228 : memref<10000x64xf32, #tpu.memory_space<hbm>>) dst(%arg11 : memref<80x64xf32, #tpu.memory_space<vmem>>)
    %dma_start3A_229 = arith.constant 247 : i32
    %dma_start3A_230 = arith.constant 0 : i32
    %dma_start3A_231 = tpu.memref_slice %arg6[%dma_start3A_229, %dma_start3A_230] : memref<250x80xi32, #tpu.memory_space<vmem>> -> memref<1x80xi32, #tpu.memory_space<vmem>>
    %dma_start3A_232 = tpu.memref_squeeze %dma_start3A_231 : memref<1x80xi32, #tpu.memory_space<vmem>> -> memref<80xi32, #tpu.memory_space<vmem>>
    %dma_start3A_233 = arith.constant 0 : i32
    %dma_start3A_234 = arith.constant 0 : i32
    %dma_start3A_235 = tpu.memref_slice %arg16[%dma_start3A_233, %dma_start3A_234] : memref<10000x64xf32, #tpu.memory_space<vmem_shared>> -> memref<10000x64xf32, #tpu.memory_space<vmem_shared>>
    tpu.enqueue_indirect_dma source(%arg11 : memref<80x64xf32, #tpu.memory_space<vmem>>) target(%dma_start3A_235 : memref<10000x64xf32, #tpu.memory_space<vmem_shared>>) offsets(%dma_start3A_232 : memref<80xi32, #tpu.memory_space<vmem>>) semaphore(%arg30 : memref<!tpu.dma_semaphore, #tpu.memory_space<semaphore_mem>>) {add = true}
    %dma_wait3A_236 = arith.constant 248 : i32
    %dma_wait3A_237 = arith.constant 0 : i32
    %dma_wait3A_238 = tpu.memref_slice %arg5[%dma_wait3A_236, %dma_wait3A_237] : memref<250x80xi32, #tpu.memory_space<vmem>> -> memref<1x80xi32, #tpu.memory_space<vmem>>
    %dma_wait3A_239 = tpu.memref_squeeze %dma_wait3A_238 : memref<1x80xi32, #tpu.memory_space<vmem>> -> memref<80xi32, #tpu.memory_space<vmem>>
    %dma_wait3A_240 = arith.constant 0 : i32
    %dma_wait3A_241 = arith.constant 0 : i32
    %dma_wait3A_242 = tpu.memref_slice %arg2[%arg0, %dma_wait3A_240, %dma_wait3A_241] : memref<2x10000x64xf32, #tpu.memory_space<hbm>> -> memref<1x10000x64xf32, #tpu.memory_space<hbm>>
    %dma_wait3A_243 = tpu.memref_squeeze %dma_wait3A_242 : memref<1x10000x64xf32, #tpu.memory_space<hbm>> -> memref<10000x64xf32, #tpu.memory_space<hbm>>
    %dma_wait3A_244 = arith.constant 0 : i32
    %dma_wait3A_245 = arith.constant 0 : i32
    %dma_wait3A_246 = tpu.memref_slice %dma_wait3A_243[%dma_wait3A_244, %dma_wait3A_245] : memref<10000x64xf32, #tpu.memory_space<hbm>> -> memref<10000x64xf32, #tpu.memory_space<hbm>>
    tpu.wait_indirect_dma semaphore(%arg22 : memref<!tpu.dma_semaphore, #tpu.memory_space<semaphore_mem>>) src(%dma_wait3A_246 : memref<10000x64xf32, #tpu.memory_space<hbm>>) dst(%arg12 : memref<80x64xf32, #tpu.memory_space<vmem>>)
    %dma_start3A_247 = arith.constant 248 : i32
    %dma_start3A_248 = arith.constant 0 : i32
    %dma_start3A_249 = tpu.memref_slice %arg6[%dma_start3A_247, %dma_start3A_248] : memref<250x80xi32, #tpu.memory_space<vmem>> -> memref<1x80xi32, #tpu.memory_space<vmem>>
    %dma_start3A_250 = tpu.memref_squeeze %dma_start3A_249 : memref<1x80xi32, #tpu.memory_space<vmem>> -> memref<80xi32, #tpu.memory_space<vmem>>
    %dma_start3A_251 = arith.constant 0 : i32
    %dma_start3A_252 = arith.constant 0 : i32
    %dma_start3A_253 = tpu.memref_slice %arg16[%dma_start3A_251, %dma_start3A_252] : memref<10000x64xf32, #tpu.memory_space<vmem_shared>> -> memref<10000x64xf32, #tpu.memory_space<vmem_shared>>
    tpu.enqueue_indirect_dma source(%arg12 : memref<80x64xf32, #tpu.memory_space<vmem>>) target(%dma_start3A_253 : memref<10000x64xf32, #tpu.memory_space<vmem_shared>>) offsets(%dma_start3A_250 : memref<80xi32, #tpu.memory_space<vmem>>) semaphore(%arg31 : memref<!tpu.dma_semaphore, #tpu.memory_space<semaphore_mem>>) {add = true}
    %dma_wait3A_254 = arith.constant 249 : i32
    %dma_wait3A_255 = arith.constant 0 : i32
    %dma_wait3A_256 = tpu.memref_slice %arg5[%dma_wait3A_254, %dma_wait3A_255] : memref<250x80xi32, #tpu.memory_space<vmem>> -> memref<1x80xi32, #tpu.memory_space<vmem>>
    %dma_wait3A_257 = tpu.memref_squeeze %dma_wait3A_256 : memref<1x80xi32, #tpu.memory_space<vmem>> -> memref<80xi32, #tpu.memory_space<vmem>>
    %dma_wait3A_258 = arith.constant 0 : i32
    %dma_wait3A_259 = arith.constant 0 : i32
    %dma_wait3A_260 = tpu.memref_slice %arg2[%arg0, %dma_wait3A_258, %dma_wait3A_259] : memref<2x10000x64xf32, #tpu.memory_space<hbm>> -> memref<1x10000x64xf32, #tpu.memory_space<hbm>>
    %dma_wait3A_261 = tpu.memref_squeeze %dma_wait3A_260 : memref<1x10000x64xf32, #tpu.memory_space<hbm>> -> memref<10000x64xf32, #tpu.memory_space<hbm>>
    %dma_wait3A_262 = arith.constant 0 : i32
    %dma_wait3A_263 = arith.constant 0 : i32
    %dma_wait3A_264 = tpu.memref_slice %dma_wait3A_261[%dma_wait3A_262, %dma_wait3A_263] : memref<10000x64xf32, #tpu.memory_space<hbm>> -> memref<10000x64xf32, #tpu.memory_space<hbm>>
    tpu.wait_indirect_dma semaphore(%arg23 : memref<!tpu.dma_semaphore, #tpu.memory_space<semaphore_mem>>) src(%dma_wait3A_264 : memref<10000x64xf32, #tpu.memory_space<hbm>>) dst(%arg13 : memref<80x64xf32, #tpu.memory_space<vmem>>)
    %dma_start3A_265 = arith.constant 249 : i32
    %dma_start3A_266 = arith.constant 0 : i32
    %dma_start3A_267 = tpu.memref_slice %arg6[%dma_start3A_265, %dma_start3A_266] : memref<250x80xi32, #tpu.memory_space<vmem>> -> memref<1x80xi32, #tpu.memory_space<vmem>>
    %dma_start3A_268 = tpu.memref_squeeze %dma_start3A_267 : memref<1x80xi32, #tpu.memory_space<vmem>> -> memref<80xi32, #tpu.memory_space<vmem>>
    %dma_start3A_269 = arith.constant 0 : i32
    %dma_start3A_270 = arith.constant 0 : i32
    %dma_start3A_271 = tpu.memref_slice %arg16[%dma_start3A_269, %dma_start3A_270] : memref<10000x64xf32, #tpu.memory_space<vmem_shared>> -> memref<10000x64xf32, #tpu.memory_space<vmem_shared>>
    tpu.enqueue_indirect_dma source(%arg13 : memref<80x64xf32, #tpu.memory_space<vmem>>) target(%dma_start3A_271 : memref<10000x64xf32, #tpu.memory_space<vmem_shared>>) offsets(%dma_start3A_268 : memref<80xi32, #tpu.memory_space<vmem>>) semaphore(%arg32 : memref<!tpu.dma_semaphore, #tpu.memory_space<semaphore_mem>>) {add = true}
    %dma_wait3A_272 = arith.constant 0 : i32
    %dma_wait3A_273 = arith.constant 0 : i32
    %dma_wait3A_274 = tpu.memref_slice %arg6[%dma_wait3A_272, %dma_wait3A_273] : memref<250x80xi32, #tpu.memory_space<vmem>> -> memref<1x80xi32, #tpu.memory_space<vmem>>
    %dma_wait3A_275 = tpu.memref_squeeze %dma_wait3A_274 : memref<1x80xi32, #tpu.memory_space<vmem>> -> memref<80xi32, #tpu.memory_space<vmem>>
    %dma_wait3A_276 = arith.constant 0 : i32
    %dma_wait3A_277 = arith.constant 0 : i32
    %dma_wait3A_278 = tpu.memref_slice %arg16[%dma_wait3A_276, %dma_wait3A_277] : memref<10000x64xf32, #tpu.memory_space<vmem_shared>> -> memref<10000x64xf32, #tpu.memory_space<vmem_shared>>
    tpu.wait_indirect_dma semaphore(%arg26 : memref<!tpu.dma_semaphore, #tpu.memory_space<semaphore_mem>>) src(%arg7 : memref<80x64xf32, #tpu.memory_space<vmem>>) dst(%dma_wait3A_278 : memref<10000x64xf32, #tpu.memory_space<vmem_shared>>)
    %dma_wait3A_279 = arith.constant 0 : i32
    %dma_wait3A_280 = arith.constant 0 : i32
    %dma_wait3A_281 = tpu.memref_slice %arg6[%dma_wait3A_279, %dma_wait3A_280] : memref<250x80xi32, #tpu.memory_space<vmem>> -> memref<1x80xi32, #tpu.memory_space<vmem>>
    %dma_wait3A_282 = tpu.memref_squeeze %dma_wait3A_281 : memref<1x80xi32, #tpu.memory_space<vmem>> -> memref<80xi32, #tpu.memory_space<vmem>>
    %dma_wait3A_283 = arith.constant 0 : i32
    %dma_wait3A_284 = arith.constant 0 : i32
    %dma_wait3A_285 = tpu.memref_slice %arg16[%dma_wait3A_283, %dma_wait3A_284] : memref<10000x64xf32, #tpu.memory_space<vmem_shared>> -> memref<10000x64xf32, #tpu.memory_space<vmem_shared>>
    tpu.wait_indirect_dma semaphore(%arg27 : memref<!tpu.dma_semaphore, #tpu.memory_space<semaphore_mem>>) src(%arg8 : memref<80x64xf32, #tpu.memory_space<vmem>>) dst(%dma_wait3A_285 : memref<10000x64xf32, #tpu.memory_space<vmem_shared>>)
    %dma_wait3A_286 = arith.constant 0 : i32
    %dma_wait3A_287 = arith.constant 0 : i32
    %dma_wait3A_288 = tpu.memref_slice %arg6[%dma_wait3A_286, %dma_wait3A_287] : memref<250x80xi32, #tpu.memory_space<vmem>> -> memref<1x80xi32, #tpu.memory_space<vmem>>
    %dma_wait3A_289 = tpu.memref_squeeze %dma_wait3A_288 : memref<1x80xi32, #tpu.memory_space<vmem>> -> memref<80xi32, #tpu.memory_space<vmem>>
    %dma_wait3A_290 = arith.constant 0 : i32
    %dma_wait3A_291 = arith.constant 0 : i32
    %dma_wait3A_292 = tpu.memref_slice %arg16[%dma_wait3A_290, %dma_wait3A_291] : memref<10000x64xf32, #tpu.memory_space<vmem_shared>> -> memref<10000x64xf32, #tpu.memory_space<vmem_shared>>
    tpu.wait_indirect_dma semaphore(%arg28 : memref<!tpu.dma_semaphore, #tpu.memory_space<semaphore_mem>>) src(%arg9 : memref<80x64xf32, #tpu.memory_space<vmem>>) dst(%dma_wait3A_292 : memref<10000x64xf32, #tpu.memory_space<vmem_shared>>)
    %dma_wait3A_293 = arith.constant 0 : i32
    %dma_wait3A_294 = arith.constant 0 : i32
    %dma_wait3A_295 = tpu.memref_slice %arg6[%dma_wait3A_293, %dma_wait3A_294] : memref<250x80xi32, #tpu.memory_space<vmem>> -> memref<1x80xi32, #tpu.memory_space<vmem>>
    %dma_wait3A_296 = tpu.memref_squeeze %dma_wait3A_295 : memref<1x80xi32, #tpu.memory_space<vmem>> -> memref<80xi32, #tpu.memory_space<vmem>>
    %dma_wait3A_297 = arith.constant 0 : i32
    %dma_wait3A_298 = arith.constant 0 : i32
    %dma_wait3A_299 = tpu.memref_slice %arg16[%dma_wait3A_297, %dma_wait3A_298] : memref<10000x64xf32, #tpu.memory_space<vmem_shared>> -> memref<10000x64xf32, #tpu.memory_space<vmem_shared>>
    tpu.wait_indirect_dma semaphore(%arg29 : memref<!tpu.dma_semaphore, #tpu.memory_space<semaphore_mem>>) src(%arg10 : memref<80x64xf32, #tpu.memory_space<vmem>>) dst(%dma_wait3A_299 : memref<10000x64xf32, #tpu.memory_space<vmem_shared>>)
    %dma_wait3A_300 = arith.constant 0 : i32
    %dma_wait3A_301 = arith.constant 0 : i32
    %dma_wait3A_302 = tpu.memref_slice %arg6[%dma_wait3A_300, %dma_wait3A_301] : memref<250x80xi32, #tpu.memory_space<vmem>> -> memref<1x80xi32, #tpu.memory_space<vmem>>
    %dma_wait3A_303 = tpu.memref_squeeze %dma_wait3A_302 : memref<1x80xi32, #tpu.memory_space<vmem>> -> memref<80xi32, #tpu.memory_space<vmem>>
    %dma_wait3A_304 = arith.constant 0 : i32
    %dma_wait3A_305 = arith.constant 0 : i32
    %dma_wait3A_306 = tpu.memref_slice %arg16[%dma_wait3A_304, %dma_wait3A_305] : memref<10000x64xf32, #tpu.memory_space<vmem_shared>> -> memref<10000x64xf32, #tpu.memory_space<vmem_shared>>
    tpu.wait_indirect_dma semaphore(%arg30 : memref<!tpu.dma_semaphore, #tpu.memory_space<semaphore_mem>>) src(%arg11 : memref<80x64xf32, #tpu.memory_space<vmem>>) dst(%dma_wait3A_306 : memref<10000x64xf32, #tpu.memory_space<vmem_shared>>)
    %dma_wait3A_307 = arith.constant 0 : i32
    %dma_wait3A_308 = arith.constant 0 : i32
    %dma_wait3A_309 = tpu.memref_slice %arg6[%dma_wait3A_307, %dma_wait3A_308] : memref<250x80xi32, #tpu.memory_space<vmem>> -> memref<1x80xi32, #tpu.memory_space<vmem>>
    %dma_wait3A_310 = tpu.memref_squeeze %dma_wait3A_309 : memref<1x80xi32, #tpu.memory_space<vmem>> -> memref<80xi32, #tpu.memory_space<vmem>>
    %dma_wait3A_311 = arith.constant 0 : i32
    %dma_wait3A_312 = arith.constant 0 : i32
    %dma_wait3A_313 = tpu.memref_slice %arg16[%dma_wait3A_311, %dma_wait3A_312] : memref<10000x64xf32, #tpu.memory_space<vmem_shared>> -> memref<10000x64xf32, #tpu.memory_space<vmem_shared>>
    tpu.wait_indirect_dma semaphore(%arg31 : memref<!tpu.dma_semaphore, #tpu.memory_space<semaphore_mem>>) src(%arg12 : memref<80x64xf32, #tpu.memory_space<vmem>>) dst(%dma_wait3A_313 : memref<10000x64xf32, #tpu.memory_space<vmem_shared>>)
    %dma_wait3A_314 = arith.constant 0 : i32
    %dma_wait3A_315 = arith.constant 0 : i32
    %dma_wait3A_316 = tpu.memref_slice %arg6[%dma_wait3A_314, %dma_wait3A_315] : memref<250x80xi32, #tpu.memory_space<vmem>> -> memref<1x80xi32, #tpu.memory_space<vmem>>
    %dma_wait3A_317 = tpu.memref_squeeze %dma_wait3A_316 : memref<1x80xi32, #tpu.memory_space<vmem>> -> memref<80xi32, #tpu.memory_space<vmem>>
    %dma_wait3A_318 = arith.constant 0 : i32
    %dma_wait3A_319 = arith.constant 0 : i32
    %dma_wait3A_320 = tpu.memref_slice %arg16[%dma_wait3A_318, %dma_wait3A_319] : memref<10000x64xf32, #tpu.memory_space<vmem_shared>> -> memref<10000x64xf32, #tpu.memory_space<vmem_shared>>
    tpu.wait_indirect_dma semaphore(%arg32 : memref<!tpu.dma_semaphore, #tpu.memory_space<semaphore_mem>>) src(%arg13 : memref<80x64xf32, #tpu.memory_space<vmem>>) dst(%dma_wait3A_320 : memref<10000x64xf32, #tpu.memory_space<vmem_shared>>)
    %dma_wait3A_321 = arith.constant 0 : i32
    %dma_wait3A_322 = arith.constant 0 : i32
    %dma_wait3A_323 = tpu.memref_slice %arg6[%dma_wait3A_321, %dma_wait3A_322] : memref<250x80xi32, #tpu.memory_space<vmem>> -> memref<1x80xi32, #tpu.memory_space<vmem>>
    %dma_wait3A_324 = tpu.memref_squeeze %dma_wait3A_323 : memref<1x80xi32, #tpu.memory_space<vmem>> -> memref<80xi32, #tpu.memory_space<vmem>>
    %dma_wait3A_325 = arith.constant 0 : i32
    %dma_wait3A_326 = arith.constant 0 : i32
    %dma_wait3A_327 = tpu.memref_slice %arg16[%dma_wait3A_325, %dma_wait3A_326] : memref<10000x64xf32, #tpu.memory_space<vmem_shared>> -> memref<10000x64xf32, #tpu.memory_space<vmem_shared>>
    tpu.wait_indirect_dma semaphore(%arg33 : memref<!tpu.dma_semaphore, #tpu.memory_space<semaphore_mem>>) src(%arg14 : memref<80x64xf32, #tpu.memory_space<vmem>>) dst(%dma_wait3A_327 : memref<10000x64xf32, #tpu.memory_space<vmem_shared>>)
    %dma_wait3A_328 = arith.constant 0 : i32
    %dma_wait3A_329 = arith.constant 0 : i32
    %dma_wait3A_330 = tpu.memref_slice %arg6[%dma_wait3A_328, %dma_wait3A_329] : memref<250x80xi32, #tpu.memory_space<vmem>> -> memref<1x80xi32, #tpu.memory_space<vmem>>
    %dma_wait3A_331 = tpu.memref_squeeze %dma_wait3A_330 : memref<1x80xi32, #tpu.memory_space<vmem>> -> memref<80xi32, #tpu.memory_space<vmem>>
    %dma_wait3A_332 = arith.constant 0 : i32
    %dma_wait3A_333 = arith.constant 0 : i32
    %dma_wait3A_334 = tpu.memref_slice %arg16[%dma_wait3A_332, %dma_wait3A_333] : memref<10000x64xf32, #tpu.memory_space<vmem_shared>> -> memref<10000x64xf32, #tpu.memory_space<vmem_shared>>
    tpu.wait_indirect_dma semaphore(%arg34 : memref<!tpu.dma_semaphore, #tpu.memory_space<semaphore_mem>>) src(%arg15 : memref<80x64xf32, #tpu.memory_space<vmem>>) dst(%dma_wait3A_334 : memref<10000x64xf32, #tpu.memory_space<vmem_shared>>)
    %barrier3A_335 = arith.constant 0 : index
    tpu.barrier barrier_id(%barrier3A_335)
    "tpu.region"() ({
      %run_scoped3A = tpu.sem_alloc : memref<!tpu.dma_semaphore, #tpu.memory_space<semaphore_mem>>
      %dma_start3A_341 = arith.constant 0 : i32
      %dma_start3A_342 = tpu.memref_slice %arg4[%arg0, %multiple_of3A, %dma_start3A_341] : memref<2x10000x64xf32, #tpu.memory_space<hbm>> -> memref<1x624x64xf32, #tpu.memory_space<hbm>>
      %dma_start3A_343 = tpu.memref_squeeze %dma_start3A_342 : memref<1x624x64xf32, #tpu.memory_space<hbm>> -> memref<624x64xf32, #tpu.memory_space<hbm>>
      %dma_start3A_344 = arith.constant 0 : i32
      %dma_start3A_345 = tpu.memref_slice %arg16[%multiple_of3A, %dma_start3A_344] : memref<10000x64xf32, #tpu.memory_space<vmem_shared>> -> memref<624x64xf32, #tpu.memory_space<vmem_shared>>
      tpu.enqueue_dma source(%dma_start3A_345 : memref<624x64xf32, #tpu.memory_space<vmem_shared>>) target(%dma_start3A_343 : memref<624x64xf32, #tpu.memory_space<hbm>>) target_semaphore(%run_scoped3A : memref<!tpu.dma_semaphore, #tpu.memory_space<semaphore_mem>>)
      %dma_wait3A_346 = arith.constant 0 : i32
      %dma_wait3A_347 = tpu.memref_slice %arg4[%arg0, %multiple_of3A, %dma_wait3A_346] : memref<2x10000x64xf32, #tpu.memory_space<hbm>> -> memref<1x624x64xf32, #tpu.memory_space<hbm>>
      %dma_wait3A_348 = tpu.memref_squeeze %dma_wait3A_347 : memref<1x624x64xf32, #tpu.memory_space<hbm>> -> memref<624x64xf32, #tpu.memory_space<hbm>>
      %dma_wait3A_349 = arith.constant 0 : i32
      %dma_wait3A_350 = tpu.memref_slice %arg16[%multiple_of3A, %dma_wait3A_349] : memref<10000x64xf32, #tpu.memory_space<vmem_shared>> -> memref<624x64xf32, #tpu.memory_space<vmem_shared>>
      tpu.wait_dma2 semaphore(%run_scoped3A : memref<!tpu.dma_semaphore, #tpu.memory_space<semaphore_mem>>) src(%dma_wait3A_350 : memref<624x64xf32, #tpu.memory_space<vmem_shared>>) dst(%dma_wait3A_348 : memref<624x64xf32, #tpu.memory_space<hbm>>)
      tpu.yield
    }) : () -> ()
    %eq3A_336 = arith.constant 15 : i32
    %eq3A_337 = arith.cmpi eq, %arg1, %eq3A_336 : i32
    %convert_element_type3A_338 = arith.extui %eq3A_337 : i1 to i32
    %cond3A_339 = arith.constant 0 : i32
    %cond3A_340 = arith.cmpi ne, %convert_element_type3A_338, %cond3A_339 : i32
    scf.if %cond3A_340 {
      "tpu.region"() ({
        %run_scoped3A = tpu.sem_alloc : memref<!tpu.dma_semaphore, #tpu.memory_space<semaphore_mem>>
        %dma_start3A_341 = arith.constant 9984 : i32
        %dma_start3A_342 = arith.constant 0 : i32
        %dma_start3A_343 = tpu.memref_slice %arg4[%arg0, %dma_start3A_341, %dma_start3A_342] : memref<2x10000x64xf32, #tpu.memory_space<hbm>> -> memref<1x16x64xf32, #tpu.memory_space<hbm>>
        %dma_start3A_344 = tpu.memref_squeeze %dma_start3A_343 : memref<1x16x64xf32, #tpu.memory_space<hbm>> -> memref<16x64xf32, #tpu.memory_space<hbm>>
        %dma_start3A_345 = arith.constant 9984 : i32
        %dma_start3A_346 = arith.constant 0 : i32
        %dma_start3A_347 = tpu.memref_slice %arg16[%dma_start3A_345, %dma_start3A_346] : memref<10000x64xf32, #tpu.memory_space<vmem_shared>> -> memref<16x64xf32, #tpu.memory_space<vmem_shared>>
        tpu.enqueue_dma source(%dma_start3A_347 : memref<16x64xf32, #tpu.memory_space<vmem_shared>>) target(%dma_start3A_344 : memref<16x64xf32, #tpu.memory_space<hbm>>) target_semaphore(%run_scoped3A : memref<!tpu.dma_semaphore, #tpu.memory_space<semaphore_mem>>)
        %dma_wait3A_348 = arith.constant 9984 : i32
        %dma_wait3A_349 = arith.constant 0 : i32
        %dma_wait3A_350 = tpu.memref_slice %arg4[%arg0, %dma_wait3A_348, %dma_wait3A_349] : memref<2x10000x64xf32, #tpu.memory_space<hbm>> -> memref<1x16x64xf32, #tpu.memory_space<hbm>>
        %dma_wait3A_351 = tpu.memref_squeeze %dma_wait3A_350 : memref<1x16x64xf32, #tpu.memory_space<hbm>> -> memref<16x64xf32, #tpu.memory_space<hbm>>
        %dma_wait3A_352 = arith.constant 9984 : i32
        %dma_wait3A_353 = arith.constant 0 : i32
        %dma_wait3A_354 = tpu.memref_slice %arg16[%dma_wait3A_352, %dma_wait3A_353] : memref<10000x64xf32, #tpu.memory_space<vmem_shared>> -> memref<16x64xf32, #tpu.memory_space<vmem_shared>>
        tpu.wait_dma2 semaphore(%run_scoped3A : memref<!tpu.dma_semaphore, #tpu.memory_space<semaphore_mem>>) src(%dma_wait3A_354 : memref<16x64xf32, #tpu.memory_space<vmem_shared>>) dst(%dma_wait3A_351 : memref<16x64xf32, #tpu.memory_space<hbm>>)
        tpu.yield
      }) : () -> ()
    } else {
    }
    return
  }
}

module attributes {stable_mosaic.version = 14 : i64} {
  func.func @_mlp_body(%arg0: i32, %arg1: memref<2x1000x128xf32, #tpu.memory_space<vmem>>, %arg2: memref<128x128xf32, #tpu.memory_space<vmem>>, %arg3: memref<1x128xf32, #tpu.memory_space<vmem>>, %arg4: memref<128x128xf32, #tpu.memory_space<vmem>>, %arg5: memref<1x128xf32, #tpu.memory_space<vmem>>, %arg6: memref<1x128xf32, #tpu.memory_space<vmem>>, %arg7: memref<1x128xf32, #tpu.memory_space<vmem>>, %arg8: memref<2x1000x128xf32, #tpu.memory_space<vmem>>) attributes {dimension_semantics = [#tpu.dimension_semantics<arbitrary>], iteration_bounds = array<i64: 5>, scalar_prefetch = 0 : i64, scratch_operands = 0 : i64, tpu.core_type = #tpu.core_type<tc>, window_params = [{transform_indices = @transform_0, window_bounds = array<i64: 2, 1000, 128>}, {pipeline_mode = #tpu.pipeline_mode<synchronous>, transform_indices = @transform_1, window_bounds = array<i64: 128, 128>}, {pipeline_mode = #tpu.pipeline_mode<synchronous>, transform_indices = @transform_2, window_bounds = array<i64: 1, 128>}, {pipeline_mode = #tpu.pipeline_mode<synchronous>, transform_indices = @transform_3, window_bounds = array<i64: 128, 128>}, {pipeline_mode = #tpu.pipeline_mode<synchronous>, transform_indices = @transform_4, window_bounds = array<i64: 1, 128>}, {pipeline_mode = #tpu.pipeline_mode<synchronous>, transform_indices = @transform_5, window_bounds = array<i64: 1, 128>}, {pipeline_mode = #tpu.pipeline_mode<synchronous>, transform_indices = @transform_6, window_bounds = array<i64: 1, 128>}, {transform_indices = @transform_7, window_bounds = array<i64: 2, 1000, 128>}]} {
    %get3A = arith.constant 0 : index
    %get3A_0 = arith.constant 0 : index
    %get3A_1 = arith.constant 0 : index
    %get3A_2 = vector.load %arg1[%get3A, %get3A_0, %get3A_1] : memref<2x1000x128xf32, #tpu.memory_space<vmem>>, vector<1x1000x128xf32>
    %get3A_3 = vector.shape_cast %get3A_2 : vector<1x1000x128xf32> to vector<1000x128xf32>
    %get3A_4 = arith.constant 1 : index
    %get3A_5 = arith.constant 0 : index
    %get3A_6 = arith.constant 0 : index
    %get3A_7 = vector.load %arg1[%get3A_4, %get3A_5, %get3A_6] : memref<2x1000x128xf32, #tpu.memory_space<vmem>>, vector<1x1000x128xf32>
    %get3A_8 = vector.shape_cast %get3A_7 : vector<1x1000x128xf32> to vector<1000x128xf32>
    %slice3A = vector.extract_strided_slice %get3A_3 {offsets = [0, 0], sizes = [1000, 64], strides = [1, 1]} : vector<1000x128xf32> to vector<1000x64xf32>
    %slice3A_9 = vector.extract_strided_slice %get3A_8 {offsets = [0, 0], sizes = [1000, 64], strides = [1, 1]} : vector<1000x128xf32> to vector<1000x64xf32>
    %concatenate3A = tpu.concatenate %slice3A, %slice3A_9 in 1 : vector<1000x64xf32>, vector<1000x64xf32> -> vector<1000x128xf32>
    %slice3A_10 = vector.extract_strided_slice %get3A_3 {offsets = [0, 64], sizes = [1000, 64], strides = [1, 1]} : vector<1000x128xf32> to vector<1000x64xf32>
    %slice3A_11 = vector.extract_strided_slice %get3A_8 {offsets = [0, 64], sizes = [1000, 64], strides = [1, 1]} : vector<1000x128xf32> to vector<1000x64xf32>
    %concatenate3A_12 = tpu.concatenate %slice3A_10, %slice3A_11 in 1 : vector<1000x64xf32>, vector<1000x64xf32> -> vector<1000x128xf32>
    %concatenate3A_13 = tpu.concatenate %concatenate3A, %concatenate3A_12 in 0 : vector<1000x128xf32>, vector<1000x128xf32> -> vector<2000x128xf32>
    %get3A_14 = arith.constant 0 : index
    %get3A_15 = arith.constant 0 : index
    %get3A_16 = vector.load %arg2[%get3A_14, %get3A_15] : memref<128x128xf32, #tpu.memory_space<vmem>>, vector<128x128xf32>
    %dot_general3A = arith.constant dense<0.000000e+00> : vector<2000x128xf32>
    %dot_general3A_17 = tpu.matmul %concatenate3A_13, %get3A_16, %dot_general3A {dimension_numbers = #tpu.dot_dimension_numbers<[1], [0], [0], [1], [0, 0, 1, 1], [], []>, transpose_lhs_hint = false} : vector<2000x128xf32>, vector<128x128xf32>, vector<2000x128xf32> -> vector<2000x128xf32>
    %get3A_18 = arith.constant 0 : index
    %get3A_19 = arith.constant 0 : index
    %get3A_20 = vector.load %arg3[%get3A_18, %get3A_19] : memref<1x128xf32, #tpu.memory_space<vmem>>, vector<1x128xf32>
    %add3A = vector.broadcast %get3A_20 : vector<1x128xf32> to vector<2000x128xf32>
    %add3A_21 = arith.addf %dot_general3A_17, %add3A : vector<2000x128xf32>
    %ge3A = arith.constant 0.000000e+00 : f32
    %ge3A_22 = vector.broadcast %ge3A : f32 to vector<2000x128xf32>
    %ge3A_23 = arith.cmpf oge, %add3A_21, %ge3A_22 : vector<2000x128xf32>
    %mul3A = arith.constant 0.00999999977 : f32
    %mul3A_24 = vector.broadcast %mul3A : f32 to vector<2000x128xf32>
    %mul3A_25 = arith.mulf %mul3A_24, %add3A_21 : vector<2000x128xf32>
    %select_n3A = arith.select %ge3A_23, %add3A_21, %mul3A_25 : vector<2000x128xi1>, vector<2000x128xf32>
    %get3A_26 = arith.constant 0 : index
    %get3A_27 = arith.constant 0 : index
    %get3A_28 = vector.load %arg4[%get3A_26, %get3A_27] : memref<128x128xf32, #tpu.memory_space<vmem>>, vector<128x128xf32>
    %dot_general3A_29 = arith.constant dense<0.000000e+00> : vector<2000x128xf32>
    %dot_general3A_30 = tpu.matmul %select_n3A, %get3A_28, %dot_general3A_29 {dimension_numbers = #tpu.dot_dimension_numbers<[1], [0], [0], [1], [0, 0, 1, 1], [], []>, transpose_lhs_hint = false} : vector<2000x128xf32>, vector<128x128xf32>, vector<2000x128xf32> -> vector<2000x128xf32>
    %get3A_31 = arith.constant 0 : index
    %get3A_32 = arith.constant 0 : index
    %get3A_33 = vector.load %arg5[%get3A_31, %get3A_32] : memref<1x128xf32, #tpu.memory_space<vmem>>, vector<1x128xf32>
    %add3A_34 = vector.broadcast %get3A_33 : vector<1x128xf32> to vector<2000x128xf32>
    %add3A_35 = arith.addf %dot_general3A_30, %add3A_34 : vector<2000x128xf32>
    %ge3A_36 = arith.constant 0.000000e+00 : f32
    %ge3A_37 = vector.broadcast %ge3A_36 : f32 to vector<2000x128xf32>
    %ge3A_38 = arith.cmpf oge, %add3A_35, %ge3A_37 : vector<2000x128xf32>
    %mul3A_39 = arith.constant 0.00999999977 : f32
    %mul3A_40 = vector.broadcast %mul3A_39 : f32 to vector<2000x128xf32>
    %mul3A_41 = arith.mulf %mul3A_40, %add3A_35 : vector<2000x128xf32>
    %select_n3A_42 = arith.select %ge3A_38, %add3A_35, %mul3A_41 : vector<2000x128xi1>, vector<2000x128xf32>
    %reduce_sum3A = arith.constant dense<0.000000e+00> : vector<2000xf32>
    %reduce_sum3A_43 = vector.multi_reduction <add>, %select_n3A_42, %reduce_sum3A [1] : vector<2000x128xf32> to vector<2000xf32>
    %broadcast_in_dim3A = vector.shape_cast %reduce_sum3A_43 : vector<2000xf32> to vector<2000x1xf32>
    %div3A = arith.constant 1.280000e+02 : f32
    %div3A_44 = vector.broadcast %div3A : f32 to vector<2000x1xf32>
    %div3A_45 = arith.divf %broadcast_in_dim3A, %div3A_44 : vector<2000x1xf32>
    %sub3A = vector.broadcast %div3A_45 : vector<2000x1xf32> to vector<2000x128xf32>
    %sub3A_46 = arith.subf %select_n3A_42, %sub3A : vector<2000x128xf32>
    %integer_pow3A = arith.mulf %sub3A_46, %sub3A_46 : vector<2000x128xf32>
    %reduce_sum3A_47 = arith.constant dense<0.000000e+00> : vector<2000xf32>
    %reduce_sum3A_48 = vector.multi_reduction <add>, %integer_pow3A, %reduce_sum3A_47 [1] : vector<2000x128xf32> to vector<2000xf32>
    %broadcast_in_dim3A_49 = vector.shape_cast %reduce_sum3A_48 : vector<2000xf32> to vector<2000x1xf32>
    %div3A_50 = arith.constant 1.280000e+02 : f32
    %div3A_51 = vector.broadcast %div3A_50 : f32 to vector<2000x1xf32>
    %div3A_52 = arith.divf %broadcast_in_dim3A_49, %div3A_51 : vector<2000x1xf32>
    %sub3A_53 = vector.broadcast %div3A_45 : vector<2000x1xf32> to vector<2000x128xf32>
    %sub3A_54 = arith.subf %select_n3A_42, %sub3A_53 : vector<2000x128xf32>
    %add3A_55 = arith.constant 9.99999974E-6 : f32
    %add3A_56 = vector.broadcast %add3A_55 : f32 to vector<2000x1xf32>
    %add3A_57 = arith.addf %div3A_52, %add3A_56 : vector<2000x1xf32>
    %rsqrt3A = math.rsqrt %add3A_57 : vector<2000x1xf32>
    %mul3A_58 = vector.broadcast %rsqrt3A : vector<2000x1xf32> to vector<2000x128xf32>
    %mul3A_59 = arith.mulf %sub3A_54, %mul3A_58 : vector<2000x128xf32>
    %get3A_60 = arith.constant 0 : index
    %get3A_61 = arith.constant 0 : index
    %get3A_62 = vector.load %arg6[%get3A_60, %get3A_61] : memref<1x128xf32, #tpu.memory_space<vmem>>, vector<1x128xf32>
    %mul3A_63 = vector.broadcast %get3A_62 : vector<1x128xf32> to vector<2000x128xf32>
    %mul3A_64 = arith.mulf %mul3A_59, %mul3A_63 : vector<2000x128xf32>
    %get3A_65 = arith.constant 0 : index
    %get3A_66 = arith.constant 0 : index
    %get3A_67 = vector.load %arg7[%get3A_65, %get3A_66] : memref<1x128xf32, #tpu.memory_space<vmem>>, vector<1x128xf32>
    %add3A_68 = vector.broadcast %get3A_67 : vector<1x128xf32> to vector<2000x128xf32>
    %add3A_69 = arith.addf %mul3A_64, %add3A_68 : vector<2000x128xf32>
    %slice3A_70 = vector.extract_strided_slice %add3A_69 {offsets = [0, 0], sizes = [1000, 128], strides = [1, 1]} : vector<2000x128xf32> to vector<1000x128xf32>
    %slice3A_71 = vector.extract_strided_slice %add3A_69 {offsets = [1000, 0], sizes = [1000, 128], strides = [1, 1]} : vector<2000x128xf32> to vector<1000x128xf32>
    %slice3A_72 = vector.extract_strided_slice %slice3A_70 {offsets = [0, 0], sizes = [1000, 64], strides = [1, 1]} : vector<1000x128xf32> to vector<1000x64xf32>
    %slice3A_73 = vector.extract_strided_slice %slice3A_71 {offsets = [0, 0], sizes = [1000, 64], strides = [1, 1]} : vector<1000x128xf32> to vector<1000x64xf32>
    %concatenate3A_74 = tpu.concatenate %slice3A_72, %slice3A_73 in 1 : vector<1000x64xf32>, vector<1000x64xf32> -> vector<1000x128xf32>
    %swap3A = arith.constant 0 : index
    %swap3A_75 = arith.constant 0 : index
    %swap3A_76 = arith.constant 0 : index
    %swap3A_77 = vector.load %arg8[%swap3A, %swap3A_75, %swap3A_76] : memref<2x1000x128xf32, #tpu.memory_space<vmem>>, vector<1x1000x128xf32>
    %swap3A_78 = vector.shape_cast %swap3A_77 : vector<1x1000x128xf32> to vector<1000x128xf32>
    %swap3A_79 = vector.shape_cast %concatenate3A_74 : vector<1000x128xf32> to vector<1x1000x128xf32>
    tpu.vector_store %arg8[%swap3A, %swap3A_75, %swap3A_76], %swap3A_79 {strides = array<i32>} : memref<2x1000x128xf32, #tpu.memory_space<vmem>>, vector<1x1000x128xf32>,
    %slice3A_80 = vector.extract_strided_slice %slice3A_70 {offsets = [0, 64], sizes = [1000, 64], strides = [1, 1]} : vector<1000x128xf32> to vector<1000x64xf32>
    %slice3A_81 = vector.extract_strided_slice %slice3A_71 {offsets = [0, 64], sizes = [1000, 64], strides = [1, 1]} : vector<1000x128xf32> to vector<1000x64xf32>
    %concatenate3A_82 = tpu.concatenate %slice3A_80, %slice3A_81 in 1 : vector<1000x64xf32>, vector<1000x64xf32> -> vector<1000x128xf32>
    %swap3A_83 = arith.constant 1 : index
    %swap3A_84 = arith.constant 0 : index
    %swap3A_85 = arith.constant 0 : index
    %swap3A_86 = vector.load %arg8[%swap3A_83, %swap3A_84, %swap3A_85] : memref<2x1000x128xf32, #tpu.memory_space<vmem>>, vector<1x1000x128xf32>
    %swap3A_87 = vector.shape_cast %swap3A_86 : vector<1x1000x128xf32> to vector<1000x128xf32>
    %swap3A_88 = vector.shape_cast %concatenate3A_82 : vector<1000x128xf32> to vector<1x1000x128xf32>
    tpu.vector_store %arg8[%swap3A_83, %swap3A_84, %swap3A_85], %swap3A_88 {strides = array<i32>} : memref<2x1000x128xf32, #tpu.memory_space<vmem>>, vector<1x1000x128xf32>,
    return
  }
  func.func @transform_0(%arg0: i32) -> (i32, i32, i32) {
    %c0_i32 = arith.constant 0 : i32
    %c0_i32_0 = arith.constant 0 : i32
    %c0_i32_1 = arith.constant 0 : i32
    return %c0_i32, %arg0, %c0_i32_0 : i32, i32, i32
  }
  func.func @transform_1(%arg0: i32) -> (i32, i32) {
    %c0_i32 = arith.constant 0 : i32
    %c0_i32_0 = arith.constant 0 : i32
    %c0_i32_1 = arith.constant 0 : i32
    return %c0_i32, %c0_i32_0 : i32, i32
  }
  func.func @transform_2(%arg0: i32) -> (i32, i32) {
    %c0_i32 = arith.constant 0 : i32
    %c0_i32_0 = arith.constant 0 : i32
    %c0_i32_1 = arith.constant 0 : i32
    return %c0_i32, %c0_i32_0 : i32, i32
  }
  func.func @transform_3(%arg0: i32) -> (i32, i32) {
    %c0_i32 = arith.constant 0 : i32
    %c0_i32_0 = arith.constant 0 : i32
    %c0_i32_1 = arith.constant 0 : i32
    return %c0_i32, %c0_i32_0 : i32, i32
  }
  func.func @transform_4(%arg0: i32) -> (i32, i32) {
    %c0_i32 = arith.constant 0 : i32
    %c0_i32_0 = arith.constant 0 : i32
    %c0_i32_1 = arith.constant 0 : i32
    return %c0_i32, %c0_i32_0 : i32, i32
  }
  func.func @transform_5(%arg0: i32) -> (i32, i32) {
    %c0_i32 = arith.constant 0 : i32
    %c0_i32_0 = arith.constant 0 : i32
    %c0_i32_1 = arith.constant 0 : i32
    return %c0_i32, %c0_i32_0 : i32, i32
  }
  func.func @transform_6(%arg0: i32) -> (i32, i32) {
    %c0_i32 = arith.constant 0 : i32
    %c0_i32_0 = arith.constant 0 : i32
    %c0_i32_1 = arith.constant 0 : i32
    return %c0_i32, %c0_i32_0 : i32, i32
  }
  func.func @transform_7(%arg0: i32) -> (i32, i32, i32) {
    %c0_i32 = arith.constant 0 : i32
    %c0_i32_0 = arith.constant 0 : i32
    %c0_i32_1 = arith.constant 0 : i32
    return %c0_i32, %arg0, %c0_i32_0 : i32, i32, i32
  }
}

module attributes {stable_mosaic.version = 14 : i64} {
  func.func @_mlp_pool_body(%arg0: i32, %arg1: memref<2x1000x128xf32, #tpu.memory_space<vmem>>, %arg2: memref<128x128xf32, #tpu.memory_space<vmem>>, %arg3: memref<1x128xf32, #tpu.memory_space<vmem>>, %arg4: memref<128x128xf32, #tpu.memory_space<vmem>>, %arg5: memref<1x128xf32, #tpu.memory_space<vmem>>, %arg6: memref<1x1x2000xi32, #tpu.memory_space<vmem>>, %arg7: memref<128x128xf32, #tpu.memory_space<vmem>>, %arg8: memref<1x128xf32, #tpu.memory_space<vmem>>, %arg9: memref<128x128xf32, #tpu.memory_space<vmem>>, %arg10: memref<1x128xf32, #tpu.memory_space<vmem>>, %arg11: memref<2000x128xf32, #tpu.memory_space<vmem>>, %arg12: memref<64x128xf32, #tpu.memory_space<vmem>>, %arg13: memref<64x128xf32, #tpu.memory_space<vmem>>, %arg14: memref<64x128xf32, #tpu.memory_space<vmem>>) attributes {dimension_semantics = [#tpu.dimension_semantics<arbitrary>], iteration_bounds = array<i64: 5>, scalar_prefetch = 0 : i64, scratch_operands = 2 : i64, tpu.core_type = #tpu.core_type<tc>, window_params = [{transform_indices = @transform_0, window_bounds = array<i64: 2, 1000, 128>}, {pipeline_mode = #tpu.pipeline_mode<synchronous>, transform_indices = @transform_1, window_bounds = array<i64: 128, 128>}, {pipeline_mode = #tpu.pipeline_mode<synchronous>, transform_indices = @transform_2, window_bounds = array<i64: 1, 128>}, {pipeline_mode = #tpu.pipeline_mode<synchronous>, transform_indices = @transform_3, window_bounds = array<i64: 128, 128>}, {pipeline_mode = #tpu.pipeline_mode<synchronous>, transform_indices = @transform_4, window_bounds = array<i64: 1, 128>}, {transform_indices = @transform_5, window_bounds = array<i64: 1, 1, 2000>}, {pipeline_mode = #tpu.pipeline_mode<synchronous>, transform_indices = @transform_6, window_bounds = array<i64: 128, 128>}, {pipeline_mode = #tpu.pipeline_mode<synchronous>, transform_indices = @transform_7, window_bounds = array<i64: 1, 128>}, {pipeline_mode = #tpu.pipeline_mode<synchronous>, transform_indices = @transform_8, window_bounds = array<i64: 128, 128>}, {pipeline_mode = #tpu.pipeline_mode<synchronous>, transform_indices = @transform_9, window_bounds = array<i64: 1, 128>}, {transform_indices = @transform_10, window_bounds = array<i64: 2000, 128>}, {pipeline_mode = #tpu.pipeline_mode<synchronous>, transform_indices = @transform_11, window_bounds = array<i64: 64, 128>}]} {
    %eq3A = arith.constant 0 : i32
    %eq3A_0 = arith.cmpi eq, %arg0, %eq3A : i32
    %convert_element_type3A = arith.extui %eq3A_0 : i1 to i32
    %cond3A = arith.constant 0 : i32
    %cond3A_1 = arith.cmpi ne, %convert_element_type3A, %cond3A : i32
    scf.if %cond3A_1 {
      %broadcast_in_dim3A_85 = arith.constant 0.000000e+00 : f32
      %broadcast_in_dim3A_86 = vector.broadcast %broadcast_in_dim3A_85 : f32 to vector<64x128xf32>
      %swap3A_87 = arith.constant 0 : index
      %swap3A_88 = arith.constant 0 : index
      %swap3A_89 = vector.load %arg13[%swap3A_87, %swap3A_88] : memref<64x128xf32, #tpu.memory_space<vmem>>, vector<64x128xf32>
      tpu.vector_store %arg13[%swap3A_87, %swap3A_88], %broadcast_in_dim3A_86 {strides = array<i32>} : memref<64x128xf32, #tpu.memory_space<vmem>>, vector<64x128xf32>,
      %broadcast_in_dim3A_90 = arith.constant 0.000000e+00 : f32
      %broadcast_in_dim3A_91 = vector.broadcast %broadcast_in_dim3A_90 : f32 to vector<64x128xf32>
      %swap3A_92 = arith.constant 0 : index
      %swap3A_93 = arith.constant 0 : index
      %swap3A_94 = vector.load %arg14[%swap3A_92, %swap3A_93] : memref<64x128xf32, #tpu.memory_space<vmem>>, vector<64x128xf32>
      tpu.vector_store %arg14[%swap3A_92, %swap3A_93], %broadcast_in_dim3A_91 {strides = array<i32>} : memref<64x128xf32, #tpu.memory_space<vmem>>, vector<64x128xf32>,
    } else {
    }
    %get3A = arith.constant 0 : index
    %get3A_2 = arith.constant 0 : index
    %get3A_3 = arith.constant 0 : index
    %get3A_4 = vector.load %arg1[%get3A, %get3A_2, %get3A_3] : memref<2x1000x128xf32, #tpu.memory_space<vmem>>, vector<1x1000x128xf32>
    %get3A_5 = vector.shape_cast %get3A_4 : vector<1x1000x128xf32> to vector<1000x128xf32>
    %get3A_6 = arith.constant 1 : index
    %get3A_7 = arith.constant 0 : index
    %get3A_8 = arith.constant 0 : index
    %get3A_9 = vector.load %arg1[%get3A_6, %get3A_7, %get3A_8] : memref<2x1000x128xf32, #tpu.memory_space<vmem>>, vector<1x1000x128xf32>
    %get3A_10 = vector.shape_cast %get3A_9 : vector<1x1000x128xf32> to vector<1000x128xf32>
    %slice3A = vector.extract_strided_slice %get3A_5 {offsets = [0, 0], sizes = [1000, 64], strides = [1, 1]} : vector<1000x128xf32> to vector<1000x64xf32>
    %slice3A_11 = vector.extract_strided_slice %get3A_10 {offsets = [0, 0], sizes = [1000, 64], strides = [1, 1]} : vector<1000x128xf32> to vector<1000x64xf32>
    %concatenate3A = tpu.concatenate %slice3A, %slice3A_11 in 1 : vector<1000x64xf32>, vector<1000x64xf32> -> vector<1000x128xf32>
    %slice3A_12 = vector.extract_strided_slice %get3A_5 {offsets = [0, 64], sizes = [1000, 64], strides = [1, 1]} : vector<1000x128xf32> to vector<1000x64xf32>
    %slice3A_13 = vector.extract_strided_slice %get3A_10 {offsets = [0, 64], sizes = [1000, 64], strides = [1, 1]} : vector<1000x128xf32> to vector<1000x64xf32>
    %concatenate3A_14 = tpu.concatenate %slice3A_12, %slice3A_13 in 1 : vector<1000x64xf32>, vector<1000x64xf32> -> vector<1000x128xf32>
    %concatenate3A_15 = tpu.concatenate %concatenate3A, %concatenate3A_14 in 0 : vector<1000x128xf32>, vector<1000x128xf32> -> vector<2000x128xf32>
    %get3A_16 = arith.constant 0 : index
    %get3A_17 = arith.constant 0 : index
    %get3A_18 = vector.load %arg2[%get3A_16, %get3A_17] : memref<128x128xf32, #tpu.memory_space<vmem>>, vector<128x128xf32>
    %dot_general3A = arith.constant dense<0.000000e+00> : vector<2000x128xf32>
    %dot_general3A_19 = tpu.matmul %concatenate3A_15, %get3A_18, %dot_general3A {dimension_numbers = #tpu.dot_dimension_numbers<[1], [0], [0], [1], [0, 0, 1, 1], [], []>, transpose_lhs_hint = false} : vector<2000x128xf32>, vector<128x128xf32>, vector<2000x128xf32> -> vector<2000x128xf32>
    %get3A_20 = arith.constant 0 : index
    %get3A_21 = arith.constant 0 : index
    %get3A_22 = vector.load %arg3[%get3A_20, %get3A_21] : memref<1x128xf32, #tpu.memory_space<vmem>>, vector<1x128xf32>
    %add3A = vector.broadcast %get3A_22 : vector<1x128xf32> to vector<2000x128xf32>
    %add3A_23 = arith.addf %dot_general3A_19, %add3A : vector<2000x128xf32>
    %ge3A = arith.constant 0.000000e+00 : f32
    %ge3A_24 = vector.broadcast %ge3A : f32 to vector<2000x128xf32>
    %ge3A_25 = arith.cmpf oge, %add3A_23, %ge3A_24 : vector<2000x128xf32>
    %mul3A = arith.constant 0.00999999977 : f32
    %mul3A_26 = vector.broadcast %mul3A : f32 to vector<2000x128xf32>
    %mul3A_27 = arith.mulf %mul3A_26, %add3A_23 : vector<2000x128xf32>
    %select_n3A = arith.select %ge3A_25, %add3A_23, %mul3A_27 : vector<2000x128xi1>, vector<2000x128xf32>
    %get3A_28 = arith.constant 0 : index
    %get3A_29 = arith.constant 0 : index
    %get3A_30 = vector.load %arg4[%get3A_28, %get3A_29] : memref<128x128xf32, #tpu.memory_space<vmem>>, vector<128x128xf32>
    %dot_general3A_31 = arith.constant dense<0.000000e+00> : vector<2000x128xf32>
    %dot_general3A_32 = tpu.matmul %select_n3A, %get3A_30, %dot_general3A_31 {dimension_numbers = #tpu.dot_dimension_numbers<[1], [0], [0], [1], [0, 0, 1, 1], [], []>, transpose_lhs_hint = false} : vector<2000x128xf32>, vector<128x128xf32>, vector<2000x128xf32> -> vector<2000x128xf32>
    %get3A_33 = arith.constant 0 : index
    %get3A_34 = arith.constant 0 : index
    %get3A_35 = vector.load %arg5[%get3A_33, %get3A_34] : memref<1x128xf32, #tpu.memory_space<vmem>>, vector<1x128xf32>
    %add3A_36 = vector.broadcast %get3A_35 : vector<1x128xf32> to vector<2000x128xf32>
    %add3A_37 = arith.addf %dot_general3A_32, %add3A_36 : vector<2000x128xf32>
    %slice3A_38 = vector.extract_strided_slice %add3A_37 {offsets = [0, 0], sizes = [1000, 128], strides = [1, 1]} : vector<2000x128xf32> to vector<1000x128xf32>
    %slice3A_39 = vector.extract_strided_slice %add3A_37 {offsets = [1000, 0], sizes = [1000, 128], strides = [1, 1]} : vector<2000x128xf32> to vector<1000x128xf32>
    %stack3A = vector.shape_cast %slice3A_38 : vector<1000x128xf32> to vector<1000x1x128xf32>
    %stack3A_40 = vector.shape_cast %slice3A_39 : vector<1000x128xf32> to vector<1000x1x128xf32>
    %stack3A_41 = tpu.concatenate %stack3A, %stack3A_40 in 1 : vector<1000x1x128xf32>, vector<1000x1x128xf32> -> vector<1000x2x128xf32>
    %reshape3A = vector.shape_cast %stack3A_41 : vector<1000x2x128xf32> to vector<2000x128xf32>
    %swap3A = arith.constant 0 : index
    %swap3A_42 = arith.constant 0 : index
    %swap3A_43 = vector.load %arg11[%swap3A, %swap3A_42] : memref<2000x128xf32, #tpu.memory_space<vmem>>, vector<2000x128xf32>
    tpu.vector_store %arg11[%swap3A, %swap3A_42], %reshape3A {strides = array<i32>} : memref<2000x128xf32, #tpu.memory_space<vmem>>, vector<2000x128xf32>,
    %ge3A_44 = arith.constant 0.000000e+00 : f32
    %ge3A_45 = vector.broadcast %ge3A_44 : f32 to vector<2000x128xf32>
    %ge3A_46 = arith.cmpf oge, %add3A_37, %ge3A_45 : vector<2000x128xf32>
    %mul3A_47 = arith.constant 0.00999999977 : f32
    %mul3A_48 = vector.broadcast %mul3A_47 : f32 to vector<2000x128xf32>
    %mul3A_49 = arith.mulf %mul3A_48, %add3A_37 : vector<2000x128xf32>
    %select_n3A_50 = arith.select %ge3A_46, %add3A_37, %mul3A_49 : vector<2000x128xi1>, vector<2000x128xf32>
    %get3A_51 = arith.constant 0 : index
    %get3A_52 = arith.constant 0 : index
    %get3A_53 = arith.constant 0 : index
    %get3A_54 = vector.load %arg6[%get3A_51, %get3A_52, %get3A_53] : memref<1x1x2000xi32, #tpu.memory_space<vmem>>, vector<1x1x2000xi32>
    %get3A_55 = vector.shape_cast %get3A_54 : vector<1x1x2000xi32> to vector<2000xi32>
    %iota3A = tpu.iota {dimensions = array<i32: 0>} : vector<64x2000xi32>
    %broadcast_in_dim3A = vector.shape_cast %get3A_55 : vector<2000xi32> to vector<1x2000xi32>
    %eq3A_56 = vector.broadcast %broadcast_in_dim3A : vector<1x2000xi32> to vector<64x2000xi32>
    %eq3A_57 = arith.cmpi eq, %iota3A, %eq3A_56 : vector<64x2000xi32>
    %convert_element_type3A_58 = arith.extui %eq3A_57 : vector<64x2000xi1> to vector<64x2000xi32>
    %convert_element_type3A_59 = arith.sitofp %convert_element_type3A_58 : vector<64x2000xi32> to vector<64x2000xf32>
    %get3A_60 = arith.constant 0 : index
    %get3A_61 = arith.constant 0 : index
    %get3A_62 = vector.load %arg13[%get3A_60, %get3A_61] : memref<64x128xf32, #tpu.memory_space<vmem>>, vector<64x128xf32>
    %dot_general3A_63 = arith.constant dense<0.000000e+00> : vector<64x128xf32>
    %dot_general3A_64 = tpu.matmul %convert_element_type3A_59, %select_n3A_50, %dot_general3A_63 {dimension_numbers = #tpu.dot_dimension_numbers<[1], [0], [0], [1], [0, 0, 1, 1], [], []>, transpose_lhs_hint = false} : vector<64x2000xf32>, vector<2000x128xf32>, vector<64x128xf32> -> vector<64x128xf32>
    %add3A_65 = arith.addf %get3A_62, %dot_general3A_64 : vector<64x128xf32>
    %swap3A_66 = arith.constant 0 : index
    %swap3A_67 = arith.constant 0 : index
    %swap3A_68 = vector.load %arg13[%swap3A_66, %swap3A_67] : memref<64x128xf32, #tpu.memory_space<vmem>>, vector<64x128xf32>
    tpu.vector_store %arg13[%swap3A_66, %swap3A_67], %add3A_65 {strides = array<i32>} : memref<64x128xf32, #tpu.memory_space<vmem>>, vector<64x128xf32>,
    %get3A_69 = arith.constant 0 : index
    %get3A_70 = arith.constant 0 : index
    %get3A_71 = vector.load %arg14[%get3A_69, %get3A_70] : memref<64x128xf32, #tpu.memory_space<vmem>>, vector<64x128xf32>
    %broadcast_in_dim3A_72 = arith.constant 1.000000e+00 : f32
    %broadcast_in_dim3A_73 = vector.broadcast %broadcast_in_dim3A_72 : f32 to vector<2000x128xf32>
    %dot_general3A_74 = arith.constant dense<0.000000e+00> : vector<64x128xf32>
    %dot_general3A_75 = tpu.matmul %convert_element_type3A_59, %broadcast_in_dim3A_73, %dot_general3A_74 {dimension_numbers = #tpu.dot_dimension_numbers<[1], [0], [0], [1], [0, 0, 1, 1], [], []>, transpose_lhs_hint = false} : vector<64x2000xf32>, vector<2000x128xf32>, vector<64x128xf32> -> vector<64x128xf32>
    %add3A_76 = arith.addf %get3A_71, %dot_general3A_75 : vector<64x128xf32>
    %swap3A_77 = arith.constant 0 : index
    %swap3A_78 = arith.constant 0 : index
    %swap3A_79 = vector.load %arg14[%swap3A_77, %swap3A_78] : memref<64x128xf32, #tpu.memory_space<vmem>>, vector<64x128xf32>
    tpu.vector_store %arg14[%swap3A_77, %swap3A_78], %add3A_76 {strides = array<i32>} : memref<64x128xf32, #tpu.memory_space<vmem>>, vector<64x128xf32>,
    %eq3A_80 = arith.constant 4 : i32
    %eq3A_81 = arith.cmpi eq, %arg0, %eq3A_80 : i32
    %convert_element_type3A_82 = arith.extui %eq3A_81 : i1 to i32
    %cond3A_83 = arith.constant 0 : i32
    %cond3A_84 = arith.cmpi ne, %convert_element_type3A_82, %cond3A_83 : i32
    scf.if %cond3A_84 {
      %get3A_85 = arith.constant 0 : index
      %get3A_86 = arith.constant 0 : index
      %get3A_87 = vector.load %arg13[%get3A_85, %get3A_86] : memref<64x128xf32, #tpu.memory_space<vmem>>, vector<64x128xf32>
      %get3A_88 = arith.constant 0 : index
      %get3A_89 = arith.constant 0 : index
      %get3A_90 = vector.load %arg14[%get3A_88, %get3A_89] : memref<64x128xf32, #tpu.memory_space<vmem>>, vector<64x128xf32>
      %max3A = arith.constant 1.000000e+00 : f32
      %max3A_91 = vector.broadcast %max3A : f32 to vector<64x128xf32>
      %max3A_92 = arith.maximumf %get3A_90, %max3A_91 : vector<64x128xf32>
      %div3A = arith.divf %get3A_87, %max3A_92 : vector<64x128xf32>
      %get3A_93 = arith.constant 0 : index
      %get3A_94 = arith.constant 0 : index
      %get3A_95 = vector.load %arg7[%get3A_93, %get3A_94] : memref<128x128xf32, #tpu.memory_space<vmem>>, vector<128x128xf32>
      %dot_general3A_96 = arith.constant dense<0.000000e+00> : vector<64x128xf32>
      %dot_general3A_97 = tpu.matmul %div3A, %get3A_95, %dot_general3A_96 {dimension_numbers = #tpu.dot_dimension_numbers<[1], [0], [0], [1], [0, 0, 1, 1], [], []>, transpose_lhs_hint = false} : vector<64x128xf32>, vector<128x128xf32>, vector<64x128xf32> -> vector<64x128xf32>
      %get3A_98 = arith.constant 0 : index
      %get3A_99 = arith.constant 0 : index
      %get3A_100 = vector.load %arg8[%get3A_98, %get3A_99] : memref<1x128xf32, #tpu.memory_space<vmem>>, vector<1x128xf32>
      %add3A_101 = vector.broadcast %get3A_100 : vector<1x128xf32> to vector<64x128xf32>
      %add3A_102 = arith.addf %dot_general3A_97, %add3A_101 : vector<64x128xf32>
      %get3A_103 = arith.constant 0 : index
      %get3A_104 = arith.constant 0 : index
      %get3A_105 = vector.load %arg9[%get3A_103, %get3A_104] : memref<128x128xf32, #tpu.memory_space<vmem>>, vector<128x128xf32>
      %dot_general3A_106 = arith.constant dense<0.000000e+00> : vector<64x128xf32>
      %dot_general3A_107 = tpu.matmul %add3A_102, %get3A_105, %dot_general3A_106 {dimension_numbers = #tpu.dot_dimension_numbers<[1], [0], [0], [1], [0, 0, 1, 1], [], []>, transpose_lhs_hint = false} : vector<64x128xf32>, vector<128x128xf32>, vector<64x128xf32> -> vector<64x128xf32>
      %get3A_108 = arith.constant 0 : index
      %get3A_109 = arith.constant 0 : index
      %get3A_110 = vector.load %arg10[%get3A_108, %get3A_109] : memref<1x128xf32, #tpu.memory_space<vmem>>, vector<1x128xf32>
      %add3A_111 = vector.broadcast %get3A_110 : vector<1x128xf32> to vector<64x128xf32>
      %add3A_112 = arith.addf %dot_general3A_107, %add3A_111 : vector<64x128xf32>
      %reduce_max3A = arith.constant dense<0xFF800000> : vector<64xf32>
      %reduce_max3A_113 = vector.multi_reduction <maximumf>, %add3A_112, %reduce_max3A [1] : vector<64x128xf32> to vector<64xf32>
      %broadcast_in_dim3A_114 = vector.shape_cast %reduce_max3A_113 : vector<64xf32> to vector<64x1xf32>
      %sub3A = vector.broadcast %broadcast_in_dim3A_114 : vector<64x1xf32> to vector<64x128xf32>
      %sub3A_115 = arith.subf %add3A_112, %sub3A : vector<64x128xf32>
      %sub3A_116 = vector.broadcast %broadcast_in_dim3A_114 : vector<64x1xf32> to vector<64x128xf32>
      %sub3A_117 = arith.subf %add3A_112, %sub3A_116 : vector<64x128xf32>
      %exp3A = math.exp %sub3A_117 : vector<64x128xf32>
      %reduce_sum3A = arith.constant dense<0.000000e+00> : vector<64xf32>
      %reduce_sum3A_118 = vector.multi_reduction <add>, %exp3A, %reduce_sum3A [1] : vector<64x128xf32> to vector<64xf32>
      %broadcast_in_dim3A_119 = vector.shape_cast %reduce_sum3A_118 : vector<64xf32> to vector<64x1xf32>
      %log3A = math.log %broadcast_in_dim3A_119 : vector<64x1xf32>
      %sub3A_120 = vector.broadcast %log3A : vector<64x1xf32> to vector<64x128xf32>
      %sub3A_121 = arith.subf %sub3A_115, %sub3A_120 : vector<64x128xf32>
      %swap3A_122 = arith.constant 0 : index
      %swap3A_123 = arith.constant 0 : index
      %swap3A_124 = vector.load %arg12[%swap3A_122, %swap3A_123] : memref<64x128xf32, #tpu.memory_space<vmem>>, vector<64x128xf32>
      tpu.vector_store %arg12[%swap3A_122, %swap3A_123], %sub3A_121 {strides = array<i32>} : memref<64x128xf32, #tpu.memory_space<vmem>>, vector<64x128xf32>,
    } else {
    }
    return
  }
  func.func @transform_0(%arg0: i32) -> (i32, i32, i32) {
    %c0_i32 = arith.constant 0 : i32
    %c0_i32_0 = arith.constant 0 : i32
    %c0_i32_1 = arith.constant 0 : i32
    return %c0_i32, %arg0, %c0_i32_0 : i32, i32, i32
  }
  func.func @transform_1(%arg0: i32) -> (i32, i32) {
    %c0_i32 = arith.constant 0 : i32
    %c0_i32_0 = arith.constant 0 : i32
    %c0_i32_1 = arith.constant 0 : i32
    return %c0_i32, %c0_i32_0 : i32, i32
  }
  func.func @transform_2(%arg0: i32) -> (i32, i32) {
    %c0_i32 = arith.constant 0 : i32
    %c0_i32_0 = arith.constant 0 : i32
    %c0_i32_1 = arith.constant 0 : i32
    return %c0_i32, %c0_i32_0 : i32, i32
  }
  func.func @transform_3(%arg0: i32) -> (i32, i32) {
    %c0_i32 = arith.constant 0 : i32
    %c0_i32_0 = arith.constant 0 : i32
    %c0_i32_1 = arith.constant 0 : i32
    return %c0_i32, %c0_i32_0 : i32, i32
  }
  func.func @transform_4(%arg0: i32) -> (i32, i32) {
    %c0_i32 = arith.constant 0 : i32
    %c0_i32_0 = arith.constant 0 : i32
    %c0_i32_1 = arith.constant 0 : i32
    return %c0_i32, %c0_i32_0 : i32, i32
  }
  func.func @transform_5(%arg0: i32) -> (i32, i32, i32) {
    %c0_i32 = arith.constant 0 : i32
    %c0_i32_0 = arith.constant 0 : i32
    %c0_i32_1 = arith.constant 0 : i32
    return %arg0, %c0_i32, %c0_i32_0 : i32, i32, i32
  }
  func.func @transform_6(%arg0: i32) -> (i32, i32) {
    %c0_i32 = arith.constant 0 : i32
    %c0_i32_0 = arith.constant 0 : i32
    %c0_i32_1 = arith.constant 0 : i32
    return %c0_i32, %c0_i32_0 : i32, i32
  }
  func.func @transform_7(%arg0: i32) -> (i32, i32) {
    %c0_i32 = arith.constant 0 : i32
    %c0_i32_0 = arith.constant 0 : i32
    %c0_i32_1 = arith.constant 0 : i32
    return %c0_i32, %c0_i32_0 : i32, i32
  }
  func.func @transform_8(%arg0: i32) -> (i32, i32) {
    %c0_i32 = arith.constant 0 : i32
    %c0_i32_0 = arith.constant 0 : i32
    %c0_i32_1 = arith.constant 0 : i32
    return %c0_i32, %c0_i32_0 : i32, i32
  }
  func.func @transform_9(%arg0: i32) -> (i32, i32) {
    %c0_i32 = arith.constant 0 : i32
    %c0_i32_0 = arith.constant 0 : i32
    %c0_i32_1 = arith.constant 0 : i32
    return %c0_i32, %c0_i32_0 : i32, i32
  }
  func.func @transform_10(%arg0: i32) -> (i32, i32) {
    %c0_i32 = arith.constant 0 : i32
    %c0_i32_0 = arith.constant 0 : i32
    return %arg0, %c0_i32 : i32, i32
  }
  func.func @transform_11(%arg0: i32) -> (i32, i32) {
    %c0_i32 = arith.constant 0 : i32
    %c0_i32_0 = arith.constant 0 : i32
    %c0_i32_1 = arith.constant 0 : i32
    return %c0_i32, %c0_i32_0 : i32, i32
  }
}

</mosaic_0001>

<sc_bundles>
// kernel: kernel.11.cloned.1.call-start
scs
__scs_entry_jumppad:
0x0: {  	(pc) =	sbr.rel $0x88, $3  }
0x1: {  	(tag) =	ssettag $0x0;
	lr =	simm.s32 $0x1  }
0x2: {  	[smem:$0x3F8A] =	sst lr;
	_ =	strace $0xD0000000  }
0x3: {  	_ = 	snop  }
0x4: {  	_ = 	snop  }
0x5: {  	_ = 	snop  }
0x6: {  	_ = 	snop  }
0x7: {  	_ = 	snop  }
__scs_overlays_trampoline_lowered:
0x8: {  	[smem:$0x3F99] =	sst s0  }
0x9: {  	[smem:$0x3F9A] =	sst s1  }
0xa: {  	[smem:$0x3F9B] =	sst s2  }
0xb: {  	[smem:$0x3F9C] =	sst s3  }
0xc: {  	[smem:$0x3F9D] =	sst s4  }
0xd: {  	[smem:$0x3F9E] =	sst s5  }
0xe: {  	[smem:$0x3F9F] =	sst s6  }
0xf: {  	[smem:$0x3FA0] =	sst s7  }
0x10: {  	[smem:$0x3FA1] =	sst s8  }
0x11: {  	[smem:$0x3FA2] =	sst s9;
	s0 =	simm.s32 @!p0 $0x0  }
0x12: {  	s1 =	sld [smem:$0x3F88];
	s0 =	simm.s32 @p0 $0x1  }
0x13: {  	[smem:$0x3FA3] =	sst s0;
	s0 =	simm.s32 @!p1 $0x0  }
0x14: {  	s2 =	sld [smem:$0x3F87];
	s0 =	simm.s32 @p1 $0x1  }
0x15: {  	[smem:$0x3FA4] =	sst s0;
	s0 =	simm.s32 @!p2 $0x0  }
0x16: {  	s3 =	sld [smem:$0x3FDB];
	s0 =	simm.s32 @p2 $0x1  }
0x17: {  	s4 =	simm.s32 $0x1BF5;
	[smem:$0x3FA6] =	sst s0  }
0x18: {  	s0 =	sld [smem:$0x3F89];
	_ =	swait.ge [sflag:s4], $0x0  }
0x19: {  	s7 =	sld [smem:$0x3F8A]  }
0x1a: {  	s8 =	sadd.s32 $0xFFFFE003, lr  }
0x1b: {  	s9 =	sadd.s32 $0xFFFFFEF7, lr;
	s5 =	simm.s32 $0xFFFFFFFF;
	p2 =	slt.u32 s8, $0xFFFFF086  }
0x1c: {  	p1 =	slt.u32 s9, $0xF7A;
	s5 =	simm.s32 @!p2 $0x0  }
0x1d: {  	s5 =	simm.s32 @p1 $0x1;
	p0 =	seq.s32 s7, s2  }
0x1e: {  	s7 =	smul.u32 @!p0 $0xF7A, s2;
	p2 =	seq.s32 @!p0 s5, $0x0  }
0x1f: {  	s9 =	smul.u32 $0xF7A, s1;
	s8 =	simm.s32 @!p0 $0x1BF5;
	p2 =	por !p2, p0  }
0x20: {  	[sflag:s8] =	ssyncset.s32 @!p0 $0xFFFFF086;
	s6 =	sadd.s32 @!p0 s3, s7;
	s7 =	simm.s32 @!p0 $0x108  }
0x21: {  	s3 =	sadd.s32 s3, s9;
	s6 =	sadd.s32 @!p0 $0x88, s6;
	s7 =	simm.s32 @p2 $0x1082  }
0x22: {  	[simem:s7], [sflag:s8] =	dma.local @!p0 [hbm:s6], $0xF7A  }
0x23: {  	s9 =	sor.u32 $0xD0000000, s2;
	s6 =	simm.s32 $0x108;
	_ =	swait.ge @!p0 [sflag:s8], $0x0  }
0x24: {  	s3 =	sadd.s32 $0x88, s3;
	s6 =	simm.s32 @!p1 $0x1082;
	[sflag:s4] =	ssyncset.s32 $0xFFFFF086  }
0x25: {  	[simem:s6], [sflag:s4] =	dma.local [hbm:s3], $0xF7A  }
0x26: {  	[smem:$0x3F8A] =	sst s1;
	(tag) =	ssettag s2;
	_ =	strace s9  }
0x27: {  	s1 =	sld [smem:$0x3F9A]  }
0x28: {  	s2 =	sld [smem:$0x3F9B]  }
0x29: {  	s4 =	sld [smem:$0x3F9D]  }
0x2a: {  	p0 =	seq.s32 s5, $0x0;
	s5 =	sld [smem:$0x3F9E]  }
0x2b: {  	s6 =	sld [smem:$0x3F9F]  }
0x2c: {  	s7 =	sld [smem:$0x3FA0]  }
0x2d: {  	s3 =	simm.s32 $0x108;
	s8 =	sld [smem:$0x3FA1]  }
0x2e: {  	s3 =	simm.s32 @!p0 $0x1082;
	s9 =	sld [smem:$0x3FA2]  }
0x2f: {  	lr =	sadd.s32 s0, s3;
	s0 =	sld [smem:$0x3F99]  }
0x30: {  	s3 =	sld [smem:$0x3F9C]  }
0x31: {  	[smem:$0x3FA5] =	sst s10  }
0x32: {  	s10 =	sld [smem:$0x3FA3];
	_ =	sdelay $0x3  }
0x33: {  	p0 =	seq.s32 s10, $0x1;
	s10 =	sld [smem:$0x3FA5];
	_ =	sdelay $0x3  }
0x34: {  	[smem:$0x3FA5] =	sst s10  }
0x35: {  	s10 =	sld [smem:$0x3FA4];
	_ =	sdelay $0x3  }
0x36: {  	p1 =	seq.s32 s10, $0x1;
	s10 =	sld [smem:$0x3FA5];
	_ =	sdelay $0x3  }
0x37: {  	[smem:$0x3FA5] =	sst s10  }
0x38: {  	s10 =	sld [smem:$0x3FA6]  }
0x39: {  	_ = 	snop;
	(pc) =	sbr.ind lr, $3  }
0x3a: {  	_ = 	snop  }
0x3b: {  	_ = 	snop  }
0x3c: {  	p2 =	seq.s32 s10, $0x1;
	s10 =	sld [smem:$0x3FA5]  }
0x3d: {  	_ =	shalt  }
0x3e: {  	_ =	shalt  }
0x3f: {  	_ =	shalt  }
0x40: {  	_ =	shalt  }
0x41: {  	_ =	shalt  }
0x42: {  	_ =	shalt  }
0x43: {  	_ =	shalt  }
0x44: {  	_ =	shalt  }
0x45: {  	_ =	shalt  }
0x46: {  	_ =	shalt  }
0x47: {  	_ =	shalt  }
0x48: {  	_ =	shalt  }
0x49: {  	_ =	shalt  }
0x4a: {  	_ =	shalt  }
0x4b: {  	_ =	shalt  }
0x4c: {  	_ =	shalt  }
0x4d: {  	_ =	shalt  }
0x4e: {  	_ =	shalt  }
0x4f: {  	_ =	shalt  }
0x50: {  	_ =	shalt  }
0x51: {  	_ =	shalt  }
0x52: {  	_ =	shalt  }
0x53: {  	_ =	shalt  }
0x54: {  	_ =	shalt  }
0x55: {  	_ =	shalt  }
0x56: {  	_ =	shalt  }
0x57: {  	_ =	shalt  }
0x58: {  	_ =	shalt  }
0x59: {  	_ =	shalt  }
0x5a: {  	_ =	shalt  }
0x5b: {  	_ =	shalt  }
0x5c: {  	_ =	shalt  }
0x5d: {  	_ =	shalt  }
0x5e: {  	_ =	shalt  }
0x5f: {  	_ =	shalt  }
0x60: {  	_ =	shalt  }
0x61: {  	_ =	shalt  }
0x62: {  	_ =	shalt  }
0x63: {  	_ =	shalt  }
0x64: {  	_ =	shalt  }
0x65: {  	_ =	shalt  }
0x66: {  	_ =	shalt  }
0x67: {  	_ =	shalt  }
0x68: {  	_ =	shalt  }
0x69: {  	_ =	shalt  }
0x6a: {  	_ =	shalt  }
0x6b: {  	_ =	shalt  }
0x6c: {  	_ =	shalt  }
0x6d: {  	_ =	shalt  }
0x6e: {  	_ =	shalt  }
0x6f: {  	_ =	shalt  }
0x70: {  	_ =	shalt  }
0x71: {  	_ =	shalt  }
0x72: {  	_ =	shalt  }
0x73: {  	_ =	shalt  }
0x74: {  	_ =	shalt  }
0x75: {  	_ =	shalt  }
0x76: {  	_ =	shalt  }
0x77: {  	_ =	shalt  }
0x78: {  	_ =	shalt  }
0x79: {  	_ =	shalt  }
0x7a: {  	_ =	shalt  }
0x7b: {  	_ =	shalt  }
0x7c: {  	_ =	shalt  }
0x7d: {  	_ =	shalt  }
0x7e: {  	_ =	shalt  }
0x7f: {  	_ =	shalt  }
0x80: {  	_ =	shalt  }
0x81: {  	_ =	shalt  }
0x82: {  	_ =	shalt  }
0x83: {  	_ =	shalt  }
0x84: {  	_ =	shalt  }
0x85: {  	_ =	shalt  }
0x86: {  	_ =	shalt  }
0x87: {  	_ =	shalt  }
.Lfunc_end0:
.L_simem_size_0:
called_computation.1_lowered:
.L_overlay_start_0:
0x88: {  	s2 =	sld [smem:$0x3FD9]  }
0x89: {  	s3 =	sld [smem:$0x3FFE];
	_ =	sdelay $0x1  }
0x8a: {  	s1 =	srdreg.scid  }
0x8b: {  	s0 =	sand.u32 $0x1, s1  }
0x8c: {  	s14 =	sshll.u32 s0, $0xA;
	s2 =	sadd.s32 s3, s2  }
0x8d: {  	s2 =	sadd.s32 s2, s14  }
0x8e: {  	[smem:$0x3FB1] =	sst s2  }
0x8f: {  	_ = 	snop  }
0x90: {  	s2 =	sld [smem:$0x3FD0];
	_ =	sdelay $0x2  }
0x91: {  	s15 =	simm.s32 $0xA;
	s4 =	simm.s32 $0x10  }
0x92: {  	[smem:s4], [sflag:s15] =	dma.local [hbm:s2], $0x1  }
0x93: {  	_ =	swait.eq [sflag:s15], $0x1  }
0x94: {  	[sflag:s15] =	ssyncset.done $0x0  }
0x95: {  	[sflag:s15] =	ssyncadd.s32 $0xFFFFFFFF  }
0x96: {  	s16 =	sld [smem:$0x10];
	(tm) =	ssettm $0x1  }
0x97: {  	s17 =	sld [smem:$0x3FFB];
	_ =	sdelay $0x3  }
0x98: {  	_ =	strace s17  }
0x99: {  	s3 =	sld [smem:$0x3FFC];
	_ =	sdelay $0x3  }
0x9a: {  	_ =	strace s3  }
0x9b: {  	s3 =	sld [smem:$0x3FFD];
	_ =	sdelay $0x3  }
0x9c: {  	_ =	strace s3  }
0x9d: {  	_ =	strace $0x8FFFFFFF  }
0x9e: {  	s18 =	sld [smem:$0x3FDB];
	_ =	sdelay $0x1  }
0x9f: {  	s19 =	simm.s32 $_scs_section_size  }
0xa0: {  	s5 =	simm.s32 $_size__tile_overlayer_lowered;
	s6 =	simm.s32 $_tile_overlayer_lowered  }
0xa1: {  	s22 =	simm.s32 $0x1BFF;
	s21 =	sshll.u32 s6, $0x1;
	s3 =	sadd.s32 s19, s18  }
0xa2: {  	s7 =	simm.s32 $0x0;
	s20 =	sshll.u32 s5, $0x1;
	s5 =	sadd.s32 s21, s3  }
0xa3: {  	[timem:s7], [sflag:s22] =	dma.local [hbm:s5], s20  }
0xa4: {  	_ =	swait.ge [sflag:s22], s20  }
0xa5: {  	s4 =	ssub.s32 $0x0, s20;
	[sflag:s22] =	ssyncset.done $0x0  }
0xa6: {  	[sflag:s22] =	ssyncadd.s32 s4;
	_ =	sdelay $0x1  }
0xa7: {  	s23 =	simm.s32 $0x1B8B  }
0xa8: {  	_ =	swait.ge [sflag:s23], $0x1  }
0xa9: {  	[sflag:s23] =	ssyncset.done $0x0  }
0xaa: {  	s25 =	simm.s32 $0x1B8E;
	s24 =	sld [smem:$0x3FFE];
	[sflag:s23] =	ssyncadd.s32 $0xFFFFFFFF  }
0xab: {  	s26 =	simm.s32 $execute0_lowered;
	[smem:$0x3FD2] =	sst s25  }
0xac: {  	s5 =	sshll.u32 s26, $0x1;
	_ =	strace $0x80000049;
	[dreg:$0x1] =	wrdreg $0xFFFFFFFF  }
0xad: {  	s28 =	simm.s32 $_size_execute0_lowered;
	s3 =	sadd.s32 s3, s5;
	[dreg:$0x0] =	wrdreg $0x0  }
0xae: {  	s5 =	sshll.u32 s28, $0x1;
	[dreg:$0x2] =	wrdreg s3  }
0xaf: {  	[dreg:$0x3] =	wrdreg s5  }
0xb0: {  	[dreg:$0x4] =	wrdreg $0xC0  }
0xb1: {  	_ =	task [dreg:s7], $0x5FFFF  }
0xb2: {  	[dreg:$0x1] =	wrdreg $0xFFFFFFFF  }
0xb3: {  	[dreg:$0x0] =	wrdreg $0x60  }
0xb4: {  	[dreg:$0x2] =	wrdreg s16  }
0xb5: {  	[dreg:$0x3] =	wrdreg s24  }
0xb6: {  	[dreg:$0x4] =	wrdreg $0x150400  }
0xb7: {  	[dreg:$0x5] =	wrdreg $0x9  }
0xb8: {  	_ =	task.clear_ibuf [dreg:s7], $0x6FFFF;
	_ =	strace $0x90000049  }
0xb9: {  	s29 =	simm.s32 $0x9;
	_ =	strace $0x8000004B  }
0xba: {  	_ =	swait.ge [sflag:s29], $0x1  }
0xbb: {  	[sflag:s29] =	ssyncadd.s32 $0xFFFFFFFF  }
0xbc: {  	_ =	strace $0x9000004B  }
0xbd: {  	_ =	sfence  }
0xbe: {  	s30 =	sld [smem:$0x0];
	_ =	sdelay $0x2  }
0xbf: {  	s31 =	sshll.u32 s1, $0xD;
	s1 =	sshrl.u32 s1, $0x2  }
0xc0: {  	s3 =	sand.u32 $0x4000, s31;
	s1 =	sadd.s32 s1, s30  }
0xc1: {  	s0 =	sor.u32 s3, s0;
	s1 =	sshll.u32 s1, $0x11  }
0xc2: {  	s0 =	sor.u32 s1, s0  }
0xc3: {  	s0 =	sadd.s32 $0x8F2B, s0  }
0xc4: {  	[sflag:s0] =	ssyncadd.remote.s32 $0x1  }
0xc5: {  	_ =	sfence.sel $0xFFFF  }
0xc6: {  	[dreg:$0x0] =	wrdreg $0xFFFFFFFF;
	(pc) =	sbr.abs _section_cstart, $3  }
0xc7: {  	[dreg:$0x1] =	wrdreg $0xFFFFFFFF  }
0xc8: {  	_ =	task.clear_ibuf [dreg:s7], $0x2FFFF;
	_ =	strace $0x9FFFFFFF  }
0xc9: {  	(tm) =	ssettm $0x7FFFFFFF  }
tec
execute0_lowered:
.L_overlay_start_1:
0x0: {  	(tag) =	ssettag $0x1  }
0x1: {  	s0 =	rddreg [dreg:$0x0]  }
0x2: {  	s1 =	rddreg [dreg:$0x1]  }
0x3: {  	s2 =	rddreg [dreg:$0x2]  }
0x4: {  	s3 =	simm.s32 $0x0;
	s10 =	stileid.u32;
	s4 =	srdreg.scid  }
0x5: {  	s29 =	simm.s32 $0xEC40;
	s31 =	simm.s32 $0x10040;
	s28 =	simm.s32 $0xA  }
0x6: {  	s30 =	simm.s32 $0xB;
	s15 =	simm.s32 $0xC;
	s12 =	simm.s32 $0x10  }
0x7: {  	s13 =	simm.s32 $0x9;
	s14 =	simm.s32 $0x0;
	s16 =	smul.u32 $0x4E20, s10  }
0x8: {  	[smem:$0x7FF] =	sst s3;
	s4 =	sand.u32 $0x1, s4;
	s7 =	smul.u32 $0x9C00, s10  }
0x9: {  	s11 =	sshll.u32 s10, $0x6;
	p0 =	sne.s32 s10, $0xF;
	s10 =	simm.s32 $0xF  }
0xa: {  	_ =	strace $0x8000004A;
	s5 =	ssub.s32 $0x2, s4;
	s6 =	smul.u32 $0x9C400, s4  }
0xb: {  	[dreg:$0x4] =	wrdreg s11;
	s19 =	sor.u32 $0x1C01, s11;
	s11 =	simm.s32 $0x8  }
0xc: {  	[dreg:$0xf] =	wrdreg s14;
	s3 =	sshrl.u32 s16, $0x3;
	s17 =	sshrl.u32 s5, $0x1  }
0xd: {  	s18 =	sshrl.u32 s7, $0x3;
	s9 =	sadd.s32 s7, s2;
	[dreg:$0x6] =	wrdreg s19  }
0xe: {  	s19 =	simm.s32 $0x3;
	s3 =	sadd.s32 s3, s1;
	s1 =	sadd.s32 $0x17E00, s1  }
0xf: {  	s5 =	ssub.s32 s5, s17;
	s8 =	sshrl.u32 s6, $0x3;
	s22 =	sadd.s32 s7, s6  }
0x10: {  	s17 =	simm.s32 $0x1;
	s6 =	simm.s32 $0x5;
	s7 =	simm.s32 $0xD  }
0x11: {  	s4 =	sadd.s32 s0, s8;
	s20 =	sadd.s32 $0x4400, s3;
	s21 =	sadd.s32 $0xE040, s3  }
0x12: {  	s3 =	sadd.s32 $0x9C000, s2;
	s23 =	sadd.s32 s1, s8;
	s26 =	smax.u32 s5, $0x1  }
0x13: {  	s8 =	simm.s32 $0x6;
	s5 =	simm.s32 $0x7;
	[dreg:$0x7] =	wrdreg s20  }
0x14: {  	s0 =	sadd.s32 s18, s4;
	[dreg:$0x8] =	wrdreg s21;
	s24 =	sadd.s32 $0x13800, s4  }
0x15: {  	s25 =	sadd.s32 $0x13800, s23;
	[dreg:$0xc] =	wrdreg s26;
	s21 =	sshrl.u32 s9, $0x3  }
0x16: {  	s18 =	simm.s32 $0x2;
	s20 =	simm.s32 $0x50;
	s26 =	simm.s32 $0xD840  }
0x17: {  	s23 =	simm.s32 $0x12840;
	s9 =	simm.s32 $0xE;
	[dreg:$0x5] =	wrdreg s0  }
.Ltmp0:
0x18: {  	s0 =	sshrl.u32 s22, $0x3;
	[dreg:$0x9] =	wrdreg s24;
	(pc) =	sbr.rel .LBB2_1-.Ltmp0, $4  }
0x19: {  	[dreg:$0xb] =	wrdreg s25;
	s22 =	simm.s32 $0xB040;
	s24 =	simm.s32 $0xC440  }
0x1a: {  	s25 =	simm.s32 $0x13C40;
	[dreg:$0xd] =	wrdreg s21;
	s0 =	sadd.s32 s1, s0  }
0x1b: {  	s1 =	simm.s32 $0x11440;
	[dreg:$0xa] =	wrdreg s0;
	s0 =	sshrl.u32 @!p0 s3, $0x3  }
0x1c: {  	s3 =	simm.s32 $0x11;
	[dreg:$0xe] =	wrdreg s0;
	s0 =	simm.s32 $0x4  }
.LBB2_4:
0x1d: {  	_ =	swait.ge [sflag:s17], $0x1400  }
0x1e: {  	[sflag:s17] =	ssyncset.done $0x0  }
0x1f: {  	s16 =	simm.s32 $0x9C40;
	s14 =	simm.s32 $0x9A10;
	[sflag:s17] =	ssyncadd.s32 $0xFFFFEC00  }
0x20: {  	[spmem:s2] =	stream.indirect.scatter.add.f32 [tilespmem:s16], [sflag:$0xA], $0x40, s14, s20, $0xb8;
	[tilespmem:$0x1EC80] =	vst v63  }
0x21: {  	_ =	swait.ge [sflag:s18], $0x1400  }
0x22: {  	[sflag:s18] =	ssyncset.done $0x0  }
0x23: {  	s21 =	simm.s32 $0x9A60;
	[sflag:s18] =	ssyncadd.s32 $0xFFFFEC00  }
0x24: {  	[spmem:s2] =	stream.indirect.scatter.add.f32 [tilespmem:s22], [sflag:$0xB], $0x40, s21, s20, $0xb8;
	[tilespmem:$0x1EC80] =	vst v63  }
0x25: {  	_ =	swait.ge [sflag:s19], $0x1400  }
0x26: {  	[sflag:s19] =	ssyncset.done $0x0  }
0x27: {  	s16 =	simm.s32 $0x9AB0;
	[sflag:s19] =	ssyncadd.s32 $0xFFFFEC00  }
0x28: {  	[spmem:s2] =	stream.indirect.scatter.add.f32 [tilespmem:s24], [sflag:$0xC], $0x40, s16, s20, $0xb8;
	[tilespmem:$0x1EC80] =	vst v63  }
0x29: {  	_ =	swait.ge [sflag:s0], $0x1400  }
0x2a: {  	[sflag:s0] =	ssyncset.done $0x0  }
0x2b: {  	s21 =	simm.s32 $0x9B00;
	[sflag:s0] =	ssyncadd.s32 $0xFFFFEC00  }
0x2c: {  	[spmem:s2] =	stream.indirect.scatter.add.f32 [tilespmem:s26], [sflag:$0xD], $0x40, s21, s20, $0xb8;
	[tilespmem:$0x1EC80] =	vst v63  }
0x2d: {  	_ =	swait.ge [sflag:s6], $0x1400  }
0x2e: {  	[sflag:s6] =	ssyncset.done $0x0  }
0x2f: {  	s16 =	simm.s32 $0x9B50;
	[sflag:s6] =	ssyncadd.s32 $0xFFFFEC00  }
0x30: {  	[spmem:s2] =	stream.indirect.scatter.add.f32 [tilespmem:s29], [sflag:$0xE], $0x40, s16, s20, $0xb8;
	[tilespmem:$0x1EC80] =	vst v63  }
0x31: {  	_ =	swait.ge [sflag:s8], $0x1400  }
0x32: {  	[sflag:s8] =	ssyncset.done $0x0  }
0x33: {  	s21 =	simm.s32 $0x9BA0;
	[sflag:s8] =	ssyncadd.s32 $0xFFFFEC00  }
0x34: {  	[spmem:s2] =	stream.indirect.scatter.add.f32 [tilespmem:s31], [sflag:$0xF], $0x40, s21, s20, $0xb8;
	[tilespmem:$0x1EC80] =	vst v63  }
0x35: {  	_ =	swait.ge [sflag:s5], $0x1400  }
0x36: {  	[sflag:s5] =	ssyncset.done $0x0  }
0x37: {  	s16 =	simm.s32 $0x9BF0;
	[sflag:s5] =	ssyncadd.s32 $0xFFFFEC00  }
0x38: {  	[spmem:s2] =	stream.indirect.scatter.add.f32 [tilespmem:s1], [sflag:$0x10], $0x40, s16, s20, $0xb8;
	[tilespmem:$0x1EC80] =	vst v63  }
0x39: {  	_ =	swait.ge [sflag:s28], $0x1400  }
0x3a: {  	[sflag:s28] =	ssyncset.done $0x0  }
0x3b: {  	[sflag:s28] =	ssyncadd.s32 $0xFFFFEC00  }
0x3c: {  	_ =	swait.ge [sflag:s30], $0x1400  }
0x3d: {  	[sflag:s30] =	ssyncset.done $0x0  }
0x3e: {  	[sflag:s30] =	ssyncadd.s32 $0xFFFFEC00  }
0x3f: {  	_ =	swait.ge [sflag:s15], $0x1400  }
0x40: {  	[sflag:s15] =	ssyncset.done $0x0  }
0x41: {  	[sflag:s15] =	ssyncadd.s32 $0xFFFFEC00  }
0x42: {  	_ =	swait.ge [sflag:s7], $0x1400  }
0x43: {  	[sflag:s7] =	ssyncset.done $0x0  }
0x44: {  	[sflag:s7] =	ssyncadd.s32 $0xFFFFEC00  }
0x45: {  	_ =	swait.ge [sflag:s9], $0x1400  }
0x46: {  	[sflag:s9] =	ssyncset.done $0x0  }
0x47: {  	[sflag:s9] =	ssyncadd.s32 $0xFFFFEC00  }
0x48: {  	_ =	swait.ge [sflag:s10], $0x1400  }
0x49: {  	[sflag:s10] =	ssyncset.done $0x0  }
0x4a: {  	[sflag:s10] =	ssyncadd.s32 $0xFFFFEC00  }
0x4b: {  	_ =	swait.ge [sflag:s12], $0x1400  }
0x4c: {  	[sflag:s12] =	ssyncset.done $0x0  }
0x4d: {  	[sflag:s12] =	ssyncadd.s32 $0xFFFFEC00  }
0x4e: {  	_ =	swait.ge [sflag:s3], $0x1400  }
0x4f: {  	[sflag:s3] =	ssyncset.done $0x0  }
0x50: {  	s21 =	simm.s32 $0x12;
	[sflag:s3] =	ssyncadd.s32 $0xFFFFEC00  }
0x51: {  	_ =	swait.ge [sflag:s21], $0x1400  }
0x52: {  	[sflag:s21] =	ssyncset.done $0x0  }
0x53: {  	[sflag:s21] =	ssyncadd.s32 $0xFFFFEC00  }
0x54: {  	[bflag:$0x0] =	sbarrier.arrive $0xFFFF  }
0x55: {  	s16 =	rddreg [dreg:$0x4]  }
0x56: {  	s21 =	rddreg [dreg:$0xd]  }
0x57: {  	s14 =	sor.u32 $0x1C13, s16;
	s16 =	rddreg [dreg:$0xa]  }
0x58: {  	[hbm:s16], [sflag:s14] =	dma.local [spmem:s21], $0x1380  }
0x59: {  	s21 =	simm.s32 $0x13  }
0x5a: {  	_ =	swait.ge [sflag:s21], $0x1380  }
0x5b: {  	[sflag:s21] =	ssyncset.done $0x0;
	s16 =	rddreg [dreg:$0xb]  }
0x5c: {  	[sflag:s21] =	ssyncadd.s32 $0xFFFFEC80;
	s21 =	rddreg [dreg:$0xe]  }
0x5d: {  	[hbm:s16], [sflag:s14] =	dma.local @!p0 [spmem:s21], $0x80  }
0x5e: {  	s14 =	simm.s32 @!p0 $0x13  }
0x5f: {  	_ =	swait.ge @!p0 [sflag:s14], $0x80  }
0x60: {  	s16 =	rddreg [dreg:$0xf]  }
0x61: {  	s21 =	sadd.s32 $0x1, s16;
	s16 =	rddreg [dreg:$0xc]  }
0x62: {  	p1 =	sne.s32 s21, s16  }
.Ltmp1:
0x63: {  	_ = 	snop;
	(pc) =	sbr.rel @!p1 .LBB2_5-.Ltmp1, $3  }
0x64: {  	_ =	sdelay $0x1  }
0x65: {  	[sflag:s14] =	ssyncset.done @!p0 $0x0;
	[dreg:$0xf] =	wrdreg s21  }
0x66: {  	[sflag:s14] =	ssyncadd.s32 @!p0 $0xFFFFFF80;
	s21 =	rddreg [dreg:$0xd]  }
.LBB2_1:
0x67: {  	s14 =	rddreg [dreg:$0x5]  }
0x68: {  	s16 =	rddreg [dreg:$0x6]  }
0x69: {  	[spmem:s21], [sflag:s16] =	dma.local [hbm:s14], $0x1380  }
0x6a: {  	s16 =	simm.s32 $0x0;
	s14 =	rddreg [dreg:$0x7]  }
0x6b: {  	[tilespmem:s16], [sflag:$0x2] =	stream.linear.gather [hbm4b:s14+s16], $0x4E20, $0x38;
	[tilespmem:$0x1EC80] =	vst v63  }
0x6c: {  	s21 =	simm.s32 $0x4E20;
	s14 =	rddreg [dreg:$0x8]  }
0x6d: {  	[tilespmem:s21], [sflag:$0x3] =	stream.linear.gather [hbm4b:s14+s16], $0x4E20, $0x38;
	[tilespmem:$0x1EC80] =	vst v63  }
0x6e: {  	s21 =	rddreg [dreg:$0x9]  }
0x6f: {  	s14 =	simm.s32 @!p0 $0x1FD3;
	s16 =	rddreg [dreg:$0xe]  }
0x70: {  	[spmem:s16], [sflag:s14] =	dma.local @!p0 [hbm:s21], $0x80  }
0x71: {  	s14 =	simm.s32 @!p0 $0x13  }
0x72: {  	_ =	swait.ge @!p0 [sflag:s14], $0x80  }
0x73: {  	[sflag:s14] =	ssyncset.done @!p0 $0x0  }
0x74: {  	[sflag:s14] =	ssyncadd.s32 @!p0 $0xFFFFFF80  }
0x75: {  	_ =	swait.ge [sflag:s17], $0x1380  }
0x76: {  	[sflag:s17] =	ssyncset.done $0x0  }
0x77: {  	[sflag:s17] =	ssyncadd.s32 $0xFFFFEC80  }
0x78: {  	_ =	swait.ge [sflag:s18], $0x4E20  }
0x79: {  	[sflag:s18] =	ssyncset.done $0x0  }
0x7a: {  	[sflag:s18] =	ssyncadd.s32 $0xFFFFB1E0  }
0x7b: {  	_ =	swait.ge [sflag:s19], $0x4E20  }
0x7c: {  	[sflag:s19] =	ssyncset.done $0x0  }
0x7d: {  	[sflag:s19] =	ssyncadd.s32 $0xFFFFB1E0  }
0x7e: {  	s16 =	simm.s32 $0x9C40;
	s21 =	simm.s32 $0x0;
	[bflag:$0x0] =	sbarrier.arrive $0xFFFF  }
0x7f: {  	[tilespmem:s16], [sflag:$0x1] =	stream.indirect.gather [hbm4b:s4+s20], $0x40, s21, s20, $0xb8;
	[tilespmem:$0x1EC80] =	vst v63  }
0x80: {  	_ = 	snop  }
0x81: {  	[tilespmem:s22], [sflag:$0x2] =	stream.indirect.gather [hbm4b:s4+s20], $0x40, s20, s20, $0xb8;
	[tilespmem:$0x1EC80] =	vst v63  }
0x82: {  	s22 =	simm.s32 $0xA0  }
0x83: {  	[tilespmem:s24], [sflag:$0x3] =	stream.indirect.gather [hbm4b:s4+s20], $0x40, s22, s20, $0xb8;
	[tilespmem:$0x1EC80] =	vst v63  }
0x84: {  	s24 =	simm.s32 $0xF0  }
0x85: {  	[tilespmem:s26], [sflag:$0x4] =	stream.indirect.gather [hbm4b:s4+s20], $0x40, s24, s20, $0xb8;
	[tilespmem:$0x1EC80] =	vst v63  }
0x86: {  	s16 =	simm.s32 $0x140  }
0x87: {  	[tilespmem:s29], [sflag:$0x5] =	stream.indirect.gather [hbm4b:s4+s20], $0x40, s16, s20, $0xb8;
	[tilespmem:$0x1EC80] =	vst v63  }
0x88: {  	s21 =	simm.s32 $0x190  }
0x89: {  	[tilespmem:s31], [sflag:$0x6] =	stream.indirect.gather [hbm4b:s4+s20], $0x40, s21, s20, $0xb8;
	[tilespmem:$0x1EC80] =	vst v63  }
0x8a: {  	s22 =	simm.s32 $0x1E0  }
0x8b: {  	[tilespmem:s1], [sflag:$0x7] =	stream.indirect.gather [hbm4b:s4+s20], $0x40, s22, s20, $0xb8;
	[tilespmem:$0x1EC80] =	vst v63  }
0x8c: {  	s24 =	simm.s32 $0x230;
	s16 =	simm.s32 $0x0  }
0x8d: {  	[tilespmem:s23], [sflag:$0x8] =	stream.indirect.gather [hbm4b:s4+s20], $0x40, s24, s20, $0xb8;
	[tilespmem:$0x1EC80] =	vst v63  }
.LBB2_2:
0x8e: {  	_ =	swait.ge [sflag:s17], $0x1400  }
0x8f: {  	s14 =	sshra.s32 s16, $0x2;
	s22 =	simm.s32 $0x9C40;
	[sflag:s17] =	ssyncset.done $0x0  }
0x90: {  	p1 =	seq.s32 s16, $0x0;
	s21 =	sadd.s32 $0x4E20, s14;
	[sflag:s17] =	ssyncadd.s32 $0xFFFFEC00  }
0x91: {  	[spmem:s2] =	stream.indirect.scatter.add.f32 [tilespmem:s22], [sflag:$0xA], $0x40, s21, s20, $0xb8;
	[tilespmem:$0x1EC80] =	vst v63  }
0x92: {  	s21 =	simm.s32 @!p1 $0x12  }
0x93: {  	_ =	swait.ge @!p1 [sflag:s21], $0x1400  }
0x94: {  	[sflag:s21] =	ssyncset.done @!p1 $0x0  }
0x95: {  	s24 =	sadd.s32 $0x280, s14;
	[sflag:s21] =	ssyncadd.s32 @!p1 $0xFFFFEC00  }
0x96: {  	[tilespmem:s25], [sflag:$0x9] =	stream.indirect.gather [hbm4b:s4+s20], $0x40, s24, s20, $0xb8;
	[tilespmem:$0x1EC80] =	vst v63  }
0x97: {  	_ =	swait.ge [sflag:s18], $0x1400  }
0x98: {  	[sflag:s18] =	ssyncset.done $0x0  }
0x99: {  	s21 =	sadd.s32 $0x4E70, s14;
	s24 =	simm.s32 $0xB040;
	[sflag:s18] =	ssyncadd.s32 $0xFFFFEC00  }
0x9a: {  	[spmem:s2] =	stream.indirect.scatter.add.f32 [tilespmem:s24], [sflag:$0xB], $0x40, s21, s20, $0xb8;
	[tilespmem:$0x1EC80] =	vst v63  }
0x9b: {  	_ =	swait.ge [sflag:s28], $0x1400  }
0x9c: {  	[sflag:s28] =	ssyncset.done $0x0  }
0x9d: {  	s24 =	sadd.s32 $0x2D0, s14;
	[sflag:s28] =	ssyncadd.s32 $0xFFFFEC00  }
0x9e: {  	[tilespmem:s22], [sflag:$0x1] =	stream.indirect.gather [hbm4b:s4+s20], $0x40, s24, s20, $0xb8;
	[tilespmem:$0x1EC80] =	vst v63  }
0x9f: {  	_ =	swait.ge [sflag:s19], $0x1400  }
0xa0: {  	[sflag:s19] =	ssyncset.done $0x0  }
0xa1: {  	s21 =	sadd.s32 $0x4EC0, s14;
	s24 =	simm.s32 $0xC440;
	[sflag:s19] =	ssyncadd.s32 $0xFFFFEC00  }
0xa2: {  	[spmem:s2] =	stream.indirect.scatter.add.f32 [tilespmem:s24], [sflag:$0xC], $0x40, s21, s20, $0xb8;
	[tilespmem:$0x1EC80] =	vst v63  }
0xa3: {  	_ =	swait.ge [sflag:s30], $0x1400  }
0xa4: {  	[sflag:s30] =	ssyncset.done $0x0  }
0xa5: {  	s22 =	simm.s32 $0xB040;
	s21 =	sadd.s32 $0x320, s14;
	[sflag:s30] =	ssyncadd.s32 $0xFFFFEC00  }
0xa6: {  	[tilespmem:s22], [sflag:$0x2] =	stream.indirect.gather [hbm4b:s4+s20], $0x40, s21, s20, $0xb8;
	[tilespmem:$0x1EC80] =	vst v63  }
0xa7: {  	_ =	swait.ge [sflag:s0], $0x1400  }
0xa8: {  	[sflag:s0] =	ssyncset.done $0x0  }
0xa9: {  	s21 =	sadd.s32 $0x4F10, s14;
	[sflag:s0] =	ssyncadd.s32 $0xFFFFEC00  }
0xaa: {  	[spmem:s2] =	stream.indirect.scatter.add.f32 [tilespmem:s26], [sflag:$0xD], $0x40, s21, s20, $0xb8;
	[tilespmem:$0x1EC80] =	vst v63  }
0xab: {  	_ =	swait.ge [sflag:s15], $0x1400  }
0xac: {  	[sflag:s15] =	ssyncset.done $0x0  }
0xad: {  	s21 =	sadd.s32 $0x370, s14;
	[sflag:s15] =	ssyncadd.s32 $0xFFFFEC00  }
0xae: {  	[tilespmem:s24], [sflag:$0x3] =	stream.indirect.gather [hbm4b:s4+s20], $0x40, s21, s20, $0xb8;
	[tilespmem:$0x1EC80] =	vst v63  }
0xaf: {  	_ =	swait.ge [sflag:s6], $0x1400  }
0xb0: {  	[sflag:s6] =	ssyncset.done $0x0  }
0xb1: {  	s21 =	sadd.s32 $0x4F60, s14;
	[sflag:s6] =	ssyncadd.s32 $0xFFFFEC00  }
0xb2: {  	[spmem:s2] =	stream.indirect.scatter.add.f32 [tilespmem:s29], [sflag:$0xE], $0x40, s21, s20, $0xb8;
	[tilespmem:$0x1EC80] =	vst v63  }
0xb3: {  	_ =	swait.ge [sflag:s7], $0x1400  }
0xb4: {  	[sflag:s7] =	ssyncset.done $0x0  }
0xb5: {  	s21 =	sadd.s32 $0x3C0, s14;
	[sflag:s7] =	ssyncadd.s32 $0xFFFFEC00  }
0xb6: {  	[tilespmem:s26], [sflag:$0x4] =	stream.indirect.gather [hbm4b:s4+s20], $0x40, s21, s20, $0xb8;
	[tilespmem:$0x1EC80] =	vst v63  }
0xb7: {  	_ =	swait.ge [sflag:s8], $0x1400  }
0xb8: {  	[sflag:s8] =	ssyncset.done $0x0  }
0xb9: {  	s21 =	sadd.s32 $0x4FB0, s14;
	[sflag:s8] =	ssyncadd.s32 $0xFFFFEC00  }
0xba: {  	[spmem:s2] =	stream.indirect.scatter.add.f32 [tilespmem:s31], [sflag:$0xF], $0x40, s21, s20, $0xb8;
	[tilespmem:$0x1EC80] =	vst v63  }
0xbb: {  	_ =	swait.ge [sflag:s9], $0x1400  }
0xbc: {  	[sflag:s9] =	ssyncset.done $0x0  }
0xbd: {  	s21 =	sadd.s32 $0x410, s14;
	[sflag:s9] =	ssyncadd.s32 $0xFFFFEC00  }
0xbe: {  	[tilespmem:s29], [sflag:$0x5] =	stream.indirect.gather [hbm4b:s4+s20], $0x40, s21, s20, $0xb8;
	[tilespmem:$0x1EC80] =	vst v63  }
0xbf: {  	_ =	swait.ge [sflag:s5], $0x1400  }
0xc0: {  	[sflag:s5] =	ssyncset.done $0x0  }
0xc1: {  	s21 =	sadd.s32 $0x5000, s14;
	[sflag:s5] =	ssyncadd.s32 $0xFFFFEC00  }
0xc2: {  	[spmem:s2] =	stream.indirect.scatter.add.f32 [tilespmem:s1], [sflag:$0x10], $0x40, s21, s20, $0xb8;
	[tilespmem:$0x1EC80] =	vst v63  }
0xc3: {  	_ =	swait.ge [sflag:s10], $0x1400  }
0xc4: {  	[sflag:s10] =	ssyncset.done $0x0  }
0xc5: {  	s21 =	sadd.s32 $0x460, s14;
	[sflag:s10] =	ssyncadd.s32 $0xFFFFEC00  }
0xc6: {  	[tilespmem:s31], [sflag:$0x6] =	stream.indirect.gather [hbm4b:s4+s20], $0x40, s21, s20, $0xb8;
	[tilespmem:$0x1EC80] =	vst v63  }
0xc7: {  	_ =	swait.ge [sflag:s11], $0x1400  }
0xc8: {  	[sflag:s11] =	ssyncset.done $0x0  }
0xc9: {  	s21 =	sadd.s32 $0x5050, s14;
	[sflag:s11] =	ssyncadd.s32 $0xFFFFEC00  }
0xca: {  	[spmem:s2] =	stream.indirect.scatter.add.f32 [tilespmem:s23], [sflag:$0x11], $0x40, s21, s20, $0xb8;
	[tilespmem:$0x1EC80] =	vst v63  }
0xcb: {  	_ =	swait.ge [sflag:s12], $0x1400  }
0xcc: {  	[sflag:s12] =	ssyncset.done $0x0  }
0xcd: {  	p1 =	seq.s32 s16, $0x12480;
	s21 =	sadd.s32 $0x4B0, s14;
	[sflag:s12] =	ssyncadd.s32 $0xFFFFEC00  }
0xce: {  	[tilespmem:s1], [sflag:$0x7] =	stream.indirect.gather [hbm4b:s4+s20], $0x40, s21, s20, $0xb8;
	[tilespmem:$0x1EC80] =	vst v63  }
.Ltmp2:
0xcf: {  	_ = 	snop;
	(pc) =	sbr.rel @p1 .LBB2_4-.Ltmp2, $4  }
0xd0: {  	_ =	swait.ge [sflag:s13], $0x1400  }
0xd1: {  	[sflag:s13] =	ssyncset.done $0x0  }
0xd2: {  	s21 =	sadd.s32 $0x50A0, s14;
	[sflag:s13] =	ssyncadd.s32 $0xFFFFEC00  }
0xd3: {  	[spmem:s2] =	stream.indirect.scatter.add.f32 [tilespmem:s25], [sflag:$0x12], $0x40, s21, s20, $0xb8;
	[tilespmem:$0x1EC80] =	vst v63  }
.Ltmp3:
0xd4: {  	(pc) =	sbr.rel .LBB2_2-.Ltmp3, $4  }
0xd5: {  	_ =	swait.ge [sflag:s3], $0x1400  }
0xd6: {  	[sflag:s3] =	ssyncset.done $0x0  }
0xd7: {  	s14 =	sadd.s32 $0x500, s14;
	s16 =	sadd.s32 $0xB40, s16;
	[sflag:s3] =	ssyncadd.s32 $0xFFFFEC00  }
0xd8: {  	[tilespmem:s23], [sflag:$0x8] =	stream.indirect.gather [hbm4b:s4+s20], $0x40, s14, s20, $0xb8;
	[tilespmem:$0x1EC80] =	vst v63  }
.LBB2_5:
0xd9: {  	_ =	sfence.sel $0x180000  }
0xda: {  	[bflag:$0x0] =	sbarrier.arrive $0xFFFF  }
0xdb: {  	_ =	strace $0x9000004A  }
0xdc: {  	s0 =	stileid.u32;
	[bflag:$0x2] =	sbarrier.arrive $0xFFFF  }
0xdd: {  	p0 =	sne.s32 s0, $0x0;
	s0 =	rddreg [dreg:$0x3]  }
0xde: {  	s0 =	sadd.s32 @!p0 $0x100000, s0  }
0xdf: {  	[sflag:s0] =	ssyncadd.tile.s32 @!p0 $0x1;
	_ =	shalt  }
.Lfunc_end2:
_tile_overlayer_lowered:
.L_overlay_start_2:
0xe0: {  	(tag) =	ssettag $0x2  }
0xe1: {  	s0 =	rddreg [dreg:$0x0];
	s2 =	stileid.u32  }
0xe2: {  	s1 =	rddreg [dreg:$0x1];
	p0 =	sne.s32 s2, $0x0  }
0xe3: {  	s3 =	rddreg [dreg:$0x2];
	[bflag:$0x3] =	sbarrier.arrive $0xFFFF;
	s2 =	simm.s32 @!p0 $0x1C13  }
0xe4: {  	[timem:s3], [sflag:s2] =	dma.local @!p0 [hbm:s0], s1  }
0xe5: {  	s0 =	simm.s32 @!p0 $0x13  }
0xe6: {  	_ =	swait.ge @!p0 [sflag:s0], s1  }
0xe7: {  	s1 =	ssub.s32 @!p0 $0x0, s1;
	[sflag:s0] =	ssyncset.done @!p0 $0x0  }
0xe8: {  	[sflag:s0] =	ssyncadd.s32 @!p0 s1  }
0xe9: {  	[bflag:$0x3] =	sbarrier.arrive $0xFFFF  }
0xea: {  	_ =	shalt  }

// kernel: kernel.14.cloned.1.call-start
scs
__scs_entry_jumppad:
0x0: {  	(pc) =	sbr.rel $0x88, $3  }
0x1: {  	(tag) =	ssettag $0x0;
	lr =	simm.s32 $0x1  }
0x2: {  	[smem:$0x3F8A] =	sst lr;
	_ =	strace $0xD0000000  }
0x3: {  	_ = 	snop  }
0x4: {  	_ = 	snop  }
0x5: {  	_ = 	snop  }
0x6: {  	_ = 	snop  }
0x7: {  	_ = 	snop  }
__scs_overlays_trampoline_lowered:
0x8: {  	[smem:$0x3F99] =	sst s0  }
0x9: {  	[smem:$0x3F9A] =	sst s1  }
0xa: {  	[smem:$0x3F9B] =	sst s2  }
0xb: {  	[smem:$0x3F9C] =	sst s3  }
0xc: {  	[smem:$0x3F9D] =	sst s4  }
0xd: {  	[smem:$0x3F9E] =	sst s5  }
0xe: {  	[smem:$0x3F9F] =	sst s6  }
0xf: {  	[smem:$0x3FA0] =	sst s7  }
0x10: {  	[smem:$0x3FA1] =	sst s8  }
0x11: {  	[smem:$0x3FA2] =	sst s9;
	s0 =	simm.s32 @!p0 $0x0  }
0x12: {  	s1 =	sld [smem:$0x3F88];
	s0 =	simm.s32 @p0 $0x1  }
0x13: {  	[smem:$0x3FA3] =	sst s0;
	s0 =	simm.s32 @!p1 $0x0  }
0x14: {  	s2 =	sld [smem:$0x3F87];
	s0 =	simm.s32 @p1 $0x1  }
0x15: {  	[smem:$0x3FA4] =	sst s0;
	s0 =	simm.s32 @!p2 $0x0  }
0x16: {  	s3 =	sld [smem:$0x3FDB];
	s0 =	simm.s32 @p2 $0x1  }
0x17: {  	s4 =	simm.s32 $0x1BF5;
	[smem:$0x3FA6] =	sst s0  }
0x18: {  	s0 =	sld [smem:$0x3F89];
	_ =	swait.ge [sflag:s4], $0x0  }
0x19: {  	s7 =	sld [smem:$0x3F8A]  }
0x1a: {  	s8 =	sadd.s32 $0xFFFFE003, lr  }
0x1b: {  	s9 =	sadd.s32 $0xFFFFFEF7, lr;
	s5 =	simm.s32 $0xFFFFFFFF;
	p2 =	slt.u32 s8, $0xFFFFF086  }
0x1c: {  	p1 =	slt.u32 s9, $0xF7A;
	s5 =	simm.s32 @!p2 $0x0  }
0x1d: {  	s5 =	simm.s32 @p1 $0x1;
	p0 =	seq.s32 s7, s2  }
0x1e: {  	s7 =	smul.u32 @!p0 $0xF7A, s2;
	p2 =	seq.s32 @!p0 s5, $0x0  }
0x1f: {  	s9 =	smul.u32 $0xF7A, s1;
	s8 =	simm.s32 @!p0 $0x1BF5;
	p2 =	por !p2, p0  }
0x20: {  	[sflag:s8] =	ssyncset.s32 @!p0 $0xFFFFF086;
	s6 =	sadd.s32 @!p0 s3, s7;
	s7 =	simm.s32 @!p0 $0x108  }
0x21: {  	s3 =	sadd.s32 s3, s9;
	s6 =	sadd.s32 @!p0 $0x88, s6;
	s7 =	simm.s32 @p2 $0x1082  }
0x22: {  	[simem:s7], [sflag:s8] =	dma.local @!p0 [hbm:s6], $0xF7A  }
0x23: {  	s9 =	sor.u32 $0xD0000000, s2;
	s6 =	simm.s32 $0x108;
	_ =	swait.ge @!p0 [sflag:s8], $0x0  }
0x24: {  	s3 =	sadd.s32 $0x88, s3;
	s6 =	simm.s32 @!p1 $0x1082;
	[sflag:s4] =	ssyncset.s32 $0xFFFFF086  }
0x25: {  	[simem:s6], [sflag:s4] =	dma.local [hbm:s3], $0xF7A  }
0x26: {  	[smem:$0x3F8A] =	sst s1;
	(tag) =	ssettag s2;
	_ =	strace s9  }
0x27: {  	s1 =	sld [smem:$0x3F9A]  }
0x28: {  	s2 =	sld [smem:$0x3F9B]  }
0x29: {  	s4 =	sld [smem:$0x3F9D]  }
0x2a: {  	p0 =	seq.s32 s5, $0x0;
	s5 =	sld [smem:$0x3F9E]  }
0x2b: {  	s6 =	sld [smem:$0x3F9F]  }
0x2c: {  	s7 =	sld [smem:$0x3FA0]  }
0x2d: {  	s3 =	simm.s32 $0x108;
	s8 =	sld [smem:$0x3FA1]  }
0x2e: {  	s3 =	simm.s32 @!p0 $0x1082;
	s9 =	sld [smem:$0x3FA2]  }
0x2f: {  	lr =	sadd.s32 s0, s3;
	s0 =	sld [smem:$0x3F99]  }
0x30: {  	s3 =	sld [smem:$0x3F9C]  }
0x31: {  	[smem:$0x3FA5] =	sst s10  }
0x32: {  	s10 =	sld [smem:$0x3FA3];
	_ =	sdelay $0x3  }
0x33: {  	p0 =	seq.s32 s10, $0x1;
	s10 =	sld [smem:$0x3FA5];
	_ =	sdelay $0x3  }
0x34: {  	[smem:$0x3FA5] =	sst s10  }
0x35: {  	s10 =	sld [smem:$0x3FA4];
	_ =	sdelay $0x3  }
0x36: {  	p1 =	seq.s32 s10, $0x1;
	s10 =	sld [smem:$0x3FA5];
	_ =	sdelay $0x3  }
0x37: {  	[smem:$0x3FA5] =	sst s10  }
0x38: {  	s10 =	sld [smem:$0x3FA6]  }
0x39: {  	_ = 	snop;
	(pc) =	sbr.ind lr, $3  }
0x3a: {  	_ = 	snop  }
0x3b: {  	_ = 	snop  }
0x3c: {  	p2 =	seq.s32 s10, $0x1;
	s10 =	sld [smem:$0x3FA5]  }
0x3d: {  	_ =	shalt  }
0x3e: {  	_ =	shalt  }
0x3f: {  	_ =	shalt  }
0x40: {  	_ =	shalt  }
0x41: {  	_ =	shalt  }
0x42: {  	_ =	shalt  }
0x43: {  	_ =	shalt  }
0x44: {  	_ =	shalt  }
0x45: {  	_ =	shalt  }
0x46: {  	_ =	shalt  }
0x47: {  	_ =	shalt  }
0x48: {  	_ =	shalt  }
0x49: {  	_ =	shalt  }
0x4a: {  	_ =	shalt  }
0x4b: {  	_ =	shalt  }
0x4c: {  	_ =	shalt  }
0x4d: {  	_ =	shalt  }
0x4e: {  	_ =	shalt  }
0x4f: {  	_ =	shalt  }
0x50: {  	_ =	shalt  }
0x51: {  	_ =	shalt  }
0x52: {  	_ =	shalt  }
0x53: {  	_ =	shalt  }
0x54: {  	_ =	shalt  }
0x55: {  	_ =	shalt  }
0x56: {  	_ =	shalt  }
0x57: {  	_ =	shalt  }
0x58: {  	_ =	shalt  }
0x59: {  	_ =	shalt  }
0x5a: {  	_ =	shalt  }
0x5b: {  	_ =	shalt  }
0x5c: {  	_ =	shalt  }
0x5d: {  	_ =	shalt  }
0x5e: {  	_ =	shalt  }
0x5f: {  	_ =	shalt  }
0x60: {  	_ =	shalt  }
0x61: {  	_ =	shalt  }
0x62: {  	_ =	shalt  }
0x63: {  	_ =	shalt  }
0x64: {  	_ =	shalt  }
0x65: {  	_ =	shalt  }
0x66: {  	_ =	shalt  }
0x67: {  	_ =	shalt  }
0x68: {  	_ =	shalt  }
0x69: {  	_ =	shalt  }
0x6a: {  	_ =	shalt  }
0x6b: {  	_ =	shalt  }
0x6c: {  	_ =	shalt  }
0x6d: {  	_ =	shalt  }
0x6e: {  	_ =	shalt  }
0x6f: {  	_ =	shalt  }
0x70: {  	_ =	shalt  }
0x71: {  	_ =	shalt  }
0x72: {  	_ =	shalt  }
0x73: {  	_ =	shalt  }
0x74: {  	_ =	shalt  }
0x75: {  	_ =	shalt  }
0x76: {  	_ =	shalt  }
0x77: {  	_ =	shalt  }
0x78: {  	_ =	shalt  }
0x79: {  	_ =	shalt  }
0x7a: {  	_ =	shalt  }
0x7b: {  	_ =	shalt  }
0x7c: {  	_ =	shalt  }
0x7d: {  	_ =	shalt  }
0x7e: {  	_ =	shalt  }
0x7f: {  	_ =	shalt  }
0x80: {  	_ =	shalt  }
0x81: {  	_ =	shalt  }
0x82: {  	_ =	shalt  }
0x83: {  	_ =	shalt  }
0x84: {  	_ =	shalt  }
0x85: {  	_ =	shalt  }
0x86: {  	_ =	shalt  }
0x87: {  	_ =	shalt  }
.Lfunc_end0:
.L_simem_size_0:
called_computation.2_lowered:
.L_overlay_start_0:
0x88: {  	s2 =	sld [smem:$0x3FD9]  }
0x89: {  	s3 =	sld [smem:$0x3FFE];
	_ =	sdelay $0x1  }
0x8a: {  	s1 =	srdreg.scid  }
0x8b: {  	s0 =	sand.u32 $0x1, s1  }
0x8c: {  	s14 =	sshll.u32 s0, $0xA;
	s2 =	sadd.s32 s3, s2  }
0x8d: {  	s2 =	sadd.s32 s2, s14  }
0x8e: {  	[smem:$0x3FB1] =	sst s2  }
0x8f: {  	_ = 	snop  }
0x90: {  	s2 =	sld [smem:$0x3FD0];
	_ =	sdelay $0x2  }
0x91: {  	s15 =	simm.s32 $0xA;
	s4 =	simm.s32 $0x10  }
0x92: {  	[smem:s4], [sflag:s15] =	dma.local [hbm:s2], $0x1  }
0x93: {  	_ =	swait.eq [sflag:s15], $0x1  }
0x94: {  	[sflag:s15] =	ssyncset.done $0x0  }
0x95: {  	[sflag:s15] =	ssyncadd.s32 $0xFFFFFFFF  }
0x96: {  	s16 =	sld [smem:$0x10];
	(tm) =	ssettm $0x1  }
0x97: {  	s17 =	sld [smem:$0x3FFB];
	_ =	sdelay $0x3  }
0x98: {  	_ =	strace s17  }
0x99: {  	s3 =	sld [smem:$0x3FFC];
	_ =	sdelay $0x3  }
0x9a: {  	_ =	strace s3  }
0x9b: {  	s3 =	sld [smem:$0x3FFD];
	_ =	sdelay $0x3  }
0x9c: {  	_ =	strace s3  }
0x9d: {  	_ =	strace $0x8FFFFFFF  }
0x9e: {  	s18 =	sld [smem:$0x3FDB];
	_ =	sdelay $0x1  }
0x9f: {  	s19 =	simm.s32 $_scs_section_size  }
0xa0: {  	s5 =	simm.s32 $_size__tile_overlayer_lowered;
	s6 =	simm.s32 $_tile_overlayer_lowered  }
0xa1: {  	s22 =	simm.s32 $0x1BFF;
	s21 =	sshll.u32 s6, $0x1;
	s3 =	sadd.s32 s19, s18  }
0xa2: {  	s7 =	simm.s32 $0x0;
	s20 =	sshll.u32 s5, $0x1;
	s5 =	sadd.s32 s21, s3  }
0xa3: {  	[timem:s7], [sflag:s22] =	dma.local [hbm:s5], s20  }
0xa4: {  	_ =	swait.ge [sflag:s22], s20  }
0xa5: {  	s4 =	ssub.s32 $0x0, s20;
	[sflag:s22] =	ssyncset.done $0x0  }
0xa6: {  	[sflag:s22] =	ssyncadd.s32 s4;
	_ =	sdelay $0x1  }
0xa7: {  	s23 =	simm.s32 $0x1B8B  }
0xa8: {  	_ =	swait.ge [sflag:s23], $0x1  }
0xa9: {  	[sflag:s23] =	ssyncset.done $0x0  }
0xaa: {  	s25 =	simm.s32 $0x1B8E;
	s24 =	sld [smem:$0x3FFE];
	[sflag:s23] =	ssyncadd.s32 $0xFFFFFFFF  }
0xab: {  	s26 =	simm.s32 $execute0_lowered;
	[smem:$0x3FD2] =	sst s25  }
0xac: {  	s5 =	sshll.u32 s26, $0x1;
	_ =	strace $0x8000004C;
	[dreg:$0x1] =	wrdreg $0xFFFFFFFF  }
0xad: {  	s28 =	simm.s32 $_size_execute0_lowered;
	s3 =	sadd.s32 s3, s5;
	[dreg:$0x0] =	wrdreg $0x0  }
0xae: {  	s5 =	sshll.u32 s28, $0x1;
	[dreg:$0x2] =	wrdreg s3  }
0xaf: {  	[dreg:$0x3] =	wrdreg s5  }
0xb0: {  	[dreg:$0x4] =	wrdreg $0xC0  }
0xb1: {  	_ =	task [dreg:s7], $0x5FFFF  }
0xb2: {  	[dreg:$0x1] =	wrdreg $0xFFFFFFFF  }
0xb3: {  	[dreg:$0x0] =	wrdreg $0x60  }
0xb4: {  	[dreg:$0x2] =	wrdreg s16  }
0xb5: {  	[dreg:$0x3] =	wrdreg s24  }
0xb6: {  	[dreg:$0x4] =	wrdreg $0x150400  }
0xb7: {  	[dreg:$0x5] =	wrdreg $0x9  }
0xb8: {  	_ =	task.clear_ibuf [dreg:s7], $0x6FFFF;
	_ =	strace $0x9000004C  }
0xb9: {  	s29 =	simm.s32 $0x9;
	_ =	strace $0x8000004E  }
0xba: {  	_ =	swait.ge [sflag:s29], $0x1  }
0xbb: {  	[sflag:s29] =	ssyncadd.s32 $0xFFFFFFFF  }
0xbc: {  	_ =	strace $0x9000004E  }
0xbd: {  	_ =	sfence  }
0xbe: {  	s30 =	sld [smem:$0x0];
	_ =	sdelay $0x2  }
0xbf: {  	s31 =	sshll.u32 s1, $0xD;
	s1 =	sshrl.u32 s1, $0x2  }
0xc0: {  	s3 =	sand.u32 $0x4000, s31;
	s1 =	sadd.s32 s1, s30  }
0xc1: {  	s0 =	sor.u32 s3, s0;
	s1 =	sshll.u32 s1, $0x11  }
0xc2: {  	s0 =	sor.u32 s1, s0  }
0xc3: {  	s0 =	sadd.s32 $0x8F2B, s0  }
0xc4: {  	[sflag:s0] =	ssyncadd.remote.s32 $0x1  }
0xc5: {  	_ =	sfence.sel $0xFFFF  }
0xc6: {  	[dreg:$0x0] =	wrdreg $0xFFFFFFFF;
	(pc) =	sbr.abs _section_cstart, $3  }
0xc7: {  	[dreg:$0x1] =	wrdreg $0xFFFFFFFF  }
0xc8: {  	_ =	task.clear_ibuf [dreg:s7], $0x2FFFF;
	_ =	strace $0x9FFFFFFF  }
0xc9: {  	(tm) =	ssettm $0x7FFFFFFF  }
tec
execute0_lowered:
.L_overlay_start_1:
0x0: {  	(tag) =	ssettag $0x1  }
0x1: {  	s0 =	rddreg [dreg:$0x0]  }
0x2: {  	s1 =	rddreg [dreg:$0x1]  }
0x3: {  	s2 =	rddreg [dreg:$0x2]  }
0x4: {  	s3 =	simm.s32 $0x0;
	s10 =	stileid.u32;
	s4 =	srdreg.scid  }
0x5: {  	s29 =	simm.s32 $0xEC40;
	s31 =	simm.s32 $0x10040;
	s28 =	simm.s32 $0xA  }
0x6: {  	s30 =	simm.s32 $0xB;
	s15 =	simm.s32 $0xC;
	s12 =	simm.s32 $0x10  }
0x7: {  	s13 =	simm.s32 $0x9;
	s14 =	simm.s32 $0x0;
	s16 =	smul.u32 $0x4E20, s10  }
0x8: {  	[smem:$0x7FF] =	sst s3;
	s4 =	sand.u32 $0x1, s4;
	s7 =	smul.u32 $0x9C00, s10  }
0x9: {  	s11 =	sshll.u32 s10, $0x6;
	p0 =	sne.s32 s10, $0xF;
	s10 =	simm.s32 $0xF  }
0xa: {  	_ =	strace $0x8000004D;
	s5 =	ssub.s32 $0x2, s4;
	s6 =	smul.u32 $0x9C400, s4  }
0xb: {  	[dreg:$0x4] =	wrdreg s11;
	s19 =	sor.u32 $0x1C01, s11;
	s11 =	simm.s32 $0x8  }
0xc: {  	[dreg:$0xf] =	wrdreg s14;
	s3 =	sshrl.u32 s16, $0x3;
	s17 =	sshrl.u32 s5, $0x1  }
0xd: {  	s18 =	sshrl.u32 s7, $0x3;
	s9 =	sadd.s32 s7, s2;
	[dreg:$0x6] =	wrdreg s19  }
0xe: {  	s19 =	simm.s32 $0x3;
	s3 =	sadd.s32 s3, s1;
	s1 =	sadd.s32 $0x17E00, s1  }
0xf: {  	s5 =	ssub.s32 s5, s17;
	s8 =	sshrl.u32 s6, $0x3;
	s22 =	sadd.s32 s7, s6  }
0x10: {  	s17 =	simm.s32 $0x1;
	s6 =	simm.s32 $0x5;
	s7 =	simm.s32 $0xD  }
0x11: {  	s4 =	sadd.s32 s0, s8;
	s20 =	sadd.s32 $0x4400, s3;
	s21 =	sadd.s32 $0xE040, s3  }
0x12: {  	s3 =	sadd.s32 $0x9C000, s2;
	s23 =	sadd.s32 s1, s8;
	s26 =	smax.u32 s5, $0x1  }
0x13: {  	s8 =	simm.s32 $0x6;
	s5 =	simm.s32 $0x7;
	[dreg:$0x7] =	wrdreg s20  }
0x14: {  	s0 =	sadd.s32 s18, s4;
	[dreg:$0x8] =	wrdreg s21;
	s24 =	sadd.s32 $0x13800, s4  }
0x15: {  	s25 =	sadd.s32 $0x13800, s23;
	[dreg:$0xc] =	wrdreg s26;
	s21 =	sshrl.u32 s9, $0x3  }
0x16: {  	s18 =	simm.s32 $0x2;
	s20 =	simm.s32 $0x50;
	s26 =	simm.s32 $0xD840  }
0x17: {  	s23 =	simm.s32 $0x12840;
	s9 =	simm.s32 $0xE;
	[dreg:$0x5] =	wrdreg s0  }
.Ltmp0:
0x18: {  	s0 =	sshrl.u32 s22, $0x3;
	[dreg:$0x9] =	wrdreg s24;
	(pc) =	sbr.rel .LBB2_1-.Ltmp0, $4  }
0x19: {  	[dreg:$0xb] =	wrdreg s25;
	s22 =	simm.s32 $0xB040;
	s24 =	simm.s32 $0xC440  }
0x1a: {  	s25 =	simm.s32 $0x13C40;
	[dreg:$0xd] =	wrdreg s21;
	s0 =	sadd.s32 s1, s0  }
0x1b: {  	s1 =	simm.s32 $0x11440;
	[dreg:$0xa] =	wrdreg s0;
	s0 =	sshrl.u32 @!p0 s3, $0x3  }
0x1c: {  	s3 =	simm.s32 $0x11;
	[dreg:$0xe] =	wrdreg s0;
	s0 =	simm.s32 $0x4  }
.LBB2_4:
0x1d: {  	_ =	swait.ge [sflag:s17], $0x1400  }
0x1e: {  	[sflag:s17] =	ssyncset.done $0x0  }
0x1f: {  	s16 =	simm.s32 $0x9C40;
	s14 =	simm.s32 $0x9A10;
	[sflag:s17] =	ssyncadd.s32 $0xFFFFEC00  }
0x20: {  	[spmem:s2] =	stream.indirect.scatter.add.f32 [tilespmem:s16], [sflag:$0xA], $0x40, s14, s20, $0xb8;
	[tilespmem:$0x1EC80] =	vst v63  }
0x21: {  	_ =	swait.ge [sflag:s18], $0x1400  }
0x22: {  	[sflag:s18] =	ssyncset.done $0x0  }
0x23: {  	s21 =	simm.s32 $0x9A60;
	[sflag:s18] =	ssyncadd.s32 $0xFFFFEC00  }
0x24: {  	[spmem:s2] =	stream.indirect.scatter.add.f32 [tilespmem:s22], [sflag:$0xB], $0x40, s21, s20, $0xb8;
	[tilespmem:$0x1EC80] =	vst v63  }
0x25: {  	_ =	swait.ge [sflag:s19], $0x1400  }
0x26: {  	[sflag:s19] =	ssyncset.done $0x0  }
0x27: {  	s16 =	simm.s32 $0x9AB0;
	[sflag:s19] =	ssyncadd.s32 $0xFFFFEC00  }
0x28: {  	[spmem:s2] =	stream.indirect.scatter.add.f32 [tilespmem:s24], [sflag:$0xC], $0x40, s16, s20, $0xb8;
	[tilespmem:$0x1EC80] =	vst v63  }
0x29: {  	_ =	swait.ge [sflag:s0], $0x1400  }
0x2a: {  	[sflag:s0] =	ssyncset.done $0x0  }
0x2b: {  	s21 =	simm.s32 $0x9B00;
	[sflag:s0] =	ssyncadd.s32 $0xFFFFEC00  }
0x2c: {  	[spmem:s2] =	stream.indirect.scatter.add.f32 [tilespmem:s26], [sflag:$0xD], $0x40, s21, s20, $0xb8;
	[tilespmem:$0x1EC80] =	vst v63  }
0x2d: {  	_ =	swait.ge [sflag:s6], $0x1400  }
0x2e: {  	[sflag:s6] =	ssyncset.done $0x0  }
0x2f: {  	s16 =	simm.s32 $0x9B50;
	[sflag:s6] =	ssyncadd.s32 $0xFFFFEC00  }
0x30: {  	[spmem:s2] =	stream.indirect.scatter.add.f32 [tilespmem:s29], [sflag:$0xE], $0x40, s16, s20, $0xb8;
	[tilespmem:$0x1EC80] =	vst v63  }
0x31: {  	_ =	swait.ge [sflag:s8], $0x1400  }
0x32: {  	[sflag:s8] =	ssyncset.done $0x0  }
0x33: {  	s21 =	simm.s32 $0x9BA0;
	[sflag:s8] =	ssyncadd.s32 $0xFFFFEC00  }
0x34: {  	[spmem:s2] =	stream.indirect.scatter.add.f32 [tilespmem:s31], [sflag:$0xF], $0x40, s21, s20, $0xb8;
	[tilespmem:$0x1EC80] =	vst v63  }
0x35: {  	_ =	swait.ge [sflag:s5], $0x1400  }
0x36: {  	[sflag:s5] =	ssyncset.done $0x0  }
0x37: {  	s16 =	simm.s32 $0x9BF0;
	[sflag:s5] =	ssyncadd.s32 $0xFFFFEC00  }
0x38: {  	[spmem:s2] =	stream.indirect.scatter.add.f32 [tilespmem:s1], [sflag:$0x10], $0x40, s16, s20, $0xb8;
	[tilespmem:$0x1EC80] =	vst v63  }
0x39: {  	_ =	swait.ge [sflag:s28], $0x1400  }
0x3a: {  	[sflag:s28] =	ssyncset.done $0x0  }
0x3b: {  	[sflag:s28] =	ssyncadd.s32 $0xFFFFEC00  }
0x3c: {  	_ =	swait.ge [sflag:s30], $0x1400  }
0x3d: {  	[sflag:s30] =	ssyncset.done $0x0  }
0x3e: {  	[sflag:s30] =	ssyncadd.s32 $0xFFFFEC00  }
0x3f: {  	_ =	swait.ge [sflag:s15], $0x1400  }
0x40: {  	[sflag:s15] =	ssyncset.done $0x0  }
0x41: {  	[sflag:s15] =	ssyncadd.s32 $0xFFFFEC00  }
0x42: {  	_ =	swait.ge [sflag:s7], $0x1400  }
0x43: {  	[sflag:s7] =	ssyncset.done $0x0  }
0x44: {  	[sflag:s7] =	ssyncadd.s32 $0xFFFFEC00  }
0x45: {  	_ =	swait.ge [sflag:s9], $0x1400  }
0x46: {  	[sflag:s9] =	ssyncset.done $0x0  }
0x47: {  	[sflag:s9] =	ssyncadd.s32 $0xFFFFEC00  }
0x48: {  	_ =	swait.ge [sflag:s10], $0x1400  }
0x49: {  	[sflag:s10] =	ssyncset.done $0x0  }
0x4a: {  	[sflag:s10] =	ssyncadd.s32 $0xFFFFEC00  }
0x4b: {  	_ =	swait.ge [sflag:s12], $0x1400  }
0x4c: {  	[sflag:s12] =	ssyncset.done $0x0  }
0x4d: {  	[sflag:s12] =	ssyncadd.s32 $0xFFFFEC00  }
0x4e: {  	_ =	swait.ge [sflag:s3], $0x1400  }
0x4f: {  	[sflag:s3] =	ssyncset.done $0x0  }
0x50: {  	s21 =	simm.s32 $0x12;
	[sflag:s3] =	ssyncadd.s32 $0xFFFFEC00  }
0x51: {  	_ =	swait.ge [sflag:s21], $0x1400  }
0x52: {  	[sflag:s21] =	ssyncset.done $0x0  }
0x53: {  	[sflag:s21] =	ssyncadd.s32 $0xFFFFEC00  }
0x54: {  	[bflag:$0x0] =	sbarrier.arrive $0xFFFF  }
0x55: {  	s16 =	rddreg [dreg:$0x4]  }
0x56: {  	s21 =	rddreg [dreg:$0xd]  }
0x57: {  	s14 =	sor.u32 $0x1C13, s16;
	s16 =	rddreg [dreg:$0xa]  }
0x58: {  	[hbm:s16], [sflag:s14] =	dma.local [spmem:s21], $0x1380  }
0x59: {  	s21 =	simm.s32 $0x13  }
0x5a: {  	_ =	swait.ge [sflag:s21], $0x1380  }
0x5b: {  	[sflag:s21] =	ssyncset.done $0x0;
	s16 =	rddreg [dreg:$0xb]  }
0x5c: {  	[sflag:s21] =	ssyncadd.s32 $0xFFFFEC80;
	s21 =	rddreg [dreg:$0xe]  }
0x5d: {  	[hbm:s16], [sflag:s14] =	dma.local @!p0 [spmem:s21], $0x80  }
0x5e: {  	s14 =	simm.s32 @!p0 $0x13  }
0x5f: {  	_ =	swait.ge @!p0 [sflag:s14], $0x80  }
0x60: {  	s16 =	rddreg [dreg:$0xf]  }
0x61: {  	s21 =	sadd.s32 $0x1, s16;
	s16 =	rddreg [dreg:$0xc]  }
0x62: {  	p1 =	sne.s32 s21, s16  }
.Ltmp1:
0x63: {  	_ = 	snop;
	(pc) =	sbr.rel @!p1 .LBB2_5-.Ltmp1, $3  }
0x64: {  	_ =	sdelay $0x1  }
0x65: {  	[sflag:s14] =	ssyncset.done @!p0 $0x0;
	[dreg:$0xf] =	wrdreg s21  }
0x66: {  	[sflag:s14] =	ssyncadd.s32 @!p0 $0xFFFFFF80;
	s21 =	rddreg [dreg:$0xd]  }
.LBB2_1:
0x67: {  	s14 =	rddreg [dreg:$0x5]  }
0x68: {  	s16 =	rddreg [dreg:$0x6]  }
0x69: {  	[spmem:s21], [sflag:s16] =	dma.local [hbm:s14], $0x1380  }
0x6a: {  	s16 =	simm.s32 $0x0;
	s14 =	rddreg [dreg:$0x7]  }
0x6b: {  	[tilespmem:s16], [sflag:$0x2] =	stream.linear.gather [hbm4b:s14+s16], $0x4E20, $0x38;
	[tilespmem:$0x1EC80] =	vst v63  }
0x6c: {  	s21 =	simm.s32 $0x4E20;
	s14 =	rddreg [dreg:$0x8]  }
0x6d: {  	[tilespmem:s21], [sflag:$0x3] =	stream.linear.gather [hbm4b:s14+s16], $0x4E20, $0x38;
	[tilespmem:$0x1EC80] =	vst v63  }
0x6e: {  	s21 =	rddreg [dreg:$0x9]  }
0x6f: {  	s14 =	simm.s32 @!p0 $0x1FD3;
	s16 =	rddreg [dreg:$0xe]  }
0x70: {  	[spmem:s16], [sflag:s14] =	dma.local @!p0 [hbm:s21], $0x80  }
0x71: {  	s14 =	simm.s32 @!p0 $0x13  }
0x72: {  	_ =	swait.ge @!p0 [sflag:s14], $0x80  }
0x73: {  	[sflag:s14] =	ssyncset.done @!p0 $0x0  }
0x74: {  	[sflag:s14] =	ssyncadd.s32 @!p0 $0xFFFFFF80  }
0x75: {  	_ =	swait.ge [sflag:s17], $0x1380  }
0x76: {  	[sflag:s17] =	ssyncset.done $0x0  }
0x77: {  	[sflag:s17] =	ssyncadd.s32 $0xFFFFEC80  }
0x78: {  	_ =	swait.ge [sflag:s18], $0x4E20  }
0x79: {  	[sflag:s18] =	ssyncset.done $0x0  }
0x7a: {  	[sflag:s18] =	ssyncadd.s32 $0xFFFFB1E0  }
0x7b: {  	_ =	swait.ge [sflag:s19], $0x4E20  }
0x7c: {  	[sflag:s19] =	ssyncset.done $0x0  }
0x7d: {  	[sflag:s19] =	ssyncadd.s32 $0xFFFFB1E0  }
0x7e: {  	s16 =	simm.s32 $0x9C40;
	s21 =	simm.s32 $0x0;
	[bflag:$0x0] =	sbarrier.arrive $0xFFFF  }
0x7f: {  	[tilespmem:s16], [sflag:$0x1] =	stream.indirect.gather [hbm4b:s4+s20], $0x40, s21, s20, $0xb8;
	[tilespmem:$0x1EC80] =	vst v63  }
0x80: {  	_ = 	snop  }
0x81: {  	[tilespmem:s22], [sflag:$0x2] =	stream.indirect.gather [hbm4b:s4+s20], $0x40, s20, s20, $0xb8;
	[tilespmem:$0x1EC80] =	vst v63  }
0x82: {  	s22 =	simm.s32 $0xA0  }
0x83: {  	[tilespmem:s24], [sflag:$0x3] =	stream.indirect.gather [hbm4b:s4+s20], $0x40, s22, s20, $0xb8;
	[tilespmem:$0x1EC80] =	vst v63  }
0x84: {  	s24 =	simm.s32 $0xF0  }
0x85: {  	[tilespmem:s26], [sflag:$0x4] =	stream.indirect.gather [hbm4b:s4+s20], $0x40, s24, s20, $0xb8;
	[tilespmem:$0x1EC80] =	vst v63  }
0x86: {  	s16 =	simm.s32 $0x140  }
0x87: {  	[tilespmem:s29], [sflag:$0x5] =	stream.indirect.gather [hbm4b:s4+s20], $0x40, s16, s20, $0xb8;
	[tilespmem:$0x1EC80] =	vst v63  }
0x88: {  	s21 =	simm.s32 $0x190  }
0x89: {  	[tilespmem:s31], [sflag:$0x6] =	stream.indirect.gather [hbm4b:s4+s20], $0x40, s21, s20, $0xb8;
	[tilespmem:$0x1EC80] =	vst v63  }
0x8a: {  	s22 =	simm.s32 $0x1E0  }
0x8b: {  	[tilespmem:s1], [sflag:$0x7] =	stream.indirect.gather [hbm4b:s4+s20], $0x40, s22, s20, $0xb8;
	[tilespmem:$0x1EC80] =	vst v63  }
0x8c: {  	s24 =	simm.s32 $0x230;
	s16 =	simm.s32 $0x0  }
0x8d: {  	[tilespmem:s23], [sflag:$0x8] =	stream.indirect.gather [hbm4b:s4+s20], $0x40, s24, s20, $0xb8;
	[tilespmem:$0x1EC80] =	vst v63  }
.LBB2_2:
0x8e: {  	_ =	swait.ge [sflag:s17], $0x1400  }
0x8f: {  	s14 =	sshra.s32 s16, $0x2;
	s22 =	simm.s32 $0x9C40;
	[sflag:s17] =	ssyncset.done $0x0  }
0x90: {  	p1 =	seq.s32 s16, $0x0;
	s21 =	sadd.s32 $0x4E20, s14;
	[sflag:s17] =	ssyncadd.s32 $0xFFFFEC00  }
0x91: {  	[spmem:s2] =	stream.indirect.scatter.add.f32 [tilespmem:s22], [sflag:$0xA], $0x40, s21, s20, $0xb8;
	[tilespmem:$0x1EC80] =	vst v63  }
0x92: {  	s21 =	simm.s32 @!p1 $0x12  }
0x93: {  	_ =	swait.ge @!p1 [sflag:s21], $0x1400  }
0x94: {  	[sflag:s21] =	ssyncset.done @!p1 $0x0  }
0x95: {  	s24 =	sadd.s32 $0x280, s14;
	[sflag:s21] =	ssyncadd.s32 @!p1 $0xFFFFEC00  }
0x96: {  	[tilespmem:s25], [sflag:$0x9] =	stream.indirect.gather [hbm4b:s4+s20], $0x40, s24, s20, $0xb8;
	[tilespmem:$0x1EC80] =	vst v63  }
0x97: {  	_ =	swait.ge [sflag:s18], $0x1400  }
0x98: {  	[sflag:s18] =	ssyncset.done $0x0  }
0x99: {  	s21 =	sadd.s32 $0x4E70, s14;
	s24 =	simm.s32 $0xB040;
	[sflag:s18] =	ssyncadd.s32 $0xFFFFEC00  }
0x9a: {  	[spmem:s2] =	stream.indirect.scatter.add.f32 [tilespmem:s24], [sflag:$0xB], $0x40, s21, s20, $0xb8;
	[tilespmem:$0x1EC80] =	vst v63  }
0x9b: {  	_ =	swait.ge [sflag:s28], $0x1400  }
0x9c: {  	[sflag:s28] =	ssyncset.done $0x0  }
0x9d: {  	s24 =	sadd.s32 $0x2D0, s14;
	[sflag:s28] =	ssyncadd.s32 $0xFFFFEC00  }
0x9e: {  	[tilespmem:s22], [sflag:$0x1] =	stream.indirect.gather [hbm4b:s4+s20], $0x40, s24, s20, $0xb8;
	[tilespmem:$0x1EC80] =	vst v63  }
0x9f: {  	_ =	swait.ge [sflag:s19], $0x1400  }
0xa0: {  	[sflag:s19] =	ssyncset.done $0x0  }
0xa1: {  	s21 =	sadd.s32 $0x4EC0, s14;
	s24 =	simm.s32 $0xC440;
	[sflag:s19] =	ssyncadd.s32 $0xFFFFEC00  }
0xa2: {  	[spmem:s2] =	stream.indirect.scatter.add.f32 [tilespmem:s24], [sflag:$0xC], $0x40, s21, s20, $0xb8;
	[tilespmem:$0x1EC80] =	vst v63  }
0xa3: {  	_ =	swait.ge [sflag:s30], $0x1400  }
0xa4: {  	[sflag:s30] =	ssyncset.done $0x0  }
0xa5: {  	s22 =	simm.s32 $0xB040;
	s21 =	sadd.s32 $0x320, s14;
	[sflag:s30] =	ssyncadd.s32 $0xFFFFEC00  }
0xa6: {  	[tilespmem:s22], [sflag:$0x2] =	stream.indirect.gather [hbm4b:s4+s20], $0x40, s21, s20, $0xb8;
	[tilespmem:$0x1EC80] =	vst v63  }
0xa7: {  	_ =	swait.ge [sflag:s0], $0x1400  }
0xa8: {  	[sflag:s0] =	ssyncset.done $0x0  }
0xa9: {  	s21 =	sadd.s32 $0x4F10, s14;
	[sflag:s0] =	ssyncadd.s32 $0xFFFFEC00  }
0xaa: {  	[spmem:s2] =	stream.indirect.scatter.add.f32 [tilespmem:s26], [sflag:$0xD], $0x40, s21, s20, $0xb8;
	[tilespmem:$0x1EC80] =	vst v63  }
0xab: {  	_ =	swait.ge [sflag:s15], $0x1400  }
0xac: {  	[sflag:s15] =	ssyncset.done $0x0  }
0xad: {  	s21 =	sadd.s32 $0x370, s14;
	[sflag:s15] =	ssyncadd.s32 $0xFFFFEC00  }
0xae: {  	[tilespmem:s24], [sflag:$0x3] =	stream.indirect.gather [hbm4b:s4+s20], $0x40, s21, s20, $0xb8;
	[tilespmem:$0x1EC80] =	vst v63  }
0xaf: {  	_ =	swait.ge [sflag:s6], $0x1400  }
0xb0: {  	[sflag:s6] =	ssyncset.done $0x0  }
0xb1: {  	s21 =	sadd.s32 $0x4F60, s14;
	[sflag:s6] =	ssyncadd.s32 $0xFFFFEC00  }
0xb2: {  	[spmem:s2] =	stream.indirect.scatter.add.f32 [tilespmem:s29], [sflag:$0xE], $0x40, s21, s20, $0xb8;
	[tilespmem:$0x1EC80] =	vst v63  }
0xb3: {  	_ =	swait.ge [sflag:s7], $0x1400  }
0xb4: {  	[sflag:s7] =	ssyncset.done $0x0  }
0xb5: {  	s21 =	sadd.s32 $0x3C0, s14;
	[sflag:s7] =	ssyncadd.s32 $0xFFFFEC00  }
0xb6: {  	[tilespmem:s26], [sflag:$0x4] =	stream.indirect.gather [hbm4b:s4+s20], $0x40, s21, s20, $0xb8;
	[tilespmem:$0x1EC80] =	vst v63  }
0xb7: {  	_ =	swait.ge [sflag:s8], $0x1400  }
0xb8: {  	[sflag:s8] =	ssyncset.done $0x0  }
0xb9: {  	s21 =	sadd.s32 $0x4FB0, s14;
	[sflag:s8] =	ssyncadd.s32 $0xFFFFEC00  }
0xba: {  	[spmem:s2] =	stream.indirect.scatter.add.f32 [tilespmem:s31], [sflag:$0xF], $0x40, s21, s20, $0xb8;
	[tilespmem:$0x1EC80] =	vst v63  }
0xbb: {  	_ =	swait.ge [sflag:s9], $0x1400  }
0xbc: {  	[sflag:s9] =	ssyncset.done $0x0  }
0xbd: {  	s21 =	sadd.s32 $0x410, s14;
	[sflag:s9] =	ssyncadd.s32 $0xFFFFEC00  }
0xbe: {  	[tilespmem:s29], [sflag:$0x5] =	stream.indirect.gather [hbm4b:s4+s20], $0x40, s21, s20, $0xb8;
	[tilespmem:$0x1EC80] =	vst v63  }
0xbf: {  	_ =	swait.ge [sflag:s5], $0x1400  }
0xc0: {  	[sflag:s5] =	ssyncset.done $0x0  }
0xc1: {  	s21 =	sadd.s32 $0x5000, s14;
	[sflag:s5] =	ssyncadd.s32 $0xFFFFEC00  }
0xc2: {  	[spmem:s2] =	stream.indirect.scatter.add.f32 [tilespmem:s1], [sflag:$0x10], $0x40, s21, s20, $0xb8;
	[tilespmem:$0x1EC80] =	vst v63  }
0xc3: {  	_ =	swait.ge [sflag:s10], $0x1400  }
0xc4: {  	[sflag:s10] =	ssyncset.done $0x0  }
0xc5: {  	s21 =	sadd.s32 $0x460, s14;
	[sflag:s10] =	ssyncadd.s32 $0xFFFFEC00  }
0xc6: {  	[tilespmem:s31], [sflag:$0x6] =	stream.indirect.gather [hbm4b:s4+s20], $0x40, s21, s20, $0xb8;
	[tilespmem:$0x1EC80] =	vst v63  }
0xc7: {  	_ =	swait.ge [sflag:s11], $0x1400  }
0xc8: {  	[sflag:s11] =	ssyncset.done $0x0  }
0xc9: {  	s21 =	sadd.s32 $0x5050, s14;
	[sflag:s11] =	ssyncadd.s32 $0xFFFFEC00  }
0xca: {  	[spmem:s2] =	stream.indirect.scatter.add.f32 [tilespmem:s23], [sflag:$0x11], $0x40, s21, s20, $0xb8;
	[tilespmem:$0x1EC80] =	vst v63  }
0xcb: {  	_ =	swait.ge [sflag:s12], $0x1400  }
0xcc: {  	[sflag:s12] =	ssyncset.done $0x0  }
0xcd: {  	p1 =	seq.s32 s16, $0x12480;
	s21 =	sadd.s32 $0x4B0, s14;
	[sflag:s12] =	ssyncadd.s32 $0xFFFFEC00  }
0xce: {  	[tilespmem:s1], [sflag:$0x7] =	stream.indirect.gather [hbm4b:s4+s20], $0x40, s21, s20, $0xb8;
	[tilespmem:$0x1EC80] =	vst v63  }
.Ltmp2:
0xcf: {  	_ = 	snop;
	(pc) =	sbr.rel @p1 .LBB2_4-.Ltmp2, $4  }
0xd0: {  	_ =	swait.ge [sflag:s13], $0x1400  }
0xd1: {  	[sflag:s13] =	ssyncset.done $0x0  }
0xd2: {  	s21 =	sadd.s32 $0x50A0, s14;
	[sflag:s13] =	ssyncadd.s32 $0xFFFFEC00  }
0xd3: {  	[spmem:s2] =	stream.indirect.scatter.add.f32 [tilespmem:s25], [sflag:$0x12], $0x40, s21, s20, $0xb8;
	[tilespmem:$0x1EC80] =	vst v63  }
.Ltmp3:
0xd4: {  	(pc) =	sbr.rel .LBB2_2-.Ltmp3, $4  }
0xd5: {  	_ =	swait.ge [sflag:s3], $0x1400  }
0xd6: {  	[sflag:s3] =	ssyncset.done $0x0  }
0xd7: {  	s14 =	sadd.s32 $0x500, s14;
	s16 =	sadd.s32 $0xB40, s16;
	[sflag:s3] =	ssyncadd.s32 $0xFFFFEC00  }
0xd8: {  	[tilespmem:s23], [sflag:$0x8] =	stream.indirect.gather [hbm4b:s4+s20], $0x40, s14, s20, $0xb8;
	[tilespmem:$0x1EC80] =	vst v63  }
.LBB2_5:
0xd9: {  	_ =	sfence.sel $0x180000  }
0xda: {  	[bflag:$0x0] =	sbarrier.arrive $0xFFFF  }
0xdb: {  	_ =	strace $0x9000004D  }
0xdc: {  	s0 =	stileid.u32;
	[bflag:$0x2] =	sbarrier.arrive $0xFFFF  }
0xdd: {  	p0 =	sne.s32 s0, $0x0;
	s0 =	rddreg [dreg:$0x3]  }
0xde: {  	s0 =	sadd.s32 @!p0 $0x100000, s0  }
0xdf: {  	[sflag:s0] =	ssyncadd.tile.s32 @!p0 $0x1;
	_ =	shalt  }
.Lfunc_end2:
_tile_overlayer_lowered:
.L_overlay_start_2:
0xe0: {  	(tag) =	ssettag $0x2  }
0xe1: {  	s0 =	rddreg [dreg:$0x0];
	s2 =	stileid.u32  }
0xe2: {  	s1 =	rddreg [dreg:$0x1];
	p0 =	sne.s32 s2, $0x0  }
0xe3: {  	s3 =	rddreg [dreg:$0x2];
	[bflag:$0x3] =	sbarrier.arrive $0xFFFF;
	s2 =	simm.s32 @!p0 $0x1C13  }
0xe4: {  	[timem:s3], [sflag:s2] =	dma.local @!p0 [hbm:s0], s1  }
0xe5: {  	s0 =	simm.s32 @!p0 $0x13  }
0xe6: {  	_ =	swait.ge @!p0 [sflag:s0], s1  }
0xe7: {  	s1 =	ssub.s32 @!p0 $0x0, s1;
	[sflag:s0] =	ssyncset.done @!p0 $0x0  }
0xe8: {  	[sflag:s0] =	ssyncadd.s32 @!p0 s1  }
0xe9: {  	[bflag:$0x3] =	sbarrier.arrive $0xFFFF  }
0xea: {  	_ =	shalt  }

// kernel: kernel.8.cloned.1.call-start
scs
__scs_entry_jumppad:
0x0: {  	(pc) =	sbr.rel $0x88, $3  }
0x1: {  	(tag) =	ssettag $0x0;
	lr =	simm.s32 $0x1  }
0x2: {  	[smem:$0x3F8A] =	sst lr;
	_ =	strace $0xD0000000  }
0x3: {  	_ = 	snop  }
0x4: {  	_ = 	snop  }
0x5: {  	_ = 	snop  }
0x6: {  	_ = 	snop  }
0x7: {  	_ = 	snop  }
__scs_overlays_trampoline_lowered:
0x8: {  	[smem:$0x3F99] =	sst s0  }
0x9: {  	[smem:$0x3F9A] =	sst s1  }
0xa: {  	[smem:$0x3F9B] =	sst s2  }
0xb: {  	[smem:$0x3F9C] =	sst s3  }
0xc: {  	[smem:$0x3F9D] =	sst s4  }
0xd: {  	[smem:$0x3F9E] =	sst s5  }
0xe: {  	[smem:$0x3F9F] =	sst s6  }
0xf: {  	[smem:$0x3FA0] =	sst s7  }
0x10: {  	[smem:$0x3FA1] =	sst s8  }
0x11: {  	[smem:$0x3FA2] =	sst s9;
	s0 =	simm.s32 @!p0 $0x0  }
0x12: {  	s1 =	sld [smem:$0x3F88];
	s0 =	simm.s32 @p0 $0x1  }
0x13: {  	[smem:$0x3FA3] =	sst s0;
	s0 =	simm.s32 @!p1 $0x0  }
0x14: {  	s2 =	sld [smem:$0x3F87];
	s0 =	simm.s32 @p1 $0x1  }
0x15: {  	[smem:$0x3FA4] =	sst s0;
	s0 =	simm.s32 @!p2 $0x0  }
0x16: {  	s3 =	sld [smem:$0x3FDB];
	s0 =	simm.s32 @p2 $0x1  }
0x17: {  	s4 =	simm.s32 $0x1BF5;
	[smem:$0x3FA6] =	sst s0  }
0x18: {  	s0 =	sld [smem:$0x3F89];
	_ =	swait.ge [sflag:s4], $0x0  }
0x19: {  	s7 =	sld [smem:$0x3F8A]  }
0x1a: {  	s8 =	sadd.s32 $0xFFFFE003, lr  }
0x1b: {  	s9 =	sadd.s32 $0xFFFFFEF7, lr;
	s5 =	simm.s32 $0xFFFFFFFF;
	p2 =	slt.u32 s8, $0xFFFFF086  }
0x1c: {  	p1 =	slt.u32 s9, $0xF7A;
	s5 =	simm.s32 @!p2 $0x0  }
0x1d: {  	s5 =	simm.s32 @p1 $0x1;
	p0 =	seq.s32 s7, s2  }
0x1e: {  	s7 =	smul.u32 @!p0 $0xF7A, s2;
	p2 =	seq.s32 @!p0 s5, $0x0  }
0x1f: {  	s9 =	smul.u32 $0xF7A, s1;
	s8 =	simm.s32 @!p0 $0x1BF5;
	p2 =	por !p2, p0  }
0x20: {  	[sflag:s8] =	ssyncset.s32 @!p0 $0xFFFFF086;
	s6 =	sadd.s32 @!p0 s3, s7;
	s7 =	simm.s32 @!p0 $0x108  }
0x21: {  	s3 =	sadd.s32 s3, s9;
	s6 =	sadd.s32 @!p0 $0x88, s6;
	s7 =	simm.s32 @p2 $0x1082  }
0x22: {  	[simem:s7], [sflag:s8] =	dma.local @!p0 [hbm:s6], $0xF7A  }
0x23: {  	s9 =	sor.u32 $0xD0000000, s2;
	s6 =	simm.s32 $0x108;
	_ =	swait.ge @!p0 [sflag:s8], $0x0  }
0x24: {  	s3 =	sadd.s32 $0x88, s3;
	s6 =	simm.s32 @!p1 $0x1082;
	[sflag:s4] =	ssyncset.s32 $0xFFFFF086  }
0x25: {  	[simem:s6], [sflag:s4] =	dma.local [hbm:s3], $0xF7A  }
0x26: {  	[smem:$0x3F8A] =	sst s1;
	(tag) =	ssettag s2;
	_ =	strace s9  }
0x27: {  	s1 =	sld [smem:$0x3F9A]  }
0x28: {  	s2 =	sld [smem:$0x3F9B]  }
0x29: {  	s4 =	sld [smem:$0x3F9D]  }
0x2a: {  	p0 =	seq.s32 s5, $0x0;
	s5 =	sld [smem:$0x3F9E]  }
0x2b: {  	s6 =	sld [smem:$0x3F9F]  }
0x2c: {  	s7 =	sld [smem:$0x3FA0]  }
0x2d: {  	s3 =	simm.s32 $0x108;
	s8 =	sld [smem:$0x3FA1]  }
0x2e: {  	s3 =	simm.s32 @!p0 $0x1082;
	s9 =	sld [smem:$0x3FA2]  }
0x2f: {  	lr =	sadd.s32 s0, s3;
	s0 =	sld [smem:$0x3F99]  }
0x30: {  	s3 =	sld [smem:$0x3F9C]  }
0x31: {  	[smem:$0x3FA5] =	sst s10  }
0x32: {  	s10 =	sld [smem:$0x3FA3];
	_ =	sdelay $0x3  }
0x33: {  	p0 =	seq.s32 s10, $0x1;
	s10 =	sld [smem:$0x3FA5];
	_ =	sdelay $0x3  }
0x34: {  	[smem:$0x3FA5] =	sst s10  }
0x35: {  	s10 =	sld [smem:$0x3FA4];
	_ =	sdelay $0x3  }
0x36: {  	p1 =	seq.s32 s10, $0x1;
	s10 =	sld [smem:$0x3FA5];
	_ =	sdelay $0x3  }
0x37: {  	[smem:$0x3FA5] =	sst s10  }
0x38: {  	s10 =	sld [smem:$0x3FA6]  }
0x39: {  	_ = 	snop;
	(pc) =	sbr.ind lr, $3  }
0x3a: {  	_ = 	snop  }
0x3b: {  	_ = 	snop  }
0x3c: {  	p2 =	seq.s32 s10, $0x1;
	s10 =	sld [smem:$0x3FA5]  }
0x3d: {  	_ =	shalt  }
0x3e: {  	_ =	shalt  }
0x3f: {  	_ =	shalt  }
0x40: {  	_ =	shalt  }
0x41: {  	_ =	shalt  }
0x42: {  	_ =	shalt  }
0x43: {  	_ =	shalt  }
0x44: {  	_ =	shalt  }
0x45: {  	_ =	shalt  }
0x46: {  	_ =	shalt  }
0x47: {  	_ =	shalt  }
0x48: {  	_ =	shalt  }
0x49: {  	_ =	shalt  }
0x4a: {  	_ =	shalt  }
0x4b: {  	_ =	shalt  }
0x4c: {  	_ =	shalt  }
0x4d: {  	_ =	shalt  }
0x4e: {  	_ =	shalt  }
0x4f: {  	_ =	shalt  }
0x50: {  	_ =	shalt  }
0x51: {  	_ =	shalt  }
0x52: {  	_ =	shalt  }
0x53: {  	_ =	shalt  }
0x54: {  	_ =	shalt  }
0x55: {  	_ =	shalt  }
0x56: {  	_ =	shalt  }
0x57: {  	_ =	shalt  }
0x58: {  	_ =	shalt  }
0x59: {  	_ =	shalt  }
0x5a: {  	_ =	shalt  }
0x5b: {  	_ =	shalt  }
0x5c: {  	_ =	shalt  }
0x5d: {  	_ =	shalt  }
0x5e: {  	_ =	shalt  }
0x5f: {  	_ =	shalt  }
0x60: {  	_ =	shalt  }
0x61: {  	_ =	shalt  }
0x62: {  	_ =	shalt  }
0x63: {  	_ =	shalt  }
0x64: {  	_ =	shalt  }
0x65: {  	_ =	shalt  }
0x66: {  	_ =	shalt  }
0x67: {  	_ =	shalt  }
0x68: {  	_ =	shalt  }
0x69: {  	_ =	shalt  }
0x6a: {  	_ =	shalt  }
0x6b: {  	_ =	shalt  }
0x6c: {  	_ =	shalt  }
0x6d: {  	_ =	shalt  }
0x6e: {  	_ =	shalt  }
0x6f: {  	_ =	shalt  }
0x70: {  	_ =	shalt  }
0x71: {  	_ =	shalt  }
0x72: {  	_ =	shalt  }
0x73: {  	_ =	shalt  }
0x74: {  	_ =	shalt  }
0x75: {  	_ =	shalt  }
0x76: {  	_ =	shalt  }
0x77: {  	_ =	shalt  }
0x78: {  	_ =	shalt  }
0x79: {  	_ =	shalt  }
0x7a: {  	_ =	shalt  }
0x7b: {  	_ =	shalt  }
0x7c: {  	_ =	shalt  }
0x7d: {  	_ =	shalt  }
0x7e: {  	_ =	shalt  }
0x7f: {  	_ =	shalt  }
0x80: {  	_ =	shalt  }
0x81: {  	_ =	shalt  }
0x82: {  	_ =	shalt  }
0x83: {  	_ =	shalt  }
0x84: {  	_ =	shalt  }
0x85: {  	_ =	shalt  }
0x86: {  	_ =	shalt  }
0x87: {  	_ =	shalt  }
.Lfunc_end0:
.L_simem_size_0:
called_computation_lowered:
.L_overlay_start_0:
0x88: {  	s2 =	sld [smem:$0x3FD9]  }
0x89: {  	s3 =	sld [smem:$0x3FFE];
	_ =	sdelay $0x1  }
0x8a: {  	s1 =	srdreg.scid  }
0x8b: {  	s0 =	sand.u32 $0x1, s1  }
0x8c: {  	s14 =	sshll.u32 s0, $0xA;
	s2 =	sadd.s32 s3, s2  }
0x8d: {  	s2 =	sadd.s32 s2, s14  }
0x8e: {  	[smem:$0x3FB1] =	sst s2  }
0x8f: {  	_ = 	snop  }
0x90: {  	s2 =	sld [smem:$0x3FD0];
	_ =	sdelay $0x2  }
0x91: {  	s15 =	simm.s32 $0xA;
	s4 =	simm.s32 $0x10  }
0x92: {  	[smem:s4], [sflag:s15] =	dma.local [hbm:s2], $0x1  }
0x93: {  	_ =	swait.eq [sflag:s15], $0x1  }
0x94: {  	[sflag:s15] =	ssyncset.done $0x0  }
0x95: {  	[sflag:s15] =	ssyncadd.s32 $0xFFFFFFFF  }
0x96: {  	s16 =	sld [smem:$0x10];
	(tm) =	ssettm $0x1  }
0x97: {  	s17 =	sld [smem:$0x3FFB];
	_ =	sdelay $0x3  }
0x98: {  	_ =	strace s17  }
0x99: {  	s3 =	sld [smem:$0x3FFC];
	_ =	sdelay $0x3  }
0x9a: {  	_ =	strace s3  }
0x9b: {  	s3 =	sld [smem:$0x3FFD];
	_ =	sdelay $0x3  }
0x9c: {  	_ =	strace s3  }
0x9d: {  	_ =	strace $0x8FFFFFFF  }
0x9e: {  	s18 =	sld [smem:$0x3FDB];
	_ =	sdelay $0x1  }
0x9f: {  	s19 =	simm.s32 $_scs_section_size  }
0xa0: {  	s5 =	simm.s32 $_size__tile_overlayer_lowered;
	s6 =	simm.s32 $_tile_overlayer_lowered  }
0xa1: {  	s22 =	simm.s32 $0x1BFF;
	s21 =	sshll.u32 s6, $0x1;
	s3 =	sadd.s32 s19, s18  }
0xa2: {  	s7 =	simm.s32 $0x0;
	s20 =	sshll.u32 s5, $0x1;
	s5 =	sadd.s32 s21, s3  }
0xa3: {  	[timem:s7], [sflag:s22] =	dma.local [hbm:s5], s20  }
0xa4: {  	_ =	swait.ge [sflag:s22], s20  }
0xa5: {  	s4 =	ssub.s32 $0x0, s20;
	[sflag:s22] =	ssyncset.done $0x0  }
0xa6: {  	[sflag:s22] =	ssyncadd.s32 s4;
	_ =	sdelay $0x1  }
0xa7: {  	s23 =	simm.s32 $0x1B8B  }
0xa8: {  	_ =	swait.ge [sflag:s23], $0x1  }
0xa9: {  	[sflag:s23] =	ssyncset.done $0x0  }
0xaa: {  	s25 =	simm.s32 $0x1B8E;
	s24 =	sld [smem:$0x3FFE];
	[sflag:s23] =	ssyncadd.s32 $0xFFFFFFFF  }
0xab: {  	s26 =	simm.s32 $execute0_lowered;
	[smem:$0x3FD2] =	sst s25  }
0xac: {  	s5 =	sshll.u32 s26, $0x1;
	_ =	strace $0x80000046;
	[dreg:$0x1] =	wrdreg $0xFFFFFFFF  }
0xad: {  	s28 =	simm.s32 $_size_execute0_lowered;
	s3 =	sadd.s32 s3, s5;
	[dreg:$0x0] =	wrdreg $0x0  }
0xae: {  	s5 =	sshll.u32 s28, $0x1;
	[dreg:$0x2] =	wrdreg s3  }
0xaf: {  	[dreg:$0x3] =	wrdreg s5  }
0xb0: {  	[dreg:$0x4] =	wrdreg $0xC0  }
0xb1: {  	_ =	task [dreg:s7], $0x5FFFF  }
0xb2: {  	[dreg:$0x1] =	wrdreg $0xFFFFFFFF  }
0xb3: {  	[dreg:$0x0] =	wrdreg $0x60  }
0xb4: {  	[dreg:$0x2] =	wrdreg s16  }
0xb5: {  	[dreg:$0x3] =	wrdreg s24  }
0xb6: {  	[dreg:$0x4] =	wrdreg $0x150400  }
0xb7: {  	[dreg:$0x5] =	wrdreg $0x9  }
0xb8: {  	_ =	task.clear_ibuf [dreg:s7], $0x6FFFF;
	_ =	strace $0x90000046  }
0xb9: {  	s29 =	simm.s32 $0x9;
	_ =	strace $0x80000048  }
0xba: {  	_ =	swait.ge [sflag:s29], $0x1  }
0xbb: {  	[sflag:s29] =	ssyncadd.s32 $0xFFFFFFFF  }
0xbc: {  	_ =	strace $0x90000048  }
0xbd: {  	_ =	sfence  }
0xbe: {  	s30 =	sld [smem:$0x0];
	_ =	sdelay $0x2  }
0xbf: {  	s31 =	sshll.u32 s1, $0xD;
	s1 =	sshrl.u32 s1, $0x2  }
0xc0: {  	s3 =	sand.u32 $0x4000, s31;
	s1 =	sadd.s32 s1, s30  }
0xc1: {  	s0 =	sor.u32 s3, s0;
	s1 =	sshll.u32 s1, $0x11  }
0xc2: {  	s0 =	sor.u32 s1, s0  }
0xc3: {  	s0 =	sadd.s32 $0x8F2B, s0  }
0xc4: {  	[sflag:s0] =	ssyncadd.remote.s32 $0x1  }
0xc5: {  	_ =	sfence.sel $0xFFFF  }
0xc6: {  	[dreg:$0x0] =	wrdreg $0xFFFFFFFF;
	(pc) =	sbr.abs _section_cstart, $3  }
0xc7: {  	[dreg:$0x1] =	wrdreg $0xFFFFFFFF  }
0xc8: {  	_ =	task.clear_ibuf [dreg:s7], $0x2FFFF;
	_ =	strace $0x9FFFFFFF  }
0xc9: {  	(tm) =	ssettm $0x7FFFFFFF  }
tec
execute0_lowered:
.L_overlay_start_1:
0x0: {  	(tag) =	ssettag $0x1  }
0x1: {  	s0 =	rddreg [dreg:$0x0]  }
0x2: {  	s1 =	rddreg [dreg:$0x1]  }
0x3: {  	s2 =	rddreg [dreg:$0x2]  }
0x4: {  	s3 =	simm.s32 $0x0;
	s10 =	stileid.u32;
	s4 =	srdreg.scid  }
0x5: {  	s29 =	simm.s32 $0xEC40;
	s31 =	simm.s32 $0x10040;
	s28 =	simm.s32 $0xA  }
0x6: {  	s30 =	simm.s32 $0xB;
	s15 =	simm.s32 $0xC;
	s12 =	simm.s32 $0x10  }
0x7: {  	s13 =	simm.s32 $0x9;
	s14 =	simm.s32 $0x0;
	s16 =	smul.u32 $0x4E20, s10  }
0x8: {  	[smem:$0x7FF] =	sst s3;
	s4 =	sand.u32 $0x1, s4;
	s7 =	smul.u32 $0x9C00, s10  }
0x9: {  	s11 =	sshll.u32 s10, $0x6;
	p0 =	sne.s32 s10, $0xF;
	s10 =	simm.s32 $0xF  }
0xa: {  	_ =	strace $0x80000047;
	s5 =	ssub.s32 $0x2, s4;
	s6 =	smul.u32 $0x9C400, s4  }
0xb: {  	[dreg:$0x4] =	wrdreg s11;
	s19 =	sor.u32 $0x1C01, s11;
	s11 =	simm.s32 $0x8  }
0xc: {  	[dreg:$0xf] =	wrdreg s14;
	s3 =	sshrl.u32 s16, $0x3;
	s17 =	sshrl.u32 s5, $0x1  }
0xd: {  	s18 =	sshrl.u32 s7, $0x3;
	s9 =	sadd.s32 s7, s2;
	[dreg:$0x6] =	wrdreg s19  }
0xe: {  	s19 =	simm.s32 $0x3;
	s3 =	sadd.s32 s3, s1;
	s1 =	sadd.s32 $0x17E00, s1  }
0xf: {  	s5 =	ssub.s32 s5, s17;
	s8 =	sshrl.u32 s6, $0x3;
	s22 =	sadd.s32 s7, s6  }
0x10: {  	s17 =	simm.s32 $0x1;
	s6 =	simm.s32 $0x5;
	s7 =	simm.s32 $0xD  }
0x11: {  	s4 =	sadd.s32 s0, s8;
	s20 =	sadd.s32 $0x4400, s3;
	s21 =	sadd.s32 $0xE040, s3  }
0x12: {  	s3 =	sadd.s32 $0x9C000, s2;
	s23 =	sadd.s32 s1, s8;
	s26 =	smax.u32 s5, $0x1  }
0x13: {  	s8 =	simm.s32 $0x6;
	s5 =	simm.s32 $0x7;
	[dreg:$0x7] =	wrdreg s20  }
0x14: {  	s0 =	sadd.s32 s18, s4;
	[dreg:$0x8] =	wrdreg s21;
	s24 =	sadd.s32 $0x13800, s4  }
0x15: {  	s25 =	sadd.s32 $0x13800, s23;
	[dreg:$0xc] =	wrdreg s26;
	s21 =	sshrl.u32 s9, $0x3  }
0x16: {  	s18 =	simm.s32 $0x2;
	s20 =	simm.s32 $0x50;
	s26 =	simm.s32 $0xD840  }
0x17: {  	s23 =	simm.s32 $0x12840;
	s9 =	simm.s32 $0xE;
	[dreg:$0x5] =	wrdreg s0  }
.Ltmp0:
0x18: {  	s0 =	sshrl.u32 s22, $0x3;
	[dreg:$0x9] =	wrdreg s24;
	(pc) =	sbr.rel .LBB2_1-.Ltmp0, $4  }
0x19: {  	[dreg:$0xb] =	wrdreg s25;
	s22 =	simm.s32 $0xB040;
	s24 =	simm.s32 $0xC440  }
0x1a: {  	s25 =	simm.s32 $0x13C40;
	[dreg:$0xd] =	wrdreg s21;
	s0 =	sadd.s32 s1, s0  }
0x1b: {  	s1 =	simm.s32 $0x11440;
	[dreg:$0xa] =	wrdreg s0;
	s0 =	sshrl.u32 @!p0 s3, $0x3  }
0x1c: {  	s3 =	simm.s32 $0x11;
	[dreg:$0xe] =	wrdreg s0;
	s0 =	simm.s32 $0x4  }
.LBB2_4:
0x1d: {  	_ =	swait.ge [sflag:s17], $0x1400  }
0x1e: {  	[sflag:s17] =	ssyncset.done $0x0  }
0x1f: {  	s16 =	simm.s32 $0x9C40;
	s14 =	simm.s32 $0x9A10;
	[sflag:s17] =	ssyncadd.s32 $0xFFFFEC00  }
0x20: {  	[spmem:s2] =	stream.indirect.scatter.add.f32 [tilespmem:s16], [sflag:$0xA], $0x40, s14, s20, $0xb8;
	[tilespmem:$0x1EC80] =	vst v63  }
0x21: {  	_ =	swait.ge [sflag:s18], $0x1400  }
0x22: {  	[sflag:s18] =	ssyncset.done $0x0  }
0x23: {  	s21 =	simm.s32 $0x9A60;
	[sflag:s18] =	ssyncadd.s32 $0xFFFFEC00  }
0x24: {  	[spmem:s2] =	stream.indirect.scatter.add.f32 [tilespmem:s22], [sflag:$0xB], $0x40, s21, s20, $0xb8;
	[tilespmem:$0x1EC80] =	vst v63  }
0x25: {  	_ =	swait.ge [sflag:s19], $0x1400  }
0x26: {  	[sflag:s19] =	ssyncset.done $0x0  }
0x27: {  	s16 =	simm.s32 $0x9AB0;
	[sflag:s19] =	ssyncadd.s32 $0xFFFFEC00  }
0x28: {  	[spmem:s2] =	stream.indirect.scatter.add.f32 [tilespmem:s24], [sflag:$0xC], $0x40, s16, s20, $0xb8;
	[tilespmem:$0x1EC80] =	vst v63  }
0x29: {  	_ =	swait.ge [sflag:s0], $0x1400  }
0x2a: {  	[sflag:s0] =	ssyncset.done $0x0  }
0x2b: {  	s21 =	simm.s32 $0x9B00;
	[sflag:s0] =	ssyncadd.s32 $0xFFFFEC00  }
0x2c: {  	[spmem:s2] =	stream.indirect.scatter.add.f32 [tilespmem:s26], [sflag:$0xD], $0x40, s21, s20, $0xb8;
	[tilespmem:$0x1EC80] =	vst v63  }
0x2d: {  	_ =	swait.ge [sflag:s6], $0x1400  }
0x2e: {  	[sflag:s6] =	ssyncset.done $0x0  }
0x2f: {  	s16 =	simm.s32 $0x9B50;
	[sflag:s6] =	ssyncadd.s32 $0xFFFFEC00  }
0x30: {  	[spmem:s2] =	stream.indirect.scatter.add.f32 [tilespmem:s29], [sflag:$0xE], $0x40, s16, s20, $0xb8;
	[tilespmem:$0x1EC80] =	vst v63  }
0x31: {  	_ =	swait.ge [sflag:s8], $0x1400  }
0x32: {  	[sflag:s8] =	ssyncset.done $0x0  }
0x33: {  	s21 =	simm.s32 $0x9BA0;
	[sflag:s8] =	ssyncadd.s32 $0xFFFFEC00  }
0x34: {  	[spmem:s2] =	stream.indirect.scatter.add.f32 [tilespmem:s31], [sflag:$0xF], $0x40, s21, s20, $0xb8;
	[tilespmem:$0x1EC80] =	vst v63  }
0x35: {  	_ =	swait.ge [sflag:s5], $0x1400  }
0x36: {  	[sflag:s5] =	ssyncset.done $0x0  }
0x37: {  	s16 =	simm.s32 $0x9BF0;
	[sflag:s5] =	ssyncadd.s32 $0xFFFFEC00  }
0x38: {  	[spmem:s2] =	stream.indirect.scatter.add.f32 [tilespmem:s1], [sflag:$0x10], $0x40, s16, s20, $0xb8;
	[tilespmem:$0x1EC80] =	vst v63  }
0x39: {  	_ =	swait.ge [sflag:s28], $0x1400  }
0x3a: {  	[sflag:s28] =	ssyncset.done $0x0  }
0x3b: {  	[sflag:s28] =	ssyncadd.s32 $0xFFFFEC00  }
0x3c: {  	_ =	swait.ge [sflag:s30], $0x1400  }
0x3d: {  	[sflag:s30] =	ssyncset.done $0x0  }
0x3e: {  	[sflag:s30] =	ssyncadd.s32 $0xFFFFEC00  }
0x3f: {  	_ =	swait.ge [sflag:s15], $0x1400  }
0x40: {  	[sflag:s15] =	ssyncset.done $0x0  }
0x41: {  	[sflag:s15] =	ssyncadd.s32 $0xFFFFEC00  }
0x42: {  	_ =	swait.ge [sflag:s7], $0x1400  }
0x43: {  	[sflag:s7] =	ssyncset.done $0x0  }
0x44: {  	[sflag:s7] =	ssyncadd.s32 $0xFFFFEC00  }
0x45: {  	_ =	swait.ge [sflag:s9], $0x1400  }
0x46: {  	[sflag:s9] =	ssyncset.done $0x0  }
0x47: {  	[sflag:s9] =	ssyncadd.s32 $0xFFFFEC00  }
0x48: {  	_ =	swait.ge [sflag:s10], $0x1400  }
0x49: {  	[sflag:s10] =	ssyncset.done $0x0  }
0x4a: {  	[sflag:s10] =	ssyncadd.s32 $0xFFFFEC00  }
0x4b: {  	_ =	swait.ge [sflag:s12], $0x1400  }
0x4c: {  	[sflag:s12] =	ssyncset.done $0x0  }
0x4d: {  	[sflag:s12] =	ssyncadd.s32 $0xFFFFEC00  }
0x4e: {  	_ =	swait.ge [sflag:s3], $0x1400  }
0x4f: {  	[sflag:s3] =	ssyncset.done $0x0  }
0x50: {  	s21 =	simm.s32 $0x12;
	[sflag:s3] =	ssyncadd.s32 $0xFFFFEC00  }
0x51: {  	_ =	swait.ge [sflag:s21], $0x1400  }
0x52: {  	[sflag:s21] =	ssyncset.done $0x0  }
0x53: {  	[sflag:s21] =	ssyncadd.s32 $0xFFFFEC00  }
0x54: {  	[bflag:$0x0] =	sbarrier.arrive $0xFFFF  }
0x55: {  	s16 =	rddreg [dreg:$0x4]  }
0x56: {  	s21 =	rddreg [dreg:$0xd]  }
0x57: {  	s14 =	sor.u32 $0x1C13, s16;
	s16 =	rddreg [dreg:$0xa]  }
0x58: {  	[hbm:s16], [sflag:s14] =	dma.local [spmem:s21], $0x1380  }
0x59: {  	s21 =	simm.s32 $0x13  }
0x5a: {  	_ =	swait.ge [sflag:s21], $0x1380  }
0x5b: {  	[sflag:s21] =	ssyncset.done $0x0;
	s16 =	rddreg [dreg:$0xb]  }
0x5c: {  	[sflag:s21] =	ssyncadd.s32 $0xFFFFEC80;
	s21 =	rddreg [dreg:$0xe]  }
0x5d: {  	[hbm:s16], [sflag:s14] =	dma.local @!p0 [spmem:s21], $0x80  }
0x5e: {  	s14 =	simm.s32 @!p0 $0x13  }
0x5f: {  	_ =	swait.ge @!p0 [sflag:s14], $0x80  }
0x60: {  	s16 =	rddreg [dreg:$0xf]  }
0x61: {  	s21 =	sadd.s32 $0x1, s16;
	s16 =	rddreg [dreg:$0xc]  }
0x62: {  	p1 =	sne.s32 s21, s16  }
.Ltmp1:
0x63: {  	_ = 	snop;
	(pc) =	sbr.rel @!p1 .LBB2_5-.Ltmp1, $3  }
0x64: {  	_ =	sdelay $0x1  }
0x65: {  	[sflag:s14] =	ssyncset.done @!p0 $0x0;
	[dreg:$0xf] =	wrdreg s21  }
0x66: {  	[sflag:s14] =	ssyncadd.s32 @!p0 $0xFFFFFF80;
	s21 =	rddreg [dreg:$0xd]  }
.LBB2_1:
0x67: {  	s14 =	rddreg [dreg:$0x5]  }
0x68: {  	s16 =	rddreg [dreg:$0x6]  }
0x69: {  	[spmem:s21], [sflag:s16] =	dma.local [hbm:s14], $0x1380  }
0x6a: {  	s16 =	simm.s32 $0x0;
	s14 =	rddreg [dreg:$0x7]  }
0x6b: {  	[tilespmem:s16], [sflag:$0x2] =	stream.linear.gather [hbm4b:s14+s16], $0x4E20, $0x38;
	[tilespmem:$0x1EC80] =	vst v63  }
0x6c: {  	s21 =	simm.s32 $0x4E20;
	s14 =	rddreg [dreg:$0x8]  }
0x6d: {  	[tilespmem:s21], [sflag:$0x3] =	stream.linear.gather [hbm4b:s14+s16], $0x4E20, $0x38;
	[tilespmem:$0x1EC80] =	vst v63  }
0x6e: {  	s21 =	rddreg [dreg:$0x9]  }
0x6f: {  	s14 =	simm.s32 @!p0 $0x1FD3;
	s16 =	rddreg [dreg:$0xe]  }
0x70: {  	[spmem:s16], [sflag:s14] =	dma.local @!p0 [hbm:s21], $0x80  }
0x71: {  	s14 =	simm.s32 @!p0 $0x13  }
0x72: {  	_ =	swait.ge @!p0 [sflag:s14], $0x80  }
0x73: {  	[sflag:s14] =	ssyncset.done @!p0 $0x0  }
0x74: {  	[sflag:s14] =	ssyncadd.s32 @!p0 $0xFFFFFF80  }
0x75: {  	_ =	swait.ge [sflag:s17], $0x1380  }
0x76: {  	[sflag:s17] =	ssyncset.done $0x0  }
0x77: {  	[sflag:s17] =	ssyncadd.s32 $0xFFFFEC80  }
0x78: {  	_ =	swait.ge [sflag:s18], $0x4E20  }
0x79: {  	[sflag:s18] =	ssyncset.done $0x0  }
0x7a: {  	[sflag:s18] =	ssyncadd.s32 $0xFFFFB1E0  }
0x7b: {  	_ =	swait.ge [sflag:s19], $0x4E20  }
0x7c: {  	[sflag:s19] =	ssyncset.done $0x0  }
0x7d: {  	[sflag:s19] =	ssyncadd.s32 $0xFFFFB1E0  }
0x7e: {  	s16 =	simm.s32 $0x9C40;
	s21 =	simm.s32 $0x0;
	[bflag:$0x0] =	sbarrier.arrive $0xFFFF  }
0x7f: {  	[tilespmem:s16], [sflag:$0x1] =	stream.indirect.gather [hbm4b:s4+s20], $0x40, s21, s20, $0xb8;
	[tilespmem:$0x1EC80] =	vst v63  }
0x80: {  	_ = 	snop  }
0x81: {  	[tilespmem:s22], [sflag:$0x2] =	stream.indirect.gather [hbm4b:s4+s20], $0x40, s20, s20, $0xb8;
	[tilespmem:$0x1EC80] =	vst v63  }
0x82: {  	s22 =	simm.s32 $0xA0  }
0x83: {  	[tilespmem:s24], [sflag:$0x3] =	stream.indirect.gather [hbm4b:s4+s20], $0x40, s22, s20, $0xb8;
	[tilespmem:$0x1EC80] =	vst v63  }
0x84: {  	s24 =	simm.s32 $0xF0  }
0x85: {  	[tilespmem:s26], [sflag:$0x4] =	stream.indirect.gather [hbm4b:s4+s20], $0x40, s24, s20, $0xb8;
	[tilespmem:$0x1EC80] =	vst v63  }
0x86: {  	s16 =	simm.s32 $0x140  }
0x87: {  	[tilespmem:s29], [sflag:$0x5] =	stream.indirect.gather [hbm4b:s4+s20], $0x40, s16, s20, $0xb8;
	[tilespmem:$0x1EC80] =	vst v63  }
0x88: {  	s21 =	simm.s32 $0x190  }
0x89: {  	[tilespmem:s31], [sflag:$0x6] =	stream.indirect.gather [hbm4b:s4+s20], $0x40, s21, s20, $0xb8;
	[tilespmem:$0x1EC80] =	vst v63  }
0x8a: {  	s22 =	simm.s32 $0x1E0  }
0x8b: {  	[tilespmem:s1], [sflag:$0x7] =	stream.indirect.gather [hbm4b:s4+s20], $0x40, s22, s20, $0xb8;
	[tilespmem:$0x1EC80] =	vst v63  }
0x8c: {  	s24 =	simm.s32 $0x230;
	s16 =	simm.s32 $0x0  }
0x8d: {  	[tilespmem:s23], [sflag:$0x8] =	stream.indirect.gather [hbm4b:s4+s20], $0x40, s24, s20, $0xb8;
	[tilespmem:$0x1EC80] =	vst v63  }
.LBB2_2:
0x8e: {  	_ =	swait.ge [sflag:s17], $0x1400  }
0x8f: {  	s14 =	sshra.s32 s16, $0x2;
	s22 =	simm.s32 $0x9C40;
	[sflag:s17] =	ssyncset.done $0x0  }
0x90: {  	p1 =	seq.s32 s16, $0x0;
	s21 =	sadd.s32 $0x4E20, s14;
	[sflag:s17] =	ssyncadd.s32 $0xFFFFEC00  }
0x91: {  	[spmem:s2] =	stream.indirect.scatter.add.f32 [tilespmem:s22], [sflag:$0xA], $0x40, s21, s20, $0xb8;
	[tilespmem:$0x1EC80] =	vst v63  }
0x92: {  	s21 =	simm.s32 @!p1 $0x12  }
0x93: {  	_ =	swait.ge @!p1 [sflag:s21], $0x1400  }
0x94: {  	[sflag:s21] =	ssyncset.done @!p1 $0x0  }
0x95: {  	s24 =	sadd.s32 $0x280, s14;
	[sflag:s21] =	ssyncadd.s32 @!p1 $0xFFFFEC00  }
0x96: {  	[tilespmem:s25], [sflag:$0x9] =	stream.indirect.gather [hbm4b:s4+s20], $0x40, s24, s20, $0xb8;
	[tilespmem:$0x1EC80] =	vst v63  }
0x97: {  	_ =	swait.ge [sflag:s18], $0x1400  }
0x98: {  	[sflag:s18] =	ssyncset.done $0x0  }
0x99: {  	s21 =	sadd.s32 $0x4E70, s14;
	s24 =	simm.s32 $0xB040;
	[sflag:s18] =	ssyncadd.s32 $0xFFFFEC00  }
0x9a: {  	[spmem:s2] =	stream.indirect.scatter.add.f32 [tilespmem:s24], [sflag:$0xB], $0x40, s21, s20, $0xb8;
	[tilespmem:$0x1EC80] =	vst v63  }
0x9b: {  	_ =	swait.ge [sflag:s28], $0x1400  }
0x9c: {  	[sflag:s28] =	ssyncset.done $0x0  }
0x9d: {  	s24 =	sadd.s32 $0x2D0, s14;
	[sflag:s28] =	ssyncadd.s32 $0xFFFFEC00  }
0x9e: {  	[tilespmem:s22], [sflag:$0x1] =	stream.indirect.gather [hbm4b:s4+s20], $0x40, s24, s20, $0xb8;
	[tilespmem:$0x1EC80] =	vst v63  }
0x9f: {  	_ =	swait.ge [sflag:s19], $0x1400  }
0xa0: {  	[sflag:s19] =	ssyncset.done $0x0  }
0xa1: {  	s21 =	sadd.s32 $0x4EC0, s14;
	s24 =	simm.s32 $0xC440;
	[sflag:s19] =	ssyncadd.s32 $0xFFFFEC00  }
0xa2: {  	[spmem:s2] =	stream.indirect.scatter.add.f32 [tilespmem:s24], [sflag:$0xC], $0x40, s21, s20, $0xb8;
	[tilespmem:$0x1EC80] =	vst v63  }
0xa3: {  	_ =	swait.ge [sflag:s30], $0x1400  }
0xa4: {  	[sflag:s30] =	ssyncset.done $0x0  }
0xa5: {  	s22 =	simm.s32 $0xB040;
	s21 =	sadd.s32 $0x320, s14;
	[sflag:s30] =	ssyncadd.s32 $0xFFFFEC00  }
0xa6: {  	[tilespmem:s22], [sflag:$0x2] =	stream.indirect.gather [hbm4b:s4+s20], $0x40, s21, s20, $0xb8;
	[tilespmem:$0x1EC80] =	vst v63  }
0xa7: {  	_ =	swait.ge [sflag:s0], $0x1400  }
0xa8: {  	[sflag:s0] =	ssyncset.done $0x0  }
0xa9: {  	s21 =	sadd.s32 $0x4F10, s14;
	[sflag:s0] =	ssyncadd.s32 $0xFFFFEC00  }
0xaa: {  	[spmem:s2] =	stream.indirect.scatter.add.f32 [tilespmem:s26], [sflag:$0xD], $0x40, s21, s20, $0xb8;
	[tilespmem:$0x1EC80] =	vst v63  }
0xab: {  	_ =	swait.ge [sflag:s15], $0x1400  }
0xac: {  	[sflag:s15] =	ssyncset.done $0x0  }
0xad: {  	s21 =	sadd.s32 $0x370, s14;
	[sflag:s15] =	ssyncadd.s32 $0xFFFFEC00  }
0xae: {  	[tilespmem:s24], [sflag:$0x3] =	stream.indirect.gather [hbm4b:s4+s20], $0x40, s21, s20, $0xb8;
	[tilespmem:$0x1EC80] =	vst v63  }
0xaf: {  	_ =	swait.ge [sflag:s6], $0x1400  }
0xb0: {  	[sflag:s6] =	ssyncset.done $0x0  }
0xb1: {  	s21 =	sadd.s32 $0x4F60, s14;
	[sflag:s6] =	ssyncadd.s32 $0xFFFFEC00  }
0xb2: {  	[spmem:s2] =	stream.indirect.scatter.add.f32 [tilespmem:s29], [sflag:$0xE], $0x40, s21, s20, $0xb8;
	[tilespmem:$0x1EC80] =	vst v63  }
0xb3: {  	_ =	swait.ge [sflag:s7], $0x1400  }
0xb4: {  	[sflag:s7] =	ssyncset.done $0x0  }
0xb5: {  	s21 =	sadd.s32 $0x3C0, s14;
	[sflag:s7] =	ssyncadd.s32 $0xFFFFEC00  }
0xb6: {  	[tilespmem:s26], [sflag:$0x4] =	stream.indirect.gather [hbm4b:s4+s20], $0x40, s21, s20, $0xb8;
	[tilespmem:$0x1EC80] =	vst v63  }
0xb7: {  	_ =	swait.ge [sflag:s8], $0x1400  }
0xb8: {  	[sflag:s8] =	ssyncset.done $0x0  }
0xb9: {  	s21 =	sadd.s32 $0x4FB0, s14;
	[sflag:s8] =	ssyncadd.s32 $0xFFFFEC00  }
0xba: {  	[spmem:s2] =	stream.indirect.scatter.add.f32 [tilespmem:s31], [sflag:$0xF], $0x40, s21, s20, $0xb8;
	[tilespmem:$0x1EC80] =	vst v63  }
0xbb: {  	_ =	swait.ge [sflag:s9], $0x1400  }
0xbc: {  	[sflag:s9] =	ssyncset.done $0x0  }
0xbd: {  	s21 =	sadd.s32 $0x410, s14;
	[sflag:s9] =	ssyncadd.s32 $0xFFFFEC00  }
0xbe: {  	[tilespmem:s29], [sflag:$0x5] =	stream.indirect.gather [hbm4b:s4+s20], $0x40, s21, s20, $0xb8;
	[tilespmem:$0x1EC80] =	vst v63  }
0xbf: {  	_ =	swait.ge [sflag:s5], $0x1400  }
0xc0: {  	[sflag:s5] =	ssyncset.done $0x0  }
0xc1: {  	s21 =	sadd.s32 $0x5000, s14;
	[sflag:s5] =	ssyncadd.s32 $0xFFFFEC00  }
0xc2: {  	[spmem:s2] =	stream.indirect.scatter.add.f32 [tilespmem:s1], [sflag:$0x10], $0x40, s21, s20, $0xb8;
	[tilespmem:$0x1EC80] =	vst v63  }
0xc3: {  	_ =	swait.ge [sflag:s10], $0x1400  }
0xc4: {  	[sflag:s10] =	ssyncset.done $0x0  }
0xc5: {  	s21 =	sadd.s32 $0x460, s14;
	[sflag:s10] =	ssyncadd.s32 $0xFFFFEC00  }
0xc6: {  	[tilespmem:s31], [sflag:$0x6] =	stream.indirect.gather [hbm4b:s4+s20], $0x40, s21, s20, $0xb8;
	[tilespmem:$0x1EC80] =	vst v63  }
0xc7: {  	_ =	swait.ge [sflag:s11], $0x1400  }
0xc8: {  	[sflag:s11] =	ssyncset.done $0x0  }
0xc9: {  	s21 =	sadd.s32 $0x5050, s14;
	[sflag:s11] =	ssyncadd.s32 $0xFFFFEC00  }
0xca: {  	[spmem:s2] =	stream.indirect.scatter.add.f32 [tilespmem:s23], [sflag:$0x11], $0x40, s21, s20, $0xb8;
	[tilespmem:$0x1EC80] =	vst v63  }
0xcb: {  	_ =	swait.ge [sflag:s12], $0x1400  }
0xcc: {  	[sflag:s12] =	ssyncset.done $0x0  }
0xcd: {  	p1 =	seq.s32 s16, $0x12480;
	s21 =	sadd.s32 $0x4B0, s14;
	[sflag:s12] =	ssyncadd.s32 $0xFFFFEC00  }
0xce: {  	[tilespmem:s1], [sflag:$0x7] =	stream.indirect.gather [hbm4b:s4+s20], $0x40, s21, s20, $0xb8;
	[tilespmem:$0x1EC80] =	vst v63  }
.Ltmp2:
0xcf: {  	_ = 	snop;
	(pc) =	sbr.rel @p1 .LBB2_4-.Ltmp2, $4  }
0xd0: {  	_ =	swait.ge [sflag:s13], $0x1400  }
0xd1: {  	[sflag:s13] =	ssyncset.done $0x0  }
0xd2: {  	s21 =	sadd.s32 $0x50A0, s14;
	[sflag:s13] =	ssyncadd.s32 $0xFFFFEC00  }
0xd3: {  	[spmem:s2] =	stream.indirect.scatter.add.f32 [tilespmem:s25], [sflag:$0x12], $0x40, s21, s20, $0xb8;
	[tilespmem:$0x1EC80] =	vst v63  }
.Ltmp3:
0xd4: {  	(pc) =	sbr.rel .LBB2_2-.Ltmp3, $4  }
0xd5: {  	_ =	swait.ge [sflag:s3], $0x1400  }
0xd6: {  	[sflag:s3] =	ssyncset.done $0x0  }
0xd7: {  	s14 =	sadd.s32 $0x500, s14;
	s16 =	sadd.s32 $0xB40, s16;
	[sflag:s3] =	ssyncadd.s32 $0xFFFFEC00  }
0xd8: {  	[tilespmem:s23], [sflag:$0x8] =	stream.indirect.gather [hbm4b:s4+s20], $0x40, s14, s20, $0xb8;
	[tilespmem:$0x1EC80] =	vst v63  }
.LBB2_5:
0xd9: {  	_ =	sfence.sel $0x180000  }
0xda: {  	[bflag:$0x0] =	sbarrier.arrive $0xFFFF  }
0xdb: {  	_ =	strace $0x90000047  }
0xdc: {  	s0 =	stileid.u32;
	[bflag:$0x2] =	sbarrier.arrive $0xFFFF  }
0xdd: {  	p0 =	sne.s32 s0, $0x0;
	s0 =	rddreg [dreg:$0x3]  }
0xde: {  	s0 =	sadd.s32 @!p0 $0x100000, s0  }
0xdf: {  	[sflag:s0] =	ssyncadd.tile.s32 @!p0 $0x1;
	_ =	shalt  }
.Lfunc_end2:
_tile_overlayer_lowered:
.L_overlay_start_2:
0xe0: {  	(tag) =	ssettag $0x2  }
0xe1: {  	s0 =	rddreg [dreg:$0x0];
	s2 =	stileid.u32  }
0xe2: {  	s1 =	rddreg [dreg:$0x1];
	p0 =	sne.s32 s2, $0x0  }
0xe3: {  	s3 =	rddreg [dreg:$0x2];
	[bflag:$0x3] =	sbarrier.arrive $0xFFFF;
	s2 =	simm.s32 @!p0 $0x1C13  }
0xe4: {  	[timem:s3], [sflag:s2] =	dma.local @!p0 [hbm:s0], s1  }
0xe5: {  	s0 =	simm.s32 @!p0 $0x13  }
0xe6: {  	_ =	swait.ge @!p0 [sflag:s0], s1  }
0xe7: {  	s1 =	ssub.s32 @!p0 $0x0, s1;
	[sflag:s0] =	ssyncset.done @!p0 $0x0  }
0xe8: {  	[sflag:s0] =	ssyncadd.s32 @!p0 s1  }
0xe9: {  	[bflag:$0x3] =	sbarrier.arrive $0xFFFF  }
0xea: {  	_ =	shalt  }

</sc_bundles>
